<compile_context>
chip_gen: v7x
topology: tpu7x:2x2x1
jax: 0.10.2.dev20260603
libtpu: 0.0.44.dev20260713+nightly
codegen_flags: <defaults>
</compile_context>

<pallas_src>
import jax
import jax.numpy as jnp
from jax import lax
from jax.experimental import pallas as pl
from jax.experimental.pallas import tpu as pltpu
from jax.experimental.pallas import tpu_sc as plsc

BATCH = 16384
GENDER_VOCAB = 3
AGE_VOCAB = 10
EMBED_DIM = 32
OUT_DIM = 2 * EMBED_DIM
NUM_COMBOS = GENDER_VOCAB * AGE_VOCAB

_INFO = plsc.get_sparse_core_info()
NUM_CORES = _INFO.num_cores
NUM_SUBCORES = _INFO.num_subcores
NUM_WORKERS = NUM_CORES * NUM_SUBCORES
BPW = BATCH // NUM_WORKERS
CHUNK = 256
NCHUNK = BPW // CHUNK
LANES = 16
GROUPS_PER_CHUNK = CHUNK // LANES


def _sc_lookup(gender_table, age_table, gender_ids, age_ids):
    mesh = plsc.VectorSubcoreMesh(core_axis_name="c", subcore_axis_name="s")

    def body(gt_hbm, at_hbm, g_hbm, a_hbm, out_hbm, gt_v, at_v, tab_v,
             gid_v, aid_v, cb_v, rows_v, sem_in, sem_out):
        wid = lax.axis_index("s") * NUM_CORES + lax.axis_index("c")
        base = wid * BPW
        gt_copy = pltpu.async_copy(gt_hbm, gt_v, sem_in)
        at_copy = pltpu.async_copy(at_hbm, at_v, sem_in)
        gi_copy = pltpu.async_copy(g_hbm.at[pl.ds(base, BPW)], gid_v, sem_in)
        ai_copy = pltpu.async_copy(a_hbm.at[pl.ds(base, BPW)], aid_v, sem_in)
        gt_copy.wait()
        at_copy.wait()
        for c in range(NUM_COMBOS):
            g, a = divmod(c, AGE_VOCAB)
            for k in range(EMBED_DIM // LANES):
                tab_v[pl.ds(c * OUT_DIM + k * LANES, LANES)] = (
                    gt_v[g, pl.ds(k * LANES, LANES)]
                )
                tab_v[pl.ds(c * OUT_DIM + EMBED_DIM + k * LANES, LANES)] = (
                    at_v[a, pl.ds(k * LANES, LANES)]
                )
        gi_copy.wait()
        ai_copy.wait()
        for k in range(BPW // LANES):
            sl = pl.ds(k * LANES, LANES)
            cb_v[sl] = gid_v[sl] * (AGE_VOCAB * OUT_DIM) + aid_v[sl] * OUT_DIM

        out_copies = []
        for ch in range(NCHUNK):

            def group_body(grp, _, ch=ch):
                row0 = ch * CHUNK + grp * LANES
                cb = cb_v[pl.ds(row0, LANES)]
                for l in range(LANES):
                    b = cb[l]
                    for k in range(OUT_DIM // LANES):
                        rows_v[row0 + l, pl.ds(k * LANES, LANES)] = (
                            tab_v[pl.ds(b + k * LANES, LANES)]
                        )
                return _

            lax.fori_loop(0, GROUPS_PER_CHUNK, group_body, 0, unroll=False)
            out_copies.append(
                pltpu.async_copy(
                    rows_v.at[pl.ds(ch * CHUNK, CHUNK)],
                    out_hbm.at[pl.ds(base + ch * CHUNK, CHUNK)],
                    sem_out,
                )
            )
        for c in out_copies:
            c.wait()

    return pl.kernel(
        body,
        out_type=jax.ShapeDtypeStruct((BATCH, OUT_DIM), jnp.float32),
        mesh=mesh,
        compiler_params=pltpu.CompilerParams(use_tc_tiling_on_sc=True),
        scratch_types=[
            pltpu.VMEM((GENDER_VOCAB, EMBED_DIM), jnp.float32),
            pltpu.VMEM((AGE_VOCAB, EMBED_DIM), jnp.float32),
            pltpu.VMEM((NUM_COMBOS * OUT_DIM,), jnp.float32),
            pltpu.VMEM((BPW,), jnp.int32),
            pltpu.VMEM((BPW,), jnp.int32),
            pltpu.VMEM((BPW,), jnp.int32),
            pltpu.VMEM((BPW, OUT_DIM), jnp.float32),
            pltpu.SemaphoreType.DMA,
            pltpu.SemaphoreType.DMA,
        ],
    )(gender_table, age_table, gender_ids, age_ids)


def kernel(gender_ids, age_ids, gender_table, age_table):
    return _sc_lookup(
        gender_table,
        age_table,
        gender_ids.astype(jnp.int32),
        age_ids.astype(jnp.int32),
    )

# --- scband reference (transcript-rebuilt; emitter-appended) ---
"""Pipeline reference for scband-user-profile-embedding-14431090115276 (READ-ONLY COPY).

The authoritative reference and input builder live on the scoring server;
editing this copy changes nothing except your own understanding.
"""

import jax, jax.numpy as jnp
import numpy as np

BATCH = 16384
GENDER_VOCAB = 3
AGE_VOCAB = 10
EMBED_DIM = 32


def setup_inputs(seed: int = 0) -> dict:
    key = jax.random.key(seed)
    k1, k2, k3, k4 = jax.random.split(key, 4)
    gender_ids = jax.random.randint(k1, (BATCH,), 0, GENDER_VOCAB, dtype=jnp.int64 if jax.config.jax_enable_x64 else jnp.int32)
    age_ids = jax.random.randint(k2, (BATCH,), 0, AGE_VOCAB, dtype=jnp.int64 if jax.config.jax_enable_x64 else jnp.int32)
    gender_table = jax.random.normal(k3, (GENDER_VOCAB, EMBED_DIM), dtype=jnp.float32) * 0.05
    age_table = jax.random.normal(k4, (AGE_VOCAB, EMBED_DIM), dtype=jnp.float32) * 0.05
    return {"gender_ids": gender_ids, "age_ids": age_ids, "gender_table": gender_table, "age_table": age_table}


def reference(gender_ids, age_ids, gender_table, age_table):
    # DenseFeatures with an embedding_column == row gather from the embedding table
    ugender_emb = jnp.take(gender_table, gender_ids, axis=0)
    uage_emb = jnp.take(age_table, age_ids, axis=0)
    # concat along feature axis; dropout is identity at inference (training=False)
    user_profile_rep = jnp.concatenate([ugender_emb, uage_emb], axis=-1)
    return user_profile_rep

if __name__ == "__main__":
    import jax
    _d = setup_inputs()
    print(jax.jit(kernel)(*tuple(_d.values())))

</pallas_src>

<mosaic_0001>
#map = affine_map<(d0, d1) -> (0, 0)>
#map1 = affine_map<(d0, d1) -> (0)>
module attributes {stable_mosaic.version = 14 : i64} {
  func.func @body(%arg0: i32, %arg1: i32, %arg2: memref<3x32xf32, #tpu.memory_space<hbm>>, %arg3: memref<10x32xf32, #tpu.memory_space<hbm>>, %arg4: memref<16384xi32, #tpu.memory_space<hbm>>, %arg5: memref<16384xi32, #tpu.memory_space<hbm>>, %arg6: memref<16384x64xf32, #tpu.memory_space<hbm>>, %arg7: memref<3x32xf32, #tpu.memory_space<vmem>>, %arg8: memref<10x32xf32, #tpu.memory_space<vmem>>, %arg9: memref<1920xf32, #tpu.memory_space<vmem>>, %arg10: memref<512xi32, #tpu.memory_space<vmem>>, %arg11: memref<512xi32, #tpu.memory_space<vmem>>, %arg12: memref<512xi32, #tpu.memory_space<vmem>>, %arg13: memref<512x64xf32, #tpu.memory_space<vmem>>, %arg14: memref<!tpu.dma_semaphore, #tpu.memory_space<semaphore_mem>>, %arg15: memref<!tpu.dma_semaphore, #tpu.memory_space<semaphore_mem>>) attributes {dimension_semantics = [#tpu.dimension_semantics<core_parallel>, #tpu.dimension_semantics<subcore_parallel>], iteration_bounds = array<i64: 2, 16>, scalar_prefetch = 0 : i64, scratch_operands = 9 : i64, tpu.core_type = #tpu.core_type<sc_vector_subcore>, window_params = [{transform_indices = #map}, {transform_indices = #map}, {transform_indices = #map1}, {transform_indices = #map1}, {transform_indices = #map}]} {
    %mul3A = arith.constant 2 : i32
    %mul3A_0 = arith.muli %arg1, %mul3A : i32
    %add3A = arith.addi %mul3A_0, %arg0 : i32
    %mul3A_1 = arith.constant 512 : i32
    %mul3A_2 = arith.muli %add3A, %mul3A_1 : i32
    tpu.enqueue_dma source(%arg2 : memref<3x32xf32, #tpu.memory_space<hbm>>) target(%arg7 : memref<3x32xf32, #tpu.memory_space<vmem>>) target_semaphore(%arg14 : memref<!tpu.dma_semaphore, #tpu.memory_space<semaphore_mem>>)
    tpu.enqueue_dma source(%arg3 : memref<10x32xf32, #tpu.memory_space<hbm>>) target(%arg8 : memref<10x32xf32, #tpu.memory_space<vmem>>) target_semaphore(%arg14 : memref<!tpu.dma_semaphore, #tpu.memory_space<semaphore_mem>>)
    %dma_start3A = tpu.memref_slice %arg4[%mul3A_2] : memref<16384xi32, #tpu.memory_space<hbm>> -> memref<512xi32, #tpu.memory_space<hbm>>
    %dma_start3A_3 = tpu.memref_slice %arg4[%mul3A_2] : memref<16384xi32, #tpu.memory_space<hbm>> -> memref<512xi32, #tpu.memory_space<hbm>>
    tpu.enqueue_dma source(%dma_start3A_3 : memref<512xi32, #tpu.memory_space<hbm>>) target(%arg10 : memref<512xi32, #tpu.memory_space<vmem>>) target_semaphore(%arg14 : memref<!tpu.dma_semaphore, #tpu.memory_space<semaphore_mem>>)
    %dma_start3A_4 = tpu.memref_slice %arg5[%mul3A_2] : memref<16384xi32, #tpu.memory_space<hbm>> -> memref<512xi32, #tpu.memory_space<hbm>>
    %dma_start3A_5 = tpu.memref_slice %arg5[%mul3A_2] : memref<16384xi32, #tpu.memory_space<hbm>> -> memref<512xi32, #tpu.memory_space<hbm>>
    tpu.enqueue_dma source(%dma_start3A_5 : memref<512xi32, #tpu.memory_space<hbm>>) target(%arg11 : memref<512xi32, #tpu.memory_space<vmem>>) target_semaphore(%arg14 : memref<!tpu.dma_semaphore, #tpu.memory_space<semaphore_mem>>)
    tpu.wait_dma2 semaphore(%arg14 : memref<!tpu.dma_semaphore, #tpu.memory_space<semaphore_mem>>) src(%arg2 : memref<3x32xf32, #tpu.memory_space<hbm>>) dst(%arg7 : memref<3x32xf32, #tpu.memory_space<vmem>>)
    tpu.wait_dma2 semaphore(%arg14 : memref<!tpu.dma_semaphore, #tpu.memory_space<semaphore_mem>>) src(%arg3 : memref<10x32xf32, #tpu.memory_space<hbm>>) dst(%arg8 : memref<10x32xf32, #tpu.memory_space<vmem>>)
    %get3A = arith.constant 0 : i32
    %get3A_6 = arith.index_cast %get3A : i32 to index
    %get3A_7 = arith.constant 0 : index
    %get3A_8 = tpu.vector_load %arg7[%get3A_6, %get3A_7] {strides = array<i32>} : memref<3x32xf32, #tpu.memory_space<vmem>>, vector<1x16xf32>,
    %get3A_9 = vector.shape_cast %get3A_8 : vector<1x16xf32> to vector<16xf32>
    %swap3A = arith.constant 0 : index
    %swap3A_10 = tpu.vector_load %arg9[%swap3A] {strides = array<i32>} : memref<1920xf32, #tpu.memory_space<vmem>>, vector<16xf32>,
    %swap3A_11 = vector.shape_cast %swap3A_10 : vector<16xf32> to vector<16xf32>
    %swap3A_12 = vector.shape_cast %get3A_9 : vector<16xf32> to vector<16xf32>
    tpu.vector_store %arg9[%swap3A], %swap3A_12 {strides = array<i32>} : memref<1920xf32, #tpu.memory_space<vmem>>, vector<16xf32>,
    %get3A_13 = arith.constant 0 : i32
    %get3A_14 = arith.index_cast %get3A_13 : i32 to index
    %get3A_15 = arith.constant 0 : index
    %get3A_16 = tpu.vector_load %arg8[%get3A_14, %get3A_15] {strides = array<i32>} : memref<10x32xf32, #tpu.memory_space<vmem>>, vector<1x16xf32>,
    %get3A_17 = vector.shape_cast %get3A_16 : vector<1x16xf32> to vector<16xf32>
    %swap3A_18 = arith.constant 32 : index
    %swap3A_19 = tpu.vector_load %arg9[%swap3A_18] {strides = array<i32>} : memref<1920xf32, #tpu.memory_space<vmem>>, vector<16xf32>,
    %swap3A_20 = vector.shape_cast %swap3A_19 : vector<16xf32> to vector<16xf32>
    %swap3A_21 = vector.shape_cast %get3A_17 : vector<16xf32> to vector<16xf32>
    tpu.vector_store %arg9[%swap3A_18], %swap3A_21 {strides = array<i32>} : memref<1920xf32, #tpu.memory_space<vmem>>, vector<16xf32>,
    %get3A_22 = arith.constant 0 : i32
    %get3A_23 = arith.index_cast %get3A_22 : i32 to index
    %get3A_24 = arith.constant 16 : index
    %get3A_25 = tpu.vector_load %arg7[%get3A_23, %get3A_24] {strides = array<i32>} : memref<3x32xf32, #tpu.memory_space<vmem>>, vector<1x16xf32>,
    %get3A_26 = vector.shape_cast %get3A_25 : vector<1x16xf32> to vector<16xf32>
    %swap3A_27 = arith.constant 16 : index
    %swap3A_28 = tpu.vector_load %arg9[%swap3A_27] {strides = array<i32>} : memref<1920xf32, #tpu.memory_space<vmem>>, vector<16xf32>,
    %swap3A_29 = vector.shape_cast %swap3A_28 : vector<16xf32> to vector<16xf32>
    %swap3A_30 = vector.shape_cast %get3A_26 : vector<16xf32> to vector<16xf32>
    tpu.vector_store %arg9[%swap3A_27], %swap3A_30 {strides = array<i32>} : memref<1920xf32, #tpu.memory_space<vmem>>, vector<16xf32>,
    %get3A_31 = arith.constant 0 : i32
    %get3A_32 = arith.index_cast %get3A_31 : i32 to index
    %get3A_33 = arith.constant 16 : index
    %get3A_34 = tpu.vector_load %arg8[%get3A_32, %get3A_33] {strides = array<i32>} : memref<10x32xf32, #tpu.memory_space<vmem>>, vector<1x16xf32>,
    %get3A_35 = vector.shape_cast %get3A_34 : vector<1x16xf32> to vector<16xf32>
    %swap3A_36 = arith.constant 48 : index
    %swap3A_37 = tpu.vector_load %arg9[%swap3A_36] {strides = array<i32>} : memref<1920xf32, #tpu.memory_space<vmem>>, vector<16xf32>,
    %swap3A_38 = vector.shape_cast %swap3A_37 : vector<16xf32> to vector<16xf32>
    %swap3A_39 = vector.shape_cast %get3A_35 : vector<16xf32> to vector<16xf32>
    tpu.vector_store %arg9[%swap3A_36], %swap3A_39 {strides = array<i32>} : memref<1920xf32, #tpu.memory_space<vmem>>, vector<16xf32>,
    %get3A_40 = arith.constant 0 : i32
    %get3A_41 = arith.index_cast %get3A_40 : i32 to index
    %get3A_42 = arith.constant 0 : index
    %get3A_43 = tpu.vector_load %arg7[%get3A_41, %get3A_42] {strides = array<i32>} : memref<3x32xf32, #tpu.memory_space<vmem>>, vector<1x16xf32>,
    %get3A_44 = vector.shape_cast %get3A_43 : vector<1x16xf32> to vector<16xf32>
    %swap3A_45 = arith.constant 64 : index
    %swap3A_46 = tpu.vector_load %arg9[%swap3A_45] {strides = array<i32>} : memref<1920xf32, #tpu.memory_space<vmem>>, vector<16xf32>,
    %swap3A_47 = vector.shape_cast %swap3A_46 : vector<16xf32> to vector<16xf32>
    %swap3A_48 = vector.shape_cast %get3A_44 : vector<16xf32> to vector<16xf32>
    tpu.vector_store %arg9[%swap3A_45], %swap3A_48 {strides = array<i32>} : memref<1920xf32, #tpu.memory_space<vmem>>, vector<16xf32>,
    %get3A_49 = arith.constant 1 : i32
    %get3A_50 = arith.index_cast %get3A_49 : i32 to index
    %get3A_51 = arith.constant 0 : index
    %get3A_52 = tpu.vector_load %arg8[%get3A_50, %get3A_51] {strides = array<i32>} : memref<10x32xf32, #tpu.memory_space<vmem>>, vector<1x16xf32>,
    %get3A_53 = vector.shape_cast %get3A_52 : vector<1x16xf32> to vector<16xf32>
    %swap3A_54 = arith.constant 96 : index
    %swap3A_55 = tpu.vector_load %arg9[%swap3A_54] {strides = array<i32>} : memref<1920xf32, #tpu.memory_space<vmem>>, vector<16xf32>,
    %swap3A_56 = vector.shape_cast %swap3A_55 : vector<16xf32> to vector<16xf32>
    %swap3A_57 = vector.shape_cast %get3A_53 : vector<16xf32> to vector<16xf32>
    tpu.vector_store %arg9[%swap3A_54], %swap3A_57 {strides = array<i32>} : memref<1920xf32, #tpu.memory_space<vmem>>, vector<16xf32>,
    %get3A_58 = arith.constant 0 : i32
    %get3A_59 = arith.index_cast %get3A_58 : i32 to index
    %get3A_60 = arith.constant 16 : index
    %get3A_61 = tpu.vector_load %arg7[%get3A_59, %get3A_60] {strides = array<i32>} : memref<3x32xf32, #tpu.memory_space<vmem>>, vector<1x16xf32>,
    %get3A_62 = vector.shape_cast %get3A_61 : vector<1x16xf32> to vector<16xf32>
    %swap3A_63 = arith.constant 80 : index
    %swap3A_64 = tpu.vector_load %arg9[%swap3A_63] {strides = array<i32>} : memref<1920xf32, #tpu.memory_space<vmem>>, vector<16xf32>,
    %swap3A_65 = vector.shape_cast %swap3A_64 : vector<16xf32> to vector<16xf32>
    %swap3A_66 = vector.shape_cast %get3A_62 : vector<16xf32> to vector<16xf32>
    tpu.vector_store %arg9[%swap3A_63], %swap3A_66 {strides = array<i32>} : memref<1920xf32, #tpu.memory_space<vmem>>, vector<16xf32>,
    %get3A_67 = arith.constant 1 : i32
    %get3A_68 = arith.index_cast %get3A_67 : i32 to index
    %get3A_69 = arith.constant 16 : index
    %get3A_70 = tpu.vector_load %arg8[%get3A_68, %get3A_69] {strides = array<i32>} : memref<10x32xf32, #tpu.memory_space<vmem>>, vector<1x16xf32>,
    %get3A_71 = vector.shape_cast %get3A_70 : vector<1x16xf32> to vector<16xf32>
    %swap3A_72 = arith.constant 112 : index
    %swap3A_73 = tpu.vector_load %arg9[%swap3A_72] {strides = array<i32>} : memref<1920xf32, #tpu.memory_space<vmem>>, vector<16xf32>,
    %swap3A_74 = vector.shape_cast %swap3A_73 : vector<16xf32> to vector<16xf32>
    %swap3A_75 = vector.shape_cast %get3A_71 : vector<16xf32> to vector<16xf32>
    tpu.vector_store %arg9[%swap3A_72], %swap3A_75 {strides = array<i32>} : memref<1920xf32, #tpu.memory_space<vmem>>, vector<16xf32>,
    %get3A_76 = arith.constant 0 : i32
    %get3A_77 = arith.index_cast %get3A_76 : i32 to index
    %get3A_78 = arith.constant 0 : index
    %get3A_79 = tpu.vector_load %arg7[%get3A_77, %get3A_78] {strides = array<i32>} : memref<3x32xf32, #tpu.memory_space<vmem>>, vector<1x16xf32>,
    %get3A_80 = vector.shape_cast %get3A_79 : vector<1x16xf32> to vector<16xf32>
    %swap3A_81 = arith.constant 128 : index
    %swap3A_82 = tpu.vector_load %arg9[%swap3A_81] {strides = array<i32>} : memref<1920xf32, #tpu.memory_space<vmem>>, vector<16xf32>,
    %swap3A_83 = vector.shape_cast %swap3A_82 : vector<16xf32> to vector<16xf32>
    %swap3A_84 = vector.shape_cast %get3A_80 : vector<16xf32> to vector<16xf32>
    tpu.vector_store %arg9[%swap3A_81], %swap3A_84 {strides = array<i32>} : memref<1920xf32, #tpu.memory_space<vmem>>, vector<16xf32>,
    %get3A_85 = arith.constant 2 : i32
    %get3A_86 = arith.index_cast %get3A_85 : i32 to index
    %get3A_87 = arith.constant 0 : index
    %get3A_88 = tpu.vector_load %arg8[%get3A_86, %get3A_87] {strides = array<i32>} : memref<10x32xf32, #tpu.memory_space<vmem>>, vector<1x16xf32>,
    %get3A_89 = vector.shape_cast %get3A_88 : vector<1x16xf32> to vector<16xf32>
    %swap3A_90 = arith.constant 160 : index
    %swap3A_91 = tpu.vector_load %arg9[%swap3A_90] {strides = array<i32>} : memref<1920xf32, #tpu.memory_space<vmem>>, vector<16xf32>,
    %swap3A_92 = vector.shape_cast %swap3A_91 : vector<16xf32> to vector<16xf32>
    %swap3A_93 = vector.shape_cast %get3A_89 : vector<16xf32> to vector<16xf32>
    tpu.vector_store %arg9[%swap3A_90], %swap3A_93 {strides = array<i32>} : memref<1920xf32, #tpu.memory_space<vmem>>, vector<16xf32>,
    %get3A_94 = arith.constant 0 : i32
    %get3A_95 = arith.index_cast %get3A_94 : i32 to index
    %get3A_96 = arith.constant 16 : index
    %get3A_97 = tpu.vector_load %arg7[%get3A_95, %get3A_96] {strides = array<i32>} : memref<3x32xf32, #tpu.memory_space<vmem>>, vector<1x16xf32>,
    %get3A_98 = vector.shape_cast %get3A_97 : vector<1x16xf32> to vector<16xf32>
    %swap3A_99 = arith.constant 144 : index
    %swap3A_100 = tpu.vector_load %arg9[%swap3A_99] {strides = array<i32>} : memref<1920xf32, #tpu.memory_space<vmem>>, vector<16xf32>,
    %swap3A_101 = vector.shape_cast %swap3A_100 : vector<16xf32> to vector<16xf32>
    %swap3A_102 = vector.shape_cast %get3A_98 : vector<16xf32> to vector<16xf32>
    tpu.vector_store %arg9[%swap3A_99], %swap3A_102 {strides = array<i32>} : memref<1920xf32, #tpu.memory_space<vmem>>, vector<16xf32>,
    %get3A_103 = arith.constant 2 : i32
    %get3A_104 = arith.index_cast %get3A_103 : i32 to index
    %get3A_105 = arith.constant 16 : index
    %get3A_106 = tpu.vector_load %arg8[%get3A_104, %get3A_105] {strides = array<i32>} : memref<10x32xf32, #tpu.memory_space<vmem>>, vector<1x16xf32>,
    %get3A_107 = vector.shape_cast %get3A_106 : vector<1x16xf32> to vector<16xf32>
    %swap3A_108 = arith.constant 176 : index
    %swap3A_109 = tpu.vector_load %arg9[%swap3A_108] {strides = array<i32>} : memref<1920xf32, #tpu.memory_space<vmem>>, vector<16xf32>,
    %swap3A_110 = vector.shape_cast %swap3A_109 : vector<16xf32> to vector<16xf32>
    %swap3A_111 = vector.shape_cast %get3A_107 : vector<16xf32> to vector<16xf32>
    tpu.vector_store %arg9[%swap3A_108], %swap3A_111 {strides = array<i32>} : memref<1920xf32, #tpu.memory_space<vmem>>, vector<16xf32>,
    %get3A_112 = arith.constant 0 : i32
    %get3A_113 = arith.index_cast %get3A_112 : i32 to index
    %get3A_114 = arith.constant 0 : index
    %get3A_115 = tpu.vector_load %arg7[%get3A_113, %get3A_114] {strides = array<i32>} : memref<3x32xf32, #tpu.memory_space<vmem>>, vector<1x16xf32>,
    %get3A_116 = vector.shape_cast %get3A_115 : vector<1x16xf32> to vector<16xf32>
    %swap3A_117 = arith.constant 192 : index
    %swap3A_118 = tpu.vector_load %arg9[%swap3A_117] {strides = array<i32>} : memref<1920xf32, #tpu.memory_space<vmem>>, vector<16xf32>,
    %swap3A_119 = vector.shape_cast %swap3A_118 : vector<16xf32> to vector<16xf32>
    %swap3A_120 = vector.shape_cast %get3A_116 : vector<16xf32> to vector<16xf32>
    tpu.vector_store %arg9[%swap3A_117], %swap3A_120 {strides = array<i32>} : memref<1920xf32, #tpu.memory_space<vmem>>, vector<16xf32>,
    %get3A_121 = arith.constant 3 : i32
    %get3A_122 = arith.index_cast %get3A_121 : i32 to index
    %get3A_123 = arith.constant 0 : index
    %get3A_124 = tpu.vector_load %arg8[%get3A_122, %get3A_123] {strides = array<i32>} : memref<10x32xf32, #tpu.memory_space<vmem>>, vector<1x16xf32>,
    %get3A_125 = vector.shape_cast %get3A_124 : vector<1x16xf32> to vector<16xf32>
    %swap3A_126 = arith.constant 224 : index
    %swap3A_127 = tpu.vector_load %arg9[%swap3A_126] {strides = array<i32>} : memref<1920xf32, #tpu.memory_space<vmem>>, vector<16xf32>,
    %swap3A_128 = vector.shape_cast %swap3A_127 : vector<16xf32> to vector<16xf32>
    %swap3A_129 = vector.shape_cast %get3A_125 : vector<16xf32> to vector<16xf32>
    tpu.vector_store %arg9[%swap3A_126], %swap3A_129 {strides = array<i32>} : memref<1920xf32, #tpu.memory_space<vmem>>, vector<16xf32>,
    %get3A_130 = arith.constant 0 : i32
    %get3A_131 = arith.index_cast %get3A_130 : i32 to index
    %get3A_132 = arith.constant 16 : index
    %get3A_133 = tpu.vector_load %arg7[%get3A_131, %get3A_132] {strides = array<i32>} : memref<3x32xf32, #tpu.memory_space<vmem>>, vector<1x16xf32>,
    %get3A_134 = vector.shape_cast %get3A_133 : vector<1x16xf32> to vector<16xf32>
    %swap3A_135 = arith.constant 208 : index
    %swap3A_136 = tpu.vector_load %arg9[%swap3A_135] {strides = array<i32>} : memref<1920xf32, #tpu.memory_space<vmem>>, vector<16xf32>,
    %swap3A_137 = vector.shape_cast %swap3A_136 : vector<16xf32> to vector<16xf32>
    %swap3A_138 = vector.shape_cast %get3A_134 : vector<16xf32> to vector<16xf32>
    tpu.vector_store %arg9[%swap3A_135], %swap3A_138 {strides = array<i32>} : memref<1920xf32, #tpu.memory_space<vmem>>, vector<16xf32>,
    %get3A_139 = arith.constant 3 : i32
    %get3A_140 = arith.index_cast %get3A_139 : i32 to index
    %get3A_141 = arith.constant 16 : index
    %get3A_142 = tpu.vector_load %arg8[%get3A_140, %get3A_141] {strides = array<i32>} : memref<10x32xf32, #tpu.memory_space<vmem>>, vector<1x16xf32>,
    %get3A_143 = vector.shape_cast %get3A_142 : vector<1x16xf32> to vector<16xf32>
    %swap3A_144 = arith.constant 240 : index
    %swap3A_145 = tpu.vector_load %arg9[%swap3A_144] {strides = array<i32>} : memref<1920xf32, #tpu.memory_space<vmem>>, vector<16xf32>,
    %swap3A_146 = vector.shape_cast %swap3A_145 : vector<16xf32> to vector<16xf32>
    %swap3A_147 = vector.shape_cast %get3A_143 : vector<16xf32> to vector<16xf32>
    tpu.vector_store %arg9[%swap3A_144], %swap3A_147 {strides = array<i32>} : memref<1920xf32, #tpu.memory_space<vmem>>, vector<16xf32>,
    %get3A_148 = arith.constant 0 : i32
    %get3A_149 = arith.index_cast %get3A_148 : i32 to index
    %get3A_150 = arith.constant 0 : index
    %get3A_151 = tpu.vector_load %arg7[%get3A_149, %get3A_150] {strides = array<i32>} : memref<3x32xf32, #tpu.memory_space<vmem>>, vector<1x16xf32>,
    %get3A_152 = vector.shape_cast %get3A_151 : vector<1x16xf32> to vector<16xf32>
    %swap3A_153 = arith.constant 256 : index
    %swap3A_154 = tpu.vector_load %arg9[%swap3A_153] {strides = array<i32>} : memref<1920xf32, #tpu.memory_space<vmem>>, vector<16xf32>,
    %swap3A_155 = vector.shape_cast %swap3A_154 : vector<16xf32> to vector<16xf32>
    %swap3A_156 = vector.shape_cast %get3A_152 : vector<16xf32> to vector<16xf32>
    tpu.vector_store %arg9[%swap3A_153], %swap3A_156 {strides = array<i32>} : memref<1920xf32, #tpu.memory_space<vmem>>, vector<16xf32>,
    %get3A_157 = arith.constant 4 : i32
    %get3A_158 = arith.index_cast %get3A_157 : i32 to index
    %get3A_159 = arith.constant 0 : index
    %get3A_160 = tpu.vector_load %arg8[%get3A_158, %get3A_159] {strides = array<i32>} : memref<10x32xf32, #tpu.memory_space<vmem>>, vector<1x16xf32>,
    %get3A_161 = vector.shape_cast %get3A_160 : vector<1x16xf32> to vector<16xf32>
    %swap3A_162 = arith.constant 288 : index
    %swap3A_163 = tpu.vector_load %arg9[%swap3A_162] {strides = array<i32>} : memref<1920xf32, #tpu.memory_space<vmem>>, vector<16xf32>,
    %swap3A_164 = vector.shape_cast %swap3A_163 : vector<16xf32> to vector<16xf32>
    %swap3A_165 = vector.shape_cast %get3A_161 : vector<16xf32> to vector<16xf32>
    tpu.vector_store %arg9[%swap3A_162], %swap3A_165 {strides = array<i32>} : memref<1920xf32, #tpu.memory_space<vmem>>, vector<16xf32>,
    %get3A_166 = arith.constant 0 : i32
    %get3A_167 = arith.index_cast %get3A_166 : i32 to index
    %get3A_168 = arith.constant 16 : index
    %get3A_169 = tpu.vector_load %arg7[%get3A_167, %get3A_168] {strides = array<i32>} : memref<3x32xf32, #tpu.memory_space<vmem>>, vector<1x16xf32>,
    %get3A_170 = vector.shape_cast %get3A_169 : vector<1x16xf32> to vector<16xf32>
    %swap3A_171 = arith.constant 272 : index
    %swap3A_172 = tpu.vector_load %arg9[%swap3A_171] {strides = array<i32>} : memref<1920xf32, #tpu.memory_space<vmem>>, vector<16xf32>,
    %swap3A_173 = vector.shape_cast %swap3A_172 : vector<16xf32> to vector<16xf32>
    %swap3A_174 = vector.shape_cast %get3A_170 : vector<16xf32> to vector<16xf32>
    tpu.vector_store %arg9[%swap3A_171], %swap3A_174 {strides = array<i32>} : memref<1920xf32, #tpu.memory_space<vmem>>, vector<16xf32>,
    %get3A_175 = arith.constant 4 : i32
    %get3A_176 = arith.index_cast %get3A_175 : i32 to index
    %get3A_177 = arith.constant 16 : index
    %get3A_178 = tpu.vector_load %arg8[%get3A_176, %get3A_177] {strides = array<i32>} : memref<10x32xf32, #tpu.memory_space<vmem>>, vector<1x16xf32>,
    %get3A_179 = vector.shape_cast %get3A_178 : vector<1x16xf32> to vector<16xf32>
    %swap3A_180 = arith.constant 304 : index
    %swap3A_181 = tpu.vector_load %arg9[%swap3A_180] {strides = array<i32>} : memref<1920xf32, #tpu.memory_space<vmem>>, vector<16xf32>,
    %swap3A_182 = vector.shape_cast %swap3A_181 : vector<16xf32> to vector<16xf32>
    %swap3A_183 = vector.shape_cast %get3A_179 : vector<16xf32> to vector<16xf32>
    tpu.vector_store %arg9[%swap3A_180], %swap3A_183 {strides = array<i32>} : memref<1920xf32, #tpu.memory_space<vmem>>, vector<16xf32>,
    %get3A_184 = arith.constant 0 : i32
    %get3A_185 = arith.index_cast %get3A_184 : i32 to index
    %get3A_186 = arith.constant 0 : index
    %get3A_187 = tpu.vector_load %arg7[%get3A_185, %get3A_186] {strides = array<i32>} : memref<3x32xf32, #tpu.memory_space<vmem>>, vector<1x16xf32>,
    %get3A_188 = vector.shape_cast %get3A_187 : vector<1x16xf32> to vector<16xf32>
    %swap3A_189 = arith.constant 320 : index
    %swap3A_190 = tpu.vector_load %arg9[%swap3A_189] {strides = array<i32>} : memref<1920xf32, #tpu.memory_space<vmem>>, vector<16xf32>,
    %swap3A_191 = vector.shape_cast %swap3A_190 : vector<16xf32> to vector<16xf32>
    %swap3A_192 = vector.shape_cast %get3A_188 : vector<16xf32> to vector<16xf32>
    tpu.vector_store %arg9[%swap3A_189], %swap3A_192 {strides = array<i32>} : memref<1920xf32, #tpu.memory_space<vmem>>, vector<16xf32>,
    %get3A_193 = arith.constant 5 : i32
    %get3A_194 = arith.index_cast %get3A_193 : i32 to index
    %get3A_195 = arith.constant 0 : index
    %get3A_196 = tpu.vector_load %arg8[%get3A_194, %get3A_195] {strides = array<i32>} : memref<10x32xf32, #tpu.memory_space<vmem>>, vector<1x16xf32>,
    %get3A_197 = vector.shape_cast %get3A_196 : vector<1x16xf32> to vector<16xf32>
    %swap3A_198 = arith.constant 352 : index
    %swap3A_199 = tpu.vector_load %arg9[%swap3A_198] {strides = array<i32>} : memref<1920xf32, #tpu.memory_space<vmem>>, vector<16xf32>,
    %swap3A_200 = vector.shape_cast %swap3A_199 : vector<16xf32> to vector<16xf32>
    %swap3A_201 = vector.shape_cast %get3A_197 : vector<16xf32> to vector<16xf32>
    tpu.vector_store %arg9[%swap3A_198], %swap3A_201 {strides = array<i32>} : memref<1920xf32, #tpu.memory_space<vmem>>, vector<16xf32>,
    %get3A_202 = arith.constant 0 : i32
    %get3A_203 = arith.index_cast %get3A_202 : i32 to index
    %get3A_204 = arith.constant 16 : index
    %get3A_205 = tpu.vector_load %arg7[%get3A_203, %get3A_204] {strides = array<i32>} : memref<3x32xf32, #tpu.memory_space<vmem>>, vector<1x16xf32>,
    %get3A_206 = vector.shape_cast %get3A_205 : vector<1x16xf32> to vector<16xf32>
    %swap3A_207 = arith.constant 336 : index
    %swap3A_208 = tpu.vector_load %arg9[%swap3A_207] {strides = array<i32>} : memref<1920xf32, #tpu.memory_space<vmem>>, vector<16xf32>,
    %swap3A_209 = vector.shape_cast %swap3A_208 : vector<16xf32> to vector<16xf32>
    %swap3A_210 = vector.shape_cast %get3A_206 : vector<16xf32> to vector<16xf32>
    tpu.vector_store %arg9[%swap3A_207], %swap3A_210 {strides = array<i32>} : memref<1920xf32, #tpu.memory_space<vmem>>, vector<16xf32>,
    %get3A_211 = arith.constant 5 : i32
    %get3A_212 = arith.index_cast %get3A_211 : i32 to index
    %get3A_213 = arith.constant 16 : index
    %get3A_214 = tpu.vector_load %arg8[%get3A_212, %get3A_213] {strides = array<i32>} : memref<10x32xf32, #tpu.memory_space<vmem>>, vector<1x16xf32>,
    %get3A_215 = vector.shape_cast %get3A_214 : vector<1x16xf32> to vector<16xf32>
    %swap3A_216 = arith.constant 368 : index
    %swap3A_217 = tpu.vector_load %arg9[%swap3A_216] {strides = array<i32>} : memref<1920xf32, #tpu.memory_space<vmem>>, vector<16xf32>,
    %swap3A_218 = vector.shape_cast %swap3A_217 : vector<16xf32> to vector<16xf32>
    %swap3A_219 = vector.shape_cast %get3A_215 : vector<16xf32> to vector<16xf32>
    tpu.vector_store %arg9[%swap3A_216], %swap3A_219 {strides = array<i32>} : memref<1920xf32, #tpu.memory_space<vmem>>, vector<16xf32>,
    %get3A_220 = arith.constant 0 : i32
    %get3A_221 = arith.index_cast %get3A_220 : i32 to index
    %get3A_222 = arith.constant 0 : index
    %get3A_223 = tpu.vector_load %arg7[%get3A_221, %get3A_222] {strides = array<i32>} : memref<3x32xf32, #tpu.memory_space<vmem>>, vector<1x16xf32>,
    %get3A_224 = vector.shape_cast %get3A_223 : vector<1x16xf32> to vector<16xf32>
    %swap3A_225 = arith.constant 384 : index
    %swap3A_226 = tpu.vector_load %arg9[%swap3A_225] {strides = array<i32>} : memref<1920xf32, #tpu.memory_space<vmem>>, vector<16xf32>,
    %swap3A_227 = vector.shape_cast %swap3A_226 : vector<16xf32> to vector<16xf32>
    %swap3A_228 = vector.shape_cast %get3A_224 : vector<16xf32> to vector<16xf32>
    tpu.vector_store %arg9[%swap3A_225], %swap3A_228 {strides = array<i32>} : memref<1920xf32, #tpu.memory_space<vmem>>, vector<16xf32>,
    %get3A_229 = arith.constant 6 : i32
    %get3A_230 = arith.index_cast %get3A_229 : i32 to index
    %get3A_231 = arith.constant 0 : index
    %get3A_232 = tpu.vector_load %arg8[%get3A_230, %get3A_231] {strides = array<i32>} : memref<10x32xf32, #tpu.memory_space<vmem>>, vector<1x16xf32>,
    %get3A_233 = vector.shape_cast %get3A_232 : vector<1x16xf32> to vector<16xf32>
    %swap3A_234 = arith.constant 416 : index
    %swap3A_235 = tpu.vector_load %arg9[%swap3A_234] {strides = array<i32>} : memref<1920xf32, #tpu.memory_space<vmem>>, vector<16xf32>,
    %swap3A_236 = vector.shape_cast %swap3A_235 : vector<16xf32> to vector<16xf32>
    %swap3A_237 = vector.shape_cast %get3A_233 : vector<16xf32> to vector<16xf32>
    tpu.vector_store %arg9[%swap3A_234], %swap3A_237 {strides = array<i32>} : memref<1920xf32, #tpu.memory_space<vmem>>, vector<16xf32>,
    %get3A_238 = arith.constant 0 : i32
    %get3A_239 = arith.index_cast %get3A_238 : i32 to index
    %get3A_240 = arith.constant 16 : index
    %get3A_241 = tpu.vector_load %arg7[%get3A_239, %get3A_240] {strides = array<i32>} : memref<3x32xf32, #tpu.memory_space<vmem>>, vector<1x16xf32>,
    %get3A_242 = vector.shape_cast %get3A_241 : vector<1x16xf32> to vector<16xf32>
    %swap3A_243 = arith.constant 400 : index
    %swap3A_244 = tpu.vector_load %arg9[%swap3A_243] {strides = array<i32>} : memref<1920xf32, #tpu.memory_space<vmem>>, vector<16xf32>,
    %swap3A_245 = vector.shape_cast %swap3A_244 : vector<16xf32> to vector<16xf32>
    %swap3A_246 = vector.shape_cast %get3A_242 : vector<16xf32> to vector<16xf32>
    tpu.vector_store %arg9[%swap3A_243], %swap3A_246 {strides = array<i32>} : memref<1920xf32, #tpu.memory_space<vmem>>, vector<16xf32>,
    %get3A_247 = arith.constant 6 : i32
    %get3A_248 = arith.index_cast %get3A_247 : i32 to index
    %get3A_249 = arith.constant 16 : index
    %get3A_250 = tpu.vector_load %arg8[%get3A_248, %get3A_249] {strides = array<i32>} : memref<10x32xf32, #tpu.memory_space<vmem>>, vector<1x16xf32>,
    %get3A_251 = vector.shape_cast %get3A_250 : vector<1x16xf32> to vector<16xf32>
    %swap3A_252 = arith.constant 432 : index
    %swap3A_253 = tpu.vector_load %arg9[%swap3A_252] {strides = array<i32>} : memref<1920xf32, #tpu.memory_space<vmem>>, vector<16xf32>,
    %swap3A_254 = vector.shape_cast %swap3A_253 : vector<16xf32> to vector<16xf32>
    %swap3A_255 = vector.shape_cast %get3A_251 : vector<16xf32> to vector<16xf32>
    tpu.vector_store %arg9[%swap3A_252], %swap3A_255 {strides = array<i32>} : memref<1920xf32, #tpu.memory_space<vmem>>, vector<16xf32>,
    %get3A_256 = arith.constant 0 : i32
    %get3A_257 = arith.index_cast %get3A_256 : i32 to index
    %get3A_258 = arith.constant 0 : index
    %get3A_259 = tpu.vector_load %arg7[%get3A_257, %get3A_258] {strides = array<i32>} : memref<3x32xf32, #tpu.memory_space<vmem>>, vector<1x16xf32>,
    %get3A_260 = vector.shape_cast %get3A_259 : vector<1x16xf32> to vector<16xf32>
    %swap3A_261 = arith.constant 448 : index
    %swap3A_262 = tpu.vector_load %arg9[%swap3A_261] {strides = array<i32>} : memref<1920xf32, #tpu.memory_space<vmem>>, vector<16xf32>,
    %swap3A_263 = vector.shape_cast %swap3A_262 : vector<16xf32> to vector<16xf32>
    %swap3A_264 = vector.shape_cast %get3A_260 : vector<16xf32> to vector<16xf32>
    tpu.vector_store %arg9[%swap3A_261], %swap3A_264 {strides = array<i32>} : memref<1920xf32, #tpu.memory_space<vmem>>, vector<16xf32>,
    %get3A_265 = arith.constant 7 : i32
    %get3A_266 = arith.index_cast %get3A_265 : i32 to index
    %get3A_267 = arith.constant 0 : index
    %get3A_268 = tpu.vector_load %arg8[%get3A_266, %get3A_267] {strides = array<i32>} : memref<10x32xf32, #tpu.memory_space<vmem>>, vector<1x16xf32>,
    %get3A_269 = vector.shape_cast %get3A_268 : vector<1x16xf32> to vector<16xf32>
    %swap3A_270 = arith.constant 480 : index
    %swap3A_271 = tpu.vector_load %arg9[%swap3A_270] {strides = array<i32>} : memref<1920xf32, #tpu.memory_space<vmem>>, vector<16xf32>,
    %swap3A_272 = vector.shape_cast %swap3A_271 : vector<16xf32> to vector<16xf32>
    %swap3A_273 = vector.shape_cast %get3A_269 : vector<16xf32> to vector<16xf32>
    tpu.vector_store %arg9[%swap3A_270], %swap3A_273 {strides = array<i32>} : memref<1920xf32, #tpu.memory_space<vmem>>, vector<16xf32>,
    %get3A_274 = arith.constant 0 : i32
    %get3A_275 = arith.index_cast %get3A_274 : i32 to index
    %get3A_276 = arith.constant 16 : index
    %get3A_277 = tpu.vector_load %arg7[%get3A_275, %get3A_276] {strides = array<i32>} : memref<3x32xf32, #tpu.memory_space<vmem>>, vector<1x16xf32>,
    %get3A_278 = vector.shape_cast %get3A_277 : vector<1x16xf32> to vector<16xf32>
    %swap3A_279 = arith.constant 464 : index
    %swap3A_280 = tpu.vector_load %arg9[%swap3A_279] {strides = array<i32>} : memref<1920xf32, #tpu.memory_space<vmem>>, vector<16xf32>,
    %swap3A_281 = vector.shape_cast %swap3A_280 : vector<16xf32> to vector<16xf32>
    %swap3A_282 = vector.shape_cast %get3A_278 : vector<16xf32> to vector<16xf32>
    tpu.vector_store %arg9[%swap3A_279], %swap3A_282 {strides = array<i32>} : memref<1920xf32, #tpu.memory_space<vmem>>, vector<16xf32>,
    %get3A_283 = arith.constant 7 : i32
    %get3A_284 = arith.index_cast %get3A_283 : i32 to index
    %get3A_285 = arith.constant 16 : index
    %get3A_286 = tpu.vector_load %arg8[%get3A_284, %get3A_285] {strides = array<i32>} : memref<10x32xf32, #tpu.memory_space<vmem>>, vector<1x16xf32>,
    %get3A_287 = vector.shape_cast %get3A_286 : vector<1x16xf32> to vector<16xf32>
    %swap3A_288 = arith.constant 496 : index
    %swap3A_289 = tpu.vector_load %arg9[%swap3A_288] {strides = array<i32>} : memref<1920xf32, #tpu.memory_space<vmem>>, vector<16xf32>,
    %swap3A_290 = vector.shape_cast %swap3A_289 : vector<16xf32> to vector<16xf32>
    %swap3A_291 = vector.shape_cast %get3A_287 : vector<16xf32> to vector<16xf32>
    tpu.vector_store %arg9[%swap3A_288], %swap3A_291 {strides = array<i32>} : memref<1920xf32, #tpu.memory_space<vmem>>, vector<16xf32>,
    %get3A_292 = arith.constant 0 : i32
    %get3A_293 = arith.index_cast %get3A_292 : i32 to index
    %get3A_294 = arith.constant 0 : index
    %get3A_295 = tpu.vector_load %arg7[%get3A_293, %get3A_294] {strides = array<i32>} : memref<3x32xf32, #tpu.memory_space<vmem>>, vector<1x16xf32>,
    %get3A_296 = vector.shape_cast %get3A_295 : vector<1x16xf32> to vector<16xf32>
    %swap3A_297 = arith.constant 512 : index
    %swap3A_298 = tpu.vector_load %arg9[%swap3A_297] {strides = array<i32>} : memref<1920xf32, #tpu.memory_space<vmem>>, vector<16xf32>,
    %swap3A_299 = vector.shape_cast %swap3A_298 : vector<16xf32> to vector<16xf32>
    %swap3A_300 = vector.shape_cast %get3A_296 : vector<16xf32> to vector<16xf32>
    tpu.vector_store %arg9[%swap3A_297], %swap3A_300 {strides = array<i32>} : memref<1920xf32, #tpu.memory_space<vmem>>, vector<16xf32>,
    %get3A_301 = arith.constant 8 : i32
    %get3A_302 = arith.index_cast %get3A_301 : i32 to index
    %get3A_303 = arith.constant 0 : index
    %get3A_304 = tpu.vector_load %arg8[%get3A_302, %get3A_303] {strides = array<i32>} : memref<10x32xf32, #tpu.memory_space<vmem>>, vector<1x16xf32>,
    %get3A_305 = vector.shape_cast %get3A_304 : vector<1x16xf32> to vector<16xf32>
    %swap3A_306 = arith.constant 544 : index
    %swap3A_307 = tpu.vector_load %arg9[%swap3A_306] {strides = array<i32>} : memref<1920xf32, #tpu.memory_space<vmem>>, vector<16xf32>,
    %swap3A_308 = vector.shape_cast %swap3A_307 : vector<16xf32> to vector<16xf32>
    %swap3A_309 = vector.shape_cast %get3A_305 : vector<16xf32> to vector<16xf32>
    tpu.vector_store %arg9[%swap3A_306], %swap3A_309 {strides = array<i32>} : memref<1920xf32, #tpu.memory_space<vmem>>, vector<16xf32>,
    %get3A_310 = arith.constant 0 : i32
    %get3A_311 = arith.index_cast %get3A_310 : i32 to index
    %get3A_312 = arith.constant 16 : index
    %get3A_313 = tpu.vector_load %arg7[%get3A_311, %get3A_312] {strides = array<i32>} : memref<3x32xf32, #tpu.memory_space<vmem>>, vector<1x16xf32>,
    %get3A_314 = vector.shape_cast %get3A_313 : vector<1x16xf32> to vector<16xf32>
    %swap3A_315 = arith.constant 528 : index
    %swap3A_316 = tpu.vector_load %arg9[%swap3A_315] {strides = array<i32>} : memref<1920xf32, #tpu.memory_space<vmem>>, vector<16xf32>,
    %swap3A_317 = vector.shape_cast %swap3A_316 : vector<16xf32> to vector<16xf32>
    %swap3A_318 = vector.shape_cast %get3A_314 : vector<16xf32> to vector<16xf32>
    tpu.vector_store %arg9[%swap3A_315], %swap3A_318 {strides = array<i32>} : memref<1920xf32, #tpu.memory_space<vmem>>, vector<16xf32>,
    %get3A_319 = arith.constant 8 : i32
    %get3A_320 = arith.index_cast %get3A_319 : i32 to index
    %get3A_321 = arith.constant 16 : index
    %get3A_322 = tpu.vector_load %arg8[%get3A_320, %get3A_321] {strides = array<i32>} : memref<10x32xf32, #tpu.memory_space<vmem>>, vector<1x16xf32>,
    %get3A_323 = vector.shape_cast %get3A_322 : vector<1x16xf32> to vector<16xf32>
    %swap3A_324 = arith.constant 560 : index
    %swap3A_325 = tpu.vector_load %arg9[%swap3A_324] {strides = array<i32>} : memref<1920xf32, #tpu.memory_space<vmem>>, vector<16xf32>,
    %swap3A_326 = vector.shape_cast %swap3A_325 : vector<16xf32> to vector<16xf32>
    %swap3A_327 = vector.shape_cast %get3A_323 : vector<16xf32> to vector<16xf32>
    tpu.vector_store %arg9[%swap3A_324], %swap3A_327 {strides = array<i32>} : memref<1920xf32, #tpu.memory_space<vmem>>, vector<16xf32>,
    %get3A_328 = arith.constant 0 : i32
    %get3A_329 = arith.index_cast %get3A_328 : i32 to index
    %get3A_330 = arith.constant 0 : index
    %get3A_331 = tpu.vector_load %arg7[%get3A_329, %get3A_330] {strides = array<i32>} : memref<3x32xf32, #tpu.memory_space<vmem>>, vector<1x16xf32>,
    %get3A_332 = vector.shape_cast %get3A_331 : vector<1x16xf32> to vector<16xf32>
    %swap3A_333 = arith.constant 576 : index
    %swap3A_334 = tpu.vector_load %arg9[%swap3A_333] {strides = array<i32>} : memref<1920xf32, #tpu.memory_space<vmem>>, vector<16xf32>,
    %swap3A_335 = vector.shape_cast %swap3A_334 : vector<16xf32> to vector<16xf32>
    %swap3A_336 = vector.shape_cast %get3A_332 : vector<16xf32> to vector<16xf32>
    tpu.vector_store %arg9[%swap3A_333], %swap3A_336 {strides = array<i32>} : memref<1920xf32, #tpu.memory_space<vmem>>, vector<16xf32>,
    %get3A_337 = arith.constant 9 : i32
    %get3A_338 = arith.index_cast %get3A_337 : i32 to index
    %get3A_339 = arith.constant 0 : index
    %get3A_340 = tpu.vector_load %arg8[%get3A_338, %get3A_339] {strides = array<i32>} : memref<10x32xf32, #tpu.memory_space<vmem>>, vector<1x16xf32>,
    %get3A_341 = vector.shape_cast %get3A_340 : vector<1x16xf32> to vector<16xf32>
    %swap3A_342 = arith.constant 608 : index
    %swap3A_343 = tpu.vector_load %arg9[%swap3A_342] {strides = array<i32>} : memref<1920xf32, #tpu.memory_space<vmem>>, vector<16xf32>,
    %swap3A_344 = vector.shape_cast %swap3A_343 : vector<16xf32> to vector<16xf32>
    %swap3A_345 = vector.shape_cast %get3A_341 : vector<16xf32> to vector<16xf32>
    tpu.vector_store %arg9[%swap3A_342], %swap3A_345 {strides = array<i32>} : memref<1920xf32, #tpu.memory_space<vmem>>, vector<16xf32>,
    %get3A_346 = arith.constant 0 : i32
    %get3A_347 = arith.index_cast %get3A_346 : i32 to index
    %get3A_348 = arith.constant 16 : index
    %get3A_349 = tpu.vector_load %arg7[%get3A_347, %get3A_348] {strides = array<i32>} : memref<3x32xf32, #tpu.memory_space<vmem>>, vector<1x16xf32>,
    %get3A_350 = vector.shape_cast %get3A_349 : vector<1x16xf32> to vector<16xf32>
    %swap3A_351 = arith.constant 592 : index
    %swap3A_352 = tpu.vector_load %arg9[%swap3A_351] {strides = array<i32>} : memref<1920xf32, #tpu.memory_space<vmem>>, vector<16xf32>,
    %swap3A_353 = vector.shape_cast %swap3A_352 : vector<16xf32> to vector<16xf32>
    %swap3A_354 = vector.shape_cast %get3A_350 : vector<16xf32> to vector<16xf32>
    tpu.vector_store %arg9[%swap3A_351], %swap3A_354 {strides = array<i32>} : memref<1920xf32, #tpu.memory_space<vmem>>, vector<16xf32>,
    %get3A_355 = arith.constant 9 : i32
    %get3A_356 = arith.index_cast %get3A_355 : i32 to index
    %get3A_357 = arith.constant 16 : index
    %get3A_358 = tpu.vector_load %arg8[%get3A_356, %get3A_357] {strides = array<i32>} : memref<10x32xf32, #tpu.memory_space<vmem>>, vector<1x16xf32>,
    %get3A_359 = vector.shape_cast %get3A_358 : vector<1x16xf32> to vector<16xf32>
    %swap3A_360 = arith.constant 624 : index
    %swap3A_361 = tpu.vector_load %arg9[%swap3A_360] {strides = array<i32>} : memref<1920xf32, #tpu.memory_space<vmem>>, vector<16xf32>,
    %swap3A_362 = vector.shape_cast %swap3A_361 : vector<16xf32> to vector<16xf32>
    %swap3A_363 = vector.shape_cast %get3A_359 : vector<16xf32> to vector<16xf32>
    tpu.vector_store %arg9[%swap3A_360], %swap3A_363 {strides = array<i32>} : memref<1920xf32, #tpu.memory_space<vmem>>, vector<16xf32>,
    %get3A_364 = arith.constant 1 : i32
    %get3A_365 = arith.index_cast %get3A_364 : i32 to index
    %get3A_366 = arith.constant 0 : index
    %get3A_367 = tpu.vector_load %arg7[%get3A_365, %get3A_366] {strides = array<i32>} : memref<3x32xf32, #tpu.memory_space<vmem>>, vector<1x16xf32>,
    %get3A_368 = vector.shape_cast %get3A_367 : vector<1x16xf32> to vector<16xf32>
    %swap3A_369 = arith.constant 640 : index
    %swap3A_370 = tpu.vector_load %arg9[%swap3A_369] {strides = array<i32>} : memref<1920xf32, #tpu.memory_space<vmem>>, vector<16xf32>,
    %swap3A_371 = vector.shape_cast %swap3A_370 : vector<16xf32> to vector<16xf32>
    %swap3A_372 = vector.shape_cast %get3A_368 : vector<16xf32> to vector<16xf32>
    tpu.vector_store %arg9[%swap3A_369], %swap3A_372 {strides = array<i32>} : memref<1920xf32, #tpu.memory_space<vmem>>, vector<16xf32>,
    %get3A_373 = arith.constant 0 : i32
    %get3A_374 = arith.index_cast %get3A_373 : i32 to index
    %get3A_375 = arith.constant 0 : index
    %get3A_376 = tpu.vector_load %arg8[%get3A_374, %get3A_375] {strides = array<i32>} : memref<10x32xf32, #tpu.memory_space<vmem>>, vector<1x16xf32>,
    %get3A_377 = vector.shape_cast %get3A_376 : vector<1x16xf32> to vector<16xf32>
    %swap3A_378 = arith.constant 672 : index
    %swap3A_379 = tpu.vector_load %arg9[%swap3A_378] {strides = array<i32>} : memref<1920xf32, #tpu.memory_space<vmem>>, vector<16xf32>,
    %swap3A_380 = vector.shape_cast %swap3A_379 : vector<16xf32> to vector<16xf32>
    %swap3A_381 = vector.shape_cast %get3A_377 : vector<16xf32> to vector<16xf32>
    tpu.vector_store %arg9[%swap3A_378], %swap3A_381 {strides = array<i32>} : memref<1920xf32, #tpu.memory_space<vmem>>, vector<16xf32>,
    %get3A_382 = arith.constant 1 : i32
    %get3A_383 = arith.index_cast %get3A_382 : i32 to index
    %get3A_384 = arith.constant 16 : index
    %get3A_385 = tpu.vector_load %arg7[%get3A_383, %get3A_384] {strides = array<i32>} : memref<3x32xf32, #tpu.memory_space<vmem>>, vector<1x16xf32>,
    %get3A_386 = vector.shape_cast %get3A_385 : vector<1x16xf32> to vector<16xf32>
    %swap3A_387 = arith.constant 656 : index
    %swap3A_388 = tpu.vector_load %arg9[%swap3A_387] {strides = array<i32>} : memref<1920xf32, #tpu.memory_space<vmem>>, vector<16xf32>,
    %swap3A_389 = vector.shape_cast %swap3A_388 : vector<16xf32> to vector<16xf32>
    %swap3A_390 = vector.shape_cast %get3A_386 : vector<16xf32> to vector<16xf32>
    tpu.vector_store %arg9[%swap3A_387], %swap3A_390 {strides = array<i32>} : memref<1920xf32, #tpu.memory_space<vmem>>, vector<16xf32>,
    %get3A_391 = arith.constant 0 : i32
    %get3A_392 = arith.index_cast %get3A_391 : i32 to index
    %get3A_393 = arith.constant 16 : index
    %get3A_394 = tpu.vector_load %arg8[%get3A_392, %get3A_393] {strides = array<i32>} : memref<10x32xf32, #tpu.memory_space<vmem>>, vector<1x16xf32>,
    %get3A_395 = vector.shape_cast %get3A_394 : vector<1x16xf32> to vector<16xf32>
    %swap3A_396 = arith.constant 688 : index
    %swap3A_397 = tpu.vector_load %arg9[%swap3A_396] {strides = array<i32>} : memref<1920xf32, #tpu.memory_space<vmem>>, vector<16xf32>,
    %swap3A_398 = vector.shape_cast %swap3A_397 : vector<16xf32> to vector<16xf32>
    %swap3A_399 = vector.shape_cast %get3A_395 : vector<16xf32> to vector<16xf32>
    tpu.vector_store %arg9[%swap3A_396], %swap3A_399 {strides = array<i32>} : memref<1920xf32, #tpu.memory_space<vmem>>, vector<16xf32>,
    %get3A_400 = arith.constant 1 : i32
    %get3A_401 = arith.index_cast %get3A_400 : i32 to index
    %get3A_402 = arith.constant 0 : index
    %get3A_403 = tpu.vector_load %arg7[%get3A_401, %get3A_402] {strides = array<i32>} : memref<3x32xf32, #tpu.memory_space<vmem>>, vector<1x16xf32>,
    %get3A_404 = vector.shape_cast %get3A_403 : vector<1x16xf32> to vector<16xf32>
    %swap3A_405 = arith.constant 704 : index
    %swap3A_406 = tpu.vector_load %arg9[%swap3A_405] {strides = array<i32>} : memref<1920xf32, #tpu.memory_space<vmem>>, vector<16xf32>,
    %swap3A_407 = vector.shape_cast %swap3A_406 : vector<16xf32> to vector<16xf32>
    %swap3A_408 = vector.shape_cast %get3A_404 : vector<16xf32> to vector<16xf32>
    tpu.vector_store %arg9[%swap3A_405], %swap3A_408 {strides = array<i32>} : memref<1920xf32, #tpu.memory_space<vmem>>, vector<16xf32>,
    %get3A_409 = arith.constant 1 : i32
    %get3A_410 = arith.index_cast %get3A_409 : i32 to index
    %get3A_411 = arith.constant 0 : index
    %get3A_412 = tpu.vector_load %arg8[%get3A_410, %get3A_411] {strides = array<i32>} : memref<10x32xf32, #tpu.memory_space<vmem>>, vector<1x16xf32>,
    %get3A_413 = vector.shape_cast %get3A_412 : vector<1x16xf32> to vector<16xf32>
    %swap3A_414 = arith.constant 736 : index
    %swap3A_415 = tpu.vector_load %arg9[%swap3A_414] {strides = array<i32>} : memref<1920xf32, #tpu.memory_space<vmem>>, vector<16xf32>,
    %swap3A_416 = vector.shape_cast %swap3A_415 : vector<16xf32> to vector<16xf32>
    %swap3A_417 = vector.shape_cast %get3A_413 : vector<16xf32> to vector<16xf32>
    tpu.vector_store %arg9[%swap3A_414], %swap3A_417 {strides = array<i32>} : memref<1920xf32, #tpu.memory_space<vmem>>, vector<16xf32>,
    %get3A_418 = arith.constant 1 : i32
    %get3A_419 = arith.index_cast %get3A_418 : i32 to index
    %get3A_420 = arith.constant 16 : index
    %get3A_421 = tpu.vector_load %arg7[%get3A_419, %get3A_420] {strides = array<i32>} : memref<3x32xf32, #tpu.memory_space<vmem>>, vector<1x16xf32>,
    %get3A_422 = vector.shape_cast %get3A_421 : vector<1x16xf32> to vector<16xf32>
    %swap3A_423 = arith.constant 720 : index
    %swap3A_424 = tpu.vector_load %arg9[%swap3A_423] {strides = array<i32>} : memref<1920xf32, #tpu.memory_space<vmem>>, vector<16xf32>,
    %swap3A_425 = vector.shape_cast %swap3A_424 : vector<16xf32> to vector<16xf32>
    %swap3A_426 = vector.shape_cast %get3A_422 : vector<16xf32> to vector<16xf32>
    tpu.vector_store %arg9[%swap3A_423], %swap3A_426 {strides = array<i32>} : memref<1920xf32, #tpu.memory_space<vmem>>, vector<16xf32>,
    %get3A_427 = arith.constant 1 : i32
    %get3A_428 = arith.index_cast %get3A_427 : i32 to index
    %get3A_429 = arith.constant 16 : index
    %get3A_430 = tpu.vector_load %arg8[%get3A_428, %get3A_429] {strides = array<i32>} : memref<10x32xf32, #tpu.memory_space<vmem>>, vector<1x16xf32>,
    %get3A_431 = vector.shape_cast %get3A_430 : vector<1x16xf32> to vector<16xf32>
    %swap3A_432 = arith.constant 752 : index
    %swap3A_433 = tpu.vector_load %arg9[%swap3A_432] {strides = array<i32>} : memref<1920xf32, #tpu.memory_space<vmem>>, vector<16xf32>,
    %swap3A_434 = vector.shape_cast %swap3A_433 : vector<16xf32> to vector<16xf32>
    %swap3A_435 = vector.shape_cast %get3A_431 : vector<16xf32> to vector<16xf32>
    tpu.vector_store %arg9[%swap3A_432], %swap3A_435 {strides = array<i32>} : memref<1920xf32, #tpu.memory_space<vmem>>, vector<16xf32>,
    %get3A_436 = arith.constant 1 : i32
    %get3A_437 = arith.index_cast %get3A_436 : i32 to index
    %get3A_438 = arith.constant 0 : index
    %get3A_439 = tpu.vector_load %arg7[%get3A_437, %get3A_438] {strides = array<i32>} : memref<3x32xf32, #tpu.memory_space<vmem>>, vector<1x16xf32>,
    %get3A_440 = vector.shape_cast %get3A_439 : vector<1x16xf32> to vector<16xf32>
    %swap3A_441 = arith.constant 768 : index
    %swap3A_442 = tpu.vector_load %arg9[%swap3A_441] {strides = array<i32>} : memref<1920xf32, #tpu.memory_space<vmem>>, vector<16xf32>,
    %swap3A_443 = vector.shape_cast %swap3A_442 : vector<16xf32> to vector<16xf32>
    %swap3A_444 = vector.shape_cast %get3A_440 : vector<16xf32> to vector<16xf32>
    tpu.vector_store %arg9[%swap3A_441], %swap3A_444 {strides = array<i32>} : memref<1920xf32, #tpu.memory_space<vmem>>, vector<16xf32>,
    %get3A_445 = arith.constant 2 : i32
    %get3A_446 = arith.index_cast %get3A_445 : i32 to index
    %get3A_447 = arith.constant 0 : index
    %get3A_448 = tpu.vector_load %arg8[%get3A_446, %get3A_447] {strides = array<i32>} : memref<10x32xf32, #tpu.memory_space<vmem>>, vector<1x16xf32>,
    %get3A_449 = vector.shape_cast %get3A_448 : vector<1x16xf32> to vector<16xf32>
    %swap3A_450 = arith.constant 800 : index
    %swap3A_451 = tpu.vector_load %arg9[%swap3A_450] {strides = array<i32>} : memref<1920xf32, #tpu.memory_space<vmem>>, vector<16xf32>,
    %swap3A_452 = vector.shape_cast %swap3A_451 : vector<16xf32> to vector<16xf32>
    %swap3A_453 = vector.shape_cast %get3A_449 : vector<16xf32> to vector<16xf32>
    tpu.vector_store %arg9[%swap3A_450], %swap3A_453 {strides = array<i32>} : memref<1920xf32, #tpu.memory_space<vmem>>, vector<16xf32>,
    %get3A_454 = arith.constant 1 : i32
    %get3A_455 = arith.index_cast %get3A_454 : i32 to index
    %get3A_456 = arith.constant 16 : index
    %get3A_457 = tpu.vector_load %arg7[%get3A_455, %get3A_456] {strides = array<i32>} : memref<3x32xf32, #tpu.memory_space<vmem>>, vector<1x16xf32>,
    %get3A_458 = vector.shape_cast %get3A_457 : vector<1x16xf32> to vector<16xf32>
    %swap3A_459 = arith.constant 784 : index
    %swap3A_460 = tpu.vector_load %arg9[%swap3A_459] {strides = array<i32>} : memref<1920xf32, #tpu.memory_space<vmem>>, vector<16xf32>,
    %swap3A_461 = vector.shape_cast %swap3A_460 : vector<16xf32> to vector<16xf32>
    %swap3A_462 = vector.shape_cast %get3A_458 : vector<16xf32> to vector<16xf32>
    tpu.vector_store %arg9[%swap3A_459], %swap3A_462 {strides = array<i32>} : memref<1920xf32, #tpu.memory_space<vmem>>, vector<16xf32>,
    %get3A_463 = arith.constant 2 : i32
    %get3A_464 = arith.index_cast %get3A_463 : i32 to index
    %get3A_465 = arith.constant 16 : index
    %get3A_466 = tpu.vector_load %arg8[%get3A_464, %get3A_465] {strides = array<i32>} : memref<10x32xf32, #tpu.memory_space<vmem>>, vector<1x16xf32>,
    %get3A_467 = vector.shape_cast %get3A_466 : vector<1x16xf32> to vector<16xf32>
    %swap3A_468 = arith.constant 816 : index
    %swap3A_469 = tpu.vector_load %arg9[%swap3A_468] {strides = array<i32>} : memref<1920xf32, #tpu.memory_space<vmem>>, vector<16xf32>,
    %swap3A_470 = vector.shape_cast %swap3A_469 : vector<16xf32> to vector<16xf32>
    %swap3A_471 = vector.shape_cast %get3A_467 : vector<16xf32> to vector<16xf32>
    tpu.vector_store %arg9[%swap3A_468], %swap3A_471 {strides = array<i32>} : memref<1920xf32, #tpu.memory_space<vmem>>, vector<16xf32>,
    %get3A_472 = arith.constant 1 : i32
    %get3A_473 = arith.index_cast %get3A_472 : i32 to index
    %get3A_474 = arith.constant 0 : index
    %get3A_475 = tpu.vector_load %arg7[%get3A_473, %get3A_474] {strides = array<i32>} : memref<3x32xf32, #tpu.memory_space<vmem>>, vector<1x16xf32>,
    %get3A_476 = vector.shape_cast %get3A_475 : vector<1x16xf32> to vector<16xf32>
    %swap3A_477 = arith.constant 832 : index
    %swap3A_478 = tpu.vector_load %arg9[%swap3A_477] {strides = array<i32>} : memref<1920xf32, #tpu.memory_space<vmem>>, vector<16xf32>,
    %swap3A_479 = vector.shape_cast %swap3A_478 : vector<16xf32> to vector<16xf32>
    %swap3A_480 = vector.shape_cast %get3A_476 : vector<16xf32> to vector<16xf32>
    tpu.vector_store %arg9[%swap3A_477], %swap3A_480 {strides = array<i32>} : memref<1920xf32, #tpu.memory_space<vmem>>, vector<16xf32>,
    %get3A_481 = arith.constant 3 : i32
    %get3A_482 = arith.index_cast %get3A_481 : i32 to index
    %get3A_483 = arith.constant 0 : index
    %get3A_484 = tpu.vector_load %arg8[%get3A_482, %get3A_483] {strides = array<i32>} : memref<10x32xf32, #tpu.memory_space<vmem>>, vector<1x16xf32>,
    %get3A_485 = vector.shape_cast %get3A_484 : vector<1x16xf32> to vector<16xf32>
    %swap3A_486 = arith.constant 864 : index
    %swap3A_487 = tpu.vector_load %arg9[%swap3A_486] {strides = array<i32>} : memref<1920xf32, #tpu.memory_space<vmem>>, vector<16xf32>,
    %swap3A_488 = vector.shape_cast %swap3A_487 : vector<16xf32> to vector<16xf32>
    %swap3A_489 = vector.shape_cast %get3A_485 : vector<16xf32> to vector<16xf32>
    tpu.vector_store %arg9[%swap3A_486], %swap3A_489 {strides = array<i32>} : memref<1920xf32, #tpu.memory_space<vmem>>, vector<16xf32>,
    %get3A_490 = arith.constant 1 : i32
    %get3A_491 = arith.index_cast %get3A_490 : i32 to index
    %get3A_492 = arith.constant 16 : index
    %get3A_493 = tpu.vector_load %arg7[%get3A_491, %get3A_492] {strides = array<i32>} : memref<3x32xf32, #tpu.memory_space<vmem>>, vector<1x16xf32>,
    %get3A_494 = vector.shape_cast %get3A_493 : vector<1x16xf32> to vector<16xf32>
    %swap3A_495 = arith.constant 848 : index
    %swap3A_496 = tpu.vector_load %arg9[%swap3A_495] {strides = array<i32>} : memref<1920xf32, #tpu.memory_space<vmem>>, vector<16xf32>,
    %swap3A_497 = vector.shape_cast %swap3A_496 : vector<16xf32> to vector<16xf32>
    %swap3A_498 = vector.shape_cast %get3A_494 : vector<16xf32> to vector<16xf32>
    tpu.vector_store %arg9[%swap3A_495], %swap3A_498 {strides = array<i32>} : memref<1920xf32, #tpu.memory_space<vmem>>, vector<16xf32>,
    %get3A_499 = arith.constant 3 : i32
    %get3A_500 = arith.index_cast %get3A_499 : i32 to index
    %get3A_501 = arith.constant 16 : index
    %get3A_502 = tpu.vector_load %arg8[%get3A_500, %get3A_501] {strides = array<i32>} : memref<10x32xf32, #tpu.memory_space<vmem>>, vector<1x16xf32>,
    %get3A_503 = vector.shape_cast %get3A_502 : vector<1x16xf32> to vector<16xf32>
    %swap3A_504 = arith.constant 880 : index
    %swap3A_505 = tpu.vector_load %arg9[%swap3A_504] {strides = array<i32>} : memref<1920xf32, #tpu.memory_space<vmem>>, vector<16xf32>,
    %swap3A_506 = vector.shape_cast %swap3A_505 : vector<16xf32> to vector<16xf32>
    %swap3A_507 = vector.shape_cast %get3A_503 : vector<16xf32> to vector<16xf32>
    tpu.vector_store %arg9[%swap3A_504], %swap3A_507 {strides = array<i32>} : memref<1920xf32, #tpu.memory_space<vmem>>, vector<16xf32>,
    %get3A_508 = arith.constant 1 : i32
    %get3A_509 = arith.index_cast %get3A_508 : i32 to index
    %get3A_510 = arith.constant 0 : index
    %get3A_511 = tpu.vector_load %arg7[%get3A_509, %get3A_510] {strides = array<i32>} : memref<3x32xf32, #tpu.memory_space<vmem>>, vector<1x16xf32>,
    %get3A_512 = vector.shape_cast %get3A_511 : vector<1x16xf32> to vector<16xf32>
    %swap3A_513 = arith.constant 896 : index
    %swap3A_514 = tpu.vector_load %arg9[%swap3A_513] {strides = array<i32>} : memref<1920xf32, #tpu.memory_space<vmem>>, vector<16xf32>,
    %swap3A_515 = vector.shape_cast %swap3A_514 : vector<16xf32> to vector<16xf32>
    %swap3A_516 = vector.shape_cast %get3A_512 : vector<16xf32> to vector<16xf32>
    tpu.vector_store %arg9[%swap3A_513], %swap3A_516 {strides = array<i32>} : memref<1920xf32, #tpu.memory_space<vmem>>, vector<16xf32>,
    %get3A_517 = arith.constant 4 : i32
    %get3A_518 = arith.index_cast %get3A_517 : i32 to index
    %get3A_519 = arith.constant 0 : index
    %get3A_520 = tpu.vector_load %arg8[%get3A_518, %get3A_519] {strides = array<i32>} : memref<10x32xf32, #tpu.memory_space<vmem>>, vector<1x16xf32>,
    %get3A_521 = vector.shape_cast %get3A_520 : vector<1x16xf32> to vector<16xf32>
    %swap3A_522 = arith.constant 928 : index
    %swap3A_523 = tpu.vector_load %arg9[%swap3A_522] {strides = array<i32>} : memref<1920xf32, #tpu.memory_space<vmem>>, vector<16xf32>,
    %swap3A_524 = vector.shape_cast %swap3A_523 : vector<16xf32> to vector<16xf32>
    %swap3A_525 = vector.shape_cast %get3A_521 : vector<16xf32> to vector<16xf32>
    tpu.vector_store %arg9[%swap3A_522], %swap3A_525 {strides = array<i32>} : memref<1920xf32, #tpu.memory_space<vmem>>, vector<16xf32>,
    %get3A_526 = arith.constant 1 : i32
    %get3A_527 = arith.index_cast %get3A_526 : i32 to index
    %get3A_528 = arith.constant 16 : index
    %get3A_529 = tpu.vector_load %arg7[%get3A_527, %get3A_528] {strides = array<i32>} : memref<3x32xf32, #tpu.memory_space<vmem>>, vector<1x16xf32>,
    %get3A_530 = vector.shape_cast %get3A_529 : vector<1x16xf32> to vector<16xf32>
    %swap3A_531 = arith.constant 912 : index
    %swap3A_532 = tpu.vector_load %arg9[%swap3A_531] {strides = array<i32>} : memref<1920xf32, #tpu.memory_space<vmem>>, vector<16xf32>,
    %swap3A_533 = vector.shape_cast %swap3A_532 : vector<16xf32> to vector<16xf32>
    %swap3A_534 = vector.shape_cast %get3A_530 : vector<16xf32> to vector<16xf32>
    tpu.vector_store %arg9[%swap3A_531], %swap3A_534 {strides = array<i32>} : memref<1920xf32, #tpu.memory_space<vmem>>, vector<16xf32>,
    %get3A_535 = arith.constant 4 : i32
    %get3A_536 = arith.index_cast %get3A_535 : i32 to index
    %get3A_537 = arith.constant 16 : index
    %get3A_538 = tpu.vector_load %arg8[%get3A_536, %get3A_537] {strides = array<i32>} : memref<10x32xf32, #tpu.memory_space<vmem>>, vector<1x16xf32>,
    %get3A_539 = vector.shape_cast %get3A_538 : vector<1x16xf32> to vector<16xf32>
    %swap3A_540 = arith.constant 944 : index
    %swap3A_541 = tpu.vector_load %arg9[%swap3A_540] {strides = array<i32>} : memref<1920xf32, #tpu.memory_space<vmem>>, vector<16xf32>,
    %swap3A_542 = vector.shape_cast %swap3A_541 : vector<16xf32> to vector<16xf32>
    %swap3A_543 = vector.shape_cast %get3A_539 : vector<16xf32> to vector<16xf32>
    tpu.vector_store %arg9[%swap3A_540], %swap3A_543 {strides = array<i32>} : memref<1920xf32, #tpu.memory_space<vmem>>, vector<16xf32>,
    %get3A_544 = arith.constant 1 : i32
    %get3A_545 = arith.index_cast %get3A_544 : i32 to index
    %get3A_546 = arith.constant 0 : index
    %get3A_547 = tpu.vector_load %arg7[%get3A_545, %get3A_546] {strides = array<i32>} : memref<3x32xf32, #tpu.memory_space<vmem>>, vector<1x16xf32>,
    %get3A_548 = vector.shape_cast %get3A_547 : vector<1x16xf32> to vector<16xf32>
    %swap3A_549 = arith.constant 960 : index
    %swap3A_550 = tpu.vector_load %arg9[%swap3A_549] {strides = array<i32>} : memref<1920xf32, #tpu.memory_space<vmem>>, vector<16xf32>,
    %swap3A_551 = vector.shape_cast %swap3A_550 : vector<16xf32> to vector<16xf32>
    %swap3A_552 = vector.shape_cast %get3A_548 : vector<16xf32> to vector<16xf32>
    tpu.vector_store %arg9[%swap3A_549], %swap3A_552 {strides = array<i32>} : memref<1920xf32, #tpu.memory_space<vmem>>, vector<16xf32>,
    %get3A_553 = arith.constant 5 : i32
    %get3A_554 = arith.index_cast %get3A_553 : i32 to index
    %get3A_555 = arith.constant 0 : index
    %get3A_556 = tpu.vector_load %arg8[%get3A_554, %get3A_555] {strides = array<i32>} : memref<10x32xf32, #tpu.memory_space<vmem>>, vector<1x16xf32>,
    %get3A_557 = vector.shape_cast %get3A_556 : vector<1x16xf32> to vector<16xf32>
    %swap3A_558 = arith.constant 992 : index
    %swap3A_559 = tpu.vector_load %arg9[%swap3A_558] {strides = array<i32>} : memref<1920xf32, #tpu.memory_space<vmem>>, vector<16xf32>,
    %swap3A_560 = vector.shape_cast %swap3A_559 : vector<16xf32> to vector<16xf32>
    %swap3A_561 = vector.shape_cast %get3A_557 : vector<16xf32> to vector<16xf32>
    tpu.vector_store %arg9[%swap3A_558], %swap3A_561 {strides = array<i32>} : memref<1920xf32, #tpu.memory_space<vmem>>, vector<16xf32>,
    %get3A_562 = arith.constant 1 : i32
    %get3A_563 = arith.index_cast %get3A_562 : i32 to index
    %get3A_564 = arith.constant 16 : index
    %get3A_565 = tpu.vector_load %arg7[%get3A_563, %get3A_564] {strides = array<i32>} : memref<3x32xf32, #tpu.memory_space<vmem>>, vector<1x16xf32>,
    %get3A_566 = vector.shape_cast %get3A_565 : vector<1x16xf32> to vector<16xf32>
    %swap3A_567 = arith.constant 976 : index
    %swap3A_568 = tpu.vector_load %arg9[%swap3A_567] {strides = array<i32>} : memref<1920xf32, #tpu.memory_space<vmem>>, vector<16xf32>,
    %swap3A_569 = vector.shape_cast %swap3A_568 : vector<16xf32> to vector<16xf32>
    %swap3A_570 = vector.shape_cast %get3A_566 : vector<16xf32> to vector<16xf32>
    tpu.vector_store %arg9[%swap3A_567], %swap3A_570 {strides = array<i32>} : memref<1920xf32, #tpu.memory_space<vmem>>, vector<16xf32>,
    %get3A_571 = arith.constant 5 : i32
    %get3A_572 = arith.index_cast %get3A_571 : i32 to index
    %get3A_573 = arith.constant 16 : index
    %get3A_574 = tpu.vector_load %arg8[%get3A_572, %get3A_573] {strides = array<i32>} : memref<10x32xf32, #tpu.memory_space<vmem>>, vector<1x16xf32>,
    %get3A_575 = vector.shape_cast %get3A_574 : vector<1x16xf32> to vector<16xf32>
    %swap3A_576 = arith.constant 1008 : index
    %swap3A_577 = tpu.vector_load %arg9[%swap3A_576] {strides = array<i32>} : memref<1920xf32, #tpu.memory_space<vmem>>, vector<16xf32>,
    %swap3A_578 = vector.shape_cast %swap3A_577 : vector<16xf32> to vector<16xf32>
    %swap3A_579 = vector.shape_cast %get3A_575 : vector<16xf32> to vector<16xf32>
    tpu.vector_store %arg9[%swap3A_576], %swap3A_579 {strides = array<i32>} : memref<1920xf32, #tpu.memory_space<vmem>>, vector<16xf32>,
    %get3A_580 = arith.constant 1 : i32
    %get3A_581 = arith.index_cast %get3A_580 : i32 to index
    %get3A_582 = arith.constant 0 : index
    %get3A_583 = tpu.vector_load %arg7[%get3A_581, %get3A_582] {strides = array<i32>} : memref<3x32xf32, #tpu.memory_space<vmem>>, vector<1x16xf32>,
    %get3A_584 = vector.shape_cast %get3A_583 : vector<1x16xf32> to vector<16xf32>
    %swap3A_585 = arith.constant 1024 : index
    %swap3A_586 = tpu.vector_load %arg9[%swap3A_585] {strides = array<i32>} : memref<1920xf32, #tpu.memory_space<vmem>>, vector<16xf32>,
    %swap3A_587 = vector.shape_cast %swap3A_586 : vector<16xf32> to vector<16xf32>
    %swap3A_588 = vector.shape_cast %get3A_584 : vector<16xf32> to vector<16xf32>
    tpu.vector_store %arg9[%swap3A_585], %swap3A_588 {strides = array<i32>} : memref<1920xf32, #tpu.memory_space<vmem>>, vector<16xf32>,
    %get3A_589 = arith.constant 6 : i32
    %get3A_590 = arith.index_cast %get3A_589 : i32 to index
    %get3A_591 = arith.constant 0 : index
    %get3A_592 = tpu.vector_load %arg8[%get3A_590, %get3A_591] {strides = array<i32>} : memref<10x32xf32, #tpu.memory_space<vmem>>, vector<1x16xf32>,
    %get3A_593 = vector.shape_cast %get3A_592 : vector<1x16xf32> to vector<16xf32>
    %swap3A_594 = arith.constant 1056 : index
    %swap3A_595 = tpu.vector_load %arg9[%swap3A_594] {strides = array<i32>} : memref<1920xf32, #tpu.memory_space<vmem>>, vector<16xf32>,
    %swap3A_596 = vector.shape_cast %swap3A_595 : vector<16xf32> to vector<16xf32>
    %swap3A_597 = vector.shape_cast %get3A_593 : vector<16xf32> to vector<16xf32>
    tpu.vector_store %arg9[%swap3A_594], %swap3A_597 {strides = array<i32>} : memref<1920xf32, #tpu.memory_space<vmem>>, vector<16xf32>,
    %get3A_598 = arith.constant 1 : i32
    %get3A_599 = arith.index_cast %get3A_598 : i32 to index
    %get3A_600 = arith.constant 16 : index
    %get3A_601 = tpu.vector_load %arg7[%get3A_599, %get3A_600] {strides = array<i32>} : memref<3x32xf32, #tpu.memory_space<vmem>>, vector<1x16xf32>,
    %get3A_602 = vector.shape_cast %get3A_601 : vector<1x16xf32> to vector<16xf32>
    %swap3A_603 = arith.constant 1040 : index
    %swap3A_604 = tpu.vector_load %arg9[%swap3A_603] {strides = array<i32>} : memref<1920xf32, #tpu.memory_space<vmem>>, vector<16xf32>,
    %swap3A_605 = vector.shape_cast %swap3A_604 : vector<16xf32> to vector<16xf32>
    %swap3A_606 = vector.shape_cast %get3A_602 : vector<16xf32> to vector<16xf32>
    tpu.vector_store %arg9[%swap3A_603], %swap3A_606 {strides = array<i32>} : memref<1920xf32, #tpu.memory_space<vmem>>, vector<16xf32>,
    %get3A_607 = arith.constant 6 : i32
    %get3A_608 = arith.index_cast %get3A_607 : i32 to index
    %get3A_609 = arith.constant 16 : index
    %get3A_610 = tpu.vector_load %arg8[%get3A_608, %get3A_609] {strides = array<i32>} : memref<10x32xf32, #tpu.memory_space<vmem>>, vector<1x16xf32>,
    %get3A_611 = vector.shape_cast %get3A_610 : vector<1x16xf32> to vector<16xf32>
    %swap3A_612 = arith.constant 1072 : index
    %swap3A_613 = tpu.vector_load %arg9[%swap3A_612] {strides = array<i32>} : memref<1920xf32, #tpu.memory_space<vmem>>, vector<16xf32>,
    %swap3A_614 = vector.shape_cast %swap3A_613 : vector<16xf32> to vector<16xf32>
    %swap3A_615 = vector.shape_cast %get3A_611 : vector<16xf32> to vector<16xf32>
    tpu.vector_store %arg9[%swap3A_612], %swap3A_615 {strides = array<i32>} : memref<1920xf32, #tpu.memory_space<vmem>>, vector<16xf32>,
    %get3A_616 = arith.constant 1 : i32
    %get3A_617 = arith.index_cast %get3A_616 : i32 to index
    %get3A_618 = arith.constant 0 : index
    %get3A_619 = tpu.vector_load %arg7[%get3A_617, %get3A_618] {strides = array<i32>} : memref<3x32xf32, #tpu.memory_space<vmem>>, vector<1x16xf32>,
    %get3A_620 = vector.shape_cast %get3A_619 : vector<1x16xf32> to vector<16xf32>
    %swap3A_621 = arith.constant 1088 : index
    %swap3A_622 = tpu.vector_load %arg9[%swap3A_621] {strides = array<i32>} : memref<1920xf32, #tpu.memory_space<vmem>>, vector<16xf32>,
    %swap3A_623 = vector.shape_cast %swap3A_622 : vector<16xf32> to vector<16xf32>
    %swap3A_624 = vector.shape_cast %get3A_620 : vector<16xf32> to vector<16xf32>
    tpu.vector_store %arg9[%swap3A_621], %swap3A_624 {strides = array<i32>} : memref<1920xf32, #tpu.memory_space<vmem>>, vector<16xf32>,
    %get3A_625 = arith.constant 7 : i32
    %get3A_626 = arith.index_cast %get3A_625 : i32 to index
    %get3A_627 = arith.constant 0 : index
    %get3A_628 = tpu.vector_load %arg8[%get3A_626, %get3A_627] {strides = array<i32>} : memref<10x32xf32, #tpu.memory_space<vmem>>, vector<1x16xf32>,
    %get3A_629 = vector.shape_cast %get3A_628 : vector<1x16xf32> to vector<16xf32>
    %swap3A_630 = arith.constant 1120 : index
    %swap3A_631 = tpu.vector_load %arg9[%swap3A_630] {strides = array<i32>} : memref<1920xf32, #tpu.memory_space<vmem>>, vector<16xf32>,
    %swap3A_632 = vector.shape_cast %swap3A_631 : vector<16xf32> to vector<16xf32>
    %swap3A_633 = vector.shape_cast %get3A_629 : vector<16xf32> to vector<16xf32>
    tpu.vector_store %arg9[%swap3A_630], %swap3A_633 {strides = array<i32>} : memref<1920xf32, #tpu.memory_space<vmem>>, vector<16xf32>,
    %get3A_634 = arith.constant 1 : i32
    %get3A_635 = arith.index_cast %get3A_634 : i32 to index
    %get3A_636 = arith.constant 16 : index
    %get3A_637 = tpu.vector_load %arg7[%get3A_635, %get3A_636] {strides = array<i32>} : memref<3x32xf32, #tpu.memory_space<vmem>>, vector<1x16xf32>,
    %get3A_638 = vector.shape_cast %get3A_637 : vector<1x16xf32> to vector<16xf32>
    %swap3A_639 = arith.constant 1104 : index
    %swap3A_640 = tpu.vector_load %arg9[%swap3A_639] {strides = array<i32>} : memref<1920xf32, #tpu.memory_space<vmem>>, vector<16xf32>,
    %swap3A_641 = vector.shape_cast %swap3A_640 : vector<16xf32> to vector<16xf32>
    %swap3A_642 = vector.shape_cast %get3A_638 : vector<16xf32> to vector<16xf32>
    tpu.vector_store %arg9[%swap3A_639], %swap3A_642 {strides = array<i32>} : memref<1920xf32, #tpu.memory_space<vmem>>, vector<16xf32>,
    %get3A_643 = arith.constant 7 : i32
    %get3A_644 = arith.index_cast %get3A_643 : i32 to index
    %get3A_645 = arith.constant 16 : index
    %get3A_646 = tpu.vector_load %arg8[%get3A_644, %get3A_645] {strides = array<i32>} : memref<10x32xf32, #tpu.memory_space<vmem>>, vector<1x16xf32>,
    %get3A_647 = vector.shape_cast %get3A_646 : vector<1x16xf32> to vector<16xf32>
    %swap3A_648 = arith.constant 1136 : index
    %swap3A_649 = tpu.vector_load %arg9[%swap3A_648] {strides = array<i32>} : memref<1920xf32, #tpu.memory_space<vmem>>, vector<16xf32>,
    %swap3A_650 = vector.shape_cast %swap3A_649 : vector<16xf32> to vector<16xf32>
    %swap3A_651 = vector.shape_cast %get3A_647 : vector<16xf32> to vector<16xf32>
    tpu.vector_store %arg9[%swap3A_648], %swap3A_651 {strides = array<i32>} : memref<1920xf32, #tpu.memory_space<vmem>>, vector<16xf32>,
    %get3A_652 = arith.constant 1 : i32
    %get3A_653 = arith.index_cast %get3A_652 : i32 to index
    %get3A_654 = arith.constant 0 : index
    %get3A_655 = tpu.vector_load %arg7[%get3A_653, %get3A_654] {strides = array<i32>} : memref<3x32xf32, #tpu.memory_space<vmem>>, vector<1x16xf32>,
    %get3A_656 = vector.shape_cast %get3A_655 : vector<1x16xf32> to vector<16xf32>
    %swap3A_657 = arith.constant 1152 : index
    %swap3A_658 = tpu.vector_load %arg9[%swap3A_657] {strides = array<i32>} : memref<1920xf32, #tpu.memory_space<vmem>>, vector<16xf32>,
    %swap3A_659 = vector.shape_cast %swap3A_658 : vector<16xf32> to vector<16xf32>
    %swap3A_660 = vector.shape_cast %get3A_656 : vector<16xf32> to vector<16xf32>
    tpu.vector_store %arg9[%swap3A_657], %swap3A_660 {strides = array<i32>} : memref<1920xf32, #tpu.memory_space<vmem>>, vector<16xf32>,
    %get3A_661 = arith.constant 8 : i32
    %get3A_662 = arith.index_cast %get3A_661 : i32 to index
    %get3A_663 = arith.constant 0 : index
    %get3A_664 = tpu.vector_load %arg8[%get3A_662, %get3A_663] {strides = array<i32>} : memref<10x32xf32, #tpu.memory_space<vmem>>, vector<1x16xf32>,
    %get3A_665 = vector.shape_cast %get3A_664 : vector<1x16xf32> to vector<16xf32>
    %swap3A_666 = arith.constant 1184 : index
    %swap3A_667 = tpu.vector_load %arg9[%swap3A_666] {strides = array<i32>} : memref<1920xf32, #tpu.memory_space<vmem>>, vector<16xf32>,
    %swap3A_668 = vector.shape_cast %swap3A_667 : vector<16xf32> to vector<16xf32>
    %swap3A_669 = vector.shape_cast %get3A_665 : vector<16xf32> to vector<16xf32>
    tpu.vector_store %arg9[%swap3A_666], %swap3A_669 {strides = array<i32>} : memref<1920xf32, #tpu.memory_space<vmem>>, vector<16xf32>,
    %get3A_670 = arith.constant 1 : i32
    %get3A_671 = arith.index_cast %get3A_670 : i32 to index
    %get3A_672 = arith.constant 16 : index
    %get3A_673 = tpu.vector_load %arg7[%get3A_671, %get3A_672] {strides = array<i32>} : memref<3x32xf32, #tpu.memory_space<vmem>>, vector<1x16xf32>,
    %get3A_674 = vector.shape_cast %get3A_673 : vector<1x16xf32> to vector<16xf32>
    %swap3A_675 = arith.constant 1168 : index
    %swap3A_676 = tpu.vector_load %arg9[%swap3A_675] {strides = array<i32>} : memref<1920xf32, #tpu.memory_space<vmem>>, vector<16xf32>,
    %swap3A_677 = vector.shape_cast %swap3A_676 : vector<16xf32> to vector<16xf32>
    %swap3A_678 = vector.shape_cast %get3A_674 : vector<16xf32> to vector<16xf32>
    tpu.vector_store %arg9[%swap3A_675], %swap3A_678 {strides = array<i32>} : memref<1920xf32, #tpu.memory_space<vmem>>, vector<16xf32>,
    %get3A_679 = arith.constant 8 : i32
    %get3A_680 = arith.index_cast %get3A_679 : i32 to index
    %get3A_681 = arith.constant 16 : index
    %get3A_682 = tpu.vector_load %arg8[%get3A_680, %get3A_681] {strides = array<i32>} : memref<10x32xf32, #tpu.memory_space<vmem>>, vector<1x16xf32>,
    %get3A_683 = vector.shape_cast %get3A_682 : vector<1x16xf32> to vector<16xf32>
    %swap3A_684 = arith.constant 1200 : index
    %swap3A_685 = tpu.vector_load %arg9[%swap3A_684] {strides = array<i32>} : memref<1920xf32, #tpu.memory_space<vmem>>, vector<16xf32>,
    %swap3A_686 = vector.shape_cast %swap3A_685 : vector<16xf32> to vector<16xf32>
    %swap3A_687 = vector.shape_cast %get3A_683 : vector<16xf32> to vector<16xf32>
    tpu.vector_store %arg9[%swap3A_684], %swap3A_687 {strides = array<i32>} : memref<1920xf32, #tpu.memory_space<vmem>>, vector<16xf32>,
    %get3A_688 = arith.constant 1 : i32
    %get3A_689 = arith.index_cast %get3A_688 : i32 to index
    %get3A_690 = arith.constant 0 : index
    %get3A_691 = tpu.vector_load %arg7[%get3A_689, %get3A_690] {strides = array<i32>} : memref<3x32xf32, #tpu.memory_space<vmem>>, vector<1x16xf32>,
    %get3A_692 = vector.shape_cast %get3A_691 : vector<1x16xf32> to vector<16xf32>
    %swap3A_693 = arith.constant 1216 : index
    %swap3A_694 = tpu.vector_load %arg9[%swap3A_693] {strides = array<i32>} : memref<1920xf32, #tpu.memory_space<vmem>>, vector<16xf32>,
    %swap3A_695 = vector.shape_cast %swap3A_694 : vector<16xf32> to vector<16xf32>
    %swap3A_696 = vector.shape_cast %get3A_692 : vector<16xf32> to vector<16xf32>
    tpu.vector_store %arg9[%swap3A_693], %swap3A_696 {strides = array<i32>} : memref<1920xf32, #tpu.memory_space<vmem>>, vector<16xf32>,
    %get3A_697 = arith.constant 9 : i32
    %get3A_698 = arith.index_cast %get3A_697 : i32 to index
    %get3A_699 = arith.constant 0 : index
    %get3A_700 = tpu.vector_load %arg8[%get3A_698, %get3A_699] {strides = array<i32>} : memref<10x32xf32, #tpu.memory_space<vmem>>, vector<1x16xf32>,
    %get3A_701 = vector.shape_cast %get3A_700 : vector<1x16xf32> to vector<16xf32>
    %swap3A_702 = arith.constant 1248 : index
    %swap3A_703 = tpu.vector_load %arg9[%swap3A_702] {strides = array<i32>} : memref<1920xf32, #tpu.memory_space<vmem>>, vector<16xf32>,
    %swap3A_704 = vector.shape_cast %swap3A_703 : vector<16xf32> to vector<16xf32>
    %swap3A_705 = vector.shape_cast %get3A_701 : vector<16xf32> to vector<16xf32>
    tpu.vector_store %arg9[%swap3A_702], %swap3A_705 {strides = array<i32>} : memref<1920xf32, #tpu.memory_space<vmem>>, vector<16xf32>,
    %get3A_706 = arith.constant 1 : i32
    %get3A_707 = arith.index_cast %get3A_706 : i32 to index
    %get3A_708 = arith.constant 16 : index
    %get3A_709 = tpu.vector_load %arg7[%get3A_707, %get3A_708] {strides = array<i32>} : memref<3x32xf32, #tpu.memory_space<vmem>>, vector<1x16xf32>,
    %get3A_710 = vector.shape_cast %get3A_709 : vector<1x16xf32> to vector<16xf32>
    %swap3A_711 = arith.constant 1232 : index
    %swap3A_712 = tpu.vector_load %arg9[%swap3A_711] {strides = array<i32>} : memref<1920xf32, #tpu.memory_space<vmem>>, vector<16xf32>,
    %swap3A_713 = vector.shape_cast %swap3A_712 : vector<16xf32> to vector<16xf32>
    %swap3A_714 = vector.shape_cast %get3A_710 : vector<16xf32> to vector<16xf32>
    tpu.vector_store %arg9[%swap3A_711], %swap3A_714 {strides = array<i32>} : memref<1920xf32, #tpu.memory_space<vmem>>, vector<16xf32>,
    %get3A_715 = arith.constant 9 : i32
    %get3A_716 = arith.index_cast %get3A_715 : i32 to index
    %get3A_717 = arith.constant 16 : index
    %get3A_718 = tpu.vector_load %arg8[%get3A_716, %get3A_717] {strides = array<i32>} : memref<10x32xf32, #tpu.memory_space<vmem>>, vector<1x16xf32>,
    %get3A_719 = vector.shape_cast %get3A_718 : vector<1x16xf32> to vector<16xf32>
    %swap3A_720 = arith.constant 1264 : index
    %swap3A_721 = tpu.vector_load %arg9[%swap3A_720] {strides = array<i32>} : memref<1920xf32, #tpu.memory_space<vmem>>, vector<16xf32>,
    %swap3A_722 = vector.shape_cast %swap3A_721 : vector<16xf32> to vector<16xf32>
    %swap3A_723 = vector.shape_cast %get3A_719 : vector<16xf32> to vector<16xf32>
    tpu.vector_store %arg9[%swap3A_720], %swap3A_723 {strides = array<i32>} : memref<1920xf32, #tpu.memory_space<vmem>>, vector<16xf32>,
    %get3A_724 = arith.constant 2 : i32
    %get3A_725 = arith.index_cast %get3A_724 : i32 to index
    %get3A_726 = arith.constant 0 : index
    %get3A_727 = tpu.vector_load %arg7[%get3A_725, %get3A_726] {strides = array<i32>} : memref<3x32xf32, #tpu.memory_space<vmem>>, vector<1x16xf32>,
    %get3A_728 = vector.shape_cast %get3A_727 : vector<1x16xf32> to vector<16xf32>
    %swap3A_729 = arith.constant 1280 : index
    %swap3A_730 = tpu.vector_load %arg9[%swap3A_729] {strides = array<i32>} : memref<1920xf32, #tpu.memory_space<vmem>>, vector<16xf32>,
    %swap3A_731 = vector.shape_cast %swap3A_730 : vector<16xf32> to vector<16xf32>
    %swap3A_732 = vector.shape_cast %get3A_728 : vector<16xf32> to vector<16xf32>
    tpu.vector_store %arg9[%swap3A_729], %swap3A_732 {strides = array<i32>} : memref<1920xf32, #tpu.memory_space<vmem>>, vector<16xf32>,
    %get3A_733 = arith.constant 0 : i32
    %get3A_734 = arith.index_cast %get3A_733 : i32 to index
    %get3A_735 = arith.constant 0 : index
    %get3A_736 = tpu.vector_load %arg8[%get3A_734, %get3A_735] {strides = array<i32>} : memref<10x32xf32, #tpu.memory_space<vmem>>, vector<1x16xf32>,
    %get3A_737 = vector.shape_cast %get3A_736 : vector<1x16xf32> to vector<16xf32>
    %swap3A_738 = arith.constant 1312 : index
    %swap3A_739 = tpu.vector_load %arg9[%swap3A_738] {strides = array<i32>} : memref<1920xf32, #tpu.memory_space<vmem>>, vector<16xf32>,
    %swap3A_740 = vector.shape_cast %swap3A_739 : vector<16xf32> to vector<16xf32>
    %swap3A_741 = vector.shape_cast %get3A_737 : vector<16xf32> to vector<16xf32>
    tpu.vector_store %arg9[%swap3A_738], %swap3A_741 {strides = array<i32>} : memref<1920xf32, #tpu.memory_space<vmem>>, vector<16xf32>,
    %get3A_742 = arith.constant 2 : i32
    %get3A_743 = arith.index_cast %get3A_742 : i32 to index
    %get3A_744 = arith.constant 16 : index
    %get3A_745 = tpu.vector_load %arg7[%get3A_743, %get3A_744] {strides = array<i32>} : memref<3x32xf32, #tpu.memory_space<vmem>>, vector<1x16xf32>,
    %get3A_746 = vector.shape_cast %get3A_745 : vector<1x16xf32> to vector<16xf32>
    %swap3A_747 = arith.constant 1296 : index
    %swap3A_748 = tpu.vector_load %arg9[%swap3A_747] {strides = array<i32>} : memref<1920xf32, #tpu.memory_space<vmem>>, vector<16xf32>,
    %swap3A_749 = vector.shape_cast %swap3A_748 : vector<16xf32> to vector<16xf32>
    %swap3A_750 = vector.shape_cast %get3A_746 : vector<16xf32> to vector<16xf32>
    tpu.vector_store %arg9[%swap3A_747], %swap3A_750 {strides = array<i32>} : memref<1920xf32, #tpu.memory_space<vmem>>, vector<16xf32>,
    %get3A_751 = arith.constant 0 : i32
    %get3A_752 = arith.index_cast %get3A_751 : i32 to index
    %get3A_753 = arith.constant 16 : index
    %get3A_754 = tpu.vector_load %arg8[%get3A_752, %get3A_753] {strides = array<i32>} : memref<10x32xf32, #tpu.memory_space<vmem>>, vector<1x16xf32>,
    %get3A_755 = vector.shape_cast %get3A_754 : vector<1x16xf32> to vector<16xf32>
    %swap3A_756 = arith.constant 1328 : index
    %swap3A_757 = tpu.vector_load %arg9[%swap3A_756] {strides = array<i32>} : memref<1920xf32, #tpu.memory_space<vmem>>, vector<16xf32>,
    %swap3A_758 = vector.shape_cast %swap3A_757 : vector<16xf32> to vector<16xf32>
    %swap3A_759 = vector.shape_cast %get3A_755 : vector<16xf32> to vector<16xf32>
    tpu.vector_store %arg9[%swap3A_756], %swap3A_759 {strides = array<i32>} : memref<1920xf32, #tpu.memory_space<vmem>>, vector<16xf32>,
    %get3A_760 = arith.constant 2 : i32
    %get3A_761 = arith.index_cast %get3A_760 : i32 to index
    %get3A_762 = arith.constant 0 : index
    %get3A_763 = tpu.vector_load %arg7[%get3A_761, %get3A_762] {strides = array<i32>} : memref<3x32xf32, #tpu.memory_space<vmem>>, vector<1x16xf32>,
    %get3A_764 = vector.shape_cast %get3A_763 : vector<1x16xf32> to vector<16xf32>
    %swap3A_765 = arith.constant 1344 : index
    %swap3A_766 = tpu.vector_load %arg9[%swap3A_765] {strides = array<i32>} : memref<1920xf32, #tpu.memory_space<vmem>>, vector<16xf32>,
    %swap3A_767 = vector.shape_cast %swap3A_766 : vector<16xf32> to vector<16xf32>
    %swap3A_768 = vector.shape_cast %get3A_764 : vector<16xf32> to vector<16xf32>
    tpu.vector_store %arg9[%swap3A_765], %swap3A_768 {strides = array<i32>} : memref<1920xf32, #tpu.memory_space<vmem>>, vector<16xf32>,
    %get3A_769 = arith.constant 1 : i32
    %get3A_770 = arith.index_cast %get3A_769 : i32 to index
    %get3A_771 = arith.constant 0 : index
    %get3A_772 = tpu.vector_load %arg8[%get3A_770, %get3A_771] {strides = array<i32>} : memref<10x32xf32, #tpu.memory_space<vmem>>, vector<1x16xf32>,
    %get3A_773 = vector.shape_cast %get3A_772 : vector<1x16xf32> to vector<16xf32>
    %swap3A_774 = arith.constant 1376 : index
    %swap3A_775 = tpu.vector_load %arg9[%swap3A_774] {strides = array<i32>} : memref<1920xf32, #tpu.memory_space<vmem>>, vector<16xf32>,
    %swap3A_776 = vector.shape_cast %swap3A_775 : vector<16xf32> to vector<16xf32>
    %swap3A_777 = vector.shape_cast %get3A_773 : vector<16xf32> to vector<16xf32>
    tpu.vector_store %arg9[%swap3A_774], %swap3A_777 {strides = array<i32>} : memref<1920xf32, #tpu.memory_space<vmem>>, vector<16xf32>,
    %get3A_778 = arith.constant 2 : i32
    %get3A_779 = arith.index_cast %get3A_778 : i32 to index
    %get3A_780 = arith.constant 16 : index
    %get3A_781 = tpu.vector_load %arg7[%get3A_779, %get3A_780] {strides = array<i32>} : memref<3x32xf32, #tpu.memory_space<vmem>>, vector<1x16xf32>,
    %get3A_782 = vector.shape_cast %get3A_781 : vector<1x16xf32> to vector<16xf32>
    %swap3A_783 = arith.constant 1360 : index
    %swap3A_784 = tpu.vector_load %arg9[%swap3A_783] {strides = array<i32>} : memref<1920xf32, #tpu.memory_space<vmem>>, vector<16xf32>,
    %swap3A_785 = vector.shape_cast %swap3A_784 : vector<16xf32> to vector<16xf32>
    %swap3A_786 = vector.shape_cast %get3A_782 : vector<16xf32> to vector<16xf32>
    tpu.vector_store %arg9[%swap3A_783], %swap3A_786 {strides = array<i32>} : memref<1920xf32, #tpu.memory_space<vmem>>, vector<16xf32>,
    %get3A_787 = arith.constant 1 : i32
    %get3A_788 = arith.index_cast %get3A_787 : i32 to index
    %get3A_789 = arith.constant 16 : index
    %get3A_790 = tpu.vector_load %arg8[%get3A_788, %get3A_789] {strides = array<i32>} : memref<10x32xf32, #tpu.memory_space<vmem>>, vector<1x16xf32>,
    %get3A_791 = vector.shape_cast %get3A_790 : vector<1x16xf32> to vector<16xf32>
    %swap3A_792 = arith.constant 1392 : index
    %swap3A_793 = tpu.vector_load %arg9[%swap3A_792] {strides = array<i32>} : memref<1920xf32, #tpu.memory_space<vmem>>, vector<16xf32>,
    %swap3A_794 = vector.shape_cast %swap3A_793 : vector<16xf32> to vector<16xf32>
    %swap3A_795 = vector.shape_cast %get3A_791 : vector<16xf32> to vector<16xf32>
    tpu.vector_store %arg9[%swap3A_792], %swap3A_795 {strides = array<i32>} : memref<1920xf32, #tpu.memory_space<vmem>>, vector<16xf32>,
    %get3A_796 = arith.constant 2 : i32
    %get3A_797 = arith.index_cast %get3A_796 : i32 to index
    %get3A_798 = arith.constant 0 : index
    %get3A_799 = tpu.vector_load %arg7[%get3A_797, %get3A_798] {strides = array<i32>} : memref<3x32xf32, #tpu.memory_space<vmem>>, vector<1x16xf32>,
    %get3A_800 = vector.shape_cast %get3A_799 : vector<1x16xf32> to vector<16xf32>
    %swap3A_801 = arith.constant 1408 : index
    %swap3A_802 = tpu.vector_load %arg9[%swap3A_801] {strides = array<i32>} : memref<1920xf32, #tpu.memory_space<vmem>>, vector<16xf32>,
    %swap3A_803 = vector.shape_cast %swap3A_802 : vector<16xf32> to vector<16xf32>
    %swap3A_804 = vector.shape_cast %get3A_800 : vector<16xf32> to vector<16xf32>
    tpu.vector_store %arg9[%swap3A_801], %swap3A_804 {strides = array<i32>} : memref<1920xf32, #tpu.memory_space<vmem>>, vector<16xf32>,
    %get3A_805 = arith.constant 2 : i32
    %get3A_806 = arith.index_cast %get3A_805 : i32 to index
    %get3A_807 = arith.constant 0 : index
    %get3A_808 = tpu.vector_load %arg8[%get3A_806, %get3A_807] {strides = array<i32>} : memref<10x32xf32, #tpu.memory_space<vmem>>, vector<1x16xf32>,
    %get3A_809 = vector.shape_cast %get3A_808 : vector<1x16xf32> to vector<16xf32>
    %swap3A_810 = arith.constant 1440 : index
    %swap3A_811 = tpu.vector_load %arg9[%swap3A_810] {strides = array<i32>} : memref<1920xf32, #tpu.memory_space<vmem>>, vector<16xf32>,
    %swap3A_812 = vector.shape_cast %swap3A_811 : vector<16xf32> to vector<16xf32>
    %swap3A_813 = vector.shape_cast %get3A_809 : vector<16xf32> to vector<16xf32>
    tpu.vector_store %arg9[%swap3A_810], %swap3A_813 {strides = array<i32>} : memref<1920xf32, #tpu.memory_space<vmem>>, vector<16xf32>,
    %get3A_814 = arith.constant 2 : i32
    %get3A_815 = arith.index_cast %get3A_814 : i32 to index
    %get3A_816 = arith.constant 16 : index
    %get3A_817 = tpu.vector_load %arg7[%get3A_815, %get3A_816] {strides = array<i32>} : memref<3x32xf32, #tpu.memory_space<vmem>>, vector<1x16xf32>,
    %get3A_818 = vector.shape_cast %get3A_817 : vector<1x16xf32> to vector<16xf32>
    %swap3A_819 = arith.constant 1424 : index
    %swap3A_820 = tpu.vector_load %arg9[%swap3A_819] {strides = array<i32>} : memref<1920xf32, #tpu.memory_space<vmem>>, vector<16xf32>,
    %swap3A_821 = vector.shape_cast %swap3A_820 : vector<16xf32> to vector<16xf32>
    %swap3A_822 = vector.shape_cast %get3A_818 : vector<16xf32> to vector<16xf32>
    tpu.vector_store %arg9[%swap3A_819], %swap3A_822 {strides = array<i32>} : memref<1920xf32, #tpu.memory_space<vmem>>, vector<16xf32>,
    %get3A_823 = arith.constant 2 : i32
    %get3A_824 = arith.index_cast %get3A_823 : i32 to index
    %get3A_825 = arith.constant 16 : index
    %get3A_826 = tpu.vector_load %arg8[%get3A_824, %get3A_825] {strides = array<i32>} : memref<10x32xf32, #tpu.memory_space<vmem>>, vector<1x16xf32>,
    %get3A_827 = vector.shape_cast %get3A_826 : vector<1x16xf32> to vector<16xf32>
    %swap3A_828 = arith.constant 1456 : index
    %swap3A_829 = tpu.vector_load %arg9[%swap3A_828] {strides = array<i32>} : memref<1920xf32, #tpu.memory_space<vmem>>, vector<16xf32>,
    %swap3A_830 = vector.shape_cast %swap3A_829 : vector<16xf32> to vector<16xf32>
    %swap3A_831 = vector.shape_cast %get3A_827 : vector<16xf32> to vector<16xf32>
    tpu.vector_store %arg9[%swap3A_828], %swap3A_831 {strides = array<i32>} : memref<1920xf32, #tpu.memory_space<vmem>>, vector<16xf32>,
    %get3A_832 = arith.constant 2 : i32
    %get3A_833 = arith.index_cast %get3A_832 : i32 to index
    %get3A_834 = arith.constant 0 : index
    %get3A_835 = tpu.vector_load %arg7[%get3A_833, %get3A_834] {strides = array<i32>} : memref<3x32xf32, #tpu.memory_space<vmem>>, vector<1x16xf32>,
    %get3A_836 = vector.shape_cast %get3A_835 : vector<1x16xf32> to vector<16xf32>
    %swap3A_837 = arith.constant 1472 : index
    %swap3A_838 = tpu.vector_load %arg9[%swap3A_837] {strides = array<i32>} : memref<1920xf32, #tpu.memory_space<vmem>>, vector<16xf32>,
    %swap3A_839 = vector.shape_cast %swap3A_838 : vector<16xf32> to vector<16xf32>
    %swap3A_840 = vector.shape_cast %get3A_836 : vector<16xf32> to vector<16xf32>
    tpu.vector_store %arg9[%swap3A_837], %swap3A_840 {strides = array<i32>} : memref<1920xf32, #tpu.memory_space<vmem>>, vector<16xf32>,
    %get3A_841 = arith.constant 3 : i32
    %get3A_842 = arith.index_cast %get3A_841 : i32 to index
    %get3A_843 = arith.constant 0 : index
    %get3A_844 = tpu.vector_load %arg8[%get3A_842, %get3A_843] {strides = array<i32>} : memref<10x32xf32, #tpu.memory_space<vmem>>, vector<1x16xf32>,
    %get3A_845 = vector.shape_cast %get3A_844 : vector<1x16xf32> to vector<16xf32>
    %swap3A_846 = arith.constant 1504 : index
    %swap3A_847 = tpu.vector_load %arg9[%swap3A_846] {strides = array<i32>} : memref<1920xf32, #tpu.memory_space<vmem>>, vector<16xf32>,
    %swap3A_848 = vector.shape_cast %swap3A_847 : vector<16xf32> to vector<16xf32>
    %swap3A_849 = vector.shape_cast %get3A_845 : vector<16xf32> to vector<16xf32>
    tpu.vector_store %arg9[%swap3A_846], %swap3A_849 {strides = array<i32>} : memref<1920xf32, #tpu.memory_space<vmem>>, vector<16xf32>,
    %get3A_850 = arith.constant 2 : i32
    %get3A_851 = arith.index_cast %get3A_850 : i32 to index
    %get3A_852 = arith.constant 16 : index
    %get3A_853 = tpu.vector_load %arg7[%get3A_851, %get3A_852] {strides = array<i32>} : memref<3x32xf32, #tpu.memory_space<vmem>>, vector<1x16xf32>,
    %get3A_854 = vector.shape_cast %get3A_853 : vector<1x16xf32> to vector<16xf32>
    %swap3A_855 = arith.constant 1488 : index
    %swap3A_856 = tpu.vector_load %arg9[%swap3A_855] {strides = array<i32>} : memref<1920xf32, #tpu.memory_space<vmem>>, vector<16xf32>,
    %swap3A_857 = vector.shape_cast %swap3A_856 : vector<16xf32> to vector<16xf32>
    %swap3A_858 = vector.shape_cast %get3A_854 : vector<16xf32> to vector<16xf32>
    tpu.vector_store %arg9[%swap3A_855], %swap3A_858 {strides = array<i32>} : memref<1920xf32, #tpu.memory_space<vmem>>, vector<16xf32>,
    %get3A_859 = arith.constant 3 : i32
    %get3A_860 = arith.index_cast %get3A_859 : i32 to index
    %get3A_861 = arith.constant 16 : index
    %get3A_862 = tpu.vector_load %arg8[%get3A_860, %get3A_861] {strides = array<i32>} : memref<10x32xf32, #tpu.memory_space<vmem>>, vector<1x16xf32>,
    %get3A_863 = vector.shape_cast %get3A_862 : vector<1x16xf32> to vector<16xf32>
    %swap3A_864 = arith.constant 1520 : index
    %swap3A_865 = tpu.vector_load %arg9[%swap3A_864] {strides = array<i32>} : memref<1920xf32, #tpu.memory_space<vmem>>, vector<16xf32>,
    %swap3A_866 = vector.shape_cast %swap3A_865 : vector<16xf32> to vector<16xf32>
    %swap3A_867 = vector.shape_cast %get3A_863 : vector<16xf32> to vector<16xf32>
    tpu.vector_store %arg9[%swap3A_864], %swap3A_867 {strides = array<i32>} : memref<1920xf32, #tpu.memory_space<vmem>>, vector<16xf32>,
    %get3A_868 = arith.constant 2 : i32
    %get3A_869 = arith.index_cast %get3A_868 : i32 to index
    %get3A_870 = arith.constant 0 : index
    %get3A_871 = tpu.vector_load %arg7[%get3A_869, %get3A_870] {strides = array<i32>} : memref<3x32xf32, #tpu.memory_space<vmem>>, vector<1x16xf32>,
    %get3A_872 = vector.shape_cast %get3A_871 : vector<1x16xf32> to vector<16xf32>
    %swap3A_873 = arith.constant 1536 : index
    %swap3A_874 = tpu.vector_load %arg9[%swap3A_873] {strides = array<i32>} : memref<1920xf32, #tpu.memory_space<vmem>>, vector<16xf32>,
    %swap3A_875 = vector.shape_cast %swap3A_874 : vector<16xf32> to vector<16xf32>
    %swap3A_876 = vector.shape_cast %get3A_872 : vector<16xf32> to vector<16xf32>
    tpu.vector_store %arg9[%swap3A_873], %swap3A_876 {strides = array<i32>} : memref<1920xf32, #tpu.memory_space<vmem>>, vector<16xf32>,
    %get3A_877 = arith.constant 4 : i32
    %get3A_878 = arith.index_cast %get3A_877 : i32 to index
    %get3A_879 = arith.constant 0 : index
    %get3A_880 = tpu.vector_load %arg8[%get3A_878, %get3A_879] {strides = array<i32>} : memref<10x32xf32, #tpu.memory_space<vmem>>, vector<1x16xf32>,
    %get3A_881 = vector.shape_cast %get3A_880 : vector<1x16xf32> to vector<16xf32>
    %swap3A_882 = arith.constant 1568 : index
    %swap3A_883 = tpu.vector_load %arg9[%swap3A_882] {strides = array<i32>} : memref<1920xf32, #tpu.memory_space<vmem>>, vector<16xf32>,
    %swap3A_884 = vector.shape_cast %swap3A_883 : vector<16xf32> to vector<16xf32>
    %swap3A_885 = vector.shape_cast %get3A_881 : vector<16xf32> to vector<16xf32>
    tpu.vector_store %arg9[%swap3A_882], %swap3A_885 {strides = array<i32>} : memref<1920xf32, #tpu.memory_space<vmem>>, vector<16xf32>,
    %get3A_886 = arith.constant 2 : i32
    %get3A_887 = arith.index_cast %get3A_886 : i32 to index
    %get3A_888 = arith.constant 16 : index
    %get3A_889 = tpu.vector_load %arg7[%get3A_887, %get3A_888] {strides = array<i32>} : memref<3x32xf32, #tpu.memory_space<vmem>>, vector<1x16xf32>,
    %get3A_890 = vector.shape_cast %get3A_889 : vector<1x16xf32> to vector<16xf32>
    %swap3A_891 = arith.constant 1552 : index
    %swap3A_892 = tpu.vector_load %arg9[%swap3A_891] {strides = array<i32>} : memref<1920xf32, #tpu.memory_space<vmem>>, vector<16xf32>,
    %swap3A_893 = vector.shape_cast %swap3A_892 : vector<16xf32> to vector<16xf32>
    %swap3A_894 = vector.shape_cast %get3A_890 : vector<16xf32> to vector<16xf32>
    tpu.vector_store %arg9[%swap3A_891], %swap3A_894 {strides = array<i32>} : memref<1920xf32, #tpu.memory_space<vmem>>, vector<16xf32>,
    %get3A_895 = arith.constant 4 : i32
    %get3A_896 = arith.index_cast %get3A_895 : i32 to index
    %get3A_897 = arith.constant 16 : index
    %get3A_898 = tpu.vector_load %arg8[%get3A_896, %get3A_897] {strides = array<i32>} : memref<10x32xf32, #tpu.memory_space<vmem>>, vector<1x16xf32>,
    %get3A_899 = vector.shape_cast %get3A_898 : vector<1x16xf32> to vector<16xf32>
    %swap3A_900 = arith.constant 1584 : index
    %swap3A_901 = tpu.vector_load %arg9[%swap3A_900] {strides = array<i32>} : memref<1920xf32, #tpu.memory_space<vmem>>, vector<16xf32>,
    %swap3A_902 = vector.shape_cast %swap3A_901 : vector<16xf32> to vector<16xf32>
    %swap3A_903 = vector.shape_cast %get3A_899 : vector<16xf32> to vector<16xf32>
    tpu.vector_store %arg9[%swap3A_900], %swap3A_903 {strides = array<i32>} : memref<1920xf32, #tpu.memory_space<vmem>>, vector<16xf32>,
    %get3A_904 = arith.constant 2 : i32
    %get3A_905 = arith.index_cast %get3A_904 : i32 to index
    %get3A_906 = arith.constant 0 : index
    %get3A_907 = tpu.vector_load %arg7[%get3A_905, %get3A_906] {strides = array<i32>} : memref<3x32xf32, #tpu.memory_space<vmem>>, vector<1x16xf32>,
    %get3A_908 = vector.shape_cast %get3A_907 : vector<1x16xf32> to vector<16xf32>
    %swap3A_909 = arith.constant 1600 : index
    %swap3A_910 = tpu.vector_load %arg9[%swap3A_909] {strides = array<i32>} : memref<1920xf32, #tpu.memory_space<vmem>>, vector<16xf32>,
    %swap3A_911 = vector.shape_cast %swap3A_910 : vector<16xf32> to vector<16xf32>
    %swap3A_912 = vector.shape_cast %get3A_908 : vector<16xf32> to vector<16xf32>
    tpu.vector_store %arg9[%swap3A_909], %swap3A_912 {strides = array<i32>} : memref<1920xf32, #tpu.memory_space<vmem>>, vector<16xf32>,
    %get3A_913 = arith.constant 5 : i32
    %get3A_914 = arith.index_cast %get3A_913 : i32 to index
    %get3A_915 = arith.constant 0 : index
    %get3A_916 = tpu.vector_load %arg8[%get3A_914, %get3A_915] {strides = array<i32>} : memref<10x32xf32, #tpu.memory_space<vmem>>, vector<1x16xf32>,
    %get3A_917 = vector.shape_cast %get3A_916 : vector<1x16xf32> to vector<16xf32>
    %swap3A_918 = arith.constant 1632 : index
    %swap3A_919 = tpu.vector_load %arg9[%swap3A_918] {strides = array<i32>} : memref<1920xf32, #tpu.memory_space<vmem>>, vector<16xf32>,
    %swap3A_920 = vector.shape_cast %swap3A_919 : vector<16xf32> to vector<16xf32>
    %swap3A_921 = vector.shape_cast %get3A_917 : vector<16xf32> to vector<16xf32>
    tpu.vector_store %arg9[%swap3A_918], %swap3A_921 {strides = array<i32>} : memref<1920xf32, #tpu.memory_space<vmem>>, vector<16xf32>,
    %get3A_922 = arith.constant 2 : i32
    %get3A_923 = arith.index_cast %get3A_922 : i32 to index
    %get3A_924 = arith.constant 16 : index
    %get3A_925 = tpu.vector_load %arg7[%get3A_923, %get3A_924] {strides = array<i32>} : memref<3x32xf32, #tpu.memory_space<vmem>>, vector<1x16xf32>,
    %get3A_926 = vector.shape_cast %get3A_925 : vector<1x16xf32> to vector<16xf32>
    %swap3A_927 = arith.constant 1616 : index
    %swap3A_928 = tpu.vector_load %arg9[%swap3A_927] {strides = array<i32>} : memref<1920xf32, #tpu.memory_space<vmem>>, vector<16xf32>,
    %swap3A_929 = vector.shape_cast %swap3A_928 : vector<16xf32> to vector<16xf32>
    %swap3A_930 = vector.shape_cast %get3A_926 : vector<16xf32> to vector<16xf32>
    tpu.vector_store %arg9[%swap3A_927], %swap3A_930 {strides = array<i32>} : memref<1920xf32, #tpu.memory_space<vmem>>, vector<16xf32>,
    %get3A_931 = arith.constant 5 : i32
    %get3A_932 = arith.index_cast %get3A_931 : i32 to index
    %get3A_933 = arith.constant 16 : index
    %get3A_934 = tpu.vector_load %arg8[%get3A_932, %get3A_933] {strides = array<i32>} : memref<10x32xf32, #tpu.memory_space<vmem>>, vector<1x16xf32>,
    %get3A_935 = vector.shape_cast %get3A_934 : vector<1x16xf32> to vector<16xf32>
    %swap3A_936 = arith.constant 1648 : index
    %swap3A_937 = tpu.vector_load %arg9[%swap3A_936] {strides = array<i32>} : memref<1920xf32, #tpu.memory_space<vmem>>, vector<16xf32>,
    %swap3A_938 = vector.shape_cast %swap3A_937 : vector<16xf32> to vector<16xf32>
    %swap3A_939 = vector.shape_cast %get3A_935 : vector<16xf32> to vector<16xf32>
    tpu.vector_store %arg9[%swap3A_936], %swap3A_939 {strides = array<i32>} : memref<1920xf32, #tpu.memory_space<vmem>>, vector<16xf32>,
    %get3A_940 = arith.constant 2 : i32
    %get3A_941 = arith.index_cast %get3A_940 : i32 to index
    %get3A_942 = arith.constant 0 : index
    %get3A_943 = tpu.vector_load %arg7[%get3A_941, %get3A_942] {strides = array<i32>} : memref<3x32xf32, #tpu.memory_space<vmem>>, vector<1x16xf32>,
    %get3A_944 = vector.shape_cast %get3A_943 : vector<1x16xf32> to vector<16xf32>
    %swap3A_945 = arith.constant 1664 : index
    %swap3A_946 = tpu.vector_load %arg9[%swap3A_945] {strides = array<i32>} : memref<1920xf32, #tpu.memory_space<vmem>>, vector<16xf32>,
    %swap3A_947 = vector.shape_cast %swap3A_946 : vector<16xf32> to vector<16xf32>
    %swap3A_948 = vector.shape_cast %get3A_944 : vector<16xf32> to vector<16xf32>
    tpu.vector_store %arg9[%swap3A_945], %swap3A_948 {strides = array<i32>} : memref<1920xf32, #tpu.memory_space<vmem>>, vector<16xf32>,
    %get3A_949 = arith.constant 6 : i32
    %get3A_950 = arith.index_cast %get3A_949 : i32 to index
    %get3A_951 = arith.constant 0 : index
    %get3A_952 = tpu.vector_load %arg8[%get3A_950, %get3A_951] {strides = array<i32>} : memref<10x32xf32, #tpu.memory_space<vmem>>, vector<1x16xf32>,
    %get3A_953 = vector.shape_cast %get3A_952 : vector<1x16xf32> to vector<16xf32>
    %swap3A_954 = arith.constant 1696 : index
    %swap3A_955 = tpu.vector_load %arg9[%swap3A_954] {strides = array<i32>} : memref<1920xf32, #tpu.memory_space<vmem>>, vector<16xf32>,
    %swap3A_956 = vector.shape_cast %swap3A_955 : vector<16xf32> to vector<16xf32>
    %swap3A_957 = vector.shape_cast %get3A_953 : vector<16xf32> to vector<16xf32>
    tpu.vector_store %arg9[%swap3A_954], %swap3A_957 {strides = array<i32>} : memref<1920xf32, #tpu.memory_space<vmem>>, vector<16xf32>,
    %get3A_958 = arith.constant 2 : i32
    %get3A_959 = arith.index_cast %get3A_958 : i32 to index
    %get3A_960 = arith.constant 16 : index
    %get3A_961 = tpu.vector_load %arg7[%get3A_959, %get3A_960] {strides = array<i32>} : memref<3x32xf32, #tpu.memory_space<vmem>>, vector<1x16xf32>,
    %get3A_962 = vector.shape_cast %get3A_961 : vector<1x16xf32> to vector<16xf32>
    %swap3A_963 = arith.constant 1680 : index
    %swap3A_964 = tpu.vector_load %arg9[%swap3A_963] {strides = array<i32>} : memref<1920xf32, #tpu.memory_space<vmem>>, vector<16xf32>,
    %swap3A_965 = vector.shape_cast %swap3A_964 : vector<16xf32> to vector<16xf32>
    %swap3A_966 = vector.shape_cast %get3A_962 : vector<16xf32> to vector<16xf32>
    tpu.vector_store %arg9[%swap3A_963], %swap3A_966 {strides = array<i32>} : memref<1920xf32, #tpu.memory_space<vmem>>, vector<16xf32>,
    %get3A_967 = arith.constant 6 : i32
    %get3A_968 = arith.index_cast %get3A_967 : i32 to index
    %get3A_969 = arith.constant 16 : index
    %get3A_970 = tpu.vector_load %arg8[%get3A_968, %get3A_969] {strides = array<i32>} : memref<10x32xf32, #tpu.memory_space<vmem>>, vector<1x16xf32>,
    %get3A_971 = vector.shape_cast %get3A_970 : vector<1x16xf32> to vector<16xf32>
    %swap3A_972 = arith.constant 1712 : index
    %swap3A_973 = tpu.vector_load %arg9[%swap3A_972] {strides = array<i32>} : memref<1920xf32, #tpu.memory_space<vmem>>, vector<16xf32>,
    %swap3A_974 = vector.shape_cast %swap3A_973 : vector<16xf32> to vector<16xf32>
    %swap3A_975 = vector.shape_cast %get3A_971 : vector<16xf32> to vector<16xf32>
    tpu.vector_store %arg9[%swap3A_972], %swap3A_975 {strides = array<i32>} : memref<1920xf32, #tpu.memory_space<vmem>>, vector<16xf32>,
    %get3A_976 = arith.constant 2 : i32
    %get3A_977 = arith.index_cast %get3A_976 : i32 to index
    %get3A_978 = arith.constant 0 : index
    %get3A_979 = tpu.vector_load %arg7[%get3A_977, %get3A_978] {strides = array<i32>} : memref<3x32xf32, #tpu.memory_space<vmem>>, vector<1x16xf32>,
    %get3A_980 = vector.shape_cast %get3A_979 : vector<1x16xf32> to vector<16xf32>
    %swap3A_981 = arith.constant 1728 : index
    %swap3A_982 = tpu.vector_load %arg9[%swap3A_981] {strides = array<i32>} : memref<1920xf32, #tpu.memory_space<vmem>>, vector<16xf32>,
    %swap3A_983 = vector.shape_cast %swap3A_982 : vector<16xf32> to vector<16xf32>
    %swap3A_984 = vector.shape_cast %get3A_980 : vector<16xf32> to vector<16xf32>
    tpu.vector_store %arg9[%swap3A_981], %swap3A_984 {strides = array<i32>} : memref<1920xf32, #tpu.memory_space<vmem>>, vector<16xf32>,
    %get3A_985 = arith.constant 7 : i32
    %get3A_986 = arith.index_cast %get3A_985 : i32 to index
    %get3A_987 = arith.constant 0 : index
    %get3A_988 = tpu.vector_load %arg8[%get3A_986, %get3A_987] {strides = array<i32>} : memref<10x32xf32, #tpu.memory_space<vmem>>, vector<1x16xf32>,
    %get3A_989 = vector.shape_cast %get3A_988 : vector<1x16xf32> to vector<16xf32>
    %swap3A_990 = arith.constant 1760 : index
    %swap3A_991 = tpu.vector_load %arg9[%swap3A_990] {strides = array<i32>} : memref<1920xf32, #tpu.memory_space<vmem>>, vector<16xf32>,
    %swap3A_992 = vector.shape_cast %swap3A_991 : vector<16xf32> to vector<16xf32>
    %swap3A_993 = vector.shape_cast %get3A_989 : vector<16xf32> to vector<16xf32>
    tpu.vector_store %arg9[%swap3A_990], %swap3A_993 {strides = array<i32>} : memref<1920xf32, #tpu.memory_space<vmem>>, vector<16xf32>,
    %get3A_994 = arith.constant 2 : i32
    %get3A_995 = arith.index_cast %get3A_994 : i32 to index
    %get3A_996 = arith.constant 16 : index
    %get3A_997 = tpu.vector_load %arg7[%get3A_995, %get3A_996] {strides = array<i32>} : memref<3x32xf32, #tpu.memory_space<vmem>>, vector<1x16xf32>,
    %get3A_998 = vector.shape_cast %get3A_997 : vector<1x16xf32> to vector<16xf32>
    %swap3A_999 = arith.constant 1744 : index
    %swap3A_1000 = tpu.vector_load %arg9[%swap3A_999] {strides = array<i32>} : memref<1920xf32, #tpu.memory_space<vmem>>, vector<16xf32>,
    %swap3A_1001 = vector.shape_cast %swap3A_1000 : vector<16xf32> to vector<16xf32>
    %swap3A_1002 = vector.shape_cast %get3A_998 : vector<16xf32> to vector<16xf32>
    tpu.vector_store %arg9[%swap3A_999], %swap3A_1002 {strides = array<i32>} : memref<1920xf32, #tpu.memory_space<vmem>>, vector<16xf32>,
    %get3A_1003 = arith.constant 7 : i32
    %get3A_1004 = arith.index_cast %get3A_1003 : i32 to index
    %get3A_1005 = arith.constant 16 : index
    %get3A_1006 = tpu.vector_load %arg8[%get3A_1004, %get3A_1005] {strides = array<i32>} : memref<10x32xf32, #tpu.memory_space<vmem>>, vector<1x16xf32>,
    %get3A_1007 = vector.shape_cast %get3A_1006 : vector<1x16xf32> to vector<16xf32>
    %swap3A_1008 = arith.constant 1776 : index
    %swap3A_1009 = tpu.vector_load %arg9[%swap3A_1008] {strides = array<i32>} : memref<1920xf32, #tpu.memory_space<vmem>>, vector<16xf32>,
    %swap3A_1010 = vector.shape_cast %swap3A_1009 : vector<16xf32> to vector<16xf32>
    %swap3A_1011 = vector.shape_cast %get3A_1007 : vector<16xf32> to vector<16xf32>
    tpu.vector_store %arg9[%swap3A_1008], %swap3A_1011 {strides = array<i32>} : memref<1920xf32, #tpu.memory_space<vmem>>, vector<16xf32>,
    %get3A_1012 = arith.constant 2 : i32
    %get3A_1013 = arith.index_cast %get3A_1012 : i32 to index
    %get3A_1014 = arith.constant 0 : index
    %get3A_1015 = tpu.vector_load %arg7[%get3A_1013, %get3A_1014] {strides = array<i32>} : memref<3x32xf32, #tpu.memory_space<vmem>>, vector<1x16xf32>,
    %get3A_1016 = vector.shape_cast %get3A_1015 : vector<1x16xf32> to vector<16xf32>
    %swap3A_1017 = arith.constant 1792 : index
    %swap3A_1018 = tpu.vector_load %arg9[%swap3A_1017] {strides = array<i32>} : memref<1920xf32, #tpu.memory_space<vmem>>, vector<16xf32>,
    %swap3A_1019 = vector.shape_cast %swap3A_1018 : vector<16xf32> to vector<16xf32>
    %swap3A_1020 = vector.shape_cast %get3A_1016 : vector<16xf32> to vector<16xf32>
    tpu.vector_store %arg9[%swap3A_1017], %swap3A_1020 {strides = array<i32>} : memref<1920xf32, #tpu.memory_space<vmem>>, vector<16xf32>,
    %get3A_1021 = arith.constant 8 : i32
    %get3A_1022 = arith.index_cast %get3A_1021 : i32 to index
    %get3A_1023 = arith.constant 0 : index
    %get3A_1024 = tpu.vector_load %arg8[%get3A_1022, %get3A_1023] {strides = array<i32>} : memref<10x32xf32, #tpu.memory_space<vmem>>, vector<1x16xf32>,
    %get3A_1025 = vector.shape_cast %get3A_1024 : vector<1x16xf32> to vector<16xf32>
    %swap3A_1026 = arith.constant 1824 : index
    %swap3A_1027 = tpu.vector_load %arg9[%swap3A_1026] {strides = array<i32>} : memref<1920xf32, #tpu.memory_space<vmem>>, vector<16xf32>,
    %swap3A_1028 = vector.shape_cast %swap3A_1027 : vector<16xf32> to vector<16xf32>
    %swap3A_1029 = vector.shape_cast %get3A_1025 : vector<16xf32> to vector<16xf32>
    tpu.vector_store %arg9[%swap3A_1026], %swap3A_1029 {strides = array<i32>} : memref<1920xf32, #tpu.memory_space<vmem>>, vector<16xf32>,
    %get3A_1030 = arith.constant 2 : i32
    %get3A_1031 = arith.index_cast %get3A_1030 : i32 to index
    %get3A_1032 = arith.constant 16 : index
    %get3A_1033 = tpu.vector_load %arg7[%get3A_1031, %get3A_1032] {strides = array<i32>} : memref<3x32xf32, #tpu.memory_space<vmem>>, vector<1x16xf32>,
    %get3A_1034 = vector.shape_cast %get3A_1033 : vector<1x16xf32> to vector<16xf32>
    %swap3A_1035 = arith.constant 1808 : index
    %swap3A_1036 = tpu.vector_load %arg9[%swap3A_1035] {strides = array<i32>} : memref<1920xf32, #tpu.memory_space<vmem>>, vector<16xf32>,
    %swap3A_1037 = vector.shape_cast %swap3A_1036 : vector<16xf32> to vector<16xf32>
    %swap3A_1038 = vector.shape_cast %get3A_1034 : vector<16xf32> to vector<16xf32>
    tpu.vector_store %arg9[%swap3A_1035], %swap3A_1038 {strides = array<i32>} : memref<1920xf32, #tpu.memory_space<vmem>>, vector<16xf32>,
    %get3A_1039 = arith.constant 8 : i32
    %get3A_1040 = arith.index_cast %get3A_1039 : i32 to index
    %get3A_1041 = arith.constant 16 : index
    %get3A_1042 = tpu.vector_load %arg8[%get3A_1040, %get3A_1041] {strides = array<i32>} : memref<10x32xf32, #tpu.memory_space<vmem>>, vector<1x16xf32>,
    %get3A_1043 = vector.shape_cast %get3A_1042 : vector<1x16xf32> to vector<16xf32>
    %swap3A_1044 = arith.constant 1840 : index
    %swap3A_1045 = tpu.vector_load %arg9[%swap3A_1044] {strides = array<i32>} : memref<1920xf32, #tpu.memory_space<vmem>>, vector<16xf32>,
    %swap3A_1046 = vector.shape_cast %swap3A_1045 : vector<16xf32> to vector<16xf32>
    %swap3A_1047 = vector.shape_cast %get3A_1043 : vector<16xf32> to vector<16xf32>
    tpu.vector_store %arg9[%swap3A_1044], %swap3A_1047 {strides = array<i32>} : memref<1920xf32, #tpu.memory_space<vmem>>, vector<16xf32>,
    %get3A_1048 = arith.constant 2 : i32
    %get3A_1049 = arith.index_cast %get3A_1048 : i32 to index
    %get3A_1050 = arith.constant 0 : index
    %get3A_1051 = tpu.vector_load %arg7[%get3A_1049, %get3A_1050] {strides = array<i32>} : memref<3x32xf32, #tpu.memory_space<vmem>>, vector<1x16xf32>,
    %get3A_1052 = vector.shape_cast %get3A_1051 : vector<1x16xf32> to vector<16xf32>
    %swap3A_1053 = arith.constant 1856 : index
    %swap3A_1054 = tpu.vector_load %arg9[%swap3A_1053] {strides = array<i32>} : memref<1920xf32, #tpu.memory_space<vmem>>, vector<16xf32>,
    %swap3A_1055 = vector.shape_cast %swap3A_1054 : vector<16xf32> to vector<16xf32>
    %swap3A_1056 = vector.shape_cast %get3A_1052 : vector<16xf32> to vector<16xf32>
    tpu.vector_store %arg9[%swap3A_1053], %swap3A_1056 {strides = array<i32>} : memref<1920xf32, #tpu.memory_space<vmem>>, vector<16xf32>,
    %get3A_1057 = arith.constant 9 : i32
    %get3A_1058 = arith.index_cast %get3A_1057 : i32 to index
    %get3A_1059 = arith.constant 0 : index
    %get3A_1060 = tpu.vector_load %arg8[%get3A_1058, %get3A_1059] {strides = array<i32>} : memref<10x32xf32, #tpu.memory_space<vmem>>, vector<1x16xf32>,
    %get3A_1061 = vector.shape_cast %get3A_1060 : vector<1x16xf32> to vector<16xf32>
    %swap3A_1062 = arith.constant 1888 : index
    %swap3A_1063 = tpu.vector_load %arg9[%swap3A_1062] {strides = array<i32>} : memref<1920xf32, #tpu.memory_space<vmem>>, vector<16xf32>,
    %swap3A_1064 = vector.shape_cast %swap3A_1063 : vector<16xf32> to vector<16xf32>
    %swap3A_1065 = vector.shape_cast %get3A_1061 : vector<16xf32> to vector<16xf32>
    tpu.vector_store %arg9[%swap3A_1062], %swap3A_1065 {strides = array<i32>} : memref<1920xf32, #tpu.memory_space<vmem>>, vector<16xf32>,
    %get3A_1066 = arith.constant 2 : i32
    %get3A_1067 = arith.index_cast %get3A_1066 : i32 to index
    %get3A_1068 = arith.constant 16 : index
    %get3A_1069 = tpu.vector_load %arg7[%get3A_1067, %get3A_1068] {strides = array<i32>} : memref<3x32xf32, #tpu.memory_space<vmem>>, vector<1x16xf32>,
    %get3A_1070 = vector.shape_cast %get3A_1069 : vector<1x16xf32> to vector<16xf32>
    %swap3A_1071 = arith.constant 1872 : index
    %swap3A_1072 = tpu.vector_load %arg9[%swap3A_1071] {strides = array<i32>} : memref<1920xf32, #tpu.memory_space<vmem>>, vector<16xf32>,
    %swap3A_1073 = vector.shape_cast %swap3A_1072 : vector<16xf32> to vector<16xf32>
    %swap3A_1074 = vector.shape_cast %get3A_1070 : vector<16xf32> to vector<16xf32>
    tpu.vector_store %arg9[%swap3A_1071], %swap3A_1074 {strides = array<i32>} : memref<1920xf32, #tpu.memory_space<vmem>>, vector<16xf32>,
    %get3A_1075 = arith.constant 9 : i32
    %get3A_1076 = arith.index_cast %get3A_1075 : i32 to index
    %get3A_1077 = arith.constant 16 : index
    %get3A_1078 = tpu.vector_load %arg8[%get3A_1076, %get3A_1077] {strides = array<i32>} : memref<10x32xf32, #tpu.memory_space<vmem>>, vector<1x16xf32>,
    %get3A_1079 = vector.shape_cast %get3A_1078 : vector<1x16xf32> to vector<16xf32>
    %swap3A_1080 = arith.constant 1904 : index
    %swap3A_1081 = tpu.vector_load %arg9[%swap3A_1080] {strides = array<i32>} : memref<1920xf32, #tpu.memory_space<vmem>>, vector<16xf32>,
    %swap3A_1082 = vector.shape_cast %swap3A_1081 : vector<16xf32> to vector<16xf32>
    %swap3A_1083 = vector.shape_cast %get3A_1079 : vector<16xf32> to vector<16xf32>
    tpu.vector_store %arg9[%swap3A_1080], %swap3A_1083 {strides = array<i32>} : memref<1920xf32, #tpu.memory_space<vmem>>, vector<16xf32>,
    %dma_wait3A = tpu.memref_slice %arg4[%mul3A_2] : memref<16384xi32, #tpu.memory_space<hbm>> -> memref<512xi32, #tpu.memory_space<hbm>>
    %dma_wait3A_1084 = tpu.memref_slice %arg4[%mul3A_2] : memref<16384xi32, #tpu.memory_space<hbm>> -> memref<512xi32, #tpu.memory_space<hbm>>
    tpu.wait_dma2 semaphore(%arg14 : memref<!tpu.dma_semaphore, #tpu.memory_space<semaphore_mem>>) src(%dma_wait3A_1084 : memref<512xi32, #tpu.memory_space<hbm>>) dst(%arg10 : memref<512xi32, #tpu.memory_space<vmem>>)
    %dma_wait3A_1085 = tpu.memref_slice %arg5[%mul3A_2] : memref<16384xi32, #tpu.memory_space<hbm>> -> memref<512xi32, #tpu.memory_space<hbm>>
    %dma_wait3A_1086 = tpu.memref_slice %arg5[%mul3A_2] : memref<16384xi32, #tpu.memory_space<hbm>> -> memref<512xi32, #tpu.memory_space<hbm>>
    tpu.wait_dma2 semaphore(%arg14 : memref<!tpu.dma_semaphore, #tpu.memory_space<semaphore_mem>>) src(%dma_wait3A_1086 : memref<512xi32, #tpu.memory_space<hbm>>) dst(%arg11 : memref<512xi32, #tpu.memory_space<vmem>>)
    %get3A_1087 = arith.constant 0 : index
    %get3A_1088 = tpu.vector_load %arg10[%get3A_1087] {strides = array<i32>} : memref<512xi32, #tpu.memory_space<vmem>>, vector<16xi32>,
    %get3A_1089 = vector.shape_cast %get3A_1088 : vector<16xi32> to vector<16xi32>
    %mul3A_1090 = arith.constant 640 : i32
    %mul3A_1091 = vector.broadcast %mul3A_1090 : i32 to vector<16xi32>
    %mul3A_1092 = arith.muli %get3A_1089, %mul3A_1091 : vector<16xi32>
    %get3A_1093 = arith.constant 0 : index
    %get3A_1094 = tpu.vector_load %arg11[%get3A_1093] {strides = array<i32>} : memref<512xi32, #tpu.memory_space<vmem>>, vector<16xi32>,
    %get3A_1095 = vector.shape_cast %get3A_1094 : vector<16xi32> to vector<16xi32>
    %mul3A_1096 = arith.constant 64 : i32
    %mul3A_1097 = vector.broadcast %mul3A_1096 : i32 to vector<16xi32>
    %mul3A_1098 = arith.muli %get3A_1095, %mul3A_1097 : vector<16xi32>
    %add3A_1099 = arith.addi %mul3A_1092, %mul3A_1098 : vector<16xi32>
    %swap3A_1100 = arith.constant 0 : index
    %swap3A_1101 = tpu.vector_load %arg12[%swap3A_1100] {strides = array<i32>} : memref<512xi32, #tpu.memory_space<vmem>>, vector<16xi32>,
    %swap3A_1102 = vector.shape_cast %swap3A_1101 : vector<16xi32> to vector<16xi32>
    %swap3A_1103 = vector.shape_cast %add3A_1099 : vector<16xi32> to vector<16xi32>
    tpu.vector_store %arg12[%swap3A_1100], %swap3A_1103 {strides = array<i32>} : memref<512xi32, #tpu.memory_space<vmem>>, vector<16xi32>,
    %get3A_1104 = arith.constant 16 : index
    %get3A_1105 = tpu.vector_load %arg10[%get3A_1104] {strides = array<i32>} : memref<512xi32, #tpu.memory_space<vmem>>, vector<16xi32>,
    %get3A_1106 = vector.shape_cast %get3A_1105 : vector<16xi32> to vector<16xi32>
    %mul3A_1107 = arith.constant 640 : i32
    %mul3A_1108 = vector.broadcast %mul3A_1107 : i32 to vector<16xi32>
    %mul3A_1109 = arith.muli %get3A_1106, %mul3A_1108 : vector<16xi32>
    %get3A_1110 = arith.constant 16 : index
    %get3A_1111 = tpu.vector_load %arg11[%get3A_1110] {strides = array<i32>} : memref<512xi32, #tpu.memory_space<vmem>>, vector<16xi32>,
    %get3A_1112 = vector.shape_cast %get3A_1111 : vector<16xi32> to vector<16xi32>
    %mul3A_1113 = arith.constant 64 : i32
    %mul3A_1114 = vector.broadcast %mul3A_1113 : i32 to vector<16xi32>
    %mul3A_1115 = arith.muli %get3A_1112, %mul3A_1114 : vector<16xi32>
    %add3A_1116 = arith.addi %mul3A_1109, %mul3A_1115 : vector<16xi32>
    %swap3A_1117 = arith.constant 16 : index
    %swap3A_1118 = tpu.vector_load %arg12[%swap3A_1117] {strides = array<i32>} : memref<512xi32, #tpu.memory_space<vmem>>, vector<16xi32>,
    %swap3A_1119 = vector.shape_cast %swap3A_1118 : vector<16xi32> to vector<16xi32>
    %swap3A_1120 = vector.shape_cast %add3A_1116 : vector<16xi32> to vector<16xi32>
    tpu.vector_store %arg12[%swap3A_1117], %swap3A_1120 {strides = array<i32>} : memref<512xi32, #tpu.memory_space<vmem>>, vector<16xi32>,
    %get3A_1121 = arith.constant 32 : index
    %get3A_1122 = tpu.vector_load %arg10[%get3A_1121] {strides = array<i32>} : memref<512xi32, #tpu.memory_space<vmem>>, vector<16xi32>,
    %get3A_1123 = vector.shape_cast %get3A_1122 : vector<16xi32> to vector<16xi32>
    %mul3A_1124 = arith.constant 640 : i32
    %mul3A_1125 = vector.broadcast %mul3A_1124 : i32 to vector<16xi32>
    %mul3A_1126 = arith.muli %get3A_1123, %mul3A_1125 : vector<16xi32>
    %get3A_1127 = arith.constant 32 : index
    %get3A_1128 = tpu.vector_load %arg11[%get3A_1127] {strides = array<i32>} : memref<512xi32, #tpu.memory_space<vmem>>, vector<16xi32>,
    %get3A_1129 = vector.shape_cast %get3A_1128 : vector<16xi32> to vector<16xi32>
    %mul3A_1130 = arith.constant 64 : i32
    %mul3A_1131 = vector.broadcast %mul3A_1130 : i32 to vector<16xi32>
    %mul3A_1132 = arith.muli %get3A_1129, %mul3A_1131 : vector<16xi32>
    %add3A_1133 = arith.addi %mul3A_1126, %mul3A_1132 : vector<16xi32>
    %swap3A_1134 = arith.constant 32 : index
    %swap3A_1135 = tpu.vector_load %arg12[%swap3A_1134] {strides = array<i32>} : memref<512xi32, #tpu.memory_space<vmem>>, vector<16xi32>,
    %swap3A_1136 = vector.shape_cast %swap3A_1135 : vector<16xi32> to vector<16xi32>
    %swap3A_1137 = vector.shape_cast %add3A_1133 : vector<16xi32> to vector<16xi32>
    tpu.vector_store %arg12[%swap3A_1134], %swap3A_1137 {strides = array<i32>} : memref<512xi32, #tpu.memory_space<vmem>>, vector<16xi32>,
    %get3A_1138 = arith.constant 48 : index
    %get3A_1139 = tpu.vector_load %arg10[%get3A_1138] {strides = array<i32>} : memref<512xi32, #tpu.memory_space<vmem>>, vector<16xi32>,
    %get3A_1140 = vector.shape_cast %get3A_1139 : vector<16xi32> to vector<16xi32>
    %mul3A_1141 = arith.constant 640 : i32
    %mul3A_1142 = vector.broadcast %mul3A_1141 : i32 to vector<16xi32>
    %mul3A_1143 = arith.muli %get3A_1140, %mul3A_1142 : vector<16xi32>
    %get3A_1144 = arith.constant 48 : index
    %get3A_1145 = tpu.vector_load %arg11[%get3A_1144] {strides = array<i32>} : memref<512xi32, #tpu.memory_space<vmem>>, vector<16xi32>,
    %get3A_1146 = vector.shape_cast %get3A_1145 : vector<16xi32> to vector<16xi32>
    %mul3A_1147 = arith.constant 64 : i32
    %mul3A_1148 = vector.broadcast %mul3A_1147 : i32 to vector<16xi32>
    %mul3A_1149 = arith.muli %get3A_1146, %mul3A_1148 : vector<16xi32>
    %add3A_1150 = arith.addi %mul3A_1143, %mul3A_1149 : vector<16xi32>
    %swap3A_1151 = arith.constant 48 : index
    %swap3A_1152 = tpu.vector_load %arg12[%swap3A_1151] {strides = array<i32>} : memref<512xi32, #tpu.memory_space<vmem>>, vector<16xi32>,
    %swap3A_1153 = vector.shape_cast %swap3A_1152 : vector<16xi32> to vector<16xi32>
    %swap3A_1154 = vector.shape_cast %add3A_1150 : vector<16xi32> to vector<16xi32>
    tpu.vector_store %arg12[%swap3A_1151], %swap3A_1154 {strides = array<i32>} : memref<512xi32, #tpu.memory_space<vmem>>, vector<16xi32>,
    %get3A_1155 = arith.constant 64 : index
    %get3A_1156 = tpu.vector_load %arg10[%get3A_1155] {strides = array<i32>} : memref<512xi32, #tpu.memory_space<vmem>>, vector<16xi32>,
    %get3A_1157 = vector.shape_cast %get3A_1156 : vector<16xi32> to vector<16xi32>
    %mul3A_1158 = arith.constant 640 : i32
    %mul3A_1159 = vector.broadcast %mul3A_1158 : i32 to vector<16xi32>
    %mul3A_1160 = arith.muli %get3A_1157, %mul3A_1159 : vector<16xi32>
    %get3A_1161 = arith.constant 64 : index
    %get3A_1162 = tpu.vector_load %arg11[%get3A_1161] {strides = array<i32>} : memref<512xi32, #tpu.memory_space<vmem>>, vector<16xi32>,
    %get3A_1163 = vector.shape_cast %get3A_1162 : vector<16xi32> to vector<16xi32>
    %mul3A_1164 = arith.constant 64 : i32
    %mul3A_1165 = vector.broadcast %mul3A_1164 : i32 to vector<16xi32>
    %mul3A_1166 = arith.muli %get3A_1163, %mul3A_1165 : vector<16xi32>
    %add3A_1167 = arith.addi %mul3A_1160, %mul3A_1166 : vector<16xi32>
    %swap3A_1168 = arith.constant 64 : index
    %swap3A_1169 = tpu.vector_load %arg12[%swap3A_1168] {strides = array<i32>} : memref<512xi32, #tpu.memory_space<vmem>>, vector<16xi32>,
    %swap3A_1170 = vector.shape_cast %swap3A_1169 : vector<16xi32> to vector<16xi32>
    %swap3A_1171 = vector.shape_cast %add3A_1167 : vector<16xi32> to vector<16xi32>
    tpu.vector_store %arg12[%swap3A_1168], %swap3A_1171 {strides = array<i32>} : memref<512xi32, #tpu.memory_space<vmem>>, vector<16xi32>,
    %get3A_1172 = arith.constant 80 : index
    %get3A_1173 = tpu.vector_load %arg10[%get3A_1172] {strides = array<i32>} : memref<512xi32, #tpu.memory_space<vmem>>, vector<16xi32>,
    %get3A_1174 = vector.shape_cast %get3A_1173 : vector<16xi32> to vector<16xi32>
    %mul3A_1175 = arith.constant 640 : i32
    %mul3A_1176 = vector.broadcast %mul3A_1175 : i32 to vector<16xi32>
    %mul3A_1177 = arith.muli %get3A_1174, %mul3A_1176 : vector<16xi32>
    %get3A_1178 = arith.constant 80 : index
    %get3A_1179 = tpu.vector_load %arg11[%get3A_1178] {strides = array<i32>} : memref<512xi32, #tpu.memory_space<vmem>>, vector<16xi32>,
    %get3A_1180 = vector.shape_cast %get3A_1179 : vector<16xi32> to vector<16xi32>
    %mul3A_1181 = arith.constant 64 : i32
    %mul3A_1182 = vector.broadcast %mul3A_1181 : i32 to vector<16xi32>
    %mul3A_1183 = arith.muli %get3A_1180, %mul3A_1182 : vector<16xi32>
    %add3A_1184 = arith.addi %mul3A_1177, %mul3A_1183 : vector<16xi32>
    %swap3A_1185 = arith.constant 80 : index
    %swap3A_1186 = tpu.vector_load %arg12[%swap3A_1185] {strides = array<i32>} : memref<512xi32, #tpu.memory_space<vmem>>, vector<16xi32>,
    %swap3A_1187 = vector.shape_cast %swap3A_1186 : vector<16xi32> to vector<16xi32>
    %swap3A_1188 = vector.shape_cast %add3A_1184 : vector<16xi32> to vector<16xi32>
    tpu.vector_store %arg12[%swap3A_1185], %swap3A_1188 {strides = array<i32>} : memref<512xi32, #tpu.memory_space<vmem>>, vector<16xi32>,
    %get3A_1189 = arith.constant 96 : index
    %get3A_1190 = tpu.vector_load %arg10[%get3A_1189] {strides = array<i32>} : memref<512xi32, #tpu.memory_space<vmem>>, vector<16xi32>,
    %get3A_1191 = vector.shape_cast %get3A_1190 : vector<16xi32> to vector<16xi32>
    %mul3A_1192 = arith.constant 640 : i32
    %mul3A_1193 = vector.broadcast %mul3A_1192 : i32 to vector<16xi32>
    %mul3A_1194 = arith.muli %get3A_1191, %mul3A_1193 : vector<16xi32>
    %get3A_1195 = arith.constant 96 : index
    %get3A_1196 = tpu.vector_load %arg11[%get3A_1195] {strides = array<i32>} : memref<512xi32, #tpu.memory_space<vmem>>, vector<16xi32>,
    %get3A_1197 = vector.shape_cast %get3A_1196 : vector<16xi32> to vector<16xi32>
    %mul3A_1198 = arith.constant 64 : i32
    %mul3A_1199 = vector.broadcast %mul3A_1198 : i32 to vector<16xi32>
    %mul3A_1200 = arith.muli %get3A_1197, %mul3A_1199 : vector<16xi32>
    %add3A_1201 = arith.addi %mul3A_1194, %mul3A_1200 : vector<16xi32>
    %swap3A_1202 = arith.constant 96 : index
    %swap3A_1203 = tpu.vector_load %arg12[%swap3A_1202] {strides = array<i32>} : memref<512xi32, #tpu.memory_space<vmem>>, vector<16xi32>,
    %swap3A_1204 = vector.shape_cast %swap3A_1203 : vector<16xi32> to vector<16xi32>
    %swap3A_1205 = vector.shape_cast %add3A_1201 : vector<16xi32> to vector<16xi32>
    tpu.vector_store %arg12[%swap3A_1202], %swap3A_1205 {strides = array<i32>} : memref<512xi32, #tpu.memory_space<vmem>>, vector<16xi32>,
    %get3A_1206 = arith.constant 112 : index
    %get3A_1207 = tpu.vector_load %arg10[%get3A_1206] {strides = array<i32>} : memref<512xi32, #tpu.memory_space<vmem>>, vector<16xi32>,
    %get3A_1208 = vector.shape_cast %get3A_1207 : vector<16xi32> to vector<16xi32>
    %mul3A_1209 = arith.constant 640 : i32
    %mul3A_1210 = vector.broadcast %mul3A_1209 : i32 to vector<16xi32>
    %mul3A_1211 = arith.muli %get3A_1208, %mul3A_1210 : vector<16xi32>
    %get3A_1212 = arith.constant 112 : index
    %get3A_1213 = tpu.vector_load %arg11[%get3A_1212] {strides = array<i32>} : memref<512xi32, #tpu.memory_space<vmem>>, vector<16xi32>,
    %get3A_1214 = vector.shape_cast %get3A_1213 : vector<16xi32> to vector<16xi32>
    %mul3A_1215 = arith.constant 64 : i32
    %mul3A_1216 = vector.broadcast %mul3A_1215 : i32 to vector<16xi32>
    %mul3A_1217 = arith.muli %get3A_1214, %mul3A_1216 : vector<16xi32>
    %add3A_1218 = arith.addi %mul3A_1211, %mul3A_1217 : vector<16xi32>
    %swap3A_1219 = arith.constant 112 : index
    %swap3A_1220 = tpu.vector_load %arg12[%swap3A_1219] {strides = array<i32>} : memref<512xi32, #tpu.memory_space<vmem>>, vector<16xi32>,
    %swap3A_1221 = vector.shape_cast %swap3A_1220 : vector<16xi32> to vector<16xi32>
    %swap3A_1222 = vector.shape_cast %add3A_1218 : vector<16xi32> to vector<16xi32>
    tpu.vector_store %arg12[%swap3A_1219], %swap3A_1222 {strides = array<i32>} : memref<512xi32, #tpu.memory_space<vmem>>, vector<16xi32>,
    %get3A_1223 = arith.constant 128 : index
    %get3A_1224 = tpu.vector_load %arg10[%get3A_1223] {strides = array<i32>} : memref<512xi32, #tpu.memory_space<vmem>>, vector<16xi32>,
    %get3A_1225 = vector.shape_cast %get3A_1224 : vector<16xi32> to vector<16xi32>
    %mul3A_1226 = arith.constant 640 : i32
    %mul3A_1227 = vector.broadcast %mul3A_1226 : i32 to vector<16xi32>
    %mul3A_1228 = arith.muli %get3A_1225, %mul3A_1227 : vector<16xi32>
    %get3A_1229 = arith.constant 128 : index
    %get3A_1230 = tpu.vector_load %arg11[%get3A_1229] {strides = array<i32>} : memref<512xi32, #tpu.memory_space<vmem>>, vector<16xi32>,
    %get3A_1231 = vector.shape_cast %get3A_1230 : vector<16xi32> to vector<16xi32>
    %mul3A_1232 = arith.constant 64 : i32
    %mul3A_1233 = vector.broadcast %mul3A_1232 : i32 to vector<16xi32>
    %mul3A_1234 = arith.muli %get3A_1231, %mul3A_1233 : vector<16xi32>
    %add3A_1235 = arith.addi %mul3A_1228, %mul3A_1234 : vector<16xi32>
    %swap3A_1236 = arith.constant 128 : index
    %swap3A_1237 = tpu.vector_load %arg12[%swap3A_1236] {strides = array<i32>} : memref<512xi32, #tpu.memory_space<vmem>>, vector<16xi32>,
    %swap3A_1238 = vector.shape_cast %swap3A_1237 : vector<16xi32> to vector<16xi32>
    %swap3A_1239 = vector.shape_cast %add3A_1235 : vector<16xi32> to vector<16xi32>
    tpu.vector_store %arg12[%swap3A_1236], %swap3A_1239 {strides = array<i32>} : memref<512xi32, #tpu.memory_space<vmem>>, vector<16xi32>,
    %get3A_1240 = arith.constant 144 : index
    %get3A_1241 = tpu.vector_load %arg10[%get3A_1240] {strides = array<i32>} : memref<512xi32, #tpu.memory_space<vmem>>, vector<16xi32>,
    %get3A_1242 = vector.shape_cast %get3A_1241 : vector<16xi32> to vector<16xi32>
    %mul3A_1243 = arith.constant 640 : i32
    %mul3A_1244 = vector.broadcast %mul3A_1243 : i32 to vector<16xi32>
    %mul3A_1245 = arith.muli %get3A_1242, %mul3A_1244 : vector<16xi32>
    %get3A_1246 = arith.constant 144 : index
    %get3A_1247 = tpu.vector_load %arg11[%get3A_1246] {strides = array<i32>} : memref<512xi32, #tpu.memory_space<vmem>>, vector<16xi32>,
    %get3A_1248 = vector.shape_cast %get3A_1247 : vector<16xi32> to vector<16xi32>
    %mul3A_1249 = arith.constant 64 : i32
    %mul3A_1250 = vector.broadcast %mul3A_1249 : i32 to vector<16xi32>
    %mul3A_1251 = arith.muli %get3A_1248, %mul3A_1250 : vector<16xi32>
    %add3A_1252 = arith.addi %mul3A_1245, %mul3A_1251 : vector<16xi32>
    %swap3A_1253 = arith.constant 144 : index
    %swap3A_1254 = tpu.vector_load %arg12[%swap3A_1253] {strides = array<i32>} : memref<512xi32, #tpu.memory_space<vmem>>, vector<16xi32>,
    %swap3A_1255 = vector.shape_cast %swap3A_1254 : vector<16xi32> to vector<16xi32>
    %swap3A_1256 = vector.shape_cast %add3A_1252 : vector<16xi32> to vector<16xi32>
    tpu.vector_store %arg12[%swap3A_1253], %swap3A_1256 {strides = array<i32>} : memref<512xi32, #tpu.memory_space<vmem>>, vector<16xi32>,
    %get3A_1257 = arith.constant 160 : index
    %get3A_1258 = tpu.vector_load %arg10[%get3A_1257] {strides = array<i32>} : memref<512xi32, #tpu.memory_space<vmem>>, vector<16xi32>,
    %get3A_1259 = vector.shape_cast %get3A_1258 : vector<16xi32> to vector<16xi32>
    %mul3A_1260 = arith.constant 640 : i32
    %mul3A_1261 = vector.broadcast %mul3A_1260 : i32 to vector<16xi32>
    %mul3A_1262 = arith.muli %get3A_1259, %mul3A_1261 : vector<16xi32>
    %get3A_1263 = arith.constant 160 : index
    %get3A_1264 = tpu.vector_load %arg11[%get3A_1263] {strides = array<i32>} : memref<512xi32, #tpu.memory_space<vmem>>, vector<16xi32>,
    %get3A_1265 = vector.shape_cast %get3A_1264 : vector<16xi32> to vector<16xi32>
    %mul3A_1266 = arith.constant 64 : i32
    %mul3A_1267 = vector.broadcast %mul3A_1266 : i32 to vector<16xi32>
    %mul3A_1268 = arith.muli %get3A_1265, %mul3A_1267 : vector<16xi32>
    %add3A_1269 = arith.addi %mul3A_1262, %mul3A_1268 : vector<16xi32>
    %swap3A_1270 = arith.constant 160 : index
    %swap3A_1271 = tpu.vector_load %arg12[%swap3A_1270] {strides = array<i32>} : memref<512xi32, #tpu.memory_space<vmem>>, vector<16xi32>,
    %swap3A_1272 = vector.shape_cast %swap3A_1271 : vector<16xi32> to vector<16xi32>
    %swap3A_1273 = vector.shape_cast %add3A_1269 : vector<16xi32> to vector<16xi32>
    tpu.vector_store %arg12[%swap3A_1270], %swap3A_1273 {strides = array<i32>} : memref<512xi32, #tpu.memory_space<vmem>>, vector<16xi32>,
    %get3A_1274 = arith.constant 176 : index
    %get3A_1275 = tpu.vector_load %arg10[%get3A_1274] {strides = array<i32>} : memref<512xi32, #tpu.memory_space<vmem>>, vector<16xi32>,
    %get3A_1276 = vector.shape_cast %get3A_1275 : vector<16xi32> to vector<16xi32>
    %mul3A_1277 = arith.constant 640 : i32
    %mul3A_1278 = vector.broadcast %mul3A_1277 : i32 to vector<16xi32>
    %mul3A_1279 = arith.muli %get3A_1276, %mul3A_1278 : vector<16xi32>
    %get3A_1280 = arith.constant 176 : index
    %get3A_1281 = tpu.vector_load %arg11[%get3A_1280] {strides = array<i32>} : memref<512xi32, #tpu.memory_space<vmem>>, vector<16xi32>,
    %get3A_1282 = vector.shape_cast %get3A_1281 : vector<16xi32> to vector<16xi32>
    %mul3A_1283 = arith.constant 64 : i32
    %mul3A_1284 = vector.broadcast %mul3A_1283 : i32 to vector<16xi32>
    %mul3A_1285 = arith.muli %get3A_1282, %mul3A_1284 : vector<16xi32>
    %add3A_1286 = arith.addi %mul3A_1279, %mul3A_1285 : vector<16xi32>
    %swap3A_1287 = arith.constant 176 : index
    %swap3A_1288 = tpu.vector_load %arg12[%swap3A_1287] {strides = array<i32>} : memref<512xi32, #tpu.memory_space<vmem>>, vector<16xi32>,
    %swap3A_1289 = vector.shape_cast %swap3A_1288 : vector<16xi32> to vector<16xi32>
    %swap3A_1290 = vector.shape_cast %add3A_1286 : vector<16xi32> to vector<16xi32>
    tpu.vector_store %arg12[%swap3A_1287], %swap3A_1290 {strides = array<i32>} : memref<512xi32, #tpu.memory_space<vmem>>, vector<16xi32>,
    %get3A_1291 = arith.constant 192 : index
    %get3A_1292 = tpu.vector_load %arg10[%get3A_1291] {strides = array<i32>} : memref<512xi32, #tpu.memory_space<vmem>>, vector<16xi32>,
    %get3A_1293 = vector.shape_cast %get3A_1292 : vector<16xi32> to vector<16xi32>
    %mul3A_1294 = arith.constant 640 : i32
    %mul3A_1295 = vector.broadcast %mul3A_1294 : i32 to vector<16xi32>
    %mul3A_1296 = arith.muli %get3A_1293, %mul3A_1295 : vector<16xi32>
    %get3A_1297 = arith.constant 192 : index
    %get3A_1298 = tpu.vector_load %arg11[%get3A_1297] {strides = array<i32>} : memref<512xi32, #tpu.memory_space<vmem>>, vector<16xi32>,
    %get3A_1299 = vector.shape_cast %get3A_1298 : vector<16xi32> to vector<16xi32>
    %mul3A_1300 = arith.constant 64 : i32
    %mul3A_1301 = vector.broadcast %mul3A_1300 : i32 to vector<16xi32>
    %mul3A_1302 = arith.muli %get3A_1299, %mul3A_1301 : vector<16xi32>
    %add3A_1303 = arith.addi %mul3A_1296, %mul3A_1302 : vector<16xi32>
    %swap3A_1304 = arith.constant 192 : index
    %swap3A_1305 = tpu.vector_load %arg12[%swap3A_1304] {strides = array<i32>} : memref<512xi32, #tpu.memory_space<vmem>>, vector<16xi32>,
    %swap3A_1306 = vector.shape_cast %swap3A_1305 : vector<16xi32> to vector<16xi32>
    %swap3A_1307 = vector.shape_cast %add3A_1303 : vector<16xi32> to vector<16xi32>
    tpu.vector_store %arg12[%swap3A_1304], %swap3A_1307 {strides = array<i32>} : memref<512xi32, #tpu.memory_space<vmem>>, vector<16xi32>,
    %get3A_1308 = arith.constant 208 : index
    %get3A_1309 = tpu.vector_load %arg10[%get3A_1308] {strides = array<i32>} : memref<512xi32, #tpu.memory_space<vmem>>, vector<16xi32>,
    %get3A_1310 = vector.shape_cast %get3A_1309 : vector<16xi32> to vector<16xi32>
    %mul3A_1311 = arith.constant 640 : i32
    %mul3A_1312 = vector.broadcast %mul3A_1311 : i32 to vector<16xi32>
    %mul3A_1313 = arith.muli %get3A_1310, %mul3A_1312 : vector<16xi32>
    %get3A_1314 = arith.constant 208 : index
    %get3A_1315 = tpu.vector_load %arg11[%get3A_1314] {strides = array<i32>} : memref<512xi32, #tpu.memory_space<vmem>>, vector<16xi32>,
    %get3A_1316 = vector.shape_cast %get3A_1315 : vector<16xi32> to vector<16xi32>
    %mul3A_1317 = arith.constant 64 : i32
    %mul3A_1318 = vector.broadcast %mul3A_1317 : i32 to vector<16xi32>
    %mul3A_1319 = arith.muli %get3A_1316, %mul3A_1318 : vector<16xi32>
    %add3A_1320 = arith.addi %mul3A_1313, %mul3A_1319 : vector<16xi32>
    %swap3A_1321 = arith.constant 208 : index
    %swap3A_1322 = tpu.vector_load %arg12[%swap3A_1321] {strides = array<i32>} : memref<512xi32, #tpu.memory_space<vmem>>, vector<16xi32>,
    %swap3A_1323 = vector.shape_cast %swap3A_1322 : vector<16xi32> to vector<16xi32>
    %swap3A_1324 = vector.shape_cast %add3A_1320 : vector<16xi32> to vector<16xi32>
    tpu.vector_store %arg12[%swap3A_1321], %swap3A_1324 {strides = array<i32>} : memref<512xi32, #tpu.memory_space<vmem>>, vector<16xi32>,
    %get3A_1325 = arith.constant 224 : index
    %get3A_1326 = tpu.vector_load %arg10[%get3A_1325] {strides = array<i32>} : memref<512xi32, #tpu.memory_space<vmem>>, vector<16xi32>,
    %get3A_1327 = vector.shape_cast %get3A_1326 : vector<16xi32> to vector<16xi32>
    %mul3A_1328 = arith.constant 640 : i32
    %mul3A_1329 = vector.broadcast %mul3A_1328 : i32 to vector<16xi32>
    %mul3A_1330 = arith.muli %get3A_1327, %mul3A_1329 : vector<16xi32>
    %get3A_1331 = arith.constant 224 : index
    %get3A_1332 = tpu.vector_load %arg11[%get3A_1331] {strides = array<i32>} : memref<512xi32, #tpu.memory_space<vmem>>, vector<16xi32>,
    %get3A_1333 = vector.shape_cast %get3A_1332 : vector<16xi32> to vector<16xi32>
    %mul3A_1334 = arith.constant 64 : i32
    %mul3A_1335 = vector.broadcast %mul3A_1334 : i32 to vector<16xi32>
    %mul3A_1336 = arith.muli %get3A_1333, %mul3A_1335 : vector<16xi32>
    %add3A_1337 = arith.addi %mul3A_1330, %mul3A_1336 : vector<16xi32>
    %swap3A_1338 = arith.constant 224 : index
    %swap3A_1339 = tpu.vector_load %arg12[%swap3A_1338] {strides = array<i32>} : memref<512xi32, #tpu.memory_space<vmem>>, vector<16xi32>,
    %swap3A_1340 = vector.shape_cast %swap3A_1339 : vector<16xi32> to vector<16xi32>
    %swap3A_1341 = vector.shape_cast %add3A_1337 : vector<16xi32> to vector<16xi32>
    tpu.vector_store %arg12[%swap3A_1338], %swap3A_1341 {strides = array<i32>} : memref<512xi32, #tpu.memory_space<vmem>>, vector<16xi32>,
    %get3A_1342 = arith.constant 240 : index
    %get3A_1343 = tpu.vector_load %arg10[%get3A_1342] {strides = array<i32>} : memref<512xi32, #tpu.memory_space<vmem>>, vector<16xi32>,
    %get3A_1344 = vector.shape_cast %get3A_1343 : vector<16xi32> to vector<16xi32>
    %mul3A_1345 = arith.constant 640 : i32
    %mul3A_1346 = vector.broadcast %mul3A_1345 : i32 to vector<16xi32>
    %mul3A_1347 = arith.muli %get3A_1344, %mul3A_1346 : vector<16xi32>
    %get3A_1348 = arith.constant 240 : index
    %get3A_1349 = tpu.vector_load %arg11[%get3A_1348] {strides = array<i32>} : memref<512xi32, #tpu.memory_space<vmem>>, vector<16xi32>,
    %get3A_1350 = vector.shape_cast %get3A_1349 : vector<16xi32> to vector<16xi32>
    %mul3A_1351 = arith.constant 64 : i32
    %mul3A_1352 = vector.broadcast %mul3A_1351 : i32 to vector<16xi32>
    %mul3A_1353 = arith.muli %get3A_1350, %mul3A_1352 : vector<16xi32>
    %add3A_1354 = arith.addi %mul3A_1347, %mul3A_1353 : vector<16xi32>
    %swap3A_1355 = arith.constant 240 : index
    %swap3A_1356 = tpu.vector_load %arg12[%swap3A_1355] {strides = array<i32>} : memref<512xi32, #tpu.memory_space<vmem>>, vector<16xi32>,
    %swap3A_1357 = vector.shape_cast %swap3A_1356 : vector<16xi32> to vector<16xi32>
    %swap3A_1358 = vector.shape_cast %add3A_1354 : vector<16xi32> to vector<16xi32>
    tpu.vector_store %arg12[%swap3A_1355], %swap3A_1358 {strides = array<i32>} : memref<512xi32, #tpu.memory_space<vmem>>, vector<16xi32>,
    %get3A_1359 = arith.constant 256 : index
    %get3A_1360 = tpu.vector_load %arg10[%get3A_1359] {strides = array<i32>} : memref<512xi32, #tpu.memory_space<vmem>>, vector<16xi32>,
    %get3A_1361 = vector.shape_cast %get3A_1360 : vector<16xi32> to vector<16xi32>
    %mul3A_1362 = arith.constant 640 : i32
    %mul3A_1363 = vector.broadcast %mul3A_1362 : i32 to vector<16xi32>
    %mul3A_1364 = arith.muli %get3A_1361, %mul3A_1363 : vector<16xi32>
    %get3A_1365 = arith.constant 256 : index
    %get3A_1366 = tpu.vector_load %arg11[%get3A_1365] {strides = array<i32>} : memref<512xi32, #tpu.memory_space<vmem>>, vector<16xi32>,
    %get3A_1367 = vector.shape_cast %get3A_1366 : vector<16xi32> to vector<16xi32>
    %mul3A_1368 = arith.constant 64 : i32
    %mul3A_1369 = vector.broadcast %mul3A_1368 : i32 to vector<16xi32>
    %mul3A_1370 = arith.muli %get3A_1367, %mul3A_1369 : vector<16xi32>
    %add3A_1371 = arith.addi %mul3A_1364, %mul3A_1370 : vector<16xi32>
    %swap3A_1372 = arith.constant 256 : index
    %swap3A_1373 = tpu.vector_load %arg12[%swap3A_1372] {strides = array<i32>} : memref<512xi32, #tpu.memory_space<vmem>>, vector<16xi32>,
    %swap3A_1374 = vector.shape_cast %swap3A_1373 : vector<16xi32> to vector<16xi32>
    %swap3A_1375 = vector.shape_cast %add3A_1371 : vector<16xi32> to vector<16xi32>
    tpu.vector_store %arg12[%swap3A_1372], %swap3A_1375 {strides = array<i32>} : memref<512xi32, #tpu.memory_space<vmem>>, vector<16xi32>,
    %get3A_1376 = arith.constant 272 : index
    %get3A_1377 = tpu.vector_load %arg10[%get3A_1376] {strides = array<i32>} : memref<512xi32, #tpu.memory_space<vmem>>, vector<16xi32>,
    %get3A_1378 = vector.shape_cast %get3A_1377 : vector<16xi32> to vector<16xi32>
    %mul3A_1379 = arith.constant 640 : i32
    %mul3A_1380 = vector.broadcast %mul3A_1379 : i32 to vector<16xi32>
    %mul3A_1381 = arith.muli %get3A_1378, %mul3A_1380 : vector<16xi32>
    %get3A_1382 = arith.constant 272 : index
    %get3A_1383 = tpu.vector_load %arg11[%get3A_1382] {strides = array<i32>} : memref<512xi32, #tpu.memory_space<vmem>>, vector<16xi32>,
    %get3A_1384 = vector.shape_cast %get3A_1383 : vector<16xi32> to vector<16xi32>
    %mul3A_1385 = arith.constant 64 : i32
    %mul3A_1386 = vector.broadcast %mul3A_1385 : i32 to vector<16xi32>
    %mul3A_1387 = arith.muli %get3A_1384, %mul3A_1386 : vector<16xi32>
    %add3A_1388 = arith.addi %mul3A_1381, %mul3A_1387 : vector<16xi32>
    %swap3A_1389 = arith.constant 272 : index
    %swap3A_1390 = tpu.vector_load %arg12[%swap3A_1389] {strides = array<i32>} : memref<512xi32, #tpu.memory_space<vmem>>, vector<16xi32>,
    %swap3A_1391 = vector.shape_cast %swap3A_1390 : vector<16xi32> to vector<16xi32>
    %swap3A_1392 = vector.shape_cast %add3A_1388 : vector<16xi32> to vector<16xi32>
    tpu.vector_store %arg12[%swap3A_1389], %swap3A_1392 {strides = array<i32>} : memref<512xi32, #tpu.memory_space<vmem>>, vector<16xi32>,
    %get3A_1393 = arith.constant 288 : index
    %get3A_1394 = tpu.vector_load %arg10[%get3A_1393] {strides = array<i32>} : memref<512xi32, #tpu.memory_space<vmem>>, vector<16xi32>,
    %get3A_1395 = vector.shape_cast %get3A_1394 : vector<16xi32> to vector<16xi32>
    %mul3A_1396 = arith.constant 640 : i32
    %mul3A_1397 = vector.broadcast %mul3A_1396 : i32 to vector<16xi32>
    %mul3A_1398 = arith.muli %get3A_1395, %mul3A_1397 : vector<16xi32>
    %get3A_1399 = arith.constant 288 : index
    %get3A_1400 = tpu.vector_load %arg11[%get3A_1399] {strides = array<i32>} : memref<512xi32, #tpu.memory_space<vmem>>, vector<16xi32>,
    %get3A_1401 = vector.shape_cast %get3A_1400 : vector<16xi32> to vector<16xi32>
    %mul3A_1402 = arith.constant 64 : i32
    %mul3A_1403 = vector.broadcast %mul3A_1402 : i32 to vector<16xi32>
    %mul3A_1404 = arith.muli %get3A_1401, %mul3A_1403 : vector<16xi32>
    %add3A_1405 = arith.addi %mul3A_1398, %mul3A_1404 : vector<16xi32>
    %swap3A_1406 = arith.constant 288 : index
    %swap3A_1407 = tpu.vector_load %arg12[%swap3A_1406] {strides = array<i32>} : memref<512xi32, #tpu.memory_space<vmem>>, vector<16xi32>,
    %swap3A_1408 = vector.shape_cast %swap3A_1407 : vector<16xi32> to vector<16xi32>
    %swap3A_1409 = vector.shape_cast %add3A_1405 : vector<16xi32> to vector<16xi32>
    tpu.vector_store %arg12[%swap3A_1406], %swap3A_1409 {strides = array<i32>} : memref<512xi32, #tpu.memory_space<vmem>>, vector<16xi32>,
    %get3A_1410 = arith.constant 304 : index
    %get3A_1411 = tpu.vector_load %arg10[%get3A_1410] {strides = array<i32>} : memref<512xi32, #tpu.memory_space<vmem>>, vector<16xi32>,
    %get3A_1412 = vector.shape_cast %get3A_1411 : vector<16xi32> to vector<16xi32>
    %mul3A_1413 = arith.constant 640 : i32
    %mul3A_1414 = vector.broadcast %mul3A_1413 : i32 to vector<16xi32>
    %mul3A_1415 = arith.muli %get3A_1412, %mul3A_1414 : vector<16xi32>
    %get3A_1416 = arith.constant 304 : index
    %get3A_1417 = tpu.vector_load %arg11[%get3A_1416] {strides = array<i32>} : memref<512xi32, #tpu.memory_space<vmem>>, vector<16xi32>,
    %get3A_1418 = vector.shape_cast %get3A_1417 : vector<16xi32> to vector<16xi32>
    %mul3A_1419 = arith.constant 64 : i32
    %mul3A_1420 = vector.broadcast %mul3A_1419 : i32 to vector<16xi32>
    %mul3A_1421 = arith.muli %get3A_1418, %mul3A_1420 : vector<16xi32>
    %add3A_1422 = arith.addi %mul3A_1415, %mul3A_1421 : vector<16xi32>
    %swap3A_1423 = arith.constant 304 : index
    %swap3A_1424 = tpu.vector_load %arg12[%swap3A_1423] {strides = array<i32>} : memref<512xi32, #tpu.memory_space<vmem>>, vector<16xi32>,
    %swap3A_1425 = vector.shape_cast %swap3A_1424 : vector<16xi32> to vector<16xi32>
    %swap3A_1426 = vector.shape_cast %add3A_1422 : vector<16xi32> to vector<16xi32>
    tpu.vector_store %arg12[%swap3A_1423], %swap3A_1426 {strides = array<i32>} : memref<512xi32, #tpu.memory_space<vmem>>, vector<16xi32>,
    %get3A_1427 = arith.constant 320 : index
    %get3A_1428 = tpu.vector_load %arg10[%get3A_1427] {strides = array<i32>} : memref<512xi32, #tpu.memory_space<vmem>>, vector<16xi32>,
    %get3A_1429 = vector.shape_cast %get3A_1428 : vector<16xi32> to vector<16xi32>
    %mul3A_1430 = arith.constant 640 : i32
    %mul3A_1431 = vector.broadcast %mul3A_1430 : i32 to vector<16xi32>
    %mul3A_1432 = arith.muli %get3A_1429, %mul3A_1431 : vector<16xi32>
    %get3A_1433 = arith.constant 320 : index
    %get3A_1434 = tpu.vector_load %arg11[%get3A_1433] {strides = array<i32>} : memref<512xi32, #tpu.memory_space<vmem>>, vector<16xi32>,
    %get3A_1435 = vector.shape_cast %get3A_1434 : vector<16xi32> to vector<16xi32>
    %mul3A_1436 = arith.constant 64 : i32
    %mul3A_1437 = vector.broadcast %mul3A_1436 : i32 to vector<16xi32>
    %mul3A_1438 = arith.muli %get3A_1435, %mul3A_1437 : vector<16xi32>
    %add3A_1439 = arith.addi %mul3A_1432, %mul3A_1438 : vector<16xi32>
    %swap3A_1440 = arith.constant 320 : index
    %swap3A_1441 = tpu.vector_load %arg12[%swap3A_1440] {strides = array<i32>} : memref<512xi32, #tpu.memory_space<vmem>>, vector<16xi32>,
    %swap3A_1442 = vector.shape_cast %swap3A_1441 : vector<16xi32> to vector<16xi32>
    %swap3A_1443 = vector.shape_cast %add3A_1439 : vector<16xi32> to vector<16xi32>
    tpu.vector_store %arg12[%swap3A_1440], %swap3A_1443 {strides = array<i32>} : memref<512xi32, #tpu.memory_space<vmem>>, vector<16xi32>,
    %get3A_1444 = arith.constant 336 : index
    %get3A_1445 = tpu.vector_load %arg10[%get3A_1444] {strides = array<i32>} : memref<512xi32, #tpu.memory_space<vmem>>, vector<16xi32>,
    %get3A_1446 = vector.shape_cast %get3A_1445 : vector<16xi32> to vector<16xi32>
    %mul3A_1447 = arith.constant 640 : i32
    %mul3A_1448 = vector.broadcast %mul3A_1447 : i32 to vector<16xi32>
    %mul3A_1449 = arith.muli %get3A_1446, %mul3A_1448 : vector<16xi32>
    %get3A_1450 = arith.constant 336 : index
    %get3A_1451 = tpu.vector_load %arg11[%get3A_1450] {strides = array<i32>} : memref<512xi32, #tpu.memory_space<vmem>>, vector<16xi32>,
    %get3A_1452 = vector.shape_cast %get3A_1451 : vector<16xi32> to vector<16xi32>
    %mul3A_1453 = arith.constant 64 : i32
    %mul3A_1454 = vector.broadcast %mul3A_1453 : i32 to vector<16xi32>
    %mul3A_1455 = arith.muli %get3A_1452, %mul3A_1454 : vector<16xi32>
    %add3A_1456 = arith.addi %mul3A_1449, %mul3A_1455 : vector<16xi32>
    %swap3A_1457 = arith.constant 336 : index
    %swap3A_1458 = tpu.vector_load %arg12[%swap3A_1457] {strides = array<i32>} : memref<512xi32, #tpu.memory_space<vmem>>, vector<16xi32>,
    %swap3A_1459 = vector.shape_cast %swap3A_1458 : vector<16xi32> to vector<16xi32>
    %swap3A_1460 = vector.shape_cast %add3A_1456 : vector<16xi32> to vector<16xi32>
    tpu.vector_store %arg12[%swap3A_1457], %swap3A_1460 {strides = array<i32>} : memref<512xi32, #tpu.memory_space<vmem>>, vector<16xi32>,
    %get3A_1461 = arith.constant 352 : index
    %get3A_1462 = tpu.vector_load %arg10[%get3A_1461] {strides = array<i32>} : memref<512xi32, #tpu.memory_space<vmem>>, vector<16xi32>,
    %get3A_1463 = vector.shape_cast %get3A_1462 : vector<16xi32> to vector<16xi32>
    %mul3A_1464 = arith.constant 640 : i32
    %mul3A_1465 = vector.broadcast %mul3A_1464 : i32 to vector<16xi32>
    %mul3A_1466 = arith.muli %get3A_1463, %mul3A_1465 : vector<16xi32>
    %get3A_1467 = arith.constant 352 : index
    %get3A_1468 = tpu.vector_load %arg11[%get3A_1467] {strides = array<i32>} : memref<512xi32, #tpu.memory_space<vmem>>, vector<16xi32>,
    %get3A_1469 = vector.shape_cast %get3A_1468 : vector<16xi32> to vector<16xi32>
    %mul3A_1470 = arith.constant 64 : i32
    %mul3A_1471 = vector.broadcast %mul3A_1470 : i32 to vector<16xi32>
    %mul3A_1472 = arith.muli %get3A_1469, %mul3A_1471 : vector<16xi32>
    %add3A_1473 = arith.addi %mul3A_1466, %mul3A_1472 : vector<16xi32>
    %swap3A_1474 = arith.constant 352 : index
    %swap3A_1475 = tpu.vector_load %arg12[%swap3A_1474] {strides = array<i32>} : memref<512xi32, #tpu.memory_space<vmem>>, vector<16xi32>,
    %swap3A_1476 = vector.shape_cast %swap3A_1475 : vector<16xi32> to vector<16xi32>
    %swap3A_1477 = vector.shape_cast %add3A_1473 : vector<16xi32> to vector<16xi32>
    tpu.vector_store %arg12[%swap3A_1474], %swap3A_1477 {strides = array<i32>} : memref<512xi32, #tpu.memory_space<vmem>>, vector<16xi32>,
    %get3A_1478 = arith.constant 368 : index
    %get3A_1479 = tpu.vector_load %arg10[%get3A_1478] {strides = array<i32>} : memref<512xi32, #tpu.memory_space<vmem>>, vector<16xi32>,
    %get3A_1480 = vector.shape_cast %get3A_1479 : vector<16xi32> to vector<16xi32>
    %mul3A_1481 = arith.constant 640 : i32
    %mul3A_1482 = vector.broadcast %mul3A_1481 : i32 to vector<16xi32>
    %mul3A_1483 = arith.muli %get3A_1480, %mul3A_1482 : vector<16xi32>
    %get3A_1484 = arith.constant 368 : index
    %get3A_1485 = tpu.vector_load %arg11[%get3A_1484] {strides = array<i32>} : memref<512xi32, #tpu.memory_space<vmem>>, vector<16xi32>,
    %get3A_1486 = vector.shape_cast %get3A_1485 : vector<16xi32> to vector<16xi32>
    %mul3A_1487 = arith.constant 64 : i32
    %mul3A_1488 = vector.broadcast %mul3A_1487 : i32 to vector<16xi32>
    %mul3A_1489 = arith.muli %get3A_1486, %mul3A_1488 : vector<16xi32>
    %add3A_1490 = arith.addi %mul3A_1483, %mul3A_1489 : vector<16xi32>
    %swap3A_1491 = arith.constant 368 : index
    %swap3A_1492 = tpu.vector_load %arg12[%swap3A_1491] {strides = array<i32>} : memref<512xi32, #tpu.memory_space<vmem>>, vector<16xi32>,
    %swap3A_1493 = vector.shape_cast %swap3A_1492 : vector<16xi32> to vector<16xi32>
    %swap3A_1494 = vector.shape_cast %add3A_1490 : vector<16xi32> to vector<16xi32>
    tpu.vector_store %arg12[%swap3A_1491], %swap3A_1494 {strides = array<i32>} : memref<512xi32, #tpu.memory_space<vmem>>, vector<16xi32>,
    %get3A_1495 = arith.constant 384 : index
    %get3A_1496 = tpu.vector_load %arg10[%get3A_1495] {strides = array<i32>} : memref<512xi32, #tpu.memory_space<vmem>>, vector<16xi32>,
    %get3A_1497 = vector.shape_cast %get3A_1496 : vector<16xi32> to vector<16xi32>
    %mul3A_1498 = arith.constant 640 : i32
    %mul3A_1499 = vector.broadcast %mul3A_1498 : i32 to vector<16xi32>
    %mul3A_1500 = arith.muli %get3A_1497, %mul3A_1499 : vector<16xi32>
    %get3A_1501 = arith.constant 384 : index
    %get3A_1502 = tpu.vector_load %arg11[%get3A_1501] {strides = array<i32>} : memref<512xi32, #tpu.memory_space<vmem>>, vector<16xi32>,
    %get3A_1503 = vector.shape_cast %get3A_1502 : vector<16xi32> to vector<16xi32>
    %mul3A_1504 = arith.constant 64 : i32
    %mul3A_1505 = vector.broadcast %mul3A_1504 : i32 to vector<16xi32>
    %mul3A_1506 = arith.muli %get3A_1503, %mul3A_1505 : vector<16xi32>
    %add3A_1507 = arith.addi %mul3A_1500, %mul3A_1506 : vector<16xi32>
    %swap3A_1508 = arith.constant 384 : index
    %swap3A_1509 = tpu.vector_load %arg12[%swap3A_1508] {strides = array<i32>} : memref<512xi32, #tpu.memory_space<vmem>>, vector<16xi32>,
    %swap3A_1510 = vector.shape_cast %swap3A_1509 : vector<16xi32> to vector<16xi32>
    %swap3A_1511 = vector.shape_cast %add3A_1507 : vector<16xi32> to vector<16xi32>
    tpu.vector_store %arg12[%swap3A_1508], %swap3A_1511 {strides = array<i32>} : memref<512xi32, #tpu.memory_space<vmem>>, vector<16xi32>,
    %get3A_1512 = arith.constant 400 : index
    %get3A_1513 = tpu.vector_load %arg10[%get3A_1512] {strides = array<i32>} : memref<512xi32, #tpu.memory_space<vmem>>, vector<16xi32>,
    %get3A_1514 = vector.shape_cast %get3A_1513 : vector<16xi32> to vector<16xi32>
    %mul3A_1515 = arith.constant 640 : i32
    %mul3A_1516 = vector.broadcast %mul3A_1515 : i32 to vector<16xi32>
    %mul3A_1517 = arith.muli %get3A_1514, %mul3A_1516 : vector<16xi32>
    %get3A_1518 = arith.constant 400 : index
    %get3A_1519 = tpu.vector_load %arg11[%get3A_1518] {strides = array<i32>} : memref<512xi32, #tpu.memory_space<vmem>>, vector<16xi32>,
    %get3A_1520 = vector.shape_cast %get3A_1519 : vector<16xi32> to vector<16xi32>
    %mul3A_1521 = arith.constant 64 : i32
    %mul3A_1522 = vector.broadcast %mul3A_1521 : i32 to vector<16xi32>
    %mul3A_1523 = arith.muli %get3A_1520, %mul3A_1522 : vector<16xi32>
    %add3A_1524 = arith.addi %mul3A_1517, %mul3A_1523 : vector<16xi32>
    %swap3A_1525 = arith.constant 400 : index
    %swap3A_1526 = tpu.vector_load %arg12[%swap3A_1525] {strides = array<i32>} : memref<512xi32, #tpu.memory_space<vmem>>, vector<16xi32>,
    %swap3A_1527 = vector.shape_cast %swap3A_1526 : vector<16xi32> to vector<16xi32>
    %swap3A_1528 = vector.shape_cast %add3A_1524 : vector<16xi32> to vector<16xi32>
    tpu.vector_store %arg12[%swap3A_1525], %swap3A_1528 {strides = array<i32>} : memref<512xi32, #tpu.memory_space<vmem>>, vector<16xi32>,
    %get3A_1529 = arith.constant 416 : index
    %get3A_1530 = tpu.vector_load %arg10[%get3A_1529] {strides = array<i32>} : memref<512xi32, #tpu.memory_space<vmem>>, vector<16xi32>,
    %get3A_1531 = vector.shape_cast %get3A_1530 : vector<16xi32> to vector<16xi32>
    %mul3A_1532 = arith.constant 640 : i32
    %mul3A_1533 = vector.broadcast %mul3A_1532 : i32 to vector<16xi32>
    %mul3A_1534 = arith.muli %get3A_1531, %mul3A_1533 : vector<16xi32>
    %get3A_1535 = arith.constant 416 : index
    %get3A_1536 = tpu.vector_load %arg11[%get3A_1535] {strides = array<i32>} : memref<512xi32, #tpu.memory_space<vmem>>, vector<16xi32>,
    %get3A_1537 = vector.shape_cast %get3A_1536 : vector<16xi32> to vector<16xi32>
    %mul3A_1538 = arith.constant 64 : i32
    %mul3A_1539 = vector.broadcast %mul3A_1538 : i32 to vector<16xi32>
    %mul3A_1540 = arith.muli %get3A_1537, %mul3A_1539 : vector<16xi32>
    %add3A_1541 = arith.addi %mul3A_1534, %mul3A_1540 : vector<16xi32>
    %swap3A_1542 = arith.constant 416 : index
    %swap3A_1543 = tpu.vector_load %arg12[%swap3A_1542] {strides = array<i32>} : memref<512xi32, #tpu.memory_space<vmem>>, vector<16xi32>,
    %swap3A_1544 = vector.shape_cast %swap3A_1543 : vector<16xi32> to vector<16xi32>
    %swap3A_1545 = vector.shape_cast %add3A_1541 : vector<16xi32> to vector<16xi32>
    tpu.vector_store %arg12[%swap3A_1542], %swap3A_1545 {strides = array<i32>} : memref<512xi32, #tpu.memory_space<vmem>>, vector<16xi32>,
    %get3A_1546 = arith.constant 432 : index
    %get3A_1547 = tpu.vector_load %arg10[%get3A_1546] {strides = array<i32>} : memref<512xi32, #tpu.memory_space<vmem>>, vector<16xi32>,
    %get3A_1548 = vector.shape_cast %get3A_1547 : vector<16xi32> to vector<16xi32>
    %mul3A_1549 = arith.constant 640 : i32
    %mul3A_1550 = vector.broadcast %mul3A_1549 : i32 to vector<16xi32>
    %mul3A_1551 = arith.muli %get3A_1548, %mul3A_1550 : vector<16xi32>
    %get3A_1552 = arith.constant 432 : index
    %get3A_1553 = tpu.vector_load %arg11[%get3A_1552] {strides = array<i32>} : memref<512xi32, #tpu.memory_space<vmem>>, vector<16xi32>,
    %get3A_1554 = vector.shape_cast %get3A_1553 : vector<16xi32> to vector<16xi32>
    %mul3A_1555 = arith.constant 64 : i32
    %mul3A_1556 = vector.broadcast %mul3A_1555 : i32 to vector<16xi32>
    %mul3A_1557 = arith.muli %get3A_1554, %mul3A_1556 : vector<16xi32>
    %add3A_1558 = arith.addi %mul3A_1551, %mul3A_1557 : vector<16xi32>
    %swap3A_1559 = arith.constant 432 : index
    %swap3A_1560 = tpu.vector_load %arg12[%swap3A_1559] {strides = array<i32>} : memref<512xi32, #tpu.memory_space<vmem>>, vector<16xi32>,
    %swap3A_1561 = vector.shape_cast %swap3A_1560 : vector<16xi32> to vector<16xi32>
    %swap3A_1562 = vector.shape_cast %add3A_1558 : vector<16xi32> to vector<16xi32>
    tpu.vector_store %arg12[%swap3A_1559], %swap3A_1562 {strides = array<i32>} : memref<512xi32, #tpu.memory_space<vmem>>, vector<16xi32>,
    %get3A_1563 = arith.constant 448 : index
    %get3A_1564 = tpu.vector_load %arg10[%get3A_1563] {strides = array<i32>} : memref<512xi32, #tpu.memory_space<vmem>>, vector<16xi32>,
    %get3A_1565 = vector.shape_cast %get3A_1564 : vector<16xi32> to vector<16xi32>
    %mul3A_1566 = arith.constant 640 : i32
    %mul3A_1567 = vector.broadcast %mul3A_1566 : i32 to vector<16xi32>
    %mul3A_1568 = arith.muli %get3A_1565, %mul3A_1567 : vector<16xi32>
    %get3A_1569 = arith.constant 448 : index
    %get3A_1570 = tpu.vector_load %arg11[%get3A_1569] {strides = array<i32>} : memref<512xi32, #tpu.memory_space<vmem>>, vector<16xi32>,
    %get3A_1571 = vector.shape_cast %get3A_1570 : vector<16xi32> to vector<16xi32>
    %mul3A_1572 = arith.constant 64 : i32
    %mul3A_1573 = vector.broadcast %mul3A_1572 : i32 to vector<16xi32>
    %mul3A_1574 = arith.muli %get3A_1571, %mul3A_1573 : vector<16xi32>
    %add3A_1575 = arith.addi %mul3A_1568, %mul3A_1574 : vector<16xi32>
    %swap3A_1576 = arith.constant 448 : index
    %swap3A_1577 = tpu.vector_load %arg12[%swap3A_1576] {strides = array<i32>} : memref<512xi32, #tpu.memory_space<vmem>>, vector<16xi32>,
    %swap3A_1578 = vector.shape_cast %swap3A_1577 : vector<16xi32> to vector<16xi32>
    %swap3A_1579 = vector.shape_cast %add3A_1575 : vector<16xi32> to vector<16xi32>
    tpu.vector_store %arg12[%swap3A_1576], %swap3A_1579 {strides = array<i32>} : memref<512xi32, #tpu.memory_space<vmem>>, vector<16xi32>,
    %get3A_1580 = arith.constant 464 : index
    %get3A_1581 = tpu.vector_load %arg10[%get3A_1580] {strides = array<i32>} : memref<512xi32, #tpu.memory_space<vmem>>, vector<16xi32>,
    %get3A_1582 = vector.shape_cast %get3A_1581 : vector<16xi32> to vector<16xi32>
    %mul3A_1583 = arith.constant 640 : i32
    %mul3A_1584 = vector.broadcast %mul3A_1583 : i32 to vector<16xi32>
    %mul3A_1585 = arith.muli %get3A_1582, %mul3A_1584 : vector<16xi32>
    %get3A_1586 = arith.constant 464 : index
    %get3A_1587 = tpu.vector_load %arg11[%get3A_1586] {strides = array<i32>} : memref<512xi32, #tpu.memory_space<vmem>>, vector<16xi32>,
    %get3A_1588 = vector.shape_cast %get3A_1587 : vector<16xi32> to vector<16xi32>
    %mul3A_1589 = arith.constant 64 : i32
    %mul3A_1590 = vector.broadcast %mul3A_1589 : i32 to vector<16xi32>
    %mul3A_1591 = arith.muli %get3A_1588, %mul3A_1590 : vector<16xi32>
    %add3A_1592 = arith.addi %mul3A_1585, %mul3A_1591 : vector<16xi32>
    %swap3A_1593 = arith.constant 464 : index
    %swap3A_1594 = tpu.vector_load %arg12[%swap3A_1593] {strides = array<i32>} : memref<512xi32, #tpu.memory_space<vmem>>, vector<16xi32>,
    %swap3A_1595 = vector.shape_cast %swap3A_1594 : vector<16xi32> to vector<16xi32>
    %swap3A_1596 = vector.shape_cast %add3A_1592 : vector<16xi32> to vector<16xi32>
    tpu.vector_store %arg12[%swap3A_1593], %swap3A_1596 {strides = array<i32>} : memref<512xi32, #tpu.memory_space<vmem>>, vector<16xi32>,
    %get3A_1597 = arith.constant 480 : index
    %get3A_1598 = tpu.vector_load %arg10[%get3A_1597] {strides = array<i32>} : memref<512xi32, #tpu.memory_space<vmem>>, vector<16xi32>,
    %get3A_1599 = vector.shape_cast %get3A_1598 : vector<16xi32> to vector<16xi32>
    %mul3A_1600 = arith.constant 640 : i32
    %mul3A_1601 = vector.broadcast %mul3A_1600 : i32 to vector<16xi32>
    %mul3A_1602 = arith.muli %get3A_1599, %mul3A_1601 : vector<16xi32>
    %get3A_1603 = arith.constant 480 : index
    %get3A_1604 = tpu.vector_load %arg11[%get3A_1603] {strides = array<i32>} : memref<512xi32, #tpu.memory_space<vmem>>, vector<16xi32>,
    %get3A_1605 = vector.shape_cast %get3A_1604 : vector<16xi32> to vector<16xi32>
    %mul3A_1606 = arith.constant 64 : i32
    %mul3A_1607 = vector.broadcast %mul3A_1606 : i32 to vector<16xi32>
    %mul3A_1608 = arith.muli %get3A_1605, %mul3A_1607 : vector<16xi32>
    %add3A_1609 = arith.addi %mul3A_1602, %mul3A_1608 : vector<16xi32>
    %swap3A_1610 = arith.constant 480 : index
    %swap3A_1611 = tpu.vector_load %arg12[%swap3A_1610] {strides = array<i32>} : memref<512xi32, #tpu.memory_space<vmem>>, vector<16xi32>,
    %swap3A_1612 = vector.shape_cast %swap3A_1611 : vector<16xi32> to vector<16xi32>
    %swap3A_1613 = vector.shape_cast %add3A_1609 : vector<16xi32> to vector<16xi32>
    tpu.vector_store %arg12[%swap3A_1610], %swap3A_1613 {strides = array<i32>} : memref<512xi32, #tpu.memory_space<vmem>>, vector<16xi32>,
    %get3A_1614 = arith.constant 496 : index
    %get3A_1615 = tpu.vector_load %arg10[%get3A_1614] {strides = array<i32>} : memref<512xi32, #tpu.memory_space<vmem>>, vector<16xi32>,
    %get3A_1616 = vector.shape_cast %get3A_1615 : vector<16xi32> to vector<16xi32>
    %mul3A_1617 = arith.constant 640 : i32
    %mul3A_1618 = vector.broadcast %mul3A_1617 : i32 to vector<16xi32>
    %mul3A_1619 = arith.muli %get3A_1616, %mul3A_1618 : vector<16xi32>
    %get3A_1620 = arith.constant 496 : index
    %get3A_1621 = tpu.vector_load %arg11[%get3A_1620] {strides = array<i32>} : memref<512xi32, #tpu.memory_space<vmem>>, vector<16xi32>,
    %get3A_1622 = vector.shape_cast %get3A_1621 : vector<16xi32> to vector<16xi32>
    %mul3A_1623 = arith.constant 64 : i32
    %mul3A_1624 = vector.broadcast %mul3A_1623 : i32 to vector<16xi32>
    %mul3A_1625 = arith.muli %get3A_1622, %mul3A_1624 : vector<16xi32>
    %add3A_1626 = arith.addi %mul3A_1619, %mul3A_1625 : vector<16xi32>
    %swap3A_1627 = arith.constant 496 : index
    %swap3A_1628 = tpu.vector_load %arg12[%swap3A_1627] {strides = array<i32>} : memref<512xi32, #tpu.memory_space<vmem>>, vector<16xi32>,
    %swap3A_1629 = vector.shape_cast %swap3A_1628 : vector<16xi32> to vector<16xi32>
    %swap3A_1630 = vector.shape_cast %add3A_1626 : vector<16xi32> to vector<16xi32>
    tpu.vector_store %arg12[%swap3A_1627], %swap3A_1630 {strides = array<i32>} : memref<512xi32, #tpu.memory_space<vmem>>, vector<16xi32>,
    %scan3A = arith.constant 0 : i32
    %scan3A_1631 = arith.constant 0 : i32
    %scan3A_1632 = arith.constant 16 : i32
    %scan3A_1633 = arith.addi %scan3A_1631, %scan3A_1632 : i32
    %scan3A_1634 = arith.constant 1 : i32
    scf.for %scan3A_1686 = %scan3A_1631 to %scan3A_1633 step %scan3A_1634  : i32 {
      %mul3A_1687 = arith.constant 16 : i32
      %mul3A_1688 = arith.muli %scan3A_1686, %mul3A_1687 : i32
      %add3A_1689 = arith.constant 0 : i32
      %add3A_1690 = arith.addi %add3A_1689, %mul3A_1688 : i32
      %get3A_1691 = arith.index_cast %add3A_1690 : i32 to index
      %get3A_1692 = tpu.vector_load %arg12[%get3A_1691] {strides = array<i32>} : memref<512xi32, #tpu.memory_space<vmem>>, vector<16xi32>,
      %get3A_1693 = vector.shape_cast %get3A_1692 : vector<16xi32> to vector<16xi32>
      %slice3A = vector.extract_strided_slice %get3A_1693 {offsets = [0], sizes = [1], strides = [1]} : vector<16xi32> to vector<1xi32>
      %squeeze3A = vector.extract %slice3A[0] : i32 from vector<1xi32>
      %add3A_1694 = arith.constant 0 : i32
      %add3A_1695 = arith.addi %squeeze3A, %add3A_1694 : i32
      %get3A_1696 = arith.index_cast %add3A_1695 : i32 to index
      %get3A_1697 = tpu.vector_load %arg9[%get3A_1696] {strides = array<i32>} : memref<1920xf32, #tpu.memory_space<vmem>>, vector<16xf32>,
      %get3A_1698 = vector.shape_cast %get3A_1697 : vector<16xf32> to vector<16xf32>
      %add3A_1699 = arith.constant 0 : i32
      %add3A_1700 = arith.addi %add3A_1690, %add3A_1699 : i32
      %swap3A_1701 = arith.index_cast %add3A_1700 : i32 to index
      %swap3A_1702 = arith.constant 0 : index
      %swap3A_1703 = tpu.vector_load %arg13[%swap3A_1701, %swap3A_1702] {strides = array<i32>} : memref<512x64xf32, #tpu.memory_space<vmem>>, vector<1x16xf32>,
      %swap3A_1704 = vector.shape_cast %swap3A_1703 : vector<1x16xf32> to vector<16xf32>
      %swap3A_1705 = vector.shape_cast %get3A_1698 : vector<16xf32> to vector<1x16xf32>
      tpu.vector_store %arg13[%swap3A_1701, %swap3A_1702], %swap3A_1705 {strides = array<i32>} : memref<512x64xf32, #tpu.memory_space<vmem>>, vector<1x16xf32>,
      %add3A_1706 = arith.constant 16 : i32
      %add3A_1707 = arith.addi %squeeze3A, %add3A_1706 : i32
      %get3A_1708 = arith.index_cast %add3A_1707 : i32 to index
      %get3A_1709 = tpu.vector_load %arg9[%get3A_1708] {strides = array<i32>} : memref<1920xf32, #tpu.memory_space<vmem>>, vector<16xf32>,
      %get3A_1710 = vector.shape_cast %get3A_1709 : vector<16xf32> to vector<16xf32>
      %add3A_1711 = arith.constant 0 : i32
      %add3A_1712 = arith.addi %add3A_1690, %add3A_1711 : i32
      %swap3A_1713 = arith.index_cast %add3A_1712 : i32 to index
      %swap3A_1714 = arith.constant 16 : index
      %swap3A_1715 = tpu.vector_load %arg13[%swap3A_1713, %swap3A_1714] {strides = array<i32>} : memref<512x64xf32, #tpu.memory_space<vmem>>, vector<1x16xf32>,
      %swap3A_1716 = vector.shape_cast %swap3A_1715 : vector<1x16xf32> to vector<16xf32>
      %swap3A_1717 = vector.shape_cast %get3A_1710 : vector<16xf32> to vector<1x16xf32>
      tpu.vector_store %arg13[%swap3A_1713, %swap3A_1714], %swap3A_1717 {strides = array<i32>} : memref<512x64xf32, #tpu.memory_space<vmem>>, vector<1x16xf32>,
      %add3A_1718 = arith.constant 32 : i32
      %add3A_1719 = arith.addi %squeeze3A, %add3A_1718 : i32
      %get3A_1720 = arith.index_cast %add3A_1719 : i32 to index
      %get3A_1721 = tpu.vector_load %arg9[%get3A_1720] {strides = array<i32>} : memref<1920xf32, #tpu.memory_space<vmem>>, vector<16xf32>,
      %get3A_1722 = vector.shape_cast %get3A_1721 : vector<16xf32> to vector<16xf32>
      %add3A_1723 = arith.constant 0 : i32
      %add3A_1724 = arith.addi %add3A_1690, %add3A_1723 : i32
      %swap3A_1725 = arith.index_cast %add3A_1724 : i32 to index
      %swap3A_1726 = arith.constant 32 : index
      %swap3A_1727 = tpu.vector_load %arg13[%swap3A_1725, %swap3A_1726] {strides = array<i32>} : memref<512x64xf32, #tpu.memory_space<vmem>>, vector<1x16xf32>,
      %swap3A_1728 = vector.shape_cast %swap3A_1727 : vector<1x16xf32> to vector<16xf32>
      %swap3A_1729 = vector.shape_cast %get3A_1722 : vector<16xf32> to vector<1x16xf32>
      tpu.vector_store %arg13[%swap3A_1725, %swap3A_1726], %swap3A_1729 {strides = array<i32>} : memref<512x64xf32, #tpu.memory_space<vmem>>, vector<1x16xf32>,
      %add3A_1730 = arith.constant 48 : i32
      %add3A_1731 = arith.addi %squeeze3A, %add3A_1730 : i32
      %get3A_1732 = arith.index_cast %add3A_1731 : i32 to index
      %get3A_1733 = tpu.vector_load %arg9[%get3A_1732] {strides = array<i32>} : memref<1920xf32, #tpu.memory_space<vmem>>, vector<16xf32>,
      %get3A_1734 = vector.shape_cast %get3A_1733 : vector<16xf32> to vector<16xf32>
      %add3A_1735 = arith.constant 0 : i32
      %add3A_1736 = arith.addi %add3A_1690, %add3A_1735 : i32
      %swap3A_1737 = arith.index_cast %add3A_1736 : i32 to index
      %swap3A_1738 = arith.constant 48 : index
      %swap3A_1739 = tpu.vector_load %arg13[%swap3A_1737, %swap3A_1738] {strides = array<i32>} : memref<512x64xf32, #tpu.memory_space<vmem>>, vector<1x16xf32>,
      %swap3A_1740 = vector.shape_cast %swap3A_1739 : vector<1x16xf32> to vector<16xf32>
      %swap3A_1741 = vector.shape_cast %get3A_1734 : vector<16xf32> to vector<1x16xf32>
      tpu.vector_store %arg13[%swap3A_1737, %swap3A_1738], %swap3A_1741 {strides = array<i32>} : memref<512x64xf32, #tpu.memory_space<vmem>>, vector<1x16xf32>,
      %slice3A_1742 = vector.extract_strided_slice %get3A_1693 {offsets = [1], sizes = [1], strides = [1]} : vector<16xi32> to vector<1xi32>
      %squeeze3A_1743 = vector.extract %slice3A_1742[0] : i32 from vector<1xi32>
      %add3A_1744 = arith.constant 0 : i32
      %add3A_1745 = arith.addi %squeeze3A_1743, %add3A_1744 : i32
      %get3A_1746 = arith.index_cast %add3A_1745 : i32 to index
      %get3A_1747 = tpu.vector_load %arg9[%get3A_1746] {strides = array<i32>} : memref<1920xf32, #tpu.memory_space<vmem>>, vector<16xf32>,
      %get3A_1748 = vector.shape_cast %get3A_1747 : vector<16xf32> to vector<16xf32>
      %add3A_1749 = arith.constant 1 : i32
      %add3A_1750 = arith.addi %add3A_1690, %add3A_1749 : i32
      %swap3A_1751 = arith.index_cast %add3A_1750 : i32 to index
      %swap3A_1752 = arith.constant 0 : index
      %swap3A_1753 = tpu.vector_load %arg13[%swap3A_1751, %swap3A_1752] {strides = array<i32>} : memref<512x64xf32, #tpu.memory_space<vmem>>, vector<1x16xf32>,
      %swap3A_1754 = vector.shape_cast %swap3A_1753 : vector<1x16xf32> to vector<16xf32>
      %swap3A_1755 = vector.shape_cast %get3A_1748 : vector<16xf32> to vector<1x16xf32>
      tpu.vector_store %arg13[%swap3A_1751, %swap3A_1752], %swap3A_1755 {strides = array<i32>} : memref<512x64xf32, #tpu.memory_space<vmem>>, vector<1x16xf32>,
      %add3A_1756 = arith.constant 16 : i32
      %add3A_1757 = arith.addi %squeeze3A_1743, %add3A_1756 : i32
      %get3A_1758 = arith.index_cast %add3A_1757 : i32 to index
      %get3A_1759 = tpu.vector_load %arg9[%get3A_1758] {strides = array<i32>} : memref<1920xf32, #tpu.memory_space<vmem>>, vector<16xf32>,
      %get3A_1760 = vector.shape_cast %get3A_1759 : vector<16xf32> to vector<16xf32>
      %add3A_1761 = arith.constant 1 : i32
      %add3A_1762 = arith.addi %add3A_1690, %add3A_1761 : i32
      %swap3A_1763 = arith.index_cast %add3A_1762 : i32 to index
      %swap3A_1764 = arith.constant 16 : index
      %swap3A_1765 = tpu.vector_load %arg13[%swap3A_1763, %swap3A_1764] {strides = array<i32>} : memref<512x64xf32, #tpu.memory_space<vmem>>, vector<1x16xf32>,
      %swap3A_1766 = vector.shape_cast %swap3A_1765 : vector<1x16xf32> to vector<16xf32>
      %swap3A_1767 = vector.shape_cast %get3A_1760 : vector<16xf32> to vector<1x16xf32>
      tpu.vector_store %arg13[%swap3A_1763, %swap3A_1764], %swap3A_1767 {strides = array<i32>} : memref<512x64xf32, #tpu.memory_space<vmem>>, vector<1x16xf32>,
      %add3A_1768 = arith.constant 32 : i32
      %add3A_1769 = arith.addi %squeeze3A_1743, %add3A_1768 : i32
      %get3A_1770 = arith.index_cast %add3A_1769 : i32 to index
      %get3A_1771 = tpu.vector_load %arg9[%get3A_1770] {strides = array<i32>} : memref<1920xf32, #tpu.memory_space<vmem>>, vector<16xf32>,
      %get3A_1772 = vector.shape_cast %get3A_1771 : vector<16xf32> to vector<16xf32>
      %add3A_1773 = arith.constant 1 : i32
      %add3A_1774 = arith.addi %add3A_1690, %add3A_1773 : i32
      %swap3A_1775 = arith.index_cast %add3A_1774 : i32 to index
      %swap3A_1776 = arith.constant 32 : index
      %swap3A_1777 = tpu.vector_load %arg13[%swap3A_1775, %swap3A_1776] {strides = array<i32>} : memref<512x64xf32, #tpu.memory_space<vmem>>, vector<1x16xf32>,
      %swap3A_1778 = vector.shape_cast %swap3A_1777 : vector<1x16xf32> to vector<16xf32>
      %swap3A_1779 = vector.shape_cast %get3A_1772 : vector<16xf32> to vector<1x16xf32>
      tpu.vector_store %arg13[%swap3A_1775, %swap3A_1776], %swap3A_1779 {strides = array<i32>} : memref<512x64xf32, #tpu.memory_space<vmem>>, vector<1x16xf32>,
      %add3A_1780 = arith.constant 48 : i32
      %add3A_1781 = arith.addi %squeeze3A_1743, %add3A_1780 : i32
      %get3A_1782 = arith.index_cast %add3A_1781 : i32 to index
      %get3A_1783 = tpu.vector_load %arg9[%get3A_1782] {strides = array<i32>} : memref<1920xf32, #tpu.memory_space<vmem>>, vector<16xf32>,
      %get3A_1784 = vector.shape_cast %get3A_1783 : vector<16xf32> to vector<16xf32>
      %add3A_1785 = arith.constant 1 : i32
      %add3A_1786 = arith.addi %add3A_1690, %add3A_1785 : i32
      %swap3A_1787 = arith.index_cast %add3A_1786 : i32 to index
      %swap3A_1788 = arith.constant 48 : index
      %swap3A_1789 = tpu.vector_load %arg13[%swap3A_1787, %swap3A_1788] {strides = array<i32>} : memref<512x64xf32, #tpu.memory_space<vmem>>, vector<1x16xf32>,
      %swap3A_1790 = vector.shape_cast %swap3A_1789 : vector<1x16xf32> to vector<16xf32>
      %swap3A_1791 = vector.shape_cast %get3A_1784 : vector<16xf32> to vector<1x16xf32>
      tpu.vector_store %arg13[%swap3A_1787, %swap3A_1788], %swap3A_1791 {strides = array<i32>} : memref<512x64xf32, #tpu.memory_space<vmem>>, vector<1x16xf32>,
      %slice3A_1792 = vector.extract_strided_slice %get3A_1693 {offsets = [2], sizes = [1], strides = [1]} : vector<16xi32> to vector<1xi32>
      %squeeze3A_1793 = vector.extract %slice3A_1792[0] : i32 from vector<1xi32>
      %add3A_1794 = arith.constant 0 : i32
      %add3A_1795 = arith.addi %squeeze3A_1793, %add3A_1794 : i32
      %get3A_1796 = arith.index_cast %add3A_1795 : i32 to index
      %get3A_1797 = tpu.vector_load %arg9[%get3A_1796] {strides = array<i32>} : memref<1920xf32, #tpu.memory_space<vmem>>, vector<16xf32>,
      %get3A_1798 = vector.shape_cast %get3A_1797 : vector<16xf32> to vector<16xf32>
      %add3A_1799 = arith.constant 2 : i32
      %add3A_1800 = arith.addi %add3A_1690, %add3A_1799 : i32
      %swap3A_1801 = arith.index_cast %add3A_1800 : i32 to index
      %swap3A_1802 = arith.constant 0 : index
      %swap3A_1803 = tpu.vector_load %arg13[%swap3A_1801, %swap3A_1802] {strides = array<i32>} : memref<512x64xf32, #tpu.memory_space<vmem>>, vector<1x16xf32>,
      %swap3A_1804 = vector.shape_cast %swap3A_1803 : vector<1x16xf32> to vector<16xf32>
      %swap3A_1805 = vector.shape_cast %get3A_1798 : vector<16xf32> to vector<1x16xf32>
      tpu.vector_store %arg13[%swap3A_1801, %swap3A_1802], %swap3A_1805 {strides = array<i32>} : memref<512x64xf32, #tpu.memory_space<vmem>>, vector<1x16xf32>,
      %add3A_1806 = arith.constant 16 : i32
      %add3A_1807 = arith.addi %squeeze3A_1793, %add3A_1806 : i32
      %get3A_1808 = arith.index_cast %add3A_1807 : i32 to index
      %get3A_1809 = tpu.vector_load %arg9[%get3A_1808] {strides = array<i32>} : memref<1920xf32, #tpu.memory_space<vmem>>, vector<16xf32>,
      %get3A_1810 = vector.shape_cast %get3A_1809 : vector<16xf32> to vector<16xf32>
      %add3A_1811 = arith.constant 2 : i32
      %add3A_1812 = arith.addi %add3A_1690, %add3A_1811 : i32
      %swap3A_1813 = arith.index_cast %add3A_1812 : i32 to index
      %swap3A_1814 = arith.constant 16 : index
      %swap3A_1815 = tpu.vector_load %arg13[%swap3A_1813, %swap3A_1814] {strides = array<i32>} : memref<512x64xf32, #tpu.memory_space<vmem>>, vector<1x16xf32>,
      %swap3A_1816 = vector.shape_cast %swap3A_1815 : vector<1x16xf32> to vector<16xf32>
      %swap3A_1817 = vector.shape_cast %get3A_1810 : vector<16xf32> to vector<1x16xf32>
      tpu.vector_store %arg13[%swap3A_1813, %swap3A_1814], %swap3A_1817 {strides = array<i32>} : memref<512x64xf32, #tpu.memory_space<vmem>>, vector<1x16xf32>,
      %add3A_1818 = arith.constant 32 : i32
      %add3A_1819 = arith.addi %squeeze3A_1793, %add3A_1818 : i32
      %get3A_1820 = arith.index_cast %add3A_1819 : i32 to index
      %get3A_1821 = tpu.vector_load %arg9[%get3A_1820] {strides = array<i32>} : memref<1920xf32, #tpu.memory_space<vmem>>, vector<16xf32>,
      %get3A_1822 = vector.shape_cast %get3A_1821 : vector<16xf32> to vector<16xf32>
      %add3A_1823 = arith.constant 2 : i32
      %add3A_1824 = arith.addi %add3A_1690, %add3A_1823 : i32
      %swap3A_1825 = arith.index_cast %add3A_1824 : i32 to index
      %swap3A_1826 = arith.constant 32 : index
      %swap3A_1827 = tpu.vector_load %arg13[%swap3A_1825, %swap3A_1826] {strides = array<i32>} : memref<512x64xf32, #tpu.memory_space<vmem>>, vector<1x16xf32>,
      %swap3A_1828 = vector.shape_cast %swap3A_1827 : vector<1x16xf32> to vector<16xf32>
      %swap3A_1829 = vector.shape_cast %get3A_1822 : vector<16xf32> to vector<1x16xf32>
      tpu.vector_store %arg13[%swap3A_1825, %swap3A_1826], %swap3A_1829 {strides = array<i32>} : memref<512x64xf32, #tpu.memory_space<vmem>>, vector<1x16xf32>,
      %add3A_1830 = arith.constant 48 : i32
      %add3A_1831 = arith.addi %squeeze3A_1793, %add3A_1830 : i32
      %get3A_1832 = arith.index_cast %add3A_1831 : i32 to index
      %get3A_1833 = tpu.vector_load %arg9[%get3A_1832] {strides = array<i32>} : memref<1920xf32, #tpu.memory_space<vmem>>, vector<16xf32>,
      %get3A_1834 = vector.shape_cast %get3A_1833 : vector<16xf32> to vector<16xf32>
      %add3A_1835 = arith.constant 2 : i32
      %add3A_1836 = arith.addi %add3A_1690, %add3A_1835 : i32
      %swap3A_1837 = arith.index_cast %add3A_1836 : i32 to index
      %swap3A_1838 = arith.constant 48 : index
      %swap3A_1839 = tpu.vector_load %arg13[%swap3A_1837, %swap3A_1838] {strides = array<i32>} : memref<512x64xf32, #tpu.memory_space<vmem>>, vector<1x16xf32>,
      %swap3A_1840 = vector.shape_cast %swap3A_1839 : vector<1x16xf32> to vector<16xf32>
      %swap3A_1841 = vector.shape_cast %get3A_1834 : vector<16xf32> to vector<1x16xf32>
      tpu.vector_store %arg13[%swap3A_1837, %swap3A_1838], %swap3A_1841 {strides = array<i32>} : memref<512x64xf32, #tpu.memory_space<vmem>>, vector<1x16xf32>,
      %slice3A_1842 = vector.extract_strided_slice %get3A_1693 {offsets = [3], sizes = [1], strides = [1]} : vector<16xi32> to vector<1xi32>
      %squeeze3A_1843 = vector.extract %slice3A_1842[0] : i32 from vector<1xi32>
      %add3A_1844 = arith.constant 0 : i32
      %add3A_1845 = arith.addi %squeeze3A_1843, %add3A_1844 : i32
      %get3A_1846 = arith.index_cast %add3A_1845 : i32 to index
      %get3A_1847 = tpu.vector_load %arg9[%get3A_1846] {strides = array<i32>} : memref<1920xf32, #tpu.memory_space<vmem>>, vector<16xf32>,
      %get3A_1848 = vector.shape_cast %get3A_1847 : vector<16xf32> to vector<16xf32>
      %add3A_1849 = arith.constant 3 : i32
      %add3A_1850 = arith.addi %add3A_1690, %add3A_1849 : i32
      %swap3A_1851 = arith.index_cast %add3A_1850 : i32 to index
      %swap3A_1852 = arith.constant 0 : index
      %swap3A_1853 = tpu.vector_load %arg13[%swap3A_1851, %swap3A_1852] {strides = array<i32>} : memref<512x64xf32, #tpu.memory_space<vmem>>, vector<1x16xf32>,
      %swap3A_1854 = vector.shape_cast %swap3A_1853 : vector<1x16xf32> to vector<16xf32>
      %swap3A_1855 = vector.shape_cast %get3A_1848 : vector<16xf32> to vector<1x16xf32>
      tpu.vector_store %arg13[%swap3A_1851, %swap3A_1852], %swap3A_1855 {strides = array<i32>} : memref<512x64xf32, #tpu.memory_space<vmem>>, vector<1x16xf32>,
      %add3A_1856 = arith.constant 16 : i32
      %add3A_1857 = arith.addi %squeeze3A_1843, %add3A_1856 : i32
      %get3A_1858 = arith.index_cast %add3A_1857 : i32 to index
      %get3A_1859 = tpu.vector_load %arg9[%get3A_1858] {strides = array<i32>} : memref<1920xf32, #tpu.memory_space<vmem>>, vector<16xf32>,
      %get3A_1860 = vector.shape_cast %get3A_1859 : vector<16xf32> to vector<16xf32>
      %add3A_1861 = arith.constant 3 : i32
      %add3A_1862 = arith.addi %add3A_1690, %add3A_1861 : i32
      %swap3A_1863 = arith.index_cast %add3A_1862 : i32 to index
      %swap3A_1864 = arith.constant 16 : index
      %swap3A_1865 = tpu.vector_load %arg13[%swap3A_1863, %swap3A_1864] {strides = array<i32>} : memref<512x64xf32, #tpu.memory_space<vmem>>, vector<1x16xf32>,
      %swap3A_1866 = vector.shape_cast %swap3A_1865 : vector<1x16xf32> to vector<16xf32>
      %swap3A_1867 = vector.shape_cast %get3A_1860 : vector<16xf32> to vector<1x16xf32>
      tpu.vector_store %arg13[%swap3A_1863, %swap3A_1864], %swap3A_1867 {strides = array<i32>} : memref<512x64xf32, #tpu.memory_space<vmem>>, vector<1x16xf32>,
      %add3A_1868 = arith.constant 32 : i32
      %add3A_1869 = arith.addi %squeeze3A_1843, %add3A_1868 : i32
      %get3A_1870 = arith.index_cast %add3A_1869 : i32 to index
      %get3A_1871 = tpu.vector_load %arg9[%get3A_1870] {strides = array<i32>} : memref<1920xf32, #tpu.memory_space<vmem>>, vector<16xf32>,
      %get3A_1872 = vector.shape_cast %get3A_1871 : vector<16xf32> to vector<16xf32>
      %add3A_1873 = arith.constant 3 : i32
      %add3A_1874 = arith.addi %add3A_1690, %add3A_1873 : i32
      %swap3A_1875 = arith.index_cast %add3A_1874 : i32 to index
      %swap3A_1876 = arith.constant 32 : index
      %swap3A_1877 = tpu.vector_load %arg13[%swap3A_1875, %swap3A_1876] {strides = array<i32>} : memref<512x64xf32, #tpu.memory_space<vmem>>, vector<1x16xf32>,
      %swap3A_1878 = vector.shape_cast %swap3A_1877 : vector<1x16xf32> to vector<16xf32>
      %swap3A_1879 = vector.shape_cast %get3A_1872 : vector<16xf32> to vector<1x16xf32>
      tpu.vector_store %arg13[%swap3A_1875, %swap3A_1876], %swap3A_1879 {strides = array<i32>} : memref<512x64xf32, #tpu.memory_space<vmem>>, vector<1x16xf32>,
      %add3A_1880 = arith.constant 48 : i32
      %add3A_1881 = arith.addi %squeeze3A_1843, %add3A_1880 : i32
      %get3A_1882 = arith.index_cast %add3A_1881 : i32 to index
      %get3A_1883 = tpu.vector_load %arg9[%get3A_1882] {strides = array<i32>} : memref<1920xf32, #tpu.memory_space<vmem>>, vector<16xf32>,
      %get3A_1884 = vector.shape_cast %get3A_1883 : vector<16xf32> to vector<16xf32>
      %add3A_1885 = arith.constant 3 : i32
      %add3A_1886 = arith.addi %add3A_1690, %add3A_1885 : i32
      %swap3A_1887 = arith.index_cast %add3A_1886 : i32 to index
      %swap3A_1888 = arith.constant 48 : index
      %swap3A_1889 = tpu.vector_load %arg13[%swap3A_1887, %swap3A_1888] {strides = array<i32>} : memref<512x64xf32, #tpu.memory_space<vmem>>, vector<1x16xf32>,
      %swap3A_1890 = vector.shape_cast %swap3A_1889 : vector<1x16xf32> to vector<16xf32>
      %swap3A_1891 = vector.shape_cast %get3A_1884 : vector<16xf32> to vector<1x16xf32>
      tpu.vector_store %arg13[%swap3A_1887, %swap3A_1888], %swap3A_1891 {strides = array<i32>} : memref<512x64xf32, #tpu.memory_space<vmem>>, vector<1x16xf32>,
      %slice3A_1892 = vector.extract_strided_slice %get3A_1693 {offsets = [4], sizes = [1], strides = [1]} : vector<16xi32> to vector<1xi32>
      %squeeze3A_1893 = vector.extract %slice3A_1892[0] : i32 from vector<1xi32>
      %add3A_1894 = arith.constant 0 : i32
      %add3A_1895 = arith.addi %squeeze3A_1893, %add3A_1894 : i32
      %get3A_1896 = arith.index_cast %add3A_1895 : i32 to index
      %get3A_1897 = tpu.vector_load %arg9[%get3A_1896] {strides = array<i32>} : memref<1920xf32, #tpu.memory_space<vmem>>, vector<16xf32>,
      %get3A_1898 = vector.shape_cast %get3A_1897 : vector<16xf32> to vector<16xf32>
      %add3A_1899 = arith.constant 4 : i32
      %add3A_1900 = arith.addi %add3A_1690, %add3A_1899 : i32
      %swap3A_1901 = arith.index_cast %add3A_1900 : i32 to index
      %swap3A_1902 = arith.constant 0 : index
      %swap3A_1903 = tpu.vector_load %arg13[%swap3A_1901, %swap3A_1902] {strides = array<i32>} : memref<512x64xf32, #tpu.memory_space<vmem>>, vector<1x16xf32>,
      %swap3A_1904 = vector.shape_cast %swap3A_1903 : vector<1x16xf32> to vector<16xf32>
      %swap3A_1905 = vector.shape_cast %get3A_1898 : vector<16xf32> to vector<1x16xf32>
      tpu.vector_store %arg13[%swap3A_1901, %swap3A_1902], %swap3A_1905 {strides = array<i32>} : memref<512x64xf32, #tpu.memory_space<vmem>>, vector<1x16xf32>,
      %add3A_1906 = arith.constant 16 : i32
      %add3A_1907 = arith.addi %squeeze3A_1893, %add3A_1906 : i32
      %get3A_1908 = arith.index_cast %add3A_1907 : i32 to index
      %get3A_1909 = tpu.vector_load %arg9[%get3A_1908] {strides = array<i32>} : memref<1920xf32, #tpu.memory_space<vmem>>, vector<16xf32>,
      %get3A_1910 = vector.shape_cast %get3A_1909 : vector<16xf32> to vector<16xf32>
      %add3A_1911 = arith.constant 4 : i32
      %add3A_1912 = arith.addi %add3A_1690, %add3A_1911 : i32
      %swap3A_1913 = arith.index_cast %add3A_1912 : i32 to index
      %swap3A_1914 = arith.constant 16 : index
      %swap3A_1915 = tpu.vector_load %arg13[%swap3A_1913, %swap3A_1914] {strides = array<i32>} : memref<512x64xf32, #tpu.memory_space<vmem>>, vector<1x16xf32>,
      %swap3A_1916 = vector.shape_cast %swap3A_1915 : vector<1x16xf32> to vector<16xf32>
      %swap3A_1917 = vector.shape_cast %get3A_1910 : vector<16xf32> to vector<1x16xf32>
      tpu.vector_store %arg13[%swap3A_1913, %swap3A_1914], %swap3A_1917 {strides = array<i32>} : memref<512x64xf32, #tpu.memory_space<vmem>>, vector<1x16xf32>,
      %add3A_1918 = arith.constant 32 : i32
      %add3A_1919 = arith.addi %squeeze3A_1893, %add3A_1918 : i32
      %get3A_1920 = arith.index_cast %add3A_1919 : i32 to index
      %get3A_1921 = tpu.vector_load %arg9[%get3A_1920] {strides = array<i32>} : memref<1920xf32, #tpu.memory_space<vmem>>, vector<16xf32>,
      %get3A_1922 = vector.shape_cast %get3A_1921 : vector<16xf32> to vector<16xf32>
      %add3A_1923 = arith.constant 4 : i32
      %add3A_1924 = arith.addi %add3A_1690, %add3A_1923 : i32
      %swap3A_1925 = arith.index_cast %add3A_1924 : i32 to index
      %swap3A_1926 = arith.constant 32 : index
      %swap3A_1927 = tpu.vector_load %arg13[%swap3A_1925, %swap3A_1926] {strides = array<i32>} : memref<512x64xf32, #tpu.memory_space<vmem>>, vector<1x16xf32>,
      %swap3A_1928 = vector.shape_cast %swap3A_1927 : vector<1x16xf32> to vector<16xf32>
      %swap3A_1929 = vector.shape_cast %get3A_1922 : vector<16xf32> to vector<1x16xf32>
      tpu.vector_store %arg13[%swap3A_1925, %swap3A_1926], %swap3A_1929 {strides = array<i32>} : memref<512x64xf32, #tpu.memory_space<vmem>>, vector<1x16xf32>,
      %add3A_1930 = arith.constant 48 : i32
      %add3A_1931 = arith.addi %squeeze3A_1893, %add3A_1930 : i32
      %get3A_1932 = arith.index_cast %add3A_1931 : i32 to index
      %get3A_1933 = tpu.vector_load %arg9[%get3A_1932] {strides = array<i32>} : memref<1920xf32, #tpu.memory_space<vmem>>, vector<16xf32>,
      %get3A_1934 = vector.shape_cast %get3A_1933 : vector<16xf32> to vector<16xf32>
      %add3A_1935 = arith.constant 4 : i32
      %add3A_1936 = arith.addi %add3A_1690, %add3A_1935 : i32
      %swap3A_1937 = arith.index_cast %add3A_1936 : i32 to index
      %swap3A_1938 = arith.constant 48 : index
      %swap3A_1939 = tpu.vector_load %arg13[%swap3A_1937, %swap3A_1938] {strides = array<i32>} : memref<512x64xf32, #tpu.memory_space<vmem>>, vector<1x16xf32>,
      %swap3A_1940 = vector.shape_cast %swap3A_1939 : vector<1x16xf32> to vector<16xf32>
      %swap3A_1941 = vector.shape_cast %get3A_1934 : vector<16xf32> to vector<1x16xf32>
      tpu.vector_store %arg13[%swap3A_1937, %swap3A_1938], %swap3A_1941 {strides = array<i32>} : memref<512x64xf32, #tpu.memory_space<vmem>>, vector<1x16xf32>,
      %slice3A_1942 = vector.extract_strided_slice %get3A_1693 {offsets = [5], sizes = [1], strides = [1]} : vector<16xi32> to vector<1xi32>
      %squeeze3A_1943 = vector.extract %slice3A_1942[0] : i32 from vector<1xi32>
      %add3A_1944 = arith.constant 0 : i32
      %add3A_1945 = arith.addi %squeeze3A_1943, %add3A_1944 : i32
      %get3A_1946 = arith.index_cast %add3A_1945 : i32 to index
      %get3A_1947 = tpu.vector_load %arg9[%get3A_1946] {strides = array<i32>} : memref<1920xf32, #tpu.memory_space<vmem>>, vector<16xf32>,
      %get3A_1948 = vector.shape_cast %get3A_1947 : vector<16xf32> to vector<16xf32>
      %add3A_1949 = arith.constant 5 : i32
      %add3A_1950 = arith.addi %add3A_1690, %add3A_1949 : i32
      %swap3A_1951 = arith.index_cast %add3A_1950 : i32 to index
      %swap3A_1952 = arith.constant 0 : index
      %swap3A_1953 = tpu.vector_load %arg13[%swap3A_1951, %swap3A_1952] {strides = array<i32>} : memref<512x64xf32, #tpu.memory_space<vmem>>, vector<1x16xf32>,
      %swap3A_1954 = vector.shape_cast %swap3A_1953 : vector<1x16xf32> to vector<16xf32>
      %swap3A_1955 = vector.shape_cast %get3A_1948 : vector<16xf32> to vector<1x16xf32>
      tpu.vector_store %arg13[%swap3A_1951, %swap3A_1952], %swap3A_1955 {strides = array<i32>} : memref<512x64xf32, #tpu.memory_space<vmem>>, vector<1x16xf32>,
      %add3A_1956 = arith.constant 16 : i32
      %add3A_1957 = arith.addi %squeeze3A_1943, %add3A_1956 : i32
      %get3A_1958 = arith.index_cast %add3A_1957 : i32 to index
      %get3A_1959 = tpu.vector_load %arg9[%get3A_1958] {strides = array<i32>} : memref<1920xf32, #tpu.memory_space<vmem>>, vector<16xf32>,
      %get3A_1960 = vector.shape_cast %get3A_1959 : vector<16xf32> to vector<16xf32>
      %add3A_1961 = arith.constant 5 : i32
      %add3A_1962 = arith.addi %add3A_1690, %add3A_1961 : i32
      %swap3A_1963 = arith.index_cast %add3A_1962 : i32 to index
      %swap3A_1964 = arith.constant 16 : index
      %swap3A_1965 = tpu.vector_load %arg13[%swap3A_1963, %swap3A_1964] {strides = array<i32>} : memref<512x64xf32, #tpu.memory_space<vmem>>, vector<1x16xf32>,
      %swap3A_1966 = vector.shape_cast %swap3A_1965 : vector<1x16xf32> to vector<16xf32>
      %swap3A_1967 = vector.shape_cast %get3A_1960 : vector<16xf32> to vector<1x16xf32>
      tpu.vector_store %arg13[%swap3A_1963, %swap3A_1964], %swap3A_1967 {strides = array<i32>} : memref<512x64xf32, #tpu.memory_space<vmem>>, vector<1x16xf32>,
      %add3A_1968 = arith.constant 32 : i32
      %add3A_1969 = arith.addi %squeeze3A_1943, %add3A_1968 : i32
      %get3A_1970 = arith.index_cast %add3A_1969 : i32 to index
      %get3A_1971 = tpu.vector_load %arg9[%get3A_1970] {strides = array<i32>} : memref<1920xf32, #tpu.memory_space<vmem>>, vector<16xf32>,
      %get3A_1972 = vector.shape_cast %get3A_1971 : vector<16xf32> to vector<16xf32>
      %add3A_1973 = arith.constant 5 : i32
      %add3A_1974 = arith.addi %add3A_1690, %add3A_1973 : i32
      %swap3A_1975 = arith.index_cast %add3A_1974 : i32 to index
      %swap3A_1976 = arith.constant 32 : index
      %swap3A_1977 = tpu.vector_load %arg13[%swap3A_1975, %swap3A_1976] {strides = array<i32>} : memref<512x64xf32, #tpu.memory_space<vmem>>, vector<1x16xf32>,
      %swap3A_1978 = vector.shape_cast %swap3A_1977 : vector<1x16xf32> to vector<16xf32>
      %swap3A_1979 = vector.shape_cast %get3A_1972 : vector<16xf32> to vector<1x16xf32>
      tpu.vector_store %arg13[%swap3A_1975, %swap3A_1976], %swap3A_1979 {strides = array<i32>} : memref<512x64xf32, #tpu.memory_space<vmem>>, vector<1x16xf32>,
      %add3A_1980 = arith.constant 48 : i32
      %add3A_1981 = arith.addi %squeeze3A_1943, %add3A_1980 : i32
      %get3A_1982 = arith.index_cast %add3A_1981 : i32 to index
      %get3A_1983 = tpu.vector_load %arg9[%get3A_1982] {strides = array<i32>} : memref<1920xf32, #tpu.memory_space<vmem>>, vector<16xf32>,
      %get3A_1984 = vector.shape_cast %get3A_1983 : vector<16xf32> to vector<16xf32>
      %add3A_1985 = arith.constant 5 : i32
      %add3A_1986 = arith.addi %add3A_1690, %add3A_1985 : i32
      %swap3A_1987 = arith.index_cast %add3A_1986 : i32 to index
      %swap3A_1988 = arith.constant 48 : index
      %swap3A_1989 = tpu.vector_load %arg13[%swap3A_1987, %swap3A_1988] {strides = array<i32>} : memref<512x64xf32, #tpu.memory_space<vmem>>, vector<1x16xf32>,
      %swap3A_1990 = vector.shape_cast %swap3A_1989 : vector<1x16xf32> to vector<16xf32>
      %swap3A_1991 = vector.shape_cast %get3A_1984 : vector<16xf32> to vector<1x16xf32>
      tpu.vector_store %arg13[%swap3A_1987, %swap3A_1988], %swap3A_1991 {strides = array<i32>} : memref<512x64xf32, #tpu.memory_space<vmem>>, vector<1x16xf32>,
      %slice3A_1992 = vector.extract_strided_slice %get3A_1693 {offsets = [6], sizes = [1], strides = [1]} : vector<16xi32> to vector<1xi32>
      %squeeze3A_1993 = vector.extract %slice3A_1992[0] : i32 from vector<1xi32>
      %add3A_1994 = arith.constant 0 : i32
      %add3A_1995 = arith.addi %squeeze3A_1993, %add3A_1994 : i32
      %get3A_1996 = arith.index_cast %add3A_1995 : i32 to index
      %get3A_1997 = tpu.vector_load %arg9[%get3A_1996] {strides = array<i32>} : memref<1920xf32, #tpu.memory_space<vmem>>, vector<16xf32>,
      %get3A_1998 = vector.shape_cast %get3A_1997 : vector<16xf32> to vector<16xf32>
      %add3A_1999 = arith.constant 6 : i32
      %add3A_2000 = arith.addi %add3A_1690, %add3A_1999 : i32
      %swap3A_2001 = arith.index_cast %add3A_2000 : i32 to index
      %swap3A_2002 = arith.constant 0 : index
      %swap3A_2003 = tpu.vector_load %arg13[%swap3A_2001, %swap3A_2002] {strides = array<i32>} : memref<512x64xf32, #tpu.memory_space<vmem>>, vector<1x16xf32>,
      %swap3A_2004 = vector.shape_cast %swap3A_2003 : vector<1x16xf32> to vector<16xf32>
      %swap3A_2005 = vector.shape_cast %get3A_1998 : vector<16xf32> to vector<1x16xf32>
      tpu.vector_store %arg13[%swap3A_2001, %swap3A_2002], %swap3A_2005 {strides = array<i32>} : memref<512x64xf32, #tpu.memory_space<vmem>>, vector<1x16xf32>,
      %add3A_2006 = arith.constant 16 : i32
      %add3A_2007 = arith.addi %squeeze3A_1993, %add3A_2006 : i32
      %get3A_2008 = arith.index_cast %add3A_2007 : i32 to index
      %get3A_2009 = tpu.vector_load %arg9[%get3A_2008] {strides = array<i32>} : memref<1920xf32, #tpu.memory_space<vmem>>, vector<16xf32>,
      %get3A_2010 = vector.shape_cast %get3A_2009 : vector<16xf32> to vector<16xf32>
      %add3A_2011 = arith.constant 6 : i32
      %add3A_2012 = arith.addi %add3A_1690, %add3A_2011 : i32
      %swap3A_2013 = arith.index_cast %add3A_2012 : i32 to index
      %swap3A_2014 = arith.constant 16 : index
      %swap3A_2015 = tpu.vector_load %arg13[%swap3A_2013, %swap3A_2014] {strides = array<i32>} : memref<512x64xf32, #tpu.memory_space<vmem>>, vector<1x16xf32>,
      %swap3A_2016 = vector.shape_cast %swap3A_2015 : vector<1x16xf32> to vector<16xf32>
      %swap3A_2017 = vector.shape_cast %get3A_2010 : vector<16xf32> to vector<1x16xf32>
      tpu.vector_store %arg13[%swap3A_2013, %swap3A_2014], %swap3A_2017 {strides = array<i32>} : memref<512x64xf32, #tpu.memory_space<vmem>>, vector<1x16xf32>,
      %add3A_2018 = arith.constant 32 : i32
      %add3A_2019 = arith.addi %squeeze3A_1993, %add3A_2018 : i32
      %get3A_2020 = arith.index_cast %add3A_2019 : i32 to index
      %get3A_2021 = tpu.vector_load %arg9[%get3A_2020] {strides = array<i32>} : memref<1920xf32, #tpu.memory_space<vmem>>, vector<16xf32>,
      %get3A_2022 = vector.shape_cast %get3A_2021 : vector<16xf32> to vector<16xf32>
      %add3A_2023 = arith.constant 6 : i32
      %add3A_2024 = arith.addi %add3A_1690, %add3A_2023 : i32
      %swap3A_2025 = arith.index_cast %add3A_2024 : i32 to index
      %swap3A_2026 = arith.constant 32 : index
      %swap3A_2027 = tpu.vector_load %arg13[%swap3A_2025, %swap3A_2026] {strides = array<i32>} : memref<512x64xf32, #tpu.memory_space<vmem>>, vector<1x16xf32>,
      %swap3A_2028 = vector.shape_cast %swap3A_2027 : vector<1x16xf32> to vector<16xf32>
      %swap3A_2029 = vector.shape_cast %get3A_2022 : vector<16xf32> to vector<1x16xf32>
      tpu.vector_store %arg13[%swap3A_2025, %swap3A_2026], %swap3A_2029 {strides = array<i32>} : memref<512x64xf32, #tpu.memory_space<vmem>>, vector<1x16xf32>,
      %add3A_2030 = arith.constant 48 : i32
      %add3A_2031 = arith.addi %squeeze3A_1993, %add3A_2030 : i32
      %get3A_2032 = arith.index_cast %add3A_2031 : i32 to index
      %get3A_2033 = tpu.vector_load %arg9[%get3A_2032] {strides = array<i32>} : memref<1920xf32, #tpu.memory_space<vmem>>, vector<16xf32>,
      %get3A_2034 = vector.shape_cast %get3A_2033 : vector<16xf32> to vector<16xf32>
      %add3A_2035 = arith.constant 6 : i32
      %add3A_2036 = arith.addi %add3A_1690, %add3A_2035 : i32
      %swap3A_2037 = arith.index_cast %add3A_2036 : i32 to index
      %swap3A_2038 = arith.constant 48 : index
      %swap3A_2039 = tpu.vector_load %arg13[%swap3A_2037, %swap3A_2038] {strides = array<i32>} : memref<512x64xf32, #tpu.memory_space<vmem>>, vector<1x16xf32>,
      %swap3A_2040 = vector.shape_cast %swap3A_2039 : vector<1x16xf32> to vector<16xf32>
      %swap3A_2041 = vector.shape_cast %get3A_2034 : vector<16xf32> to vector<1x16xf32>
      tpu.vector_store %arg13[%swap3A_2037, %swap3A_2038], %swap3A_2041 {strides = array<i32>} : memref<512x64xf32, #tpu.memory_space<vmem>>, vector<1x16xf32>,
      %slice3A_2042 = vector.extract_strided_slice %get3A_1693 {offsets = [7], sizes = [1], strides = [1]} : vector<16xi32> to vector<1xi32>
      %squeeze3A_2043 = vector.extract %slice3A_2042[0] : i32 from vector<1xi32>
      %add3A_2044 = arith.constant 0 : i32
      %add3A_2045 = arith.addi %squeeze3A_2043, %add3A_2044 : i32
      %get3A_2046 = arith.index_cast %add3A_2045 : i32 to index
      %get3A_2047 = tpu.vector_load %arg9[%get3A_2046] {strides = array<i32>} : memref<1920xf32, #tpu.memory_space<vmem>>, vector<16xf32>,
      %get3A_2048 = vector.shape_cast %get3A_2047 : vector<16xf32> to vector<16xf32>
      %add3A_2049 = arith.constant 7 : i32
      %add3A_2050 = arith.addi %add3A_1690, %add3A_2049 : i32
      %swap3A_2051 = arith.index_cast %add3A_2050 : i32 to index
      %swap3A_2052 = arith.constant 0 : index
      %swap3A_2053 = tpu.vector_load %arg13[%swap3A_2051, %swap3A_2052] {strides = array<i32>} : memref<512x64xf32, #tpu.memory_space<vmem>>, vector<1x16xf32>,
      %swap3A_2054 = vector.shape_cast %swap3A_2053 : vector<1x16xf32> to vector<16xf32>
      %swap3A_2055 = vector.shape_cast %get3A_2048 : vector<16xf32> to vector<1x16xf32>
      tpu.vector_store %arg13[%swap3A_2051, %swap3A_2052], %swap3A_2055 {strides = array<i32>} : memref<512x64xf32, #tpu.memory_space<vmem>>, vector<1x16xf32>,
      %add3A_2056 = arith.constant 16 : i32
      %add3A_2057 = arith.addi %squeeze3A_2043, %add3A_2056 : i32
      %get3A_2058 = arith.index_cast %add3A_2057 : i32 to index
      %get3A_2059 = tpu.vector_load %arg9[%get3A_2058] {strides = array<i32>} : memref<1920xf32, #tpu.memory_space<vmem>>, vector<16xf32>,
      %get3A_2060 = vector.shape_cast %get3A_2059 : vector<16xf32> to vector<16xf32>
      %add3A_2061 = arith.constant 7 : i32
      %add3A_2062 = arith.addi %add3A_1690, %add3A_2061 : i32
      %swap3A_2063 = arith.index_cast %add3A_2062 : i32 to index
      %swap3A_2064 = arith.constant 16 : index
      %swap3A_2065 = tpu.vector_load %arg13[%swap3A_2063, %swap3A_2064] {strides = array<i32>} : memref<512x64xf32, #tpu.memory_space<vmem>>, vector<1x16xf32>,
      %swap3A_2066 = vector.shape_cast %swap3A_2065 : vector<1x16xf32> to vector<16xf32>
      %swap3A_2067 = vector.shape_cast %get3A_2060 : vector<16xf32> to vector<1x16xf32>
      tpu.vector_store %arg13[%swap3A_2063, %swap3A_2064], %swap3A_2067 {strides = array<i32>} : memref<512x64xf32, #tpu.memory_space<vmem>>, vector<1x16xf32>,
      %add3A_2068 = arith.constant 32 : i32
      %add3A_2069 = arith.addi %squeeze3A_2043, %add3A_2068 : i32
      %get3A_2070 = arith.index_cast %add3A_2069 : i32 to index
      %get3A_2071 = tpu.vector_load %arg9[%get3A_2070] {strides = array<i32>} : memref<1920xf32, #tpu.memory_space<vmem>>, vector<16xf32>,
      %get3A_2072 = vector.shape_cast %get3A_2071 : vector<16xf32> to vector<16xf32>
      %add3A_2073 = arith.constant 7 : i32
      %add3A_2074 = arith.addi %add3A_1690, %add3A_2073 : i32
      %swap3A_2075 = arith.index_cast %add3A_2074 : i32 to index
      %swap3A_2076 = arith.constant 32 : index
      %swap3A_2077 = tpu.vector_load %arg13[%swap3A_2075, %swap3A_2076] {strides = array<i32>} : memref<512x64xf32, #tpu.memory_space<vmem>>, vector<1x16xf32>,
      %swap3A_2078 = vector.shape_cast %swap3A_2077 : vector<1x16xf32> to vector<16xf32>
      %swap3A_2079 = vector.shape_cast %get3A_2072 : vector<16xf32> to vector<1x16xf32>
      tpu.vector_store %arg13[%swap3A_2075, %swap3A_2076], %swap3A_2079 {strides = array<i32>} : memref<512x64xf32, #tpu.memory_space<vmem>>, vector<1x16xf32>,
      %add3A_2080 = arith.constant 48 : i32
      %add3A_2081 = arith.addi %squeeze3A_2043, %add3A_2080 : i32
      %get3A_2082 = arith.index_cast %add3A_2081 : i32 to index
      %get3A_2083 = tpu.vector_load %arg9[%get3A_2082] {strides = array<i32>} : memref<1920xf32, #tpu.memory_space<vmem>>, vector<16xf32>,
      %get3A_2084 = vector.shape_cast %get3A_2083 : vector<16xf32> to vector<16xf32>
      %add3A_2085 = arith.constant 7 : i32
      %add3A_2086 = arith.addi %add3A_1690, %add3A_2085 : i32
      %swap3A_2087 = arith.index_cast %add3A_2086 : i32 to index
      %swap3A_2088 = arith.constant 48 : index
      %swap3A_2089 = tpu.vector_load %arg13[%swap3A_2087, %swap3A_2088] {strides = array<i32>} : memref<512x64xf32, #tpu.memory_space<vmem>>, vector<1x16xf32>,
      %swap3A_2090 = vector.shape_cast %swap3A_2089 : vector<1x16xf32> to vector<16xf32>
      %swap3A_2091 = vector.shape_cast %get3A_2084 : vector<16xf32> to vector<1x16xf32>
      tpu.vector_store %arg13[%swap3A_2087, %swap3A_2088], %swap3A_2091 {strides = array<i32>} : memref<512x64xf32, #tpu.memory_space<vmem>>, vector<1x16xf32>,
      %slice3A_2092 = vector.extract_strided_slice %get3A_1693 {offsets = [8], sizes = [1], strides = [1]} : vector<16xi32> to vector<1xi32>
      %squeeze3A_2093 = vector.extract %slice3A_2092[0] : i32 from vector<1xi32>
      %add3A_2094 = arith.constant 0 : i32
      %add3A_2095 = arith.addi %squeeze3A_2093, %add3A_2094 : i32
      %get3A_2096 = arith.index_cast %add3A_2095 : i32 to index
      %get3A_2097 = tpu.vector_load %arg9[%get3A_2096] {strides = array<i32>} : memref<1920xf32, #tpu.memory_space<vmem>>, vector<16xf32>,
      %get3A_2098 = vector.shape_cast %get3A_2097 : vector<16xf32> to vector<16xf32>
      %add3A_2099 = arith.constant 8 : i32
      %add3A_2100 = arith.addi %add3A_1690, %add3A_2099 : i32
      %swap3A_2101 = arith.index_cast %add3A_2100 : i32 to index
      %swap3A_2102 = arith.constant 0 : index
      %swap3A_2103 = tpu.vector_load %arg13[%swap3A_2101, %swap3A_2102] {strides = array<i32>} : memref<512x64xf32, #tpu.memory_space<vmem>>, vector<1x16xf32>,
      %swap3A_2104 = vector.shape_cast %swap3A_2103 : vector<1x16xf32> to vector<16xf32>
      %swap3A_2105 = vector.shape_cast %get3A_2098 : vector<16xf32> to vector<1x16xf32>
      tpu.vector_store %arg13[%swap3A_2101, %swap3A_2102], %swap3A_2105 {strides = array<i32>} : memref<512x64xf32, #tpu.memory_space<vmem>>, vector<1x16xf32>,
      %add3A_2106 = arith.constant 16 : i32
      %add3A_2107 = arith.addi %squeeze3A_2093, %add3A_2106 : i32
      %get3A_2108 = arith.index_cast %add3A_2107 : i32 to index
      %get3A_2109 = tpu.vector_load %arg9[%get3A_2108] {strides = array<i32>} : memref<1920xf32, #tpu.memory_space<vmem>>, vector<16xf32>,
      %get3A_2110 = vector.shape_cast %get3A_2109 : vector<16xf32> to vector<16xf32>
      %add3A_2111 = arith.constant 8 : i32
      %add3A_2112 = arith.addi %add3A_1690, %add3A_2111 : i32
      %swap3A_2113 = arith.index_cast %add3A_2112 : i32 to index
      %swap3A_2114 = arith.constant 16 : index
      %swap3A_2115 = tpu.vector_load %arg13[%swap3A_2113, %swap3A_2114] {strides = array<i32>} : memref<512x64xf32, #tpu.memory_space<vmem>>, vector<1x16xf32>,
      %swap3A_2116 = vector.shape_cast %swap3A_2115 : vector<1x16xf32> to vector<16xf32>
      %swap3A_2117 = vector.shape_cast %get3A_2110 : vector<16xf32> to vector<1x16xf32>
      tpu.vector_store %arg13[%swap3A_2113, %swap3A_2114], %swap3A_2117 {strides = array<i32>} : memref<512x64xf32, #tpu.memory_space<vmem>>, vector<1x16xf32>,
      %add3A_2118 = arith.constant 32 : i32
      %add3A_2119 = arith.addi %squeeze3A_2093, %add3A_2118 : i32
      %get3A_2120 = arith.index_cast %add3A_2119 : i32 to index
      %get3A_2121 = tpu.vector_load %arg9[%get3A_2120] {strides = array<i32>} : memref<1920xf32, #tpu.memory_space<vmem>>, vector<16xf32>,
      %get3A_2122 = vector.shape_cast %get3A_2121 : vector<16xf32> to vector<16xf32>
      %add3A_2123 = arith.constant 8 : i32
      %add3A_2124 = arith.addi %add3A_1690, %add3A_2123 : i32
      %swap3A_2125 = arith.index_cast %add3A_2124 : i32 to index
      %swap3A_2126 = arith.constant 32 : index
      %swap3A_2127 = tpu.vector_load %arg13[%swap3A_2125, %swap3A_2126] {strides = array<i32>} : memref<512x64xf32, #tpu.memory_space<vmem>>, vector<1x16xf32>,
      %swap3A_2128 = vector.shape_cast %swap3A_2127 : vector<1x16xf32> to vector<16xf32>
      %swap3A_2129 = vector.shape_cast %get3A_2122 : vector<16xf32> to vector<1x16xf32>
      tpu.vector_store %arg13[%swap3A_2125, %swap3A_2126], %swap3A_2129 {strides = array<i32>} : memref<512x64xf32, #tpu.memory_space<vmem>>, vector<1x16xf32>,
      %add3A_2130 = arith.constant 48 : i32
      %add3A_2131 = arith.addi %squeeze3A_2093, %add3A_2130 : i32
      %get3A_2132 = arith.index_cast %add3A_2131 : i32 to index
      %get3A_2133 = tpu.vector_load %arg9[%get3A_2132] {strides = array<i32>} : memref<1920xf32, #tpu.memory_space<vmem>>, vector<16xf32>,
      %get3A_2134 = vector.shape_cast %get3A_2133 : vector<16xf32> to vector<16xf32>
      %add3A_2135 = arith.constant 8 : i32
      %add3A_2136 = arith.addi %add3A_1690, %add3A_2135 : i32
      %swap3A_2137 = arith.index_cast %add3A_2136 : i32 to index
      %swap3A_2138 = arith.constant 48 : index
      %swap3A_2139 = tpu.vector_load %arg13[%swap3A_2137, %swap3A_2138] {strides = array<i32>} : memref<512x64xf32, #tpu.memory_space<vmem>>, vector<1x16xf32>,
      %swap3A_2140 = vector.shape_cast %swap3A_2139 : vector<1x16xf32> to vector<16xf32>
      %swap3A_2141 = vector.shape_cast %get3A_2134 : vector<16xf32> to vector<1x16xf32>
      tpu.vector_store %arg13[%swap3A_2137, %swap3A_2138], %swap3A_2141 {strides = array<i32>} : memref<512x64xf32, #tpu.memory_space<vmem>>, vector<1x16xf32>,
      %slice3A_2142 = vector.extract_strided_slice %get3A_1693 {offsets = [9], sizes = [1], strides = [1]} : vector<16xi32> to vector<1xi32>
      %squeeze3A_2143 = vector.extract %slice3A_2142[0] : i32 from vector<1xi32>
      %add3A_2144 = arith.constant 0 : i32
      %add3A_2145 = arith.addi %squeeze3A_2143, %add3A_2144 : i32
      %get3A_2146 = arith.index_cast %add3A_2145 : i32 to index
      %get3A_2147 = tpu.vector_load %arg9[%get3A_2146] {strides = array<i32>} : memref<1920xf32, #tpu.memory_space<vmem>>, vector<16xf32>,
      %get3A_2148 = vector.shape_cast %get3A_2147 : vector<16xf32> to vector<16xf32>
      %add3A_2149 = arith.constant 9 : i32
      %add3A_2150 = arith.addi %add3A_1690, %add3A_2149 : i32
      %swap3A_2151 = arith.index_cast %add3A_2150 : i32 to index
      %swap3A_2152 = arith.constant 0 : index
      %swap3A_2153 = tpu.vector_load %arg13[%swap3A_2151, %swap3A_2152] {strides = array<i32>} : memref<512x64xf32, #tpu.memory_space<vmem>>, vector<1x16xf32>,
      %swap3A_2154 = vector.shape_cast %swap3A_2153 : vector<1x16xf32> to vector<16xf32>
      %swap3A_2155 = vector.shape_cast %get3A_2148 : vector<16xf32> to vector<1x16xf32>
      tpu.vector_store %arg13[%swap3A_2151, %swap3A_2152], %swap3A_2155 {strides = array<i32>} : memref<512x64xf32, #tpu.memory_space<vmem>>, vector<1x16xf32>,
      %add3A_2156 = arith.constant 16 : i32
      %add3A_2157 = arith.addi %squeeze3A_2143, %add3A_2156 : i32
      %get3A_2158 = arith.index_cast %add3A_2157 : i32 to index
      %get3A_2159 = tpu.vector_load %arg9[%get3A_2158] {strides = array<i32>} : memref<1920xf32, #tpu.memory_space<vmem>>, vector<16xf32>,
      %get3A_2160 = vector.shape_cast %get3A_2159 : vector<16xf32> to vector<16xf32>
      %add3A_2161 = arith.constant 9 : i32
      %add3A_2162 = arith.addi %add3A_1690, %add3A_2161 : i32
      %swap3A_2163 = arith.index_cast %add3A_2162 : i32 to index
      %swap3A_2164 = arith.constant 16 : index
      %swap3A_2165 = tpu.vector_load %arg13[%swap3A_2163, %swap3A_2164] {strides = array<i32>} : memref<512x64xf32, #tpu.memory_space<vmem>>, vector<1x16xf32>,
      %swap3A_2166 = vector.shape_cast %swap3A_2165 : vector<1x16xf32> to vector<16xf32>
      %swap3A_2167 = vector.shape_cast %get3A_2160 : vector<16xf32> to vector<1x16xf32>
      tpu.vector_store %arg13[%swap3A_2163, %swap3A_2164], %swap3A_2167 {strides = array<i32>} : memref<512x64xf32, #tpu.memory_space<vmem>>, vector<1x16xf32>,
      %add3A_2168 = arith.constant 32 : i32
      %add3A_2169 = arith.addi %squeeze3A_2143, %add3A_2168 : i32
      %get3A_2170 = arith.index_cast %add3A_2169 : i32 to index
      %get3A_2171 = tpu.vector_load %arg9[%get3A_2170] {strides = array<i32>} : memref<1920xf32, #tpu.memory_space<vmem>>, vector<16xf32>,
      %get3A_2172 = vector.shape_cast %get3A_2171 : vector<16xf32> to vector<16xf32>
      %add3A_2173 = arith.constant 9 : i32
      %add3A_2174 = arith.addi %add3A_1690, %add3A_2173 : i32
      %swap3A_2175 = arith.index_cast %add3A_2174 : i32 to index
      %swap3A_2176 = arith.constant 32 : index
      %swap3A_2177 = tpu.vector_load %arg13[%swap3A_2175, %swap3A_2176] {strides = array<i32>} : memref<512x64xf32, #tpu.memory_space<vmem>>, vector<1x16xf32>,
      %swap3A_2178 = vector.shape_cast %swap3A_2177 : vector<1x16xf32> to vector<16xf32>
      %swap3A_2179 = vector.shape_cast %get3A_2172 : vector<16xf32> to vector<1x16xf32>
      tpu.vector_store %arg13[%swap3A_2175, %swap3A_2176], %swap3A_2179 {strides = array<i32>} : memref<512x64xf32, #tpu.memory_space<vmem>>, vector<1x16xf32>,
      %add3A_2180 = arith.constant 48 : i32
      %add3A_2181 = arith.addi %squeeze3A_2143, %add3A_2180 : i32
      %get3A_2182 = arith.index_cast %add3A_2181 : i32 to index
      %get3A_2183 = tpu.vector_load %arg9[%get3A_2182] {strides = array<i32>} : memref<1920xf32, #tpu.memory_space<vmem>>, vector<16xf32>,
      %get3A_2184 = vector.shape_cast %get3A_2183 : vector<16xf32> to vector<16xf32>
      %add3A_2185 = arith.constant 9 : i32
      %add3A_2186 = arith.addi %add3A_1690, %add3A_2185 : i32
      %swap3A_2187 = arith.index_cast %add3A_2186 : i32 to index
      %swap3A_2188 = arith.constant 48 : index
      %swap3A_2189 = tpu.vector_load %arg13[%swap3A_2187, %swap3A_2188] {strides = array<i32>} : memref<512x64xf32, #tpu.memory_space<vmem>>, vector<1x16xf32>,
      %swap3A_2190 = vector.shape_cast %swap3A_2189 : vector<1x16xf32> to vector<16xf32>
      %swap3A_2191 = vector.shape_cast %get3A_2184 : vector<16xf32> to vector<1x16xf32>
      tpu.vector_store %arg13[%swap3A_2187, %swap3A_2188], %swap3A_2191 {strides = array<i32>} : memref<512x64xf32, #tpu.memory_space<vmem>>, vector<1x16xf32>,
      %slice3A_2192 = vector.extract_strided_slice %get3A_1693 {offsets = [10], sizes = [1], strides = [1]} : vector<16xi32> to vector<1xi32>
      %squeeze3A_2193 = vector.extract %slice3A_2192[0] : i32 from vector<1xi32>
      %add3A_2194 = arith.constant 0 : i32
      %add3A_2195 = arith.addi %squeeze3A_2193, %add3A_2194 : i32
      %get3A_2196 = arith.index_cast %add3A_2195 : i32 to index
      %get3A_2197 = tpu.vector_load %arg9[%get3A_2196] {strides = array<i32>} : memref<1920xf32, #tpu.memory_space<vmem>>, vector<16xf32>,
      %get3A_2198 = vector.shape_cast %get3A_2197 : vector<16xf32> to vector<16xf32>
      %add3A_2199 = arith.constant 10 : i32
      %add3A_2200 = arith.addi %add3A_1690, %add3A_2199 : i32
      %swap3A_2201 = arith.index_cast %add3A_2200 : i32 to index
      %swap3A_2202 = arith.constant 0 : index
      %swap3A_2203 = tpu.vector_load %arg13[%swap3A_2201, %swap3A_2202] {strides = array<i32>} : memref<512x64xf32, #tpu.memory_space<vmem>>, vector<1x16xf32>,
      %swap3A_2204 = vector.shape_cast %swap3A_2203 : vector<1x16xf32> to vector<16xf32>
      %swap3A_2205 = vector.shape_cast %get3A_2198 : vector<16xf32> to vector<1x16xf32>
      tpu.vector_store %arg13[%swap3A_2201, %swap3A_2202], %swap3A_2205 {strides = array<i32>} : memref<512x64xf32, #tpu.memory_space<vmem>>, vector<1x16xf32>,
      %add3A_2206 = arith.constant 16 : i32
      %add3A_2207 = arith.addi %squeeze3A_2193, %add3A_2206 : i32
      %get3A_2208 = arith.index_cast %add3A_2207 : i32 to index
      %get3A_2209 = tpu.vector_load %arg9[%get3A_2208] {strides = array<i32>} : memref<1920xf32, #tpu.memory_space<vmem>>, vector<16xf32>,
      %get3A_2210 = vector.shape_cast %get3A_2209 : vector<16xf32> to vector<16xf32>
      %add3A_2211 = arith.constant 10 : i32
      %add3A_2212 = arith.addi %add3A_1690, %add3A_2211 : i32
      %swap3A_2213 = arith.index_cast %add3A_2212 : i32 to index
      %swap3A_2214 = arith.constant 16 : index
      %swap3A_2215 = tpu.vector_load %arg13[%swap3A_2213, %swap3A_2214] {strides = array<i32>} : memref<512x64xf32, #tpu.memory_space<vmem>>, vector<1x16xf32>,
      %swap3A_2216 = vector.shape_cast %swap3A_2215 : vector<1x16xf32> to vector<16xf32>
      %swap3A_2217 = vector.shape_cast %get3A_2210 : vector<16xf32> to vector<1x16xf32>
      tpu.vector_store %arg13[%swap3A_2213, %swap3A_2214], %swap3A_2217 {strides = array<i32>} : memref<512x64xf32, #tpu.memory_space<vmem>>, vector<1x16xf32>,
      %add3A_2218 = arith.constant 32 : i32
      %add3A_2219 = arith.addi %squeeze3A_2193, %add3A_2218 : i32
      %get3A_2220 = arith.index_cast %add3A_2219 : i32 to index
      %get3A_2221 = tpu.vector_load %arg9[%get3A_2220] {strides = array<i32>} : memref<1920xf32, #tpu.memory_space<vmem>>, vector<16xf32>,
      %get3A_2222 = vector.shape_cast %get3A_2221 : vector<16xf32> to vector<16xf32>
      %add3A_2223 = arith.constant 10 : i32
      %add3A_2224 = arith.addi %add3A_1690, %add3A_2223 : i32
      %swap3A_2225 = arith.index_cast %add3A_2224 : i32 to index
      %swap3A_2226 = arith.constant 32 : index
      %swap3A_2227 = tpu.vector_load %arg13[%swap3A_2225, %swap3A_2226] {strides = array<i32>} : memref<512x64xf32, #tpu.memory_space<vmem>>, vector<1x16xf32>,
      %swap3A_2228 = vector.shape_cast %swap3A_2227 : vector<1x16xf32> to vector<16xf32>
      %swap3A_2229 = vector.shape_cast %get3A_2222 : vector<16xf32> to vector<1x16xf32>
      tpu.vector_store %arg13[%swap3A_2225, %swap3A_2226], %swap3A_2229 {strides = array<i32>} : memref<512x64xf32, #tpu.memory_space<vmem>>, vector<1x16xf32>,
      %add3A_2230 = arith.constant 48 : i32
      %add3A_2231 = arith.addi %squeeze3A_2193, %add3A_2230 : i32
      %get3A_2232 = arith.index_cast %add3A_2231 : i32 to index
      %get3A_2233 = tpu.vector_load %arg9[%get3A_2232] {strides = array<i32>} : memref<1920xf32, #tpu.memory_space<vmem>>, vector<16xf32>,
      %get3A_2234 = vector.shape_cast %get3A_2233 : vector<16xf32> to vector<16xf32>
      %add3A_2235 = arith.constant 10 : i32
      %add3A_2236 = arith.addi %add3A_1690, %add3A_2235 : i32
      %swap3A_2237 = arith.index_cast %add3A_2236 : i32 to index
      %swap3A_2238 = arith.constant 48 : index
      %swap3A_2239 = tpu.vector_load %arg13[%swap3A_2237, %swap3A_2238] {strides = array<i32>} : memref<512x64xf32, #tpu.memory_space<vmem>>, vector<1x16xf32>,
      %swap3A_2240 = vector.shape_cast %swap3A_2239 : vector<1x16xf32> to vector<16xf32>
      %swap3A_2241 = vector.shape_cast %get3A_2234 : vector<16xf32> to vector<1x16xf32>
      tpu.vector_store %arg13[%swap3A_2237, %swap3A_2238], %swap3A_2241 {strides = array<i32>} : memref<512x64xf32, #tpu.memory_space<vmem>>, vector<1x16xf32>,
      %slice3A_2242 = vector.extract_strided_slice %get3A_1693 {offsets = [11], sizes = [1], strides = [1]} : vector<16xi32> to vector<1xi32>
      %squeeze3A_2243 = vector.extract %slice3A_2242[0] : i32 from vector<1xi32>
      %add3A_2244 = arith.constant 0 : i32
      %add3A_2245 = arith.addi %squeeze3A_2243, %add3A_2244 : i32
      %get3A_2246 = arith.index_cast %add3A_2245 : i32 to index
      %get3A_2247 = tpu.vector_load %arg9[%get3A_2246] {strides = array<i32>} : memref<1920xf32, #tpu.memory_space<vmem>>, vector<16xf32>,
      %get3A_2248 = vector.shape_cast %get3A_2247 : vector<16xf32> to vector<16xf32>
      %add3A_2249 = arith.constant 11 : i32
      %add3A_2250 = arith.addi %add3A_1690, %add3A_2249 : i32
      %swap3A_2251 = arith.index_cast %add3A_2250 : i32 to index
      %swap3A_2252 = arith.constant 0 : index
      %swap3A_2253 = tpu.vector_load %arg13[%swap3A_2251, %swap3A_2252] {strides = array<i32>} : memref<512x64xf32, #tpu.memory_space<vmem>>, vector<1x16xf32>,
      %swap3A_2254 = vector.shape_cast %swap3A_2253 : vector<1x16xf32> to vector<16xf32>
      %swap3A_2255 = vector.shape_cast %get3A_2248 : vector<16xf32> to vector<1x16xf32>
      tpu.vector_store %arg13[%swap3A_2251, %swap3A_2252], %swap3A_2255 {strides = array<i32>} : memref<512x64xf32, #tpu.memory_space<vmem>>, vector<1x16xf32>,
      %add3A_2256 = arith.constant 16 : i32
      %add3A_2257 = arith.addi %squeeze3A_2243, %add3A_2256 : i32
      %get3A_2258 = arith.index_cast %add3A_2257 : i32 to index
      %get3A_2259 = tpu.vector_load %arg9[%get3A_2258] {strides = array<i32>} : memref<1920xf32, #tpu.memory_space<vmem>>, vector<16xf32>,
      %get3A_2260 = vector.shape_cast %get3A_2259 : vector<16xf32> to vector<16xf32>
      %add3A_2261 = arith.constant 11 : i32
      %add3A_2262 = arith.addi %add3A_1690, %add3A_2261 : i32
      %swap3A_2263 = arith.index_cast %add3A_2262 : i32 to index
      %swap3A_2264 = arith.constant 16 : index
      %swap3A_2265 = tpu.vector_load %arg13[%swap3A_2263, %swap3A_2264] {strides = array<i32>} : memref<512x64xf32, #tpu.memory_space<vmem>>, vector<1x16xf32>,
      %swap3A_2266 = vector.shape_cast %swap3A_2265 : vector<1x16xf32> to vector<16xf32>
      %swap3A_2267 = vector.shape_cast %get3A_2260 : vector<16xf32> to vector<1x16xf32>
      tpu.vector_store %arg13[%swap3A_2263, %swap3A_2264], %swap3A_2267 {strides = array<i32>} : memref<512x64xf32, #tpu.memory_space<vmem>>, vector<1x16xf32>,
      %add3A_2268 = arith.constant 32 : i32
      %add3A_2269 = arith.addi %squeeze3A_2243, %add3A_2268 : i32
      %get3A_2270 = arith.index_cast %add3A_2269 : i32 to index
      %get3A_2271 = tpu.vector_load %arg9[%get3A_2270] {strides = array<i32>} : memref<1920xf32, #tpu.memory_space<vmem>>, vector<16xf32>,
      %get3A_2272 = vector.shape_cast %get3A_2271 : vector<16xf32> to vector<16xf32>
      %add3A_2273 = arith.constant 11 : i32
      %add3A_2274 = arith.addi %add3A_1690, %add3A_2273 : i32
      %swap3A_2275 = arith.index_cast %add3A_2274 : i32 to index
      %swap3A_2276 = arith.constant 32 : index
      %swap3A_2277 = tpu.vector_load %arg13[%swap3A_2275, %swap3A_2276] {strides = array<i32>} : memref<512x64xf32, #tpu.memory_space<vmem>>, vector<1x16xf32>,
      %swap3A_2278 = vector.shape_cast %swap3A_2277 : vector<1x16xf32> to vector<16xf32>
      %swap3A_2279 = vector.shape_cast %get3A_2272 : vector<16xf32> to vector<1x16xf32>
      tpu.vector_store %arg13[%swap3A_2275, %swap3A_2276], %swap3A_2279 {strides = array<i32>} : memref<512x64xf32, #tpu.memory_space<vmem>>, vector<1x16xf32>,
      %add3A_2280 = arith.constant 48 : i32
      %add3A_2281 = arith.addi %squeeze3A_2243, %add3A_2280 : i32
      %get3A_2282 = arith.index_cast %add3A_2281 : i32 to index
      %get3A_2283 = tpu.vector_load %arg9[%get3A_2282] {strides = array<i32>} : memref<1920xf32, #tpu.memory_space<vmem>>, vector<16xf32>,
      %get3A_2284 = vector.shape_cast %get3A_2283 : vector<16xf32> to vector<16xf32>
      %add3A_2285 = arith.constant 11 : i32
      %add3A_2286 = arith.addi %add3A_1690, %add3A_2285 : i32
      %swap3A_2287 = arith.index_cast %add3A_2286 : i32 to index
      %swap3A_2288 = arith.constant 48 : index
      %swap3A_2289 = tpu.vector_load %arg13[%swap3A_2287, %swap3A_2288] {strides = array<i32>} : memref<512x64xf32, #tpu.memory_space<vmem>>, vector<1x16xf32>,
      %swap3A_2290 = vector.shape_cast %swap3A_2289 : vector<1x16xf32> to vector<16xf32>
      %swap3A_2291 = vector.shape_cast %get3A_2284 : vector<16xf32> to vector<1x16xf32>
      tpu.vector_store %arg13[%swap3A_2287, %swap3A_2288], %swap3A_2291 {strides = array<i32>} : memref<512x64xf32, #tpu.memory_space<vmem>>, vector<1x16xf32>,
      %slice3A_2292 = vector.extract_strided_slice %get3A_1693 {offsets = [12], sizes = [1], strides = [1]} : vector<16xi32> to vector<1xi32>
      %squeeze3A_2293 = vector.extract %slice3A_2292[0] : i32 from vector<1xi32>
      %add3A_2294 = arith.constant 0 : i32
      %add3A_2295 = arith.addi %squeeze3A_2293, %add3A_2294 : i32
      %get3A_2296 = arith.index_cast %add3A_2295 : i32 to index
      %get3A_2297 = tpu.vector_load %arg9[%get3A_2296] {strides = array<i32>} : memref<1920xf32, #tpu.memory_space<vmem>>, vector<16xf32>,
      %get3A_2298 = vector.shape_cast %get3A_2297 : vector<16xf32> to vector<16xf32>
      %add3A_2299 = arith.constant 12 : i32
      %add3A_2300 = arith.addi %add3A_1690, %add3A_2299 : i32
      %swap3A_2301 = arith.index_cast %add3A_2300 : i32 to index
      %swap3A_2302 = arith.constant 0 : index
      %swap3A_2303 = tpu.vector_load %arg13[%swap3A_2301, %swap3A_2302] {strides = array<i32>} : memref<512x64xf32, #tpu.memory_space<vmem>>, vector<1x16xf32>,
      %swap3A_2304 = vector.shape_cast %swap3A_2303 : vector<1x16xf32> to vector<16xf32>
      %swap3A_2305 = vector.shape_cast %get3A_2298 : vector<16xf32> to vector<1x16xf32>
      tpu.vector_store %arg13[%swap3A_2301, %swap3A_2302], %swap3A_2305 {strides = array<i32>} : memref<512x64xf32, #tpu.memory_space<vmem>>, vector<1x16xf32>,
      %add3A_2306 = arith.constant 16 : i32
      %add3A_2307 = arith.addi %squeeze3A_2293, %add3A_2306 : i32
      %get3A_2308 = arith.index_cast %add3A_2307 : i32 to index
      %get3A_2309 = tpu.vector_load %arg9[%get3A_2308] {strides = array<i32>} : memref<1920xf32, #tpu.memory_space<vmem>>, vector<16xf32>,
      %get3A_2310 = vector.shape_cast %get3A_2309 : vector<16xf32> to vector<16xf32>
      %add3A_2311 = arith.constant 12 : i32
      %add3A_2312 = arith.addi %add3A_1690, %add3A_2311 : i32
      %swap3A_2313 = arith.index_cast %add3A_2312 : i32 to index
      %swap3A_2314 = arith.constant 16 : index
      %swap3A_2315 = tpu.vector_load %arg13[%swap3A_2313, %swap3A_2314] {strides = array<i32>} : memref<512x64xf32, #tpu.memory_space<vmem>>, vector<1x16xf32>,
      %swap3A_2316 = vector.shape_cast %swap3A_2315 : vector<1x16xf32> to vector<16xf32>
      %swap3A_2317 = vector.shape_cast %get3A_2310 : vector<16xf32> to vector<1x16xf32>
      tpu.vector_store %arg13[%swap3A_2313, %swap3A_2314], %swap3A_2317 {strides = array<i32>} : memref<512x64xf32, #tpu.memory_space<vmem>>, vector<1x16xf32>,
      %add3A_2318 = arith.constant 32 : i32
      %add3A_2319 = arith.addi %squeeze3A_2293, %add3A_2318 : i32
      %get3A_2320 = arith.index_cast %add3A_2319 : i32 to index
      %get3A_2321 = tpu.vector_load %arg9[%get3A_2320] {strides = array<i32>} : memref<1920xf32, #tpu.memory_space<vmem>>, vector<16xf32>,
      %get3A_2322 = vector.shape_cast %get3A_2321 : vector<16xf32> to vector<16xf32>
      %add3A_2323 = arith.constant 12 : i32
      %add3A_2324 = arith.addi %add3A_1690, %add3A_2323 : i32
      %swap3A_2325 = arith.index_cast %add3A_2324 : i32 to index
      %swap3A_2326 = arith.constant 32 : index
      %swap3A_2327 = tpu.vector_load %arg13[%swap3A_2325, %swap3A_2326] {strides = array<i32>} : memref<512x64xf32, #tpu.memory_space<vmem>>, vector<1x16xf32>,
      %swap3A_2328 = vector.shape_cast %swap3A_2327 : vector<1x16xf32> to vector<16xf32>
      %swap3A_2329 = vector.shape_cast %get3A_2322 : vector<16xf32> to vector<1x16xf32>
      tpu.vector_store %arg13[%swap3A_2325, %swap3A_2326], %swap3A_2329 {strides = array<i32>} : memref<512x64xf32, #tpu.memory_space<vmem>>, vector<1x16xf32>,
      %add3A_2330 = arith.constant 48 : i32
      %add3A_2331 = arith.addi %squeeze3A_2293, %add3A_2330 : i32
      %get3A_2332 = arith.index_cast %add3A_2331 : i32 to index
      %get3A_2333 = tpu.vector_load %arg9[%get3A_2332] {strides = array<i32>} : memref<1920xf32, #tpu.memory_space<vmem>>, vector<16xf32>,
      %get3A_2334 = vector.shape_cast %get3A_2333 : vector<16xf32> to vector<16xf32>
      %add3A_2335 = arith.constant 12 : i32
      %add3A_2336 = arith.addi %add3A_1690, %add3A_2335 : i32
      %swap3A_2337 = arith.index_cast %add3A_2336 : i32 to index
      %swap3A_2338 = arith.constant 48 : index
      %swap3A_2339 = tpu.vector_load %arg13[%swap3A_2337, %swap3A_2338] {strides = array<i32>} : memref<512x64xf32, #tpu.memory_space<vmem>>, vector<1x16xf32>,
      %swap3A_2340 = vector.shape_cast %swap3A_2339 : vector<1x16xf32> to vector<16xf32>
      %swap3A_2341 = vector.shape_cast %get3A_2334 : vector<16xf32> to vector<1x16xf32>
      tpu.vector_store %arg13[%swap3A_2337, %swap3A_2338], %swap3A_2341 {strides = array<i32>} : memref<512x64xf32, #tpu.memory_space<vmem>>, vector<1x16xf32>,
      %slice3A_2342 = vector.extract_strided_slice %get3A_1693 {offsets = [13], sizes = [1], strides = [1]} : vector<16xi32> to vector<1xi32>
      %squeeze3A_2343 = vector.extract %slice3A_2342[0] : i32 from vector<1xi32>
      %add3A_2344 = arith.constant 0 : i32
      %add3A_2345 = arith.addi %squeeze3A_2343, %add3A_2344 : i32
      %get3A_2346 = arith.index_cast %add3A_2345 : i32 to index
      %get3A_2347 = tpu.vector_load %arg9[%get3A_2346] {strides = array<i32>} : memref<1920xf32, #tpu.memory_space<vmem>>, vector<16xf32>,
      %get3A_2348 = vector.shape_cast %get3A_2347 : vector<16xf32> to vector<16xf32>
      %add3A_2349 = arith.constant 13 : i32
      %add3A_2350 = arith.addi %add3A_1690, %add3A_2349 : i32
      %swap3A_2351 = arith.index_cast %add3A_2350 : i32 to index
      %swap3A_2352 = arith.constant 0 : index
      %swap3A_2353 = tpu.vector_load %arg13[%swap3A_2351, %swap3A_2352] {strides = array<i32>} : memref<512x64xf32, #tpu.memory_space<vmem>>, vector<1x16xf32>,
      %swap3A_2354 = vector.shape_cast %swap3A_2353 : vector<1x16xf32> to vector<16xf32>
      %swap3A_2355 = vector.shape_cast %get3A_2348 : vector<16xf32> to vector<1x16xf32>
      tpu.vector_store %arg13[%swap3A_2351, %swap3A_2352], %swap3A_2355 {strides = array<i32>} : memref<512x64xf32, #tpu.memory_space<vmem>>, vector<1x16xf32>,
      %add3A_2356 = arith.constant 16 : i32
      %add3A_2357 = arith.addi %squeeze3A_2343, %add3A_2356 : i32
      %get3A_2358 = arith.index_cast %add3A_2357 : i32 to index
      %get3A_2359 = tpu.vector_load %arg9[%get3A_2358] {strides = array<i32>} : memref<1920xf32, #tpu.memory_space<vmem>>, vector<16xf32>,
      %get3A_2360 = vector.shape_cast %get3A_2359 : vector<16xf32> to vector<16xf32>
      %add3A_2361 = arith.constant 13 : i32
      %add3A_2362 = arith.addi %add3A_1690, %add3A_2361 : i32
      %swap3A_2363 = arith.index_cast %add3A_2362 : i32 to index
      %swap3A_2364 = arith.constant 16 : index
      %swap3A_2365 = tpu.vector_load %arg13[%swap3A_2363, %swap3A_2364] {strides = array<i32>} : memref<512x64xf32, #tpu.memory_space<vmem>>, vector<1x16xf32>,
      %swap3A_2366 = vector.shape_cast %swap3A_2365 : vector<1x16xf32> to vector<16xf32>
      %swap3A_2367 = vector.shape_cast %get3A_2360 : vector<16xf32> to vector<1x16xf32>
      tpu.vector_store %arg13[%swap3A_2363, %swap3A_2364], %swap3A_2367 {strides = array<i32>} : memref<512x64xf32, #tpu.memory_space<vmem>>, vector<1x16xf32>,
      %add3A_2368 = arith.constant 32 : i32
      %add3A_2369 = arith.addi %squeeze3A_2343, %add3A_2368 : i32
      %get3A_2370 = arith.index_cast %add3A_2369 : i32 to index
      %get3A_2371 = tpu.vector_load %arg9[%get3A_2370] {strides = array<i32>} : memref<1920xf32, #tpu.memory_space<vmem>>, vector<16xf32>,
      %get3A_2372 = vector.shape_cast %get3A_2371 : vector<16xf32> to vector<16xf32>
      %add3A_2373 = arith.constant 13 : i32
      %add3A_2374 = arith.addi %add3A_1690, %add3A_2373 : i32
      %swap3A_2375 = arith.index_cast %add3A_2374 : i32 to index
      %swap3A_2376 = arith.constant 32 : index
      %swap3A_2377 = tpu.vector_load %arg13[%swap3A_2375, %swap3A_2376] {strides = array<i32>} : memref<512x64xf32, #tpu.memory_space<vmem>>, vector<1x16xf32>,
      %swap3A_2378 = vector.shape_cast %swap3A_2377 : vector<1x16xf32> to vector<16xf32>
      %swap3A_2379 = vector.shape_cast %get3A_2372 : vector<16xf32> to vector<1x16xf32>
      tpu.vector_store %arg13[%swap3A_2375, %swap3A_2376], %swap3A_2379 {strides = array<i32>} : memref<512x64xf32, #tpu.memory_space<vmem>>, vector<1x16xf32>,
      %add3A_2380 = arith.constant 48 : i32
      %add3A_2381 = arith.addi %squeeze3A_2343, %add3A_2380 : i32
      %get3A_2382 = arith.index_cast %add3A_2381 : i32 to index
      %get3A_2383 = tpu.vector_load %arg9[%get3A_2382] {strides = array<i32>} : memref<1920xf32, #tpu.memory_space<vmem>>, vector<16xf32>,
      %get3A_2384 = vector.shape_cast %get3A_2383 : vector<16xf32> to vector<16xf32>
      %add3A_2385 = arith.constant 13 : i32
      %add3A_2386 = arith.addi %add3A_1690, %add3A_2385 : i32
      %swap3A_2387 = arith.index_cast %add3A_2386 : i32 to index
      %swap3A_2388 = arith.constant 48 : index
      %swap3A_2389 = tpu.vector_load %arg13[%swap3A_2387, %swap3A_2388] {strides = array<i32>} : memref<512x64xf32, #tpu.memory_space<vmem>>, vector<1x16xf32>,
      %swap3A_2390 = vector.shape_cast %swap3A_2389 : vector<1x16xf32> to vector<16xf32>
      %swap3A_2391 = vector.shape_cast %get3A_2384 : vector<16xf32> to vector<1x16xf32>
      tpu.vector_store %arg13[%swap3A_2387, %swap3A_2388], %swap3A_2391 {strides = array<i32>} : memref<512x64xf32, #tpu.memory_space<vmem>>, vector<1x16xf32>,
      %slice3A_2392 = vector.extract_strided_slice %get3A_1693 {offsets = [14], sizes = [1], strides = [1]} : vector<16xi32> to vector<1xi32>
      %squeeze3A_2393 = vector.extract %slice3A_2392[0] : i32 from vector<1xi32>
      %add3A_2394 = arith.constant 0 : i32
      %add3A_2395 = arith.addi %squeeze3A_2393, %add3A_2394 : i32
      %get3A_2396 = arith.index_cast %add3A_2395 : i32 to index
      %get3A_2397 = tpu.vector_load %arg9[%get3A_2396] {strides = array<i32>} : memref<1920xf32, #tpu.memory_space<vmem>>, vector<16xf32>,
      %get3A_2398 = vector.shape_cast %get3A_2397 : vector<16xf32> to vector<16xf32>
      %add3A_2399 = arith.constant 14 : i32
      %add3A_2400 = arith.addi %add3A_1690, %add3A_2399 : i32
      %swap3A_2401 = arith.index_cast %add3A_2400 : i32 to index
      %swap3A_2402 = arith.constant 0 : index
      %swap3A_2403 = tpu.vector_load %arg13[%swap3A_2401, %swap3A_2402] {strides = array<i32>} : memref<512x64xf32, #tpu.memory_space<vmem>>, vector<1x16xf32>,
      %swap3A_2404 = vector.shape_cast %swap3A_2403 : vector<1x16xf32> to vector<16xf32>
      %swap3A_2405 = vector.shape_cast %get3A_2398 : vector<16xf32> to vector<1x16xf32>
      tpu.vector_store %arg13[%swap3A_2401, %swap3A_2402], %swap3A_2405 {strides = array<i32>} : memref<512x64xf32, #tpu.memory_space<vmem>>, vector<1x16xf32>,
      %add3A_2406 = arith.constant 16 : i32
      %add3A_2407 = arith.addi %squeeze3A_2393, %add3A_2406 : i32
      %get3A_2408 = arith.index_cast %add3A_2407 : i32 to index
      %get3A_2409 = tpu.vector_load %arg9[%get3A_2408] {strides = array<i32>} : memref<1920xf32, #tpu.memory_space<vmem>>, vector<16xf32>,
      %get3A_2410 = vector.shape_cast %get3A_2409 : vector<16xf32> to vector<16xf32>
      %add3A_2411 = arith.constant 14 : i32
      %add3A_2412 = arith.addi %add3A_1690, %add3A_2411 : i32
      %swap3A_2413 = arith.index_cast %add3A_2412 : i32 to index
      %swap3A_2414 = arith.constant 16 : index
      %swap3A_2415 = tpu.vector_load %arg13[%swap3A_2413, %swap3A_2414] {strides = array<i32>} : memref<512x64xf32, #tpu.memory_space<vmem>>, vector<1x16xf32>,
      %swap3A_2416 = vector.shape_cast %swap3A_2415 : vector<1x16xf32> to vector<16xf32>
      %swap3A_2417 = vector.shape_cast %get3A_2410 : vector<16xf32> to vector<1x16xf32>
      tpu.vector_store %arg13[%swap3A_2413, %swap3A_2414], %swap3A_2417 {strides = array<i32>} : memref<512x64xf32, #tpu.memory_space<vmem>>, vector<1x16xf32>,
      %add3A_2418 = arith.constant 32 : i32
      %add3A_2419 = arith.addi %squeeze3A_2393, %add3A_2418 : i32
      %get3A_2420 = arith.index_cast %add3A_2419 : i32 to index
      %get3A_2421 = tpu.vector_load %arg9[%get3A_2420] {strides = array<i32>} : memref<1920xf32, #tpu.memory_space<vmem>>, vector<16xf32>,
      %get3A_2422 = vector.shape_cast %get3A_2421 : vector<16xf32> to vector<16xf32>
      %add3A_2423 = arith.constant 14 : i32
      %add3A_2424 = arith.addi %add3A_1690, %add3A_2423 : i32
      %swap3A_2425 = arith.index_cast %add3A_2424 : i32 to index
      %swap3A_2426 = arith.constant 32 : index
      %swap3A_2427 = tpu.vector_load %arg13[%swap3A_2425, %swap3A_2426] {strides = array<i32>} : memref<512x64xf32, #tpu.memory_space<vmem>>, vector<1x16xf32>,
      %swap3A_2428 = vector.shape_cast %swap3A_2427 : vector<1x16xf32> to vector<16xf32>
      %swap3A_2429 = vector.shape_cast %get3A_2422 : vector<16xf32> to vector<1x16xf32>
      tpu.vector_store %arg13[%swap3A_2425, %swap3A_2426], %swap3A_2429 {strides = array<i32>} : memref<512x64xf32, #tpu.memory_space<vmem>>, vector<1x16xf32>,
      %add3A_2430 = arith.constant 48 : i32
      %add3A_2431 = arith.addi %squeeze3A_2393, %add3A_2430 : i32
      %get3A_2432 = arith.index_cast %add3A_2431 : i32 to index
      %get3A_2433 = tpu.vector_load %arg9[%get3A_2432] {strides = array<i32>} : memref<1920xf32, #tpu.memory_space<vmem>>, vector<16xf32>,
      %get3A_2434 = vector.shape_cast %get3A_2433 : vector<16xf32> to vector<16xf32>
      %add3A_2435 = arith.constant 14 : i32
      %add3A_2436 = arith.addi %add3A_1690, %add3A_2435 : i32
      %swap3A_2437 = arith.index_cast %add3A_2436 : i32 to index
      %swap3A_2438 = arith.constant 48 : index
      %swap3A_2439 = tpu.vector_load %arg13[%swap3A_2437, %swap3A_2438] {strides = array<i32>} : memref<512x64xf32, #tpu.memory_space<vmem>>, vector<1x16xf32>,
      %swap3A_2440 = vector.shape_cast %swap3A_2439 : vector<1x16xf32> to vector<16xf32>
      %swap3A_2441 = vector.shape_cast %get3A_2434 : vector<16xf32> to vector<1x16xf32>
      tpu.vector_store %arg13[%swap3A_2437, %swap3A_2438], %swap3A_2441 {strides = array<i32>} : memref<512x64xf32, #tpu.memory_space<vmem>>, vector<1x16xf32>,
      %slice3A_2442 = vector.extract_strided_slice %get3A_1693 {offsets = [15], sizes = [1], strides = [1]} : vector<16xi32> to vector<1xi32>
      %squeeze3A_2443 = vector.extract %slice3A_2442[0] : i32 from vector<1xi32>
      %add3A_2444 = arith.constant 0 : i32
      %add3A_2445 = arith.addi %squeeze3A_2443, %add3A_2444 : i32
      %get3A_2446 = arith.index_cast %add3A_2445 : i32 to index
      %get3A_2447 = tpu.vector_load %arg9[%get3A_2446] {strides = array<i32>} : memref<1920xf32, #tpu.memory_space<vmem>>, vector<16xf32>,
      %get3A_2448 = vector.shape_cast %get3A_2447 : vector<16xf32> to vector<16xf32>
      %add3A_2449 = arith.constant 15 : i32
      %add3A_2450 = arith.addi %add3A_1690, %add3A_2449 : i32
      %swap3A_2451 = arith.index_cast %add3A_2450 : i32 to index
      %swap3A_2452 = arith.constant 0 : index
      %swap3A_2453 = tpu.vector_load %arg13[%swap3A_2451, %swap3A_2452] {strides = array<i32>} : memref<512x64xf32, #tpu.memory_space<vmem>>, vector<1x16xf32>,
      %swap3A_2454 = vector.shape_cast %swap3A_2453 : vector<1x16xf32> to vector<16xf32>
      %swap3A_2455 = vector.shape_cast %get3A_2448 : vector<16xf32> to vector<1x16xf32>
      tpu.vector_store %arg13[%swap3A_2451, %swap3A_2452], %swap3A_2455 {strides = array<i32>} : memref<512x64xf32, #tpu.memory_space<vmem>>, vector<1x16xf32>,
      %add3A_2456 = arith.constant 16 : i32
      %add3A_2457 = arith.addi %squeeze3A_2443, %add3A_2456 : i32
      %get3A_2458 = arith.index_cast %add3A_2457 : i32 to index
      %get3A_2459 = tpu.vector_load %arg9[%get3A_2458] {strides = array<i32>} : memref<1920xf32, #tpu.memory_space<vmem>>, vector<16xf32>,
      %get3A_2460 = vector.shape_cast %get3A_2459 : vector<16xf32> to vector<16xf32>
      %add3A_2461 = arith.constant 15 : i32
      %add3A_2462 = arith.addi %add3A_1690, %add3A_2461 : i32
      %swap3A_2463 = arith.index_cast %add3A_2462 : i32 to index
      %swap3A_2464 = arith.constant 16 : index
      %swap3A_2465 = tpu.vector_load %arg13[%swap3A_2463, %swap3A_2464] {strides = array<i32>} : memref<512x64xf32, #tpu.memory_space<vmem>>, vector<1x16xf32>,
      %swap3A_2466 = vector.shape_cast %swap3A_2465 : vector<1x16xf32> to vector<16xf32>
      %swap3A_2467 = vector.shape_cast %get3A_2460 : vector<16xf32> to vector<1x16xf32>
      tpu.vector_store %arg13[%swap3A_2463, %swap3A_2464], %swap3A_2467 {strides = array<i32>} : memref<512x64xf32, #tpu.memory_space<vmem>>, vector<1x16xf32>,
      %add3A_2468 = arith.constant 32 : i32
      %add3A_2469 = arith.addi %squeeze3A_2443, %add3A_2468 : i32
      %get3A_2470 = arith.index_cast %add3A_2469 : i32 to index
      %get3A_2471 = tpu.vector_load %arg9[%get3A_2470] {strides = array<i32>} : memref<1920xf32, #tpu.memory_space<vmem>>, vector<16xf32>,
      %get3A_2472 = vector.shape_cast %get3A_2471 : vector<16xf32> to vector<16xf32>
      %add3A_2473 = arith.constant 15 : i32
      %add3A_2474 = arith.addi %add3A_1690, %add3A_2473 : i32
      %swap3A_2475 = arith.index_cast %add3A_2474 : i32 to index
      %swap3A_2476 = arith.constant 32 : index
      %swap3A_2477 = tpu.vector_load %arg13[%swap3A_2475, %swap3A_2476] {strides = array<i32>} : memref<512x64xf32, #tpu.memory_space<vmem>>, vector<1x16xf32>,
      %swap3A_2478 = vector.shape_cast %swap3A_2477 : vector<1x16xf32> to vector<16xf32>
      %swap3A_2479 = vector.shape_cast %get3A_2472 : vector<16xf32> to vector<1x16xf32>
      tpu.vector_store %arg13[%swap3A_2475, %swap3A_2476], %swap3A_2479 {strides = array<i32>} : memref<512x64xf32, #tpu.memory_space<vmem>>, vector<1x16xf32>,
      %add3A_2480 = arith.constant 48 : i32
      %add3A_2481 = arith.addi %squeeze3A_2443, %add3A_2480 : i32
      %get3A_2482 = arith.index_cast %add3A_2481 : i32 to index
      %get3A_2483 = tpu.vector_load %arg9[%get3A_2482] {strides = array<i32>} : memref<1920xf32, #tpu.memory_space<vmem>>, vector<16xf32>,
      %get3A_2484 = vector.shape_cast %get3A_2483 : vector<16xf32> to vector<16xf32>
      %add3A_2485 = arith.constant 15 : i32
      %add3A_2486 = arith.addi %add3A_1690, %add3A_2485 : i32
      %swap3A_2487 = arith.index_cast %add3A_2486 : i32 to index
      %swap3A_2488 = arith.constant 48 : index
      %swap3A_2489 = tpu.vector_load %arg13[%swap3A_2487, %swap3A_2488] {strides = array<i32>} : memref<512x64xf32, #tpu.memory_space<vmem>>, vector<1x16xf32>,
      %swap3A_2490 = vector.shape_cast %swap3A_2489 : vector<1x16xf32> to vector<16xf32>
      %swap3A_2491 = vector.shape_cast %get3A_2484 : vector<16xf32> to vector<1x16xf32>
      tpu.vector_store %arg13[%swap3A_2487, %swap3A_2488], %swap3A_2491 {strides = array<i32>} : memref<512x64xf32, #tpu.memory_space<vmem>>, vector<1x16xf32>,
    }
    %scan3A_1635 = arith.constant 16 : i32
    %add3A_1636 = arith.constant 0 : i32
    %add3A_1637 = arith.addi %mul3A_2, %add3A_1636 : i32
    %dma_start3A_1638 = arith.constant 0 : i32
    %dma_start3A_1639 = arith.constant 0 : i32
    %dma_start3A_1640 = tpu.memref_slice %arg13[%dma_start3A_1638, %dma_start3A_1639] : memref<512x64xf32, #tpu.memory_space<vmem>> -> memref<256x64xf32, #tpu.memory_space<vmem>>
    %dma_start3A_1641 = arith.constant 0 : i32
    %dma_start3A_1642 = tpu.memref_slice %arg6[%add3A_1637, %dma_start3A_1641] : memref<16384x64xf32, #tpu.memory_space<hbm>> -> memref<256x64xf32, #tpu.memory_space<hbm>>
    %dma_start3A_1643 = arith.constant 0 : i32
    %dma_start3A_1644 = tpu.memref_slice %arg6[%add3A_1637, %dma_start3A_1643] : memref<16384x64xf32, #tpu.memory_space<hbm>> -> memref<256x64xf32, #tpu.memory_space<hbm>>
    %dma_start3A_1645 = arith.constant 0 : i32
    %dma_start3A_1646 = arith.constant 0 : i32
    %dma_start3A_1647 = tpu.memref_slice %arg13[%dma_start3A_1645, %dma_start3A_1646] : memref<512x64xf32, #tpu.memory_space<vmem>> -> memref<256x64xf32, #tpu.memory_space<vmem>>
    tpu.enqueue_dma source(%dma_start3A_1647 : memref<256x64xf32, #tpu.memory_space<vmem>>) target(%dma_start3A_1644 : memref<256x64xf32, #tpu.memory_space<hbm>>) target_semaphore(%arg15 : memref<!tpu.dma_semaphore, #tpu.memory_space<semaphore_mem>>)
    %scan3A_1648 = arith.constant 0 : i32
    %scan3A_1649 = arith.constant 0 : i32
    %scan3A_1650 = arith.constant 16 : i32
    %scan3A_1651 = arith.addi %scan3A_1649, %scan3A_1650 : i32
    %scan3A_1652 = arith.constant 1 : i32
    scf.for %scan3A_1686 = %scan3A_1649 to %scan3A_1651 step %scan3A_1652  : i32 {
      %mul3A_1687 = arith.constant 16 : i32
      %mul3A_1688 = arith.muli %scan3A_1686, %mul3A_1687 : i32
      %add3A_1689 = arith.constant 256 : i32
      %add3A_1690 = arith.addi %add3A_1689, %mul3A_1688 : i32
      %get3A_1691 = arith.index_cast %add3A_1690 : i32 to index
      %get3A_1692 = tpu.vector_load %arg12[%get3A_1691] {strides = array<i32>} : memref<512xi32, #tpu.memory_space<vmem>>, vector<16xi32>,
      %get3A_1693 = vector.shape_cast %get3A_1692 : vector<16xi32> to vector<16xi32>
      %slice3A = vector.extract_strided_slice %get3A_1693 {offsets = [0], sizes = [1], strides = [1]} : vector<16xi32> to vector<1xi32>
      %squeeze3A = vector.extract %slice3A[0] : i32 from vector<1xi32>
      %add3A_1694 = arith.constant 0 : i32
      %add3A_1695 = arith.addi %squeeze3A, %add3A_1694 : i32
      %get3A_1696 = arith.index_cast %add3A_1695 : i32 to index
      %get3A_1697 = tpu.vector_load %arg9[%get3A_1696] {strides = array<i32>} : memref<1920xf32, #tpu.memory_space<vmem>>, vector<16xf32>,
      %get3A_1698 = vector.shape_cast %get3A_1697 : vector<16xf32> to vector<16xf32>
      %add3A_1699 = arith.constant 0 : i32
      %add3A_1700 = arith.addi %add3A_1690, %add3A_1699 : i32
      %swap3A_1701 = arith.index_cast %add3A_1700 : i32 to index
      %swap3A_1702 = arith.constant 0 : index
      %swap3A_1703 = tpu.vector_load %arg13[%swap3A_1701, %swap3A_1702] {strides = array<i32>} : memref<512x64xf32, #tpu.memory_space<vmem>>, vector<1x16xf32>,
      %swap3A_1704 = vector.shape_cast %swap3A_1703 : vector<1x16xf32> to vector<16xf32>
      %swap3A_1705 = vector.shape_cast %get3A_1698 : vector<16xf32> to vector<1x16xf32>
      tpu.vector_store %arg13[%swap3A_1701, %swap3A_1702], %swap3A_1705 {strides = array<i32>} : memref<512x64xf32, #tpu.memory_space<vmem>>, vector<1x16xf32>,
      %add3A_1706 = arith.constant 16 : i32
      %add3A_1707 = arith.addi %squeeze3A, %add3A_1706 : i32
      %get3A_1708 = arith.index_cast %add3A_1707 : i32 to index
      %get3A_1709 = tpu.vector_load %arg9[%get3A_1708] {strides = array<i32>} : memref<1920xf32, #tpu.memory_space<vmem>>, vector<16xf32>,
      %get3A_1710 = vector.shape_cast %get3A_1709 : vector<16xf32> to vector<16xf32>
      %add3A_1711 = arith.constant 0 : i32
      %add3A_1712 = arith.addi %add3A_1690, %add3A_1711 : i32
      %swap3A_1713 = arith.index_cast %add3A_1712 : i32 to index
      %swap3A_1714 = arith.constant 16 : index
      %swap3A_1715 = tpu.vector_load %arg13[%swap3A_1713, %swap3A_1714] {strides = array<i32>} : memref<512x64xf32, #tpu.memory_space<vmem>>, vector<1x16xf32>,
      %swap3A_1716 = vector.shape_cast %swap3A_1715 : vector<1x16xf32> to vector<16xf32>
      %swap3A_1717 = vector.shape_cast %get3A_1710 : vector<16xf32> to vector<1x16xf32>
      tpu.vector_store %arg13[%swap3A_1713, %swap3A_1714], %swap3A_1717 {strides = array<i32>} : memref<512x64xf32, #tpu.memory_space<vmem>>, vector<1x16xf32>,
      %add3A_1718 = arith.constant 32 : i32
      %add3A_1719 = arith.addi %squeeze3A, %add3A_1718 : i32
      %get3A_1720 = arith.index_cast %add3A_1719 : i32 to index
      %get3A_1721 = tpu.vector_load %arg9[%get3A_1720] {strides = array<i32>} : memref<1920xf32, #tpu.memory_space<vmem>>, vector<16xf32>,
      %get3A_1722 = vector.shape_cast %get3A_1721 : vector<16xf32> to vector<16xf32>
      %add3A_1723 = arith.constant 0 : i32
      %add3A_1724 = arith.addi %add3A_1690, %add3A_1723 : i32
      %swap3A_1725 = arith.index_cast %add3A_1724 : i32 to index
      %swap3A_1726 = arith.constant 32 : index
      %swap3A_1727 = tpu.vector_load %arg13[%swap3A_1725, %swap3A_1726] {strides = array<i32>} : memref<512x64xf32, #tpu.memory_space<vmem>>, vector<1x16xf32>,
      %swap3A_1728 = vector.shape_cast %swap3A_1727 : vector<1x16xf32> to vector<16xf32>
      %swap3A_1729 = vector.shape_cast %get3A_1722 : vector<16xf32> to vector<1x16xf32>
      tpu.vector_store %arg13[%swap3A_1725, %swap3A_1726], %swap3A_1729 {strides = array<i32>} : memref<512x64xf32, #tpu.memory_space<vmem>>, vector<1x16xf32>,
      %add3A_1730 = arith.constant 48 : i32
      %add3A_1731 = arith.addi %squeeze3A, %add3A_1730 : i32
      %get3A_1732 = arith.index_cast %add3A_1731 : i32 to index
      %get3A_1733 = tpu.vector_load %arg9[%get3A_1732] {strides = array<i32>} : memref<1920xf32, #tpu.memory_space<vmem>>, vector<16xf32>,
      %get3A_1734 = vector.shape_cast %get3A_1733 : vector<16xf32> to vector<16xf32>
      %add3A_1735 = arith.constant 0 : i32
      %add3A_1736 = arith.addi %add3A_1690, %add3A_1735 : i32
      %swap3A_1737 = arith.index_cast %add3A_1736 : i32 to index
      %swap3A_1738 = arith.constant 48 : index
      %swap3A_1739 = tpu.vector_load %arg13[%swap3A_1737, %swap3A_1738] {strides = array<i32>} : memref<512x64xf32, #tpu.memory_space<vmem>>, vector<1x16xf32>,
      %swap3A_1740 = vector.shape_cast %swap3A_1739 : vector<1x16xf32> to vector<16xf32>
      %swap3A_1741 = vector.shape_cast %get3A_1734 : vector<16xf32> to vector<1x16xf32>
      tpu.vector_store %arg13[%swap3A_1737, %swap3A_1738], %swap3A_1741 {strides = array<i32>} : memref<512x64xf32, #tpu.memory_space<vmem>>, vector<1x16xf32>,
      %slice3A_1742 = vector.extract_strided_slice %get3A_1693 {offsets = [1], sizes = [1], strides = [1]} : vector<16xi32> to vector<1xi32>
      %squeeze3A_1743 = vector.extract %slice3A_1742[0] : i32 from vector<1xi32>
      %add3A_1744 = arith.constant 0 : i32
      %add3A_1745 = arith.addi %squeeze3A_1743, %add3A_1744 : i32
      %get3A_1746 = arith.index_cast %add3A_1745 : i32 to index
      %get3A_1747 = tpu.vector_load %arg9[%get3A_1746] {strides = array<i32>} : memref<1920xf32, #tpu.memory_space<vmem>>, vector<16xf32>,
      %get3A_1748 = vector.shape_cast %get3A_1747 : vector<16xf32> to vector<16xf32>
      %add3A_1749 = arith.constant 1 : i32
      %add3A_1750 = arith.addi %add3A_1690, %add3A_1749 : i32
      %swap3A_1751 = arith.index_cast %add3A_1750 : i32 to index
      %swap3A_1752 = arith.constant 0 : index
      %swap3A_1753 = tpu.vector_load %arg13[%swap3A_1751, %swap3A_1752] {strides = array<i32>} : memref<512x64xf32, #tpu.memory_space<vmem>>, vector<1x16xf32>,
      %swap3A_1754 = vector.shape_cast %swap3A_1753 : vector<1x16xf32> to vector<16xf32>
      %swap3A_1755 = vector.shape_cast %get3A_1748 : vector<16xf32> to vector<1x16xf32>
      tpu.vector_store %arg13[%swap3A_1751, %swap3A_1752], %swap3A_1755 {strides = array<i32>} : memref<512x64xf32, #tpu.memory_space<vmem>>, vector<1x16xf32>,
      %add3A_1756 = arith.constant 16 : i32
      %add3A_1757 = arith.addi %squeeze3A_1743, %add3A_1756 : i32
      %get3A_1758 = arith.index_cast %add3A_1757 : i32 to index
      %get3A_1759 = tpu.vector_load %arg9[%get3A_1758] {strides = array<i32>} : memref<1920xf32, #tpu.memory_space<vmem>>, vector<16xf32>,
      %get3A_1760 = vector.shape_cast %get3A_1759 : vector<16xf32> to vector<16xf32>
      %add3A_1761 = arith.constant 1 : i32
      %add3A_1762 = arith.addi %add3A_1690, %add3A_1761 : i32
      %swap3A_1763 = arith.index_cast %add3A_1762 : i32 to index
      %swap3A_1764 = arith.constant 16 : index
      %swap3A_1765 = tpu.vector_load %arg13[%swap3A_1763, %swap3A_1764] {strides = array<i32>} : memref<512x64xf32, #tpu.memory_space<vmem>>, vector<1x16xf32>,
      %swap3A_1766 = vector.shape_cast %swap3A_1765 : vector<1x16xf32> to vector<16xf32>
      %swap3A_1767 = vector.shape_cast %get3A_1760 : vector<16xf32> to vector<1x16xf32>
      tpu.vector_store %arg13[%swap3A_1763, %swap3A_1764], %swap3A_1767 {strides = array<i32>} : memref<512x64xf32, #tpu.memory_space<vmem>>, vector<1x16xf32>,
      %add3A_1768 = arith.constant 32 : i32
      %add3A_1769 = arith.addi %squeeze3A_1743, %add3A_1768 : i32
      %get3A_1770 = arith.index_cast %add3A_1769 : i32 to index
      %get3A_1771 = tpu.vector_load %arg9[%get3A_1770] {strides = array<i32>} : memref<1920xf32, #tpu.memory_space<vmem>>, vector<16xf32>,
      %get3A_1772 = vector.shape_cast %get3A_1771 : vector<16xf32> to vector<16xf32>
      %add3A_1773 = arith.constant 1 : i32
      %add3A_1774 = arith.addi %add3A_1690, %add3A_1773 : i32
      %swap3A_1775 = arith.index_cast %add3A_1774 : i32 to index
      %swap3A_1776 = arith.constant 32 : index
      %swap3A_1777 = tpu.vector_load %arg13[%swap3A_1775, %swap3A_1776] {strides = array<i32>} : memref<512x64xf32, #tpu.memory_space<vmem>>, vector<1x16xf32>,
      %swap3A_1778 = vector.shape_cast %swap3A_1777 : vector<1x16xf32> to vector<16xf32>
      %swap3A_1779 = vector.shape_cast %get3A_1772 : vector<16xf32> to vector<1x16xf32>
      tpu.vector_store %arg13[%swap3A_1775, %swap3A_1776], %swap3A_1779 {strides = array<i32>} : memref<512x64xf32, #tpu.memory_space<vmem>>, vector<1x16xf32>,
      %add3A_1780 = arith.constant 48 : i32
      %add3A_1781 = arith.addi %squeeze3A_1743, %add3A_1780 : i32
      %get3A_1782 = arith.index_cast %add3A_1781 : i32 to index
      %get3A_1783 = tpu.vector_load %arg9[%get3A_1782] {strides = array<i32>} : memref<1920xf32, #tpu.memory_space<vmem>>, vector<16xf32>,
      %get3A_1784 = vector.shape_cast %get3A_1783 : vector<16xf32> to vector<16xf32>
      %add3A_1785 = arith.constant 1 : i32
      %add3A_1786 = arith.addi %add3A_1690, %add3A_1785 : i32
      %swap3A_1787 = arith.index_cast %add3A_1786 : i32 to index
      %swap3A_1788 = arith.constant 48 : index
      %swap3A_1789 = tpu.vector_load %arg13[%swap3A_1787, %swap3A_1788] {strides = array<i32>} : memref<512x64xf32, #tpu.memory_space<vmem>>, vector<1x16xf32>,
      %swap3A_1790 = vector.shape_cast %swap3A_1789 : vector<1x16xf32> to vector<16xf32>
      %swap3A_1791 = vector.shape_cast %get3A_1784 : vector<16xf32> to vector<1x16xf32>
      tpu.vector_store %arg13[%swap3A_1787, %swap3A_1788], %swap3A_1791 {strides = array<i32>} : memref<512x64xf32, #tpu.memory_space<vmem>>, vector<1x16xf32>,
      %slice3A_1792 = vector.extract_strided_slice %get3A_1693 {offsets = [2], sizes = [1], strides = [1]} : vector<16xi32> to vector<1xi32>
      %squeeze3A_1793 = vector.extract %slice3A_1792[0] : i32 from vector<1xi32>
      %add3A_1794 = arith.constant 0 : i32
      %add3A_1795 = arith.addi %squeeze3A_1793, %add3A_1794 : i32
      %get3A_1796 = arith.index_cast %add3A_1795 : i32 to index
      %get3A_1797 = tpu.vector_load %arg9[%get3A_1796] {strides = array<i32>} : memref<1920xf32, #tpu.memory_space<vmem>>, vector<16xf32>,
      %get3A_1798 = vector.shape_cast %get3A_1797 : vector<16xf32> to vector<16xf32>
      %add3A_1799 = arith.constant 2 : i32
      %add3A_1800 = arith.addi %add3A_1690, %add3A_1799 : i32
      %swap3A_1801 = arith.index_cast %add3A_1800 : i32 to index
      %swap3A_1802 = arith.constant 0 : index
      %swap3A_1803 = tpu.vector_load %arg13[%swap3A_1801, %swap3A_1802] {strides = array<i32>} : memref<512x64xf32, #tpu.memory_space<vmem>>, vector<1x16xf32>,
      %swap3A_1804 = vector.shape_cast %swap3A_1803 : vector<1x16xf32> to vector<16xf32>
      %swap3A_1805 = vector.shape_cast %get3A_1798 : vector<16xf32> to vector<1x16xf32>
      tpu.vector_store %arg13[%swap3A_1801, %swap3A_1802], %swap3A_1805 {strides = array<i32>} : memref<512x64xf32, #tpu.memory_space<vmem>>, vector<1x16xf32>,
      %add3A_1806 = arith.constant 16 : i32
      %add3A_1807 = arith.addi %squeeze3A_1793, %add3A_1806 : i32
      %get3A_1808 = arith.index_cast %add3A_1807 : i32 to index
      %get3A_1809 = tpu.vector_load %arg9[%get3A_1808] {strides = array<i32>} : memref<1920xf32, #tpu.memory_space<vmem>>, vector<16xf32>,
      %get3A_1810 = vector.shape_cast %get3A_1809 : vector<16xf32> to vector<16xf32>
      %add3A_1811 = arith.constant 2 : i32
      %add3A_1812 = arith.addi %add3A_1690, %add3A_1811 : i32
      %swap3A_1813 = arith.index_cast %add3A_1812 : i32 to index
      %swap3A_1814 = arith.constant 16 : index
      %swap3A_1815 = tpu.vector_load %arg13[%swap3A_1813, %swap3A_1814] {strides = array<i32>} : memref<512x64xf32, #tpu.memory_space<vmem>>, vector<1x16xf32>,
      %swap3A_1816 = vector.shape_cast %swap3A_1815 : vector<1x16xf32> to vector<16xf32>
      %swap3A_1817 = vector.shape_cast %get3A_1810 : vector<16xf32> to vector<1x16xf32>
      tpu.vector_store %arg13[%swap3A_1813, %swap3A_1814], %swap3A_1817 {strides = array<i32>} : memref<512x64xf32, #tpu.memory_space<vmem>>, vector<1x16xf32>,
      %add3A_1818 = arith.constant 32 : i32
      %add3A_1819 = arith.addi %squeeze3A_1793, %add3A_1818 : i32
      %get3A_1820 = arith.index_cast %add3A_1819 : i32 to index
      %get3A_1821 = tpu.vector_load %arg9[%get3A_1820] {strides = array<i32>} : memref<1920xf32, #tpu.memory_space<vmem>>, vector<16xf32>,
      %get3A_1822 = vector.shape_cast %get3A_1821 : vector<16xf32> to vector<16xf32>
      %add3A_1823 = arith.constant 2 : i32
      %add3A_1824 = arith.addi %add3A_1690, %add3A_1823 : i32
      %swap3A_1825 = arith.index_cast %add3A_1824 : i32 to index
      %swap3A_1826 = arith.constant 32 : index
      %swap3A_1827 = tpu.vector_load %arg13[%swap3A_1825, %swap3A_1826] {strides = array<i32>} : memref<512x64xf32, #tpu.memory_space<vmem>>, vector<1x16xf32>,
      %swap3A_1828 = vector.shape_cast %swap3A_1827 : vector<1x16xf32> to vector<16xf32>
      %swap3A_1829 = vector.shape_cast %get3A_1822 : vector<16xf32> to vector<1x16xf32>
      tpu.vector_store %arg13[%swap3A_1825, %swap3A_1826], %swap3A_1829 {strides = array<i32>} : memref<512x64xf32, #tpu.memory_space<vmem>>, vector<1x16xf32>,
      %add3A_1830 = arith.constant 48 : i32
      %add3A_1831 = arith.addi %squeeze3A_1793, %add3A_1830 : i32
      %get3A_1832 = arith.index_cast %add3A_1831 : i32 to index
      %get3A_1833 = tpu.vector_load %arg9[%get3A_1832] {strides = array<i32>} : memref<1920xf32, #tpu.memory_space<vmem>>, vector<16xf32>,
      %get3A_1834 = vector.shape_cast %get3A_1833 : vector<16xf32> to vector<16xf32>
      %add3A_1835 = arith.constant 2 : i32
      %add3A_1836 = arith.addi %add3A_1690, %add3A_1835 : i32
      %swap3A_1837 = arith.index_cast %add3A_1836 : i32 to index
      %swap3A_1838 = arith.constant 48 : index
      %swap3A_1839 = tpu.vector_load %arg13[%swap3A_1837, %swap3A_1838] {strides = array<i32>} : memref<512x64xf32, #tpu.memory_space<vmem>>, vector<1x16xf32>,
      %swap3A_1840 = vector.shape_cast %swap3A_1839 : vector<1x16xf32> to vector<16xf32>
      %swap3A_1841 = vector.shape_cast %get3A_1834 : vector<16xf32> to vector<1x16xf32>
      tpu.vector_store %arg13[%swap3A_1837, %swap3A_1838], %swap3A_1841 {strides = array<i32>} : memref<512x64xf32, #tpu.memory_space<vmem>>, vector<1x16xf32>,
      %slice3A_1842 = vector.extract_strided_slice %get3A_1693 {offsets = [3], sizes = [1], strides = [1]} : vector<16xi32> to vector<1xi32>
      %squeeze3A_1843 = vector.extract %slice3A_1842[0] : i32 from vector<1xi32>
      %add3A_1844 = arith.constant 0 : i32
      %add3A_1845 = arith.addi %squeeze3A_1843, %add3A_1844 : i32
      %get3A_1846 = arith.index_cast %add3A_1845 : i32 to index
      %get3A_1847 = tpu.vector_load %arg9[%get3A_1846] {strides = array<i32>} : memref<1920xf32, #tpu.memory_space<vmem>>, vector<16xf32>,
      %get3A_1848 = vector.shape_cast %get3A_1847 : vector<16xf32> to vector<16xf32>
      %add3A_1849 = arith.constant 3 : i32
      %add3A_1850 = arith.addi %add3A_1690, %add3A_1849 : i32
      %swap3A_1851 = arith.index_cast %add3A_1850 : i32 to index
      %swap3A_1852 = arith.constant 0 : index
      %swap3A_1853 = tpu.vector_load %arg13[%swap3A_1851, %swap3A_1852] {strides = array<i32>} : memref<512x64xf32, #tpu.memory_space<vmem>>, vector<1x16xf32>,
      %swap3A_1854 = vector.shape_cast %swap3A_1853 : vector<1x16xf32> to vector<16xf32>
      %swap3A_1855 = vector.shape_cast %get3A_1848 : vector<16xf32> to vector<1x16xf32>
      tpu.vector_store %arg13[%swap3A_1851, %swap3A_1852], %swap3A_1855 {strides = array<i32>} : memref<512x64xf32, #tpu.memory_space<vmem>>, vector<1x16xf32>,
      %add3A_1856 = arith.constant 16 : i32
      %add3A_1857 = arith.addi %squeeze3A_1843, %add3A_1856 : i32
      %get3A_1858 = arith.index_cast %add3A_1857 : i32 to index
      %get3A_1859 = tpu.vector_load %arg9[%get3A_1858] {strides = array<i32>} : memref<1920xf32, #tpu.memory_space<vmem>>, vector<16xf32>,
      %get3A_1860 = vector.shape_cast %get3A_1859 : vector<16xf32> to vector<16xf32>
      %add3A_1861 = arith.constant 3 : i32
      %add3A_1862 = arith.addi %add3A_1690, %add3A_1861 : i32
      %swap3A_1863 = arith.index_cast %add3A_1862 : i32 to index
      %swap3A_1864 = arith.constant 16 : index
      %swap3A_1865 = tpu.vector_load %arg13[%swap3A_1863, %swap3A_1864] {strides = array<i32>} : memref<512x64xf32, #tpu.memory_space<vmem>>, vector<1x16xf32>,
      %swap3A_1866 = vector.shape_cast %swap3A_1865 : vector<1x16xf32> to vector<16xf32>
      %swap3A_1867 = vector.shape_cast %get3A_1860 : vector<16xf32> to vector<1x16xf32>
      tpu.vector_store %arg13[%swap3A_1863, %swap3A_1864], %swap3A_1867 {strides = array<i32>} : memref<512x64xf32, #tpu.memory_space<vmem>>, vector<1x16xf32>,
      %add3A_1868 = arith.constant 32 : i32
      %add3A_1869 = arith.addi %squeeze3A_1843, %add3A_1868 : i32
      %get3A_1870 = arith.index_cast %add3A_1869 : i32 to index
      %get3A_1871 = tpu.vector_load %arg9[%get3A_1870] {strides = array<i32>} : memref<1920xf32, #tpu.memory_space<vmem>>, vector<16xf32>,
      %get3A_1872 = vector.shape_cast %get3A_1871 : vector<16xf32> to vector<16xf32>
      %add3A_1873 = arith.constant 3 : i32
      %add3A_1874 = arith.addi %add3A_1690, %add3A_1873 : i32
      %swap3A_1875 = arith.index_cast %add3A_1874 : i32 to index
      %swap3A_1876 = arith.constant 32 : index
      %swap3A_1877 = tpu.vector_load %arg13[%swap3A_1875, %swap3A_1876] {strides = array<i32>} : memref<512x64xf32, #tpu.memory_space<vmem>>, vector<1x16xf32>,
      %swap3A_1878 = vector.shape_cast %swap3A_1877 : vector<1x16xf32> to vector<16xf32>
      %swap3A_1879 = vector.shape_cast %get3A_1872 : vector<16xf32> to vector<1x16xf32>
      tpu.vector_store %arg13[%swap3A_1875, %swap3A_1876], %swap3A_1879 {strides = array<i32>} : memref<512x64xf32, #tpu.memory_space<vmem>>, vector<1x16xf32>,
      %add3A_1880 = arith.constant 48 : i32
      %add3A_1881 = arith.addi %squeeze3A_1843, %add3A_1880 : i32
      %get3A_1882 = arith.index_cast %add3A_1881 : i32 to index
      %get3A_1883 = tpu.vector_load %arg9[%get3A_1882] {strides = array<i32>} : memref<1920xf32, #tpu.memory_space<vmem>>, vector<16xf32>,
      %get3A_1884 = vector.shape_cast %get3A_1883 : vector<16xf32> to vector<16xf32>
      %add3A_1885 = arith.constant 3 : i32
      %add3A_1886 = arith.addi %add3A_1690, %add3A_1885 : i32
      %swap3A_1887 = arith.index_cast %add3A_1886 : i32 to index
      %swap3A_1888 = arith.constant 48 : index
      %swap3A_1889 = tpu.vector_load %arg13[%swap3A_1887, %swap3A_1888] {strides = array<i32>} : memref<512x64xf32, #tpu.memory_space<vmem>>, vector<1x16xf32>,
      %swap3A_1890 = vector.shape_cast %swap3A_1889 : vector<1x16xf32> to vector<16xf32>
      %swap3A_1891 = vector.shape_cast %get3A_1884 : vector<16xf32> to vector<1x16xf32>
      tpu.vector_store %arg13[%swap3A_1887, %swap3A_1888], %swap3A_1891 {strides = array<i32>} : memref<512x64xf32, #tpu.memory_space<vmem>>, vector<1x16xf32>,
      %slice3A_1892 = vector.extract_strided_slice %get3A_1693 {offsets = [4], sizes = [1], strides = [1]} : vector<16xi32> to vector<1xi32>
      %squeeze3A_1893 = vector.extract %slice3A_1892[0] : i32 from vector<1xi32>
      %add3A_1894 = arith.constant 0 : i32
      %add3A_1895 = arith.addi %squeeze3A_1893, %add3A_1894 : i32
      %get3A_1896 = arith.index_cast %add3A_1895 : i32 to index
      %get3A_1897 = tpu.vector_load %arg9[%get3A_1896] {strides = array<i32>} : memref<1920xf32, #tpu.memory_space<vmem>>, vector<16xf32>,
      %get3A_1898 = vector.shape_cast %get3A_1897 : vector<16xf32> to vector<16xf32>
      %add3A_1899 = arith.constant 4 : i32
      %add3A_1900 = arith.addi %add3A_1690, %add3A_1899 : i32
      %swap3A_1901 = arith.index_cast %add3A_1900 : i32 to index
      %swap3A_1902 = arith.constant 0 : index
      %swap3A_1903 = tpu.vector_load %arg13[%swap3A_1901, %swap3A_1902] {strides = array<i32>} : memref<512x64xf32, #tpu.memory_space<vmem>>, vector<1x16xf32>,
      %swap3A_1904 = vector.shape_cast %swap3A_1903 : vector<1x16xf32> to vector<16xf32>
      %swap3A_1905 = vector.shape_cast %get3A_1898 : vector<16xf32> to vector<1x16xf32>
      tpu.vector_store %arg13[%swap3A_1901, %swap3A_1902], %swap3A_1905 {strides = array<i32>} : memref<512x64xf32, #tpu.memory_space<vmem>>, vector<1x16xf32>,
      %add3A_1906 = arith.constant 16 : i32
      %add3A_1907 = arith.addi %squeeze3A_1893, %add3A_1906 : i32
      %get3A_1908 = arith.index_cast %add3A_1907 : i32 to index
      %get3A_1909 = tpu.vector_load %arg9[%get3A_1908] {strides = array<i32>} : memref<1920xf32, #tpu.memory_space<vmem>>, vector<16xf32>,
      %get3A_1910 = vector.shape_cast %get3A_1909 : vector<16xf32> to vector<16xf32>
      %add3A_1911 = arith.constant 4 : i32
      %add3A_1912 = arith.addi %add3A_1690, %add3A_1911 : i32
      %swap3A_1913 = arith.index_cast %add3A_1912 : i32 to index
      %swap3A_1914 = arith.constant 16 : index
      %swap3A_1915 = tpu.vector_load %arg13[%swap3A_1913, %swap3A_1914] {strides = array<i32>} : memref<512x64xf32, #tpu.memory_space<vmem>>, vector<1x16xf32>,
      %swap3A_1916 = vector.shape_cast %swap3A_1915 : vector<1x16xf32> to vector<16xf32>
      %swap3A_1917 = vector.shape_cast %get3A_1910 : vector<16xf32> to vector<1x16xf32>
      tpu.vector_store %arg13[%swap3A_1913, %swap3A_1914], %swap3A_1917 {strides = array<i32>} : memref<512x64xf32, #tpu.memory_space<vmem>>, vector<1x16xf32>,
      %add3A_1918 = arith.constant 32 : i32
      %add3A_1919 = arith.addi %squeeze3A_1893, %add3A_1918 : i32
      %get3A_1920 = arith.index_cast %add3A_1919 : i32 to index
      %get3A_1921 = tpu.vector_load %arg9[%get3A_1920] {strides = array<i32>} : memref<1920xf32, #tpu.memory_space<vmem>>, vector<16xf32>,
      %get3A_1922 = vector.shape_cast %get3A_1921 : vector<16xf32> to vector<16xf32>
      %add3A_1923 = arith.constant 4 : i32
      %add3A_1924 = arith.addi %add3A_1690, %add3A_1923 : i32
      %swap3A_1925 = arith.index_cast %add3A_1924 : i32 to index
      %swap3A_1926 = arith.constant 32 : index
      %swap3A_1927 = tpu.vector_load %arg13[%swap3A_1925, %swap3A_1926] {strides = array<i32>} : memref<512x64xf32, #tpu.memory_space<vmem>>, vector<1x16xf32>,
      %swap3A_1928 = vector.shape_cast %swap3A_1927 : vector<1x16xf32> to vector<16xf32>
      %swap3A_1929 = vector.shape_cast %get3A_1922 : vector<16xf32> to vector<1x16xf32>
      tpu.vector_store %arg13[%swap3A_1925, %swap3A_1926], %swap3A_1929 {strides = array<i32>} : memref<512x64xf32, #tpu.memory_space<vmem>>, vector<1x16xf32>,
      %add3A_1930 = arith.constant 48 : i32
      %add3A_1931 = arith.addi %squeeze3A_1893, %add3A_1930 : i32
      %get3A_1932 = arith.index_cast %add3A_1931 : i32 to index
      %get3A_1933 = tpu.vector_load %arg9[%get3A_1932] {strides = array<i32>} : memref<1920xf32, #tpu.memory_space<vmem>>, vector<16xf32>,
      %get3A_1934 = vector.shape_cast %get3A_1933 : vector<16xf32> to vector<16xf32>
      %add3A_1935 = arith.constant 4 : i32
      %add3A_1936 = arith.addi %add3A_1690, %add3A_1935 : i32
      %swap3A_1937 = arith.index_cast %add3A_1936 : i32 to index
      %swap3A_1938 = arith.constant 48 : index
      %swap3A_1939 = tpu.vector_load %arg13[%swap3A_1937, %swap3A_1938] {strides = array<i32>} : memref<512x64xf32, #tpu.memory_space<vmem>>, vector<1x16xf32>,
      %swap3A_1940 = vector.shape_cast %swap3A_1939 : vector<1x16xf32> to vector<16xf32>
      %swap3A_1941 = vector.shape_cast %get3A_1934 : vector<16xf32> to vector<1x16xf32>
      tpu.vector_store %arg13[%swap3A_1937, %swap3A_1938], %swap3A_1941 {strides = array<i32>} : memref<512x64xf32, #tpu.memory_space<vmem>>, vector<1x16xf32>,
      %slice3A_1942 = vector.extract_strided_slice %get3A_1693 {offsets = [5], sizes = [1], strides = [1]} : vector<16xi32> to vector<1xi32>
      %squeeze3A_1943 = vector.extract %slice3A_1942[0] : i32 from vector<1xi32>
      %add3A_1944 = arith.constant 0 : i32
      %add3A_1945 = arith.addi %squeeze3A_1943, %add3A_1944 : i32
      %get3A_1946 = arith.index_cast %add3A_1945 : i32 to index
      %get3A_1947 = tpu.vector_load %arg9[%get3A_1946] {strides = array<i32>} : memref<1920xf32, #tpu.memory_space<vmem>>, vector<16xf32>,
      %get3A_1948 = vector.shape_cast %get3A_1947 : vector<16xf32> to vector<16xf32>
      %add3A_1949 = arith.constant 5 : i32
      %add3A_1950 = arith.addi %add3A_1690, %add3A_1949 : i32
      %swap3A_1951 = arith.index_cast %add3A_1950 : i32 to index
      %swap3A_1952 = arith.constant 0 : index
      %swap3A_1953 = tpu.vector_load %arg13[%swap3A_1951, %swap3A_1952] {strides = array<i32>} : memref<512x64xf32, #tpu.memory_space<vmem>>, vector<1x16xf32>,
      %swap3A_1954 = vector.shape_cast %swap3A_1953 : vector<1x16xf32> to vector<16xf32>
      %swap3A_1955 = vector.shape_cast %get3A_1948 : vector<16xf32> to vector<1x16xf32>
      tpu.vector_store %arg13[%swap3A_1951, %swap3A_1952], %swap3A_1955 {strides = array<i32>} : memref<512x64xf32, #tpu.memory_space<vmem>>, vector<1x16xf32>,
      %add3A_1956 = arith.constant 16 : i32
      %add3A_1957 = arith.addi %squeeze3A_1943, %add3A_1956 : i32
      %get3A_1958 = arith.index_cast %add3A_1957 : i32 to index
      %get3A_1959 = tpu.vector_load %arg9[%get3A_1958] {strides = array<i32>} : memref<1920xf32, #tpu.memory_space<vmem>>, vector<16xf32>,
      %get3A_1960 = vector.shape_cast %get3A_1959 : vector<16xf32> to vector<16xf32>
      %add3A_1961 = arith.constant 5 : i32
      %add3A_1962 = arith.addi %add3A_1690, %add3A_1961 : i32
      %swap3A_1963 = arith.index_cast %add3A_1962 : i32 to index
      %swap3A_1964 = arith.constant 16 : index
      %swap3A_1965 = tpu.vector_load %arg13[%swap3A_1963, %swap3A_1964] {strides = array<i32>} : memref<512x64xf32, #tpu.memory_space<vmem>>, vector<1x16xf32>,
      %swap3A_1966 = vector.shape_cast %swap3A_1965 : vector<1x16xf32> to vector<16xf32>
      %swap3A_1967 = vector.shape_cast %get3A_1960 : vector<16xf32> to vector<1x16xf32>
      tpu.vector_store %arg13[%swap3A_1963, %swap3A_1964], %swap3A_1967 {strides = array<i32>} : memref<512x64xf32, #tpu.memory_space<vmem>>, vector<1x16xf32>,
      %add3A_1968 = arith.constant 32 : i32
      %add3A_1969 = arith.addi %squeeze3A_1943, %add3A_1968 : i32
      %get3A_1970 = arith.index_cast %add3A_1969 : i32 to index
      %get3A_1971 = tpu.vector_load %arg9[%get3A_1970] {strides = array<i32>} : memref<1920xf32, #tpu.memory_space<vmem>>, vector<16xf32>,
      %get3A_1972 = vector.shape_cast %get3A_1971 : vector<16xf32> to vector<16xf32>
      %add3A_1973 = arith.constant 5 : i32
      %add3A_1974 = arith.addi %add3A_1690, %add3A_1973 : i32
      %swap3A_1975 = arith.index_cast %add3A_1974 : i32 to index
      %swap3A_1976 = arith.constant 32 : index
      %swap3A_1977 = tpu.vector_load %arg13[%swap3A_1975, %swap3A_1976] {strides = array<i32>} : memref<512x64xf32, #tpu.memory_space<vmem>>, vector<1x16xf32>,
      %swap3A_1978 = vector.shape_cast %swap3A_1977 : vector<1x16xf32> to vector<16xf32>
      %swap3A_1979 = vector.shape_cast %get3A_1972 : vector<16xf32> to vector<1x16xf32>
      tpu.vector_store %arg13[%swap3A_1975, %swap3A_1976], %swap3A_1979 {strides = array<i32>} : memref<512x64xf32, #tpu.memory_space<vmem>>, vector<1x16xf32>,
      %add3A_1980 = arith.constant 48 : i32
      %add3A_1981 = arith.addi %squeeze3A_1943, %add3A_1980 : i32
      %get3A_1982 = arith.index_cast %add3A_1981 : i32 to index
      %get3A_1983 = tpu.vector_load %arg9[%get3A_1982] {strides = array<i32>} : memref<1920xf32, #tpu.memory_space<vmem>>, vector<16xf32>,
      %get3A_1984 = vector.shape_cast %get3A_1983 : vector<16xf32> to vector<16xf32>
      %add3A_1985 = arith.constant 5 : i32
      %add3A_1986 = arith.addi %add3A_1690, %add3A_1985 : i32
      %swap3A_1987 = arith.index_cast %add3A_1986 : i32 to index
      %swap3A_1988 = arith.constant 48 : index
      %swap3A_1989 = tpu.vector_load %arg13[%swap3A_1987, %swap3A_1988] {strides = array<i32>} : memref<512x64xf32, #tpu.memory_space<vmem>>, vector<1x16xf32>,
      %swap3A_1990 = vector.shape_cast %swap3A_1989 : vector<1x16xf32> to vector<16xf32>
      %swap3A_1991 = vector.shape_cast %get3A_1984 : vector<16xf32> to vector<1x16xf32>
      tpu.vector_store %arg13[%swap3A_1987, %swap3A_1988], %swap3A_1991 {strides = array<i32>} : memref<512x64xf32, #tpu.memory_space<vmem>>, vector<1x16xf32>,
      %slice3A_1992 = vector.extract_strided_slice %get3A_1693 {offsets = [6], sizes = [1], strides = [1]} : vector<16xi32> to vector<1xi32>
      %squeeze3A_1993 = vector.extract %slice3A_1992[0] : i32 from vector<1xi32>
      %add3A_1994 = arith.constant 0 : i32
      %add3A_1995 = arith.addi %squeeze3A_1993, %add3A_1994 : i32
      %get3A_1996 = arith.index_cast %add3A_1995 : i32 to index
      %get3A_1997 = tpu.vector_load %arg9[%get3A_1996] {strides = array<i32>} : memref<1920xf32, #tpu.memory_space<vmem>>, vector<16xf32>,
      %get3A_1998 = vector.shape_cast %get3A_1997 : vector<16xf32> to vector<16xf32>
      %add3A_1999 = arith.constant 6 : i32
      %add3A_2000 = arith.addi %add3A_1690, %add3A_1999 : i32
      %swap3A_2001 = arith.index_cast %add3A_2000 : i32 to index
      %swap3A_2002 = arith.constant 0 : index
      %swap3A_2003 = tpu.vector_load %arg13[%swap3A_2001, %swap3A_2002] {strides = array<i32>} : memref<512x64xf32, #tpu.memory_space<vmem>>, vector<1x16xf32>,
      %swap3A_2004 = vector.shape_cast %swap3A_2003 : vector<1x16xf32> to vector<16xf32>
      %swap3A_2005 = vector.shape_cast %get3A_1998 : vector<16xf32> to vector<1x16xf32>
      tpu.vector_store %arg13[%swap3A_2001, %swap3A_2002], %swap3A_2005 {strides = array<i32>} : memref<512x64xf32, #tpu.memory_space<vmem>>, vector<1x16xf32>,
      %add3A_2006 = arith.constant 16 : i32
      %add3A_2007 = arith.addi %squeeze3A_1993, %add3A_2006 : i32
      %get3A_2008 = arith.index_cast %add3A_2007 : i32 to index
      %get3A_2009 = tpu.vector_load %arg9[%get3A_2008] {strides = array<i32>} : memref<1920xf32, #tpu.memory_space<vmem>>, vector<16xf32>,
      %get3A_2010 = vector.shape_cast %get3A_2009 : vector<16xf32> to vector<16xf32>
      %add3A_2011 = arith.constant 6 : i32
      %add3A_2012 = arith.addi %add3A_1690, %add3A_2011 : i32
      %swap3A_2013 = arith.index_cast %add3A_2012 : i32 to index
      %swap3A_2014 = arith.constant 16 : index
      %swap3A_2015 = tpu.vector_load %arg13[%swap3A_2013, %swap3A_2014] {strides = array<i32>} : memref<512x64xf32, #tpu.memory_space<vmem>>, vector<1x16xf32>,
      %swap3A_2016 = vector.shape_cast %swap3A_2015 : vector<1x16xf32> to vector<16xf32>
      %swap3A_2017 = vector.shape_cast %get3A_2010 : vector<16xf32> to vector<1x16xf32>
      tpu.vector_store %arg13[%swap3A_2013, %swap3A_2014], %swap3A_2017 {strides = array<i32>} : memref<512x64xf32, #tpu.memory_space<vmem>>, vector<1x16xf32>,
      %add3A_2018 = arith.constant 32 : i32
      %add3A_2019 = arith.addi %squeeze3A_1993, %add3A_2018 : i32
      %get3A_2020 = arith.index_cast %add3A_2019 : i32 to index
      %get3A_2021 = tpu.vector_load %arg9[%get3A_2020] {strides = array<i32>} : memref<1920xf32, #tpu.memory_space<vmem>>, vector<16xf32>,
      %get3A_2022 = vector.shape_cast %get3A_2021 : vector<16xf32> to vector<16xf32>
      %add3A_2023 = arith.constant 6 : i32
      %add3A_2024 = arith.addi %add3A_1690, %add3A_2023 : i32
      %swap3A_2025 = arith.index_cast %add3A_2024 : i32 to index
      %swap3A_2026 = arith.constant 32 : index
      %swap3A_2027 = tpu.vector_load %arg13[%swap3A_2025, %swap3A_2026] {strides = array<i32>} : memref<512x64xf32, #tpu.memory_space<vmem>>, vector<1x16xf32>,
      %swap3A_2028 = vector.shape_cast %swap3A_2027 : vector<1x16xf32> to vector<16xf32>
      %swap3A_2029 = vector.shape_cast %get3A_2022 : vector<16xf32> to vector<1x16xf32>
      tpu.vector_store %arg13[%swap3A_2025, %swap3A_2026], %swap3A_2029 {strides = array<i32>} : memref<512x64xf32, #tpu.memory_space<vmem>>, vector<1x16xf32>,
      %add3A_2030 = arith.constant 48 : i32
      %add3A_2031 = arith.addi %squeeze3A_1993, %add3A_2030 : i32
      %get3A_2032 = arith.index_cast %add3A_2031 : i32 to index
      %get3A_2033 = tpu.vector_load %arg9[%get3A_2032] {strides = array<i32>} : memref<1920xf32, #tpu.memory_space<vmem>>, vector<16xf32>,
      %get3A_2034 = vector.shape_cast %get3A_2033 : vector<16xf32> to vector<16xf32>
      %add3A_2035 = arith.constant 6 : i32
      %add3A_2036 = arith.addi %add3A_1690, %add3A_2035 : i32
      %swap3A_2037 = arith.index_cast %add3A_2036 : i32 to index
      %swap3A_2038 = arith.constant 48 : index
      %swap3A_2039 = tpu.vector_load %arg13[%swap3A_2037, %swap3A_2038] {strides = array<i32>} : memref<512x64xf32, #tpu.memory_space<vmem>>, vector<1x16xf32>,
      %swap3A_2040 = vector.shape_cast %swap3A_2039 : vector<1x16xf32> to vector<16xf32>
      %swap3A_2041 = vector.shape_cast %get3A_2034 : vector<16xf32> to vector<1x16xf32>
      tpu.vector_store %arg13[%swap3A_2037, %swap3A_2038], %swap3A_2041 {strides = array<i32>} : memref<512x64xf32, #tpu.memory_space<vmem>>, vector<1x16xf32>,
      %slice3A_2042 = vector.extract_strided_slice %get3A_1693 {offsets = [7], sizes = [1], strides = [1]} : vector<16xi32> to vector<1xi32>
      %squeeze3A_2043 = vector.extract %slice3A_2042[0] : i32 from vector<1xi32>
      %add3A_2044 = arith.constant 0 : i32
      %add3A_2045 = arith.addi %squeeze3A_2043, %add3A_2044 : i32
      %get3A_2046 = arith.index_cast %add3A_2045 : i32 to index
      %get3A_2047 = tpu.vector_load %arg9[%get3A_2046] {strides = array<i32>} : memref<1920xf32, #tpu.memory_space<vmem>>, vector<16xf32>,
      %get3A_2048 = vector.shape_cast %get3A_2047 : vector<16xf32> to vector<16xf32>
      %add3A_2049 = arith.constant 7 : i32
      %add3A_2050 = arith.addi %add3A_1690, %add3A_2049 : i32
      %swap3A_2051 = arith.index_cast %add3A_2050 : i32 to index
      %swap3A_2052 = arith.constant 0 : index
      %swap3A_2053 = tpu.vector_load %arg13[%swap3A_2051, %swap3A_2052] {strides = array<i32>} : memref<512x64xf32, #tpu.memory_space<vmem>>, vector<1x16xf32>,
      %swap3A_2054 = vector.shape_cast %swap3A_2053 : vector<1x16xf32> to vector<16xf32>
      %swap3A_2055 = vector.shape_cast %get3A_2048 : vector<16xf32> to vector<1x16xf32>
      tpu.vector_store %arg13[%swap3A_2051, %swap3A_2052], %swap3A_2055 {strides = array<i32>} : memref<512x64xf32, #tpu.memory_space<vmem>>, vector<1x16xf32>,
      %add3A_2056 = arith.constant 16 : i32
      %add3A_2057 = arith.addi %squeeze3A_2043, %add3A_2056 : i32
      %get3A_2058 = arith.index_cast %add3A_2057 : i32 to index
      %get3A_2059 = tpu.vector_load %arg9[%get3A_2058] {strides = array<i32>} : memref<1920xf32, #tpu.memory_space<vmem>>, vector<16xf32>,
      %get3A_2060 = vector.shape_cast %get3A_2059 : vector<16xf32> to vector<16xf32>
      %add3A_2061 = arith.constant 7 : i32
      %add3A_2062 = arith.addi %add3A_1690, %add3A_2061 : i32
      %swap3A_2063 = arith.index_cast %add3A_2062 : i32 to index
      %swap3A_2064 = arith.constant 16 : index
      %swap3A_2065 = tpu.vector_load %arg13[%swap3A_2063, %swap3A_2064] {strides = array<i32>} : memref<512x64xf32, #tpu.memory_space<vmem>>, vector<1x16xf32>,
      %swap3A_2066 = vector.shape_cast %swap3A_2065 : vector<1x16xf32> to vector<16xf32>
      %swap3A_2067 = vector.shape_cast %get3A_2060 : vector<16xf32> to vector<1x16xf32>
      tpu.vector_store %arg13[%swap3A_2063, %swap3A_2064], %swap3A_2067 {strides = array<i32>} : memref<512x64xf32, #tpu.memory_space<vmem>>, vector<1x16xf32>,
      %add3A_2068 = arith.constant 32 : i32
      %add3A_2069 = arith.addi %squeeze3A_2043, %add3A_2068 : i32
      %get3A_2070 = arith.index_cast %add3A_2069 : i32 to index
      %get3A_2071 = tpu.vector_load %arg9[%get3A_2070] {strides = array<i32>} : memref<1920xf32, #tpu.memory_space<vmem>>, vector<16xf32>,
      %get3A_2072 = vector.shape_cast %get3A_2071 : vector<16xf32> to vector<16xf32>
      %add3A_2073 = arith.constant 7 : i32
      %add3A_2074 = arith.addi %add3A_1690, %add3A_2073 : i32
      %swap3A_2075 = arith.index_cast %add3A_2074 : i32 to index
      %swap3A_2076 = arith.constant 32 : index
      %swap3A_2077 = tpu.vector_load %arg13[%swap3A_2075, %swap3A_2076] {strides = array<i32>} : memref<512x64xf32, #tpu.memory_space<vmem>>, vector<1x16xf32>,
      %swap3A_2078 = vector.shape_cast %swap3A_2077 : vector<1x16xf32> to vector<16xf32>
      %swap3A_2079 = vector.shape_cast %get3A_2072 : vector<16xf32> to vector<1x16xf32>
      tpu.vector_store %arg13[%swap3A_2075, %swap3A_2076], %swap3A_2079 {strides = array<i32>} : memref<512x64xf32, #tpu.memory_space<vmem>>, vector<1x16xf32>,
      %add3A_2080 = arith.constant 48 : i32
      %add3A_2081 = arith.addi %squeeze3A_2043, %add3A_2080 : i32
      %get3A_2082 = arith.index_cast %add3A_2081 : i32 to index
      %get3A_2083 = tpu.vector_load %arg9[%get3A_2082] {strides = array<i32>} : memref<1920xf32, #tpu.memory_space<vmem>>, vector<16xf32>,
      %get3A_2084 = vector.shape_cast %get3A_2083 : vector<16xf32> to vector<16xf32>
      %add3A_2085 = arith.constant 7 : i32
      %add3A_2086 = arith.addi %add3A_1690, %add3A_2085 : i32
      %swap3A_2087 = arith.index_cast %add3A_2086 : i32 to index
      %swap3A_2088 = arith.constant 48 : index
      %swap3A_2089 = tpu.vector_load %arg13[%swap3A_2087, %swap3A_2088] {strides = array<i32>} : memref<512x64xf32, #tpu.memory_space<vmem>>, vector<1x16xf32>,
      %swap3A_2090 = vector.shape_cast %swap3A_2089 : vector<1x16xf32> to vector<16xf32>
      %swap3A_2091 = vector.shape_cast %get3A_2084 : vector<16xf32> to vector<1x16xf32>
      tpu.vector_store %arg13[%swap3A_2087, %swap3A_2088], %swap3A_2091 {strides = array<i32>} : memref<512x64xf32, #tpu.memory_space<vmem>>, vector<1x16xf32>,
      %slice3A_2092 = vector.extract_strided_slice %get3A_1693 {offsets = [8], sizes = [1], strides = [1]} : vector<16xi32> to vector<1xi32>
      %squeeze3A_2093 = vector.extract %slice3A_2092[0] : i32 from vector<1xi32>
      %add3A_2094 = arith.constant 0 : i32
      %add3A_2095 = arith.addi %squeeze3A_2093, %add3A_2094 : i32
      %get3A_2096 = arith.index_cast %add3A_2095 : i32 to index
      %get3A_2097 = tpu.vector_load %arg9[%get3A_2096] {strides = array<i32>} : memref<1920xf32, #tpu.memory_space<vmem>>, vector<16xf32>,
      %get3A_2098 = vector.shape_cast %get3A_2097 : vector<16xf32> to vector<16xf32>
      %add3A_2099 = arith.constant 8 : i32
      %add3A_2100 = arith.addi %add3A_1690, %add3A_2099 : i32
      %swap3A_2101 = arith.index_cast %add3A_2100 : i32 to index
      %swap3A_2102 = arith.constant 0 : index
      %swap3A_2103 = tpu.vector_load %arg13[%swap3A_2101, %swap3A_2102] {strides = array<i32>} : memref<512x64xf32, #tpu.memory_space<vmem>>, vector<1x16xf32>,
      %swap3A_2104 = vector.shape_cast %swap3A_2103 : vector<1x16xf32> to vector<16xf32>
      %swap3A_2105 = vector.shape_cast %get3A_2098 : vector<16xf32> to vector<1x16xf32>
      tpu.vector_store %arg13[%swap3A_2101, %swap3A_2102], %swap3A_2105 {strides = array<i32>} : memref<512x64xf32, #tpu.memory_space<vmem>>, vector<1x16xf32>,
      %add3A_2106 = arith.constant 16 : i32
      %add3A_2107 = arith.addi %squeeze3A_2093, %add3A_2106 : i32
      %get3A_2108 = arith.index_cast %add3A_2107 : i32 to index
      %get3A_2109 = tpu.vector_load %arg9[%get3A_2108] {strides = array<i32>} : memref<1920xf32, #tpu.memory_space<vmem>>, vector<16xf32>,
      %get3A_2110 = vector.shape_cast %get3A_2109 : vector<16xf32> to vector<16xf32>
      %add3A_2111 = arith.constant 8 : i32
      %add3A_2112 = arith.addi %add3A_1690, %add3A_2111 : i32
      %swap3A_2113 = arith.index_cast %add3A_2112 : i32 to index
      %swap3A_2114 = arith.constant 16 : index
      %swap3A_2115 = tpu.vector_load %arg13[%swap3A_2113, %swap3A_2114] {strides = array<i32>} : memref<512x64xf32, #tpu.memory_space<vmem>>, vector<1x16xf32>,
      %swap3A_2116 = vector.shape_cast %swap3A_2115 : vector<1x16xf32> to vector<16xf32>
      %swap3A_2117 = vector.shape_cast %get3A_2110 : vector<16xf32> to vector<1x16xf32>
      tpu.vector_store %arg13[%swap3A_2113, %swap3A_2114], %swap3A_2117 {strides = array<i32>} : memref<512x64xf32, #tpu.memory_space<vmem>>, vector<1x16xf32>,
      %add3A_2118 = arith.constant 32 : i32
      %add3A_2119 = arith.addi %squeeze3A_2093, %add3A_2118 : i32
      %get3A_2120 = arith.index_cast %add3A_2119 : i32 to index
      %get3A_2121 = tpu.vector_load %arg9[%get3A_2120] {strides = array<i32>} : memref<1920xf32, #tpu.memory_space<vmem>>, vector<16xf32>,
      %get3A_2122 = vector.shape_cast %get3A_2121 : vector<16xf32> to vector<16xf32>
      %add3A_2123 = arith.constant 8 : i32
      %add3A_2124 = arith.addi %add3A_1690, %add3A_2123 : i32
      %swap3A_2125 = arith.index_cast %add3A_2124 : i32 to index
      %swap3A_2126 = arith.constant 32 : index
      %swap3A_2127 = tpu.vector_load %arg13[%swap3A_2125, %swap3A_2126] {strides = array<i32>} : memref<512x64xf32, #tpu.memory_space<vmem>>, vector<1x16xf32>,
      %swap3A_2128 = vector.shape_cast %swap3A_2127 : vector<1x16xf32> to vector<16xf32>
      %swap3A_2129 = vector.shape_cast %get3A_2122 : vector<16xf32> to vector<1x16xf32>
      tpu.vector_store %arg13[%swap3A_2125, %swap3A_2126], %swap3A_2129 {strides = array<i32>} : memref<512x64xf32, #tpu.memory_space<vmem>>, vector<1x16xf32>,
      %add3A_2130 = arith.constant 48 : i32
      %add3A_2131 = arith.addi %squeeze3A_2093, %add3A_2130 : i32
      %get3A_2132 = arith.index_cast %add3A_2131 : i32 to index
      %get3A_2133 = tpu.vector_load %arg9[%get3A_2132] {strides = array<i32>} : memref<1920xf32, #tpu.memory_space<vmem>>, vector<16xf32>,
      %get3A_2134 = vector.shape_cast %get3A_2133 : vector<16xf32> to vector<16xf32>
      %add3A_2135 = arith.constant 8 : i32
      %add3A_2136 = arith.addi %add3A_1690, %add3A_2135 : i32
      %swap3A_2137 = arith.index_cast %add3A_2136 : i32 to index
      %swap3A_2138 = arith.constant 48 : index
      %swap3A_2139 = tpu.vector_load %arg13[%swap3A_2137, %swap3A_2138] {strides = array<i32>} : memref<512x64xf32, #tpu.memory_space<vmem>>, vector<1x16xf32>,
      %swap3A_2140 = vector.shape_cast %swap3A_2139 : vector<1x16xf32> to vector<16xf32>
      %swap3A_2141 = vector.shape_cast %get3A_2134 : vector<16xf32> to vector<1x16xf32>
      tpu.vector_store %arg13[%swap3A_2137, %swap3A_2138], %swap3A_2141 {strides = array<i32>} : memref<512x64xf32, #tpu.memory_space<vmem>>, vector<1x16xf32>,
      %slice3A_2142 = vector.extract_strided_slice %get3A_1693 {offsets = [9], sizes = [1], strides = [1]} : vector<16xi32> to vector<1xi32>
      %squeeze3A_2143 = vector.extract %slice3A_2142[0] : i32 from vector<1xi32>
      %add3A_2144 = arith.constant 0 : i32
      %add3A_2145 = arith.addi %squeeze3A_2143, %add3A_2144 : i32
      %get3A_2146 = arith.index_cast %add3A_2145 : i32 to index
      %get3A_2147 = tpu.vector_load %arg9[%get3A_2146] {strides = array<i32>} : memref<1920xf32, #tpu.memory_space<vmem>>, vector<16xf32>,
      %get3A_2148 = vector.shape_cast %get3A_2147 : vector<16xf32> to vector<16xf32>
      %add3A_2149 = arith.constant 9 : i32
      %add3A_2150 = arith.addi %add3A_1690, %add3A_2149 : i32
      %swap3A_2151 = arith.index_cast %add3A_2150 : i32 to index
      %swap3A_2152 = arith.constant 0 : index
      %swap3A_2153 = tpu.vector_load %arg13[%swap3A_2151, %swap3A_2152] {strides = array<i32>} : memref<512x64xf32, #tpu.memory_space<vmem>>, vector<1x16xf32>,
      %swap3A_2154 = vector.shape_cast %swap3A_2153 : vector<1x16xf32> to vector<16xf32>
      %swap3A_2155 = vector.shape_cast %get3A_2148 : vector<16xf32> to vector<1x16xf32>
      tpu.vector_store %arg13[%swap3A_2151, %swap3A_2152], %swap3A_2155 {strides = array<i32>} : memref<512x64xf32, #tpu.memory_space<vmem>>, vector<1x16xf32>,
      %add3A_2156 = arith.constant 16 : i32
      %add3A_2157 = arith.addi %squeeze3A_2143, %add3A_2156 : i32
      %get3A_2158 = arith.index_cast %add3A_2157 : i32 to index
      %get3A_2159 = tpu.vector_load %arg9[%get3A_2158] {strides = array<i32>} : memref<1920xf32, #tpu.memory_space<vmem>>, vector<16xf32>,
      %get3A_2160 = vector.shape_cast %get3A_2159 : vector<16xf32> to vector<16xf32>
      %add3A_2161 = arith.constant 9 : i32
      %add3A_2162 = arith.addi %add3A_1690, %add3A_2161 : i32
      %swap3A_2163 = arith.index_cast %add3A_2162 : i32 to index
      %swap3A_2164 = arith.constant 16 : index
      %swap3A_2165 = tpu.vector_load %arg13[%swap3A_2163, %swap3A_2164] {strides = array<i32>} : memref<512x64xf32, #tpu.memory_space<vmem>>, vector<1x16xf32>,
      %swap3A_2166 = vector.shape_cast %swap3A_2165 : vector<1x16xf32> to vector<16xf32>
      %swap3A_2167 = vector.shape_cast %get3A_2160 : vector<16xf32> to vector<1x16xf32>
      tpu.vector_store %arg13[%swap3A_2163, %swap3A_2164], %swap3A_2167 {strides = array<i32>} : memref<512x64xf32, #tpu.memory_space<vmem>>, vector<1x16xf32>,
      %add3A_2168 = arith.constant 32 : i32
      %add3A_2169 = arith.addi %squeeze3A_2143, %add3A_2168 : i32
      %get3A_2170 = arith.index_cast %add3A_2169 : i32 to index
      %get3A_2171 = tpu.vector_load %arg9[%get3A_2170] {strides = array<i32>} : memref<1920xf32, #tpu.memory_space<vmem>>, vector<16xf32>,
      %get3A_2172 = vector.shape_cast %get3A_2171 : vector<16xf32> to vector<16xf32>
      %add3A_2173 = arith.constant 9 : i32
      %add3A_2174 = arith.addi %add3A_1690, %add3A_2173 : i32
      %swap3A_2175 = arith.index_cast %add3A_2174 : i32 to index
      %swap3A_2176 = arith.constant 32 : index
      %swap3A_2177 = tpu.vector_load %arg13[%swap3A_2175, %swap3A_2176] {strides = array<i32>} : memref<512x64xf32, #tpu.memory_space<vmem>>, vector<1x16xf32>,
      %swap3A_2178 = vector.shape_cast %swap3A_2177 : vector<1x16xf32> to vector<16xf32>
      %swap3A_2179 = vector.shape_cast %get3A_2172 : vector<16xf32> to vector<1x16xf32>
      tpu.vector_store %arg13[%swap3A_2175, %swap3A_2176], %swap3A_2179 {strides = array<i32>} : memref<512x64xf32, #tpu.memory_space<vmem>>, vector<1x16xf32>,
      %add3A_2180 = arith.constant 48 : i32
      %add3A_2181 = arith.addi %squeeze3A_2143, %add3A_2180 : i32
      %get3A_2182 = arith.index_cast %add3A_2181 : i32 to index
      %get3A_2183 = tpu.vector_load %arg9[%get3A_2182] {strides = array<i32>} : memref<1920xf32, #tpu.memory_space<vmem>>, vector<16xf32>,
      %get3A_2184 = vector.shape_cast %get3A_2183 : vector<16xf32> to vector<16xf32>
      %add3A_2185 = arith.constant 9 : i32
      %add3A_2186 = arith.addi %add3A_1690, %add3A_2185 : i32
      %swap3A_2187 = arith.index_cast %add3A_2186 : i32 to index
      %swap3A_2188 = arith.constant 48 : index
      %swap3A_2189 = tpu.vector_load %arg13[%swap3A_2187, %swap3A_2188] {strides = array<i32>} : memref<512x64xf32, #tpu.memory_space<vmem>>, vector<1x16xf32>,
      %swap3A_2190 = vector.shape_cast %swap3A_2189 : vector<1x16xf32> to vector<16xf32>
      %swap3A_2191 = vector.shape_cast %get3A_2184 : vector<16xf32> to vector<1x16xf32>
      tpu.vector_store %arg13[%swap3A_2187, %swap3A_2188], %swap3A_2191 {strides = array<i32>} : memref<512x64xf32, #tpu.memory_space<vmem>>, vector<1x16xf32>,
      %slice3A_2192 = vector.extract_strided_slice %get3A_1693 {offsets = [10], sizes = [1], strides = [1]} : vector<16xi32> to vector<1xi32>
      %squeeze3A_2193 = vector.extract %slice3A_2192[0] : i32 from vector<1xi32>
      %add3A_2194 = arith.constant 0 : i32
      %add3A_2195 = arith.addi %squeeze3A_2193, %add3A_2194 : i32
      %get3A_2196 = arith.index_cast %add3A_2195 : i32 to index
      %get3A_2197 = tpu.vector_load %arg9[%get3A_2196] {strides = array<i32>} : memref<1920xf32, #tpu.memory_space<vmem>>, vector<16xf32>,
      %get3A_2198 = vector.shape_cast %get3A_2197 : vector<16xf32> to vector<16xf32>
      %add3A_2199 = arith.constant 10 : i32
      %add3A_2200 = arith.addi %add3A_1690, %add3A_2199 : i32
      %swap3A_2201 = arith.index_cast %add3A_2200 : i32 to index
      %swap3A_2202 = arith.constant 0 : index
      %swap3A_2203 = tpu.vector_load %arg13[%swap3A_2201, %swap3A_2202] {strides = array<i32>} : memref<512x64xf32, #tpu.memory_space<vmem>>, vector<1x16xf32>,
      %swap3A_2204 = vector.shape_cast %swap3A_2203 : vector<1x16xf32> to vector<16xf32>
      %swap3A_2205 = vector.shape_cast %get3A_2198 : vector<16xf32> to vector<1x16xf32>
      tpu.vector_store %arg13[%swap3A_2201, %swap3A_2202], %swap3A_2205 {strides = array<i32>} : memref<512x64xf32, #tpu.memory_space<vmem>>, vector<1x16xf32>,
      %add3A_2206 = arith.constant 16 : i32
      %add3A_2207 = arith.addi %squeeze3A_2193, %add3A_2206 : i32
      %get3A_2208 = arith.index_cast %add3A_2207 : i32 to index
      %get3A_2209 = tpu.vector_load %arg9[%get3A_2208] {strides = array<i32>} : memref<1920xf32, #tpu.memory_space<vmem>>, vector<16xf32>,
      %get3A_2210 = vector.shape_cast %get3A_2209 : vector<16xf32> to vector<16xf32>
      %add3A_2211 = arith.constant 10 : i32
      %add3A_2212 = arith.addi %add3A_1690, %add3A_2211 : i32
      %swap3A_2213 = arith.index_cast %add3A_2212 : i32 to index
      %swap3A_2214 = arith.constant 16 : index
      %swap3A_2215 = tpu.vector_load %arg13[%swap3A_2213, %swap3A_2214] {strides = array<i32>} : memref<512x64xf32, #tpu.memory_space<vmem>>, vector<1x16xf32>,
      %swap3A_2216 = vector.shape_cast %swap3A_2215 : vector<1x16xf32> to vector<16xf32>
      %swap3A_2217 = vector.shape_cast %get3A_2210 : vector<16xf32> to vector<1x16xf32>
      tpu.vector_store %arg13[%swap3A_2213, %swap3A_2214], %swap3A_2217 {strides = array<i32>} : memref<512x64xf32, #tpu.memory_space<vmem>>, vector<1x16xf32>,
      %add3A_2218 = arith.constant 32 : i32
      %add3A_2219 = arith.addi %squeeze3A_2193, %add3A_2218 : i32
      %get3A_2220 = arith.index_cast %add3A_2219 : i32 to index
      %get3A_2221 = tpu.vector_load %arg9[%get3A_2220] {strides = array<i32>} : memref<1920xf32, #tpu.memory_space<vmem>>, vector<16xf32>,
      %get3A_2222 = vector.shape_cast %get3A_2221 : vector<16xf32> to vector<16xf32>
      %add3A_2223 = arith.constant 10 : i32
      %add3A_2224 = arith.addi %add3A_1690, %add3A_2223 : i32
      %swap3A_2225 = arith.index_cast %add3A_2224 : i32 to index
      %swap3A_2226 = arith.constant 32 : index
      %swap3A_2227 = tpu.vector_load %arg13[%swap3A_2225, %swap3A_2226] {strides = array<i32>} : memref<512x64xf32, #tpu.memory_space<vmem>>, vector<1x16xf32>,
      %swap3A_2228 = vector.shape_cast %swap3A_2227 : vector<1x16xf32> to vector<16xf32>
      %swap3A_2229 = vector.shape_cast %get3A_2222 : vector<16xf32> to vector<1x16xf32>
      tpu.vector_store %arg13[%swap3A_2225, %swap3A_2226], %swap3A_2229 {strides = array<i32>} : memref<512x64xf32, #tpu.memory_space<vmem>>, vector<1x16xf32>,
      %add3A_2230 = arith.constant 48 : i32
      %add3A_2231 = arith.addi %squeeze3A_2193, %add3A_2230 : i32
      %get3A_2232 = arith.index_cast %add3A_2231 : i32 to index
      %get3A_2233 = tpu.vector_load %arg9[%get3A_2232] {strides = array<i32>} : memref<1920xf32, #tpu.memory_space<vmem>>, vector<16xf32>,
      %get3A_2234 = vector.shape_cast %get3A_2233 : vector<16xf32> to vector<16xf32>
      %add3A_2235 = arith.constant 10 : i32
      %add3A_2236 = arith.addi %add3A_1690, %add3A_2235 : i32
      %swap3A_2237 = arith.index_cast %add3A_2236 : i32 to index
      %swap3A_2238 = arith.constant 48 : index
      %swap3A_2239 = tpu.vector_load %arg13[%swap3A_2237, %swap3A_2238] {strides = array<i32>} : memref<512x64xf32, #tpu.memory_space<vmem>>, vector<1x16xf32>,
      %swap3A_2240 = vector.shape_cast %swap3A_2239 : vector<1x16xf32> to vector<16xf32>
      %swap3A_2241 = vector.shape_cast %get3A_2234 : vector<16xf32> to vector<1x16xf32>
      tpu.vector_store %arg13[%swap3A_2237, %swap3A_2238], %swap3A_2241 {strides = array<i32>} : memref<512x64xf32, #tpu.memory_space<vmem>>, vector<1x16xf32>,
      %slice3A_2242 = vector.extract_strided_slice %get3A_1693 {offsets = [11], sizes = [1], strides = [1]} : vector<16xi32> to vector<1xi32>
      %squeeze3A_2243 = vector.extract %slice3A_2242[0] : i32 from vector<1xi32>
      %add3A_2244 = arith.constant 0 : i32
      %add3A_2245 = arith.addi %squeeze3A_2243, %add3A_2244 : i32
      %get3A_2246 = arith.index_cast %add3A_2245 : i32 to index
      %get3A_2247 = tpu.vector_load %arg9[%get3A_2246] {strides = array<i32>} : memref<1920xf32, #tpu.memory_space<vmem>>, vector<16xf32>,
      %get3A_2248 = vector.shape_cast %get3A_2247 : vector<16xf32> to vector<16xf32>
      %add3A_2249 = arith.constant 11 : i32
      %add3A_2250 = arith.addi %add3A_1690, %add3A_2249 : i32
      %swap3A_2251 = arith.index_cast %add3A_2250 : i32 to index
      %swap3A_2252 = arith.constant 0 : index
      %swap3A_2253 = tpu.vector_load %arg13[%swap3A_2251, %swap3A_2252] {strides = array<i32>} : memref<512x64xf32, #tpu.memory_space<vmem>>, vector<1x16xf32>,
      %swap3A_2254 = vector.shape_cast %swap3A_2253 : vector<1x16xf32> to vector<16xf32>
      %swap3A_2255 = vector.shape_cast %get3A_2248 : vector<16xf32> to vector<1x16xf32>
      tpu.vector_store %arg13[%swap3A_2251, %swap3A_2252], %swap3A_2255 {strides = array<i32>} : memref<512x64xf32, #tpu.memory_space<vmem>>, vector<1x16xf32>,
      %add3A_2256 = arith.constant 16 : i32
      %add3A_2257 = arith.addi %squeeze3A_2243, %add3A_2256 : i32
      %get3A_2258 = arith.index_cast %add3A_2257 : i32 to index
      %get3A_2259 = tpu.vector_load %arg9[%get3A_2258] {strides = array<i32>} : memref<1920xf32, #tpu.memory_space<vmem>>, vector<16xf32>,
      %get3A_2260 = vector.shape_cast %get3A_2259 : vector<16xf32> to vector<16xf32>
      %add3A_2261 = arith.constant 11 : i32
      %add3A_2262 = arith.addi %add3A_1690, %add3A_2261 : i32
      %swap3A_2263 = arith.index_cast %add3A_2262 : i32 to index
      %swap3A_2264 = arith.constant 16 : index
      %swap3A_2265 = tpu.vector_load %arg13[%swap3A_2263, %swap3A_2264] {strides = array<i32>} : memref<512x64xf32, #tpu.memory_space<vmem>>, vector<1x16xf32>,
      %swap3A_2266 = vector.shape_cast %swap3A_2265 : vector<1x16xf32> to vector<16xf32>
      %swap3A_2267 = vector.shape_cast %get3A_2260 : vector<16xf32> to vector<1x16xf32>
      tpu.vector_store %arg13[%swap3A_2263, %swap3A_2264], %swap3A_2267 {strides = array<i32>} : memref<512x64xf32, #tpu.memory_space<vmem>>, vector<1x16xf32>,
      %add3A_2268 = arith.constant 32 : i32
      %add3A_2269 = arith.addi %squeeze3A_2243, %add3A_2268 : i32
      %get3A_2270 = arith.index_cast %add3A_2269 : i32 to index
      %get3A_2271 = tpu.vector_load %arg9[%get3A_2270] {strides = array<i32>} : memref<1920xf32, #tpu.memory_space<vmem>>, vector<16xf32>,
      %get3A_2272 = vector.shape_cast %get3A_2271 : vector<16xf32> to vector<16xf32>
      %add3A_2273 = arith.constant 11 : i32
      %add3A_2274 = arith.addi %add3A_1690, %add3A_2273 : i32
      %swap3A_2275 = arith.index_cast %add3A_2274 : i32 to index
      %swap3A_2276 = arith.constant 32 : index
      %swap3A_2277 = tpu.vector_load %arg13[%swap3A_2275, %swap3A_2276] {strides = array<i32>} : memref<512x64xf32, #tpu.memory_space<vmem>>, vector<1x16xf32>,
      %swap3A_2278 = vector.shape_cast %swap3A_2277 : vector<1x16xf32> to vector<16xf32>
      %swap3A_2279 = vector.shape_cast %get3A_2272 : vector<16xf32> to vector<1x16xf32>
      tpu.vector_store %arg13[%swap3A_2275, %swap3A_2276], %swap3A_2279 {strides = array<i32>} : memref<512x64xf32, #tpu.memory_space<vmem>>, vector<1x16xf32>,
      %add3A_2280 = arith.constant 48 : i32
      %add3A_2281 = arith.addi %squeeze3A_2243, %add3A_2280 : i32
      %get3A_2282 = arith.index_cast %add3A_2281 : i32 to index
      %get3A_2283 = tpu.vector_load %arg9[%get3A_2282] {strides = array<i32>} : memref<1920xf32, #tpu.memory_space<vmem>>, vector<16xf32>,
      %get3A_2284 = vector.shape_cast %get3A_2283 : vector<16xf32> to vector<16xf32>
      %add3A_2285 = arith.constant 11 : i32
      %add3A_2286 = arith.addi %add3A_1690, %add3A_2285 : i32
      %swap3A_2287 = arith.index_cast %add3A_2286 : i32 to index
      %swap3A_2288 = arith.constant 48 : index
      %swap3A_2289 = tpu.vector_load %arg13[%swap3A_2287, %swap3A_2288] {strides = array<i32>} : memref<512x64xf32, #tpu.memory_space<vmem>>, vector<1x16xf32>,
      %swap3A_2290 = vector.shape_cast %swap3A_2289 : vector<1x16xf32> to vector<16xf32>
      %swap3A_2291 = vector.shape_cast %get3A_2284 : vector<16xf32> to vector<1x16xf32>
      tpu.vector_store %arg13[%swap3A_2287, %swap3A_2288], %swap3A_2291 {strides = array<i32>} : memref<512x64xf32, #tpu.memory_space<vmem>>, vector<1x16xf32>,
      %slice3A_2292 = vector.extract_strided_slice %get3A_1693 {offsets = [12], sizes = [1], strides = [1]} : vector<16xi32> to vector<1xi32>
      %squeeze3A_2293 = vector.extract %slice3A_2292[0] : i32 from vector<1xi32>
      %add3A_2294 = arith.constant 0 : i32
      %add3A_2295 = arith.addi %squeeze3A_2293, %add3A_2294 : i32
      %get3A_2296 = arith.index_cast %add3A_2295 : i32 to index
      %get3A_2297 = tpu.vector_load %arg9[%get3A_2296] {strides = array<i32>} : memref<1920xf32, #tpu.memory_space<vmem>>, vector<16xf32>,
      %get3A_2298 = vector.shape_cast %get3A_2297 : vector<16xf32> to vector<16xf32>
      %add3A_2299 = arith.constant 12 : i32
      %add3A_2300 = arith.addi %add3A_1690, %add3A_2299 : i32
      %swap3A_2301 = arith.index_cast %add3A_2300 : i32 to index
      %swap3A_2302 = arith.constant 0 : index
      %swap3A_2303 = tpu.vector_load %arg13[%swap3A_2301, %swap3A_2302] {strides = array<i32>} : memref<512x64xf32, #tpu.memory_space<vmem>>, vector<1x16xf32>,
      %swap3A_2304 = vector.shape_cast %swap3A_2303 : vector<1x16xf32> to vector<16xf32>
      %swap3A_2305 = vector.shape_cast %get3A_2298 : vector<16xf32> to vector<1x16xf32>
      tpu.vector_store %arg13[%swap3A_2301, %swap3A_2302], %swap3A_2305 {strides = array<i32>} : memref<512x64xf32, #tpu.memory_space<vmem>>, vector<1x16xf32>,
      %add3A_2306 = arith.constant 16 : i32
      %add3A_2307 = arith.addi %squeeze3A_2293, %add3A_2306 : i32
      %get3A_2308 = arith.index_cast %add3A_2307 : i32 to index
      %get3A_2309 = tpu.vector_load %arg9[%get3A_2308] {strides = array<i32>} : memref<1920xf32, #tpu.memory_space<vmem>>, vector<16xf32>,
      %get3A_2310 = vector.shape_cast %get3A_2309 : vector<16xf32> to vector<16xf32>
      %add3A_2311 = arith.constant 12 : i32
      %add3A_2312 = arith.addi %add3A_1690, %add3A_2311 : i32
      %swap3A_2313 = arith.index_cast %add3A_2312 : i32 to index
      %swap3A_2314 = arith.constant 16 : index
      %swap3A_2315 = tpu.vector_load %arg13[%swap3A_2313, %swap3A_2314] {strides = array<i32>} : memref<512x64xf32, #tpu.memory_space<vmem>>, vector<1x16xf32>,
      %swap3A_2316 = vector.shape_cast %swap3A_2315 : vector<1x16xf32> to vector<16xf32>
      %swap3A_2317 = vector.shape_cast %get3A_2310 : vector<16xf32> to vector<1x16xf32>
      tpu.vector_store %arg13[%swap3A_2313, %swap3A_2314], %swap3A_2317 {strides = array<i32>} : memref<512x64xf32, #tpu.memory_space<vmem>>, vector<1x16xf32>,
      %add3A_2318 = arith.constant 32 : i32
      %add3A_2319 = arith.addi %squeeze3A_2293, %add3A_2318 : i32
      %get3A_2320 = arith.index_cast %add3A_2319 : i32 to index
      %get3A_2321 = tpu.vector_load %arg9[%get3A_2320] {strides = array<i32>} : memref<1920xf32, #tpu.memory_space<vmem>>, vector<16xf32>,
      %get3A_2322 = vector.shape_cast %get3A_2321 : vector<16xf32> to vector<16xf32>
      %add3A_2323 = arith.constant 12 : i32
      %add3A_2324 = arith.addi %add3A_1690, %add3A_2323 : i32
      %swap3A_2325 = arith.index_cast %add3A_2324 : i32 to index
      %swap3A_2326 = arith.constant 32 : index
      %swap3A_2327 = tpu.vector_load %arg13[%swap3A_2325, %swap3A_2326] {strides = array<i32>} : memref<512x64xf32, #tpu.memory_space<vmem>>, vector<1x16xf32>,
      %swap3A_2328 = vector.shape_cast %swap3A_2327 : vector<1x16xf32> to vector<16xf32>
      %swap3A_2329 = vector.shape_cast %get3A_2322 : vector<16xf32> to vector<1x16xf32>
      tpu.vector_store %arg13[%swap3A_2325, %swap3A_2326], %swap3A_2329 {strides = array<i32>} : memref<512x64xf32, #tpu.memory_space<vmem>>, vector<1x16xf32>,
      %add3A_2330 = arith.constant 48 : i32
      %add3A_2331 = arith.addi %squeeze3A_2293, %add3A_2330 : i32
      %get3A_2332 = arith.index_cast %add3A_2331 : i32 to index
      %get3A_2333 = tpu.vector_load %arg9[%get3A_2332] {strides = array<i32>} : memref<1920xf32, #tpu.memory_space<vmem>>, vector<16xf32>,
      %get3A_2334 = vector.shape_cast %get3A_2333 : vector<16xf32> to vector<16xf32>
      %add3A_2335 = arith.constant 12 : i32
      %add3A_2336 = arith.addi %add3A_1690, %add3A_2335 : i32
      %swap3A_2337 = arith.index_cast %add3A_2336 : i32 to index
      %swap3A_2338 = arith.constant 48 : index
      %swap3A_2339 = tpu.vector_load %arg13[%swap3A_2337, %swap3A_2338] {strides = array<i32>} : memref<512x64xf32, #tpu.memory_space<vmem>>, vector<1x16xf32>,
      %swap3A_2340 = vector.shape_cast %swap3A_2339 : vector<1x16xf32> to vector<16xf32>
      %swap3A_2341 = vector.shape_cast %get3A_2334 : vector<16xf32> to vector<1x16xf32>
      tpu.vector_store %arg13[%swap3A_2337, %swap3A_2338], %swap3A_2341 {strides = array<i32>} : memref<512x64xf32, #tpu.memory_space<vmem>>, vector<1x16xf32>,
      %slice3A_2342 = vector.extract_strided_slice %get3A_1693 {offsets = [13], sizes = [1], strides = [1]} : vector<16xi32> to vector<1xi32>
      %squeeze3A_2343 = vector.extract %slice3A_2342[0] : i32 from vector<1xi32>
      %add3A_2344 = arith.constant 0 : i32
      %add3A_2345 = arith.addi %squeeze3A_2343, %add3A_2344 : i32
      %get3A_2346 = arith.index_cast %add3A_2345 : i32 to index
      %get3A_2347 = tpu.vector_load %arg9[%get3A_2346] {strides = array<i32>} : memref<1920xf32, #tpu.memory_space<vmem>>, vector<16xf32>,
      %get3A_2348 = vector.shape_cast %get3A_2347 : vector<16xf32> to vector<16xf32>
      %add3A_2349 = arith.constant 13 : i32
      %add3A_2350 = arith.addi %add3A_1690, %add3A_2349 : i32
      %swap3A_2351 = arith.index_cast %add3A_2350 : i32 to index
      %swap3A_2352 = arith.constant 0 : index
      %swap3A_2353 = tpu.vector_load %arg13[%swap3A_2351, %swap3A_2352] {strides = array<i32>} : memref<512x64xf32, #tpu.memory_space<vmem>>, vector<1x16xf32>,
      %swap3A_2354 = vector.shape_cast %swap3A_2353 : vector<1x16xf32> to vector<16xf32>
      %swap3A_2355 = vector.shape_cast %get3A_2348 : vector<16xf32> to vector<1x16xf32>
      tpu.vector_store %arg13[%swap3A_2351, %swap3A_2352], %swap3A_2355 {strides = array<i32>} : memref<512x64xf32, #tpu.memory_space<vmem>>, vector<1x16xf32>,
      %add3A_2356 = arith.constant 16 : i32
      %add3A_2357 = arith.addi %squeeze3A_2343, %add3A_2356 : i32
      %get3A_2358 = arith.index_cast %add3A_2357 : i32 to index
      %get3A_2359 = tpu.vector_load %arg9[%get3A_2358] {strides = array<i32>} : memref<1920xf32, #tpu.memory_space<vmem>>, vector<16xf32>,
      %get3A_2360 = vector.shape_cast %get3A_2359 : vector<16xf32> to vector<16xf32>
      %add3A_2361 = arith.constant 13 : i32
      %add3A_2362 = arith.addi %add3A_1690, %add3A_2361 : i32
      %swap3A_2363 = arith.index_cast %add3A_2362 : i32 to index
      %swap3A_2364 = arith.constant 16 : index
      %swap3A_2365 = tpu.vector_load %arg13[%swap3A_2363, %swap3A_2364] {strides = array<i32>} : memref<512x64xf32, #tpu.memory_space<vmem>>, vector<1x16xf32>,
      %swap3A_2366 = vector.shape_cast %swap3A_2365 : vector<1x16xf32> to vector<16xf32>
      %swap3A_2367 = vector.shape_cast %get3A_2360 : vector<16xf32> to vector<1x16xf32>
      tpu.vector_store %arg13[%swap3A_2363, %swap3A_2364], %swap3A_2367 {strides = array<i32>} : memref<512x64xf32, #tpu.memory_space<vmem>>, vector<1x16xf32>,
      %add3A_2368 = arith.constant 32 : i32
      %add3A_2369 = arith.addi %squeeze3A_2343, %add3A_2368 : i32
      %get3A_2370 = arith.index_cast %add3A_2369 : i32 to index
      %get3A_2371 = tpu.vector_load %arg9[%get3A_2370] {strides = array<i32>} : memref<1920xf32, #tpu.memory_space<vmem>>, vector<16xf32>,
      %get3A_2372 = vector.shape_cast %get3A_2371 : vector<16xf32> to vector<16xf32>
      %add3A_2373 = arith.constant 13 : i32
      %add3A_2374 = arith.addi %add3A_1690, %add3A_2373 : i32
      %swap3A_2375 = arith.index_cast %add3A_2374 : i32 to index
      %swap3A_2376 = arith.constant 32 : index
      %swap3A_2377 = tpu.vector_load %arg13[%swap3A_2375, %swap3A_2376] {strides = array<i32>} : memref<512x64xf32, #tpu.memory_space<vmem>>, vector<1x16xf32>,
      %swap3A_2378 = vector.shape_cast %swap3A_2377 : vector<1x16xf32> to vector<16xf32>
      %swap3A_2379 = vector.shape_cast %get3A_2372 : vector<16xf32> to vector<1x16xf32>
      tpu.vector_store %arg13[%swap3A_2375, %swap3A_2376], %swap3A_2379 {strides = array<i32>} : memref<512x64xf32, #tpu.memory_space<vmem>>, vector<1x16xf32>,
      %add3A_2380 = arith.constant 48 : i32
      %add3A_2381 = arith.addi %squeeze3A_2343, %add3A_2380 : i32
      %get3A_2382 = arith.index_cast %add3A_2381 : i32 to index
      %get3A_2383 = tpu.vector_load %arg9[%get3A_2382] {strides = array<i32>} : memref<1920xf32, #tpu.memory_space<vmem>>, vector<16xf32>,
      %get3A_2384 = vector.shape_cast %get3A_2383 : vector<16xf32> to vector<16xf32>
      %add3A_2385 = arith.constant 13 : i32
      %add3A_2386 = arith.addi %add3A_1690, %add3A_2385 : i32
      %swap3A_2387 = arith.index_cast %add3A_2386 : i32 to index
      %swap3A_2388 = arith.constant 48 : index
      %swap3A_2389 = tpu.vector_load %arg13[%swap3A_2387, %swap3A_2388] {strides = array<i32>} : memref<512x64xf32, #tpu.memory_space<vmem>>, vector<1x16xf32>,
      %swap3A_2390 = vector.shape_cast %swap3A_2389 : vector<1x16xf32> to vector<16xf32>
      %swap3A_2391 = vector.shape_cast %get3A_2384 : vector<16xf32> to vector<1x16xf32>
      tpu.vector_store %arg13[%swap3A_2387, %swap3A_2388], %swap3A_2391 {strides = array<i32>} : memref<512x64xf32, #tpu.memory_space<vmem>>, vector<1x16xf32>,
      %slice3A_2392 = vector.extract_strided_slice %get3A_1693 {offsets = [14], sizes = [1], strides = [1]} : vector<16xi32> to vector<1xi32>
      %squeeze3A_2393 = vector.extract %slice3A_2392[0] : i32 from vector<1xi32>
      %add3A_2394 = arith.constant 0 : i32
      %add3A_2395 = arith.addi %squeeze3A_2393, %add3A_2394 : i32
      %get3A_2396 = arith.index_cast %add3A_2395 : i32 to index
      %get3A_2397 = tpu.vector_load %arg9[%get3A_2396] {strides = array<i32>} : memref<1920xf32, #tpu.memory_space<vmem>>, vector<16xf32>,
      %get3A_2398 = vector.shape_cast %get3A_2397 : vector<16xf32> to vector<16xf32>
      %add3A_2399 = arith.constant 14 : i32
      %add3A_2400 = arith.addi %add3A_1690, %add3A_2399 : i32
      %swap3A_2401 = arith.index_cast %add3A_2400 : i32 to index
      %swap3A_2402 = arith.constant 0 : index
      %swap3A_2403 = tpu.vector_load %arg13[%swap3A_2401, %swap3A_2402] {strides = array<i32>} : memref<512x64xf32, #tpu.memory_space<vmem>>, vector<1x16xf32>,
      %swap3A_2404 = vector.shape_cast %swap3A_2403 : vector<1x16xf32> to vector<16xf32>
      %swap3A_2405 = vector.shape_cast %get3A_2398 : vector<16xf32> to vector<1x16xf32>
      tpu.vector_store %arg13[%swap3A_2401, %swap3A_2402], %swap3A_2405 {strides = array<i32>} : memref<512x64xf32, #tpu.memory_space<vmem>>, vector<1x16xf32>,
      %add3A_2406 = arith.constant 16 : i32
      %add3A_2407 = arith.addi %squeeze3A_2393, %add3A_2406 : i32
      %get3A_2408 = arith.index_cast %add3A_2407 : i32 to index
      %get3A_2409 = tpu.vector_load %arg9[%get3A_2408] {strides = array<i32>} : memref<1920xf32, #tpu.memory_space<vmem>>, vector<16xf32>,
      %get3A_2410 = vector.shape_cast %get3A_2409 : vector<16xf32> to vector<16xf32>
      %add3A_2411 = arith.constant 14 : i32
      %add3A_2412 = arith.addi %add3A_1690, %add3A_2411 : i32
      %swap3A_2413 = arith.index_cast %add3A_2412 : i32 to index
      %swap3A_2414 = arith.constant 16 : index
      %swap3A_2415 = tpu.vector_load %arg13[%swap3A_2413, %swap3A_2414] {strides = array<i32>} : memref<512x64xf32, #tpu.memory_space<vmem>>, vector<1x16xf32>,
      %swap3A_2416 = vector.shape_cast %swap3A_2415 : vector<1x16xf32> to vector<16xf32>
      %swap3A_2417 = vector.shape_cast %get3A_2410 : vector<16xf32> to vector<1x16xf32>
      tpu.vector_store %arg13[%swap3A_2413, %swap3A_2414], %swap3A_2417 {strides = array<i32>} : memref<512x64xf32, #tpu.memory_space<vmem>>, vector<1x16xf32>,
      %add3A_2418 = arith.constant 32 : i32
      %add3A_2419 = arith.addi %squeeze3A_2393, %add3A_2418 : i32
      %get3A_2420 = arith.index_cast %add3A_2419 : i32 to index
      %get3A_2421 = tpu.vector_load %arg9[%get3A_2420] {strides = array<i32>} : memref<1920xf32, #tpu.memory_space<vmem>>, vector<16xf32>,
      %get3A_2422 = vector.shape_cast %get3A_2421 : vector<16xf32> to vector<16xf32>
      %add3A_2423 = arith.constant 14 : i32
      %add3A_2424 = arith.addi %add3A_1690, %add3A_2423 : i32
      %swap3A_2425 = arith.index_cast %add3A_2424 : i32 to index
      %swap3A_2426 = arith.constant 32 : index
      %swap3A_2427 = tpu.vector_load %arg13[%swap3A_2425, %swap3A_2426] {strides = array<i32>} : memref<512x64xf32, #tpu.memory_space<vmem>>, vector<1x16xf32>,
      %swap3A_2428 = vector.shape_cast %swap3A_2427 : vector<1x16xf32> to vector<16xf32>
      %swap3A_2429 = vector.shape_cast %get3A_2422 : vector<16xf32> to vector<1x16xf32>
      tpu.vector_store %arg13[%swap3A_2425, %swap3A_2426], %swap3A_2429 {strides = array<i32>} : memref<512x64xf32, #tpu.memory_space<vmem>>, vector<1x16xf32>,
      %add3A_2430 = arith.constant 48 : i32
      %add3A_2431 = arith.addi %squeeze3A_2393, %add3A_2430 : i32
      %get3A_2432 = arith.index_cast %add3A_2431 : i32 to index
      %get3A_2433 = tpu.vector_load %arg9[%get3A_2432] {strides = array<i32>} : memref<1920xf32, #tpu.memory_space<vmem>>, vector<16xf32>,
      %get3A_2434 = vector.shape_cast %get3A_2433 : vector<16xf32> to vector<16xf32>
      %add3A_2435 = arith.constant 14 : i32
      %add3A_2436 = arith.addi %add3A_1690, %add3A_2435 : i32
      %swap3A_2437 = arith.index_cast %add3A_2436 : i32 to index
      %swap3A_2438 = arith.constant 48 : index
      %swap3A_2439 = tpu.vector_load %arg13[%swap3A_2437, %swap3A_2438] {strides = array<i32>} : memref<512x64xf32, #tpu.memory_space<vmem>>, vector<1x16xf32>,
      %swap3A_2440 = vector.shape_cast %swap3A_2439 : vector<1x16xf32> to vector<16xf32>
      %swap3A_2441 = vector.shape_cast %get3A_2434 : vector<16xf32> to vector<1x16xf32>
      tpu.vector_store %arg13[%swap3A_2437, %swap3A_2438], %swap3A_2441 {strides = array<i32>} : memref<512x64xf32, #tpu.memory_space<vmem>>, vector<1x16xf32>,
      %slice3A_2442 = vector.extract_strided_slice %get3A_1693 {offsets = [15], sizes = [1], strides = [1]} : vector<16xi32> to vector<1xi32>
      %squeeze3A_2443 = vector.extract %slice3A_2442[0] : i32 from vector<1xi32>
      %add3A_2444 = arith.constant 0 : i32
      %add3A_2445 = arith.addi %squeeze3A_2443, %add3A_2444 : i32
      %get3A_2446 = arith.index_cast %add3A_2445 : i32 to index
      %get3A_2447 = tpu.vector_load %arg9[%get3A_2446] {strides = array<i32>} : memref<1920xf32, #tpu.memory_space<vmem>>, vector<16xf32>,
      %get3A_2448 = vector.shape_cast %get3A_2447 : vector<16xf32> to vector<16xf32>
      %add3A_2449 = arith.constant 15 : i32
      %add3A_2450 = arith.addi %add3A_1690, %add3A_2449 : i32
      %swap3A_2451 = arith.index_cast %add3A_2450 : i32 to index
      %swap3A_2452 = arith.constant 0 : index
      %swap3A_2453 = tpu.vector_load %arg13[%swap3A_2451, %swap3A_2452] {strides = array<i32>} : memref<512x64xf32, #tpu.memory_space<vmem>>, vector<1x16xf32>,
      %swap3A_2454 = vector.shape_cast %swap3A_2453 : vector<1x16xf32> to vector<16xf32>
      %swap3A_2455 = vector.shape_cast %get3A_2448 : vector<16xf32> to vector<1x16xf32>
      tpu.vector_store %arg13[%swap3A_2451, %swap3A_2452], %swap3A_2455 {strides = array<i32>} : memref<512x64xf32, #tpu.memory_space<vmem>>, vector<1x16xf32>,
      %add3A_2456 = arith.constant 16 : i32
      %add3A_2457 = arith.addi %squeeze3A_2443, %add3A_2456 : i32
      %get3A_2458 = arith.index_cast %add3A_2457 : i32 to index
      %get3A_2459 = tpu.vector_load %arg9[%get3A_2458] {strides = array<i32>} : memref<1920xf32, #tpu.memory_space<vmem>>, vector<16xf32>,
      %get3A_2460 = vector.shape_cast %get3A_2459 : vector<16xf32> to vector<16xf32>
      %add3A_2461 = arith.constant 15 : i32
      %add3A_2462 = arith.addi %add3A_1690, %add3A_2461 : i32
      %swap3A_2463 = arith.index_cast %add3A_2462 : i32 to index
      %swap3A_2464 = arith.constant 16 : index
      %swap3A_2465 = tpu.vector_load %arg13[%swap3A_2463, %swap3A_2464] {strides = array<i32>} : memref<512x64xf32, #tpu.memory_space<vmem>>, vector<1x16xf32>,
      %swap3A_2466 = vector.shape_cast %swap3A_2465 : vector<1x16xf32> to vector<16xf32>
      %swap3A_2467 = vector.shape_cast %get3A_2460 : vector<16xf32> to vector<1x16xf32>
      tpu.vector_store %arg13[%swap3A_2463, %swap3A_2464], %swap3A_2467 {strides = array<i32>} : memref<512x64xf32, #tpu.memory_space<vmem>>, vector<1x16xf32>,
      %add3A_2468 = arith.constant 32 : i32
      %add3A_2469 = arith.addi %squeeze3A_2443, %add3A_2468 : i32
      %get3A_2470 = arith.index_cast %add3A_2469 : i32 to index
      %get3A_2471 = tpu.vector_load %arg9[%get3A_2470] {strides = array<i32>} : memref<1920xf32, #tpu.memory_space<vmem>>, vector<16xf32>,
      %get3A_2472 = vector.shape_cast %get3A_2471 : vector<16xf32> to vector<16xf32>
      %add3A_2473 = arith.constant 15 : i32
      %add3A_2474 = arith.addi %add3A_1690, %add3A_2473 : i32
      %swap3A_2475 = arith.index_cast %add3A_2474 : i32 to index
      %swap3A_2476 = arith.constant 32 : index
      %swap3A_2477 = tpu.vector_load %arg13[%swap3A_2475, %swap3A_2476] {strides = array<i32>} : memref<512x64xf32, #tpu.memory_space<vmem>>, vector<1x16xf32>,
      %swap3A_2478 = vector.shape_cast %swap3A_2477 : vector<1x16xf32> to vector<16xf32>
      %swap3A_2479 = vector.shape_cast %get3A_2472 : vector<16xf32> to vector<1x16xf32>
      tpu.vector_store %arg13[%swap3A_2475, %swap3A_2476], %swap3A_2479 {strides = array<i32>} : memref<512x64xf32, #tpu.memory_space<vmem>>, vector<1x16xf32>,
      %add3A_2480 = arith.constant 48 : i32
      %add3A_2481 = arith.addi %squeeze3A_2443, %add3A_2480 : i32
      %get3A_2482 = arith.index_cast %add3A_2481 : i32 to index
      %get3A_2483 = tpu.vector_load %arg9[%get3A_2482] {strides = array<i32>} : memref<1920xf32, #tpu.memory_space<vmem>>, vector<16xf32>,
      %get3A_2484 = vector.shape_cast %get3A_2483 : vector<16xf32> to vector<16xf32>
      %add3A_2485 = arith.constant 15 : i32
      %add3A_2486 = arith.addi %add3A_1690, %add3A_2485 : i32
      %swap3A_2487 = arith.index_cast %add3A_2486 : i32 to index
      %swap3A_2488 = arith.constant 48 : index
      %swap3A_2489 = tpu.vector_load %arg13[%swap3A_2487, %swap3A_2488] {strides = array<i32>} : memref<512x64xf32, #tpu.memory_space<vmem>>, vector<1x16xf32>,
      %swap3A_2490 = vector.shape_cast %swap3A_2489 : vector<1x16xf32> to vector<16xf32>
      %swap3A_2491 = vector.shape_cast %get3A_2484 : vector<16xf32> to vector<1x16xf32>
      tpu.vector_store %arg13[%swap3A_2487, %swap3A_2488], %swap3A_2491 {strides = array<i32>} : memref<512x64xf32, #tpu.memory_space<vmem>>, vector<1x16xf32>,
    }
    %scan3A_1653 = arith.constant 16 : i32
    %add3A_1654 = arith.constant 256 : i32
    %add3A_1655 = arith.addi %mul3A_2, %add3A_1654 : i32
    %dma_start3A_1656 = arith.constant 256 : i32
    %dma_start3A_1657 = arith.constant 0 : i32
    %dma_start3A_1658 = tpu.memref_slice %arg13[%dma_start3A_1656, %dma_start3A_1657] : memref<512x64xf32, #tpu.memory_space<vmem>> -> memref<256x64xf32, #tpu.memory_space<vmem>>
    %dma_start3A_1659 = arith.constant 0 : i32
    %dma_start3A_1660 = tpu.memref_slice %arg6[%add3A_1655, %dma_start3A_1659] : memref<16384x64xf32, #tpu.memory_space<hbm>> -> memref<256x64xf32, #tpu.memory_space<hbm>>
    %dma_start3A_1661 = arith.constant 0 : i32
    %dma_start3A_1662 = tpu.memref_slice %arg6[%add3A_1655, %dma_start3A_1661] : memref<16384x64xf32, #tpu.memory_space<hbm>> -> memref<256x64xf32, #tpu.memory_space<hbm>>
    %dma_start3A_1663 = arith.constant 256 : i32
    %dma_start3A_1664 = arith.constant 0 : i32
    %dma_start3A_1665 = tpu.memref_slice %arg13[%dma_start3A_1663, %dma_start3A_1664] : memref<512x64xf32, #tpu.memory_space<vmem>> -> memref<256x64xf32, #tpu.memory_space<vmem>>
    tpu.enqueue_dma source(%dma_start3A_1665 : memref<256x64xf32, #tpu.memory_space<vmem>>) target(%dma_start3A_1662 : memref<256x64xf32, #tpu.memory_space<hbm>>) target_semaphore(%arg15 : memref<!tpu.dma_semaphore, #tpu.memory_space<semaphore_mem>>)
    %dma_wait3A_1666 = arith.constant 0 : i32
    %dma_wait3A_1667 = arith.constant 0 : i32
    %dma_wait3A_1668 = tpu.memref_slice %arg13[%dma_wait3A_1666, %dma_wait3A_1667] : memref<512x64xf32, #tpu.memory_space<vmem>> -> memref<256x64xf32, #tpu.memory_space<vmem>>
    %dma_wait3A_1669 = arith.constant 0 : i32
    %dma_wait3A_1670 = tpu.memref_slice %arg6[%add3A_1637, %dma_wait3A_1669] : memref<16384x64xf32, #tpu.memory_space<hbm>> -> memref<256x64xf32, #tpu.memory_space<hbm>>
    %dma_wait3A_1671 = arith.constant 0 : i32
    %dma_wait3A_1672 = tpu.memref_slice %arg6[%add3A_1637, %dma_wait3A_1671] : memref<16384x64xf32, #tpu.memory_space<hbm>> -> memref<256x64xf32, #tpu.memory_space<hbm>>
    %dma_wait3A_1673 = arith.constant 0 : i32
    %dma_wait3A_1674 = arith.constant 0 : i32
    %dma_wait3A_1675 = tpu.memref_slice %arg13[%dma_wait3A_1673, %dma_wait3A_1674] : memref<512x64xf32, #tpu.memory_space<vmem>> -> memref<256x64xf32, #tpu.memory_space<vmem>>
    tpu.wait_dma2 semaphore(%arg15 : memref<!tpu.dma_semaphore, #tpu.memory_space<semaphore_mem>>) src(%dma_wait3A_1675 : memref<256x64xf32, #tpu.memory_space<vmem>>) dst(%dma_wait3A_1672 : memref<256x64xf32, #tpu.memory_space<hbm>>)
    %dma_wait3A_1676 = arith.constant 256 : i32
    %dma_wait3A_1677 = arith.constant 0 : i32
    %dma_wait3A_1678 = tpu.memref_slice %arg13[%dma_wait3A_1676, %dma_wait3A_1677] : memref<512x64xf32, #tpu.memory_space<vmem>> -> memref<256x64xf32, #tpu.memory_space<vmem>>
    %dma_wait3A_1679 = arith.constant 0 : i32
    %dma_wait3A_1680 = tpu.memref_slice %arg6[%add3A_1655, %dma_wait3A_1679] : memref<16384x64xf32, #tpu.memory_space<hbm>> -> memref<256x64xf32, #tpu.memory_space<hbm>>
    %dma_wait3A_1681 = arith.constant 0 : i32
    %dma_wait3A_1682 = tpu.memref_slice %arg6[%add3A_1655, %dma_wait3A_1681] : memref<16384x64xf32, #tpu.memory_space<hbm>> -> memref<256x64xf32, #tpu.memory_space<hbm>>
    %dma_wait3A_1683 = arith.constant 256 : i32
    %dma_wait3A_1684 = arith.constant 0 : i32
    %dma_wait3A_1685 = tpu.memref_slice %arg13[%dma_wait3A_1683, %dma_wait3A_1684] : memref<512x64xf32, #tpu.memory_space<vmem>> -> memref<256x64xf32, #tpu.memory_space<vmem>>
    tpu.wait_dma2 semaphore(%arg15 : memref<!tpu.dma_semaphore, #tpu.memory_space<semaphore_mem>>) src(%dma_wait3A_1685 : memref<256x64xf32, #tpu.memory_space<vmem>>) dst(%dma_wait3A_1682 : memref<256x64xf32, #tpu.memory_space<hbm>>)
    return
  }
}

</mosaic_0001>

<sc_bundles>
// kernel: kernel.3.cloned.1.call-start
scs
__scs_entry_jumppad:
0x0: {  	(pc) =	sbr.rel $0x88, $3  }
0x1: {  	(tag) =	ssettag $0x0;
	lr =	simm.s32 $0x1  }
0x2: {  	[smem:$0x3F9D] =	sst lr;
	_ =	strace $0xD0000000  }
0x3: {  	_ = 	snop  }
0x4: {  	_ = 	snop  }
0x5: {  	_ = 	snop  }
0x6: {  	_ = 	snop  }
0x7: {  	_ = 	snop  }
__scs_overlays_trampoline_lowered:
0x8: {  	[smem:$0x3FAC] =	sst s0  }
0x9: {  	[smem:$0x3FAD] =	sst s1  }
0xa: {  	[smem:$0x3FAE] =	sst s2  }
0xb: {  	[smem:$0x3FAF] =	sst s3  }
0xc: {  	[smem:$0x3FB0] =	sst s4  }
0xd: {  	[smem:$0x3FB1] =	sst s5  }
0xe: {  	[smem:$0x3FB2] =	sst s6  }
0xf: {  	[smem:$0x3FB3] =	sst s7  }
0x10: {  	[smem:$0x3FB4] =	sst s8  }
0x11: {  	[smem:$0x3FB5] =	sst s9;
	s0 =	simm.s32 @!p0 $0x0  }
0x12: {  	s1 =	sld [smem:$0x3F9B];
	s0 =	simm.s32 @p0 $0x1  }
0x13: {  	[smem:$0x3FB6] =	sst s0;
	s0 =	simm.s32 @!p1 $0x0  }
0x14: {  	s2 =	sld [smem:$0x3F9A];
	s0 =	simm.s32 @p1 $0x1  }
0x15: {  	[smem:$0x3FB7] =	sst s0;
	s0 =	simm.s32 @!p2 $0x0  }
0x16: {  	s3 =	sld [smem:$0x3FDB];
	s0 =	simm.s32 @p2 $0x1  }
0x17: {  	s4 =	simm.s32 $0x1BF5;
	[smem:$0x3FB9] =	sst s0  }
0x18: {  	s0 =	sld [smem:$0x3F9C];
	_ =	swait.ge [sflag:s4], $0x0  }
0x19: {  	s7 =	sld [smem:$0x3F9D]  }
0x1a: {  	s8 =	sadd.s32 $0xFFFFE003, lr  }
0x1b: {  	s9 =	sadd.s32 $0xFFFFFEF7, lr;
	s5 =	simm.s32 $0xFFFFFFFF;
	p2 =	slt.u32 s8, $0xFFFFF086  }
0x1c: {  	p1 =	slt.u32 s9, $0xF7A;
	s5 =	simm.s32 @!p2 $0x0  }
0x1d: {  	s5 =	simm.s32 @p1 $0x1;
	p0 =	seq.s32 s7, s2  }
0x1e: {  	s7 =	smul.u32 @!p0 $0xF7A, s2;
	p2 =	seq.s32 @!p0 s5, $0x0  }
0x1f: {  	s9 =	smul.u32 $0xF7A, s1;
	s8 =	simm.s32 @!p0 $0x1BF5;
	p2 =	por !p2, p0  }
0x20: {  	[sflag:s8] =	ssyncset.s32 @!p0 $0xFFFFF086;
	s6 =	sadd.s32 @!p0 s3, s7;
	s7 =	simm.s32 @!p0 $0x108  }
0x21: {  	s3 =	sadd.s32 s3, s9;
	s6 =	sadd.s32 @!p0 $0x88, s6;
	s7 =	simm.s32 @p2 $0x1082  }
0x22: {  	[simem:s7], [sflag:s8] =	dma.local @!p0 [hbm:s6], $0xF7A  }
0x23: {  	s9 =	sor.u32 $0xD0000000, s2;
	s6 =	simm.s32 $0x108;
	_ =	swait.ge @!p0 [sflag:s8], $0x0  }
0x24: {  	s3 =	sadd.s32 $0x88, s3;
	s6 =	simm.s32 @!p1 $0x1082;
	[sflag:s4] =	ssyncset.s32 $0xFFFFF086  }
0x25: {  	[simem:s6], [sflag:s4] =	dma.local [hbm:s3], $0xF7A  }
0x26: {  	[smem:$0x3F9D] =	sst s1;
	(tag) =	ssettag s2;
	_ =	strace s9  }
0x27: {  	s1 =	sld [smem:$0x3FAD]  }
0x28: {  	s2 =	sld [smem:$0x3FAE]  }
0x29: {  	s4 =	sld [smem:$0x3FB0]  }
0x2a: {  	p0 =	seq.s32 s5, $0x0;
	s5 =	sld [smem:$0x3FB1]  }
0x2b: {  	s6 =	sld [smem:$0x3FB2]  }
0x2c: {  	s7 =	sld [smem:$0x3FB3]  }
0x2d: {  	s3 =	simm.s32 $0x108;
	s8 =	sld [smem:$0x3FB4]  }
0x2e: {  	s3 =	simm.s32 @!p0 $0x1082;
	s9 =	sld [smem:$0x3FB5]  }
0x2f: {  	lr =	sadd.s32 s0, s3;
	s0 =	sld [smem:$0x3FAC]  }
0x30: {  	s3 =	sld [smem:$0x3FAF]  }
0x31: {  	[smem:$0x3FB8] =	sst s10  }
0x32: {  	s10 =	sld [smem:$0x3FB6];
	_ =	sdelay $0x3  }
0x33: {  	p0 =	seq.s32 s10, $0x1;
	s10 =	sld [smem:$0x3FB8];
	_ =	sdelay $0x3  }
0x34: {  	[smem:$0x3FB8] =	sst s10  }
0x35: {  	s10 =	sld [smem:$0x3FB7];
	_ =	sdelay $0x3  }
0x36: {  	p1 =	seq.s32 s10, $0x1;
	s10 =	sld [smem:$0x3FB8];
	_ =	sdelay $0x3  }
0x37: {  	[smem:$0x3FB8] =	sst s10  }
0x38: {  	s10 =	sld [smem:$0x3FB9]  }
0x39: {  	_ = 	snop;
	(pc) =	sbr.ind lr, $3  }
0x3a: {  	_ = 	snop  }
0x3b: {  	_ = 	snop  }
0x3c: {  	p2 =	seq.s32 s10, $0x1;
	s10 =	sld [smem:$0x3FB8]  }
0x3d: {  	_ =	shalt  }
0x3e: {  	_ =	shalt  }
0x3f: {  	_ =	shalt  }
0x40: {  	_ =	shalt  }
0x41: {  	_ =	shalt  }
0x42: {  	_ =	shalt  }
0x43: {  	_ =	shalt  }
0x44: {  	_ =	shalt  }
0x45: {  	_ =	shalt  }
0x46: {  	_ =	shalt  }
0x47: {  	_ =	shalt  }
0x48: {  	_ =	shalt  }
0x49: {  	_ =	shalt  }
0x4a: {  	_ =	shalt  }
0x4b: {  	_ =	shalt  }
0x4c: {  	_ =	shalt  }
0x4d: {  	_ =	shalt  }
0x4e: {  	_ =	shalt  }
0x4f: {  	_ =	shalt  }
0x50: {  	_ =	shalt  }
0x51: {  	_ =	shalt  }
0x52: {  	_ =	shalt  }
0x53: {  	_ =	shalt  }
0x54: {  	_ =	shalt  }
0x55: {  	_ =	shalt  }
0x56: {  	_ =	shalt  }
0x57: {  	_ =	shalt  }
0x58: {  	_ =	shalt  }
0x59: {  	_ =	shalt  }
0x5a: {  	_ =	shalt  }
0x5b: {  	_ =	shalt  }
0x5c: {  	_ =	shalt  }
0x5d: {  	_ =	shalt  }
0x5e: {  	_ =	shalt  }
0x5f: {  	_ =	shalt  }
0x60: {  	_ =	shalt  }
0x61: {  	_ =	shalt  }
0x62: {  	_ =	shalt  }
0x63: {  	_ =	shalt  }
0x64: {  	_ =	shalt  }
0x65: {  	_ =	shalt  }
0x66: {  	_ =	shalt  }
0x67: {  	_ =	shalt  }
0x68: {  	_ =	shalt  }
0x69: {  	_ =	shalt  }
0x6a: {  	_ =	shalt  }
0x6b: {  	_ =	shalt  }
0x6c: {  	_ =	shalt  }
0x6d: {  	_ =	shalt  }
0x6e: {  	_ =	shalt  }
0x6f: {  	_ =	shalt  }
0x70: {  	_ =	shalt  }
0x71: {  	_ =	shalt  }
0x72: {  	_ =	shalt  }
0x73: {  	_ =	shalt  }
0x74: {  	_ =	shalt  }
0x75: {  	_ =	shalt  }
0x76: {  	_ =	shalt  }
0x77: {  	_ =	shalt  }
0x78: {  	_ =	shalt  }
0x79: {  	_ =	shalt  }
0x7a: {  	_ =	shalt  }
0x7b: {  	_ =	shalt  }
0x7c: {  	_ =	shalt  }
0x7d: {  	_ =	shalt  }
0x7e: {  	_ =	shalt  }
0x7f: {  	_ =	shalt  }
0x80: {  	_ =	shalt  }
0x81: {  	_ =	shalt  }
0x82: {  	_ =	shalt  }
0x83: {  	_ =	shalt  }
0x84: {  	_ =	shalt  }
0x85: {  	_ =	shalt  }
0x86: {  	_ =	shalt  }
0x87: {  	_ =	shalt  }
.Lfunc_end0:
.L_simem_size_0:
called_computation_lowered:
.L_overlay_start_0:
0x88: {  	s2 =	sld [smem:$0x3FD9]  }
0x89: {  	s3 =	sld [smem:$0x3FFE];
	_ =	sdelay $0x1  }
0x8a: {  	s1 =	srdreg.scid  }
0x8b: {  	s0 =	sand.u32 $0x1, s1  }
0x8c: {  	s17 =	sshll.u32 s0, $0xA;
	s2 =	sadd.s32 s3, s2  }
0x8d: {  	s2 =	sadd.s32 s2, s17  }
0x8e: {  	[smem:$0x3FC4] =	sst s2  }
0x8f: {  	_ = 	snop  }
0x90: {  	s2 =	sld [smem:$0x3FC9]  }
0x91: {  	s18 =	sld [smem:$0x3FC8]  }
0x92: {  	s4 =	sld [smem:$0x3FC7]  }
0x93: {  	s5 =	sld [smem:$0x3FC6];
	(tm) =	ssettm $0x1  }
0x94: {  	s6 =	sld [smem:$0x3FFB];
	_ =	sdelay $0x3  }
0x95: {  	_ =	strace s6  }
0x96: {  	s6 =	sld [smem:$0x3FFC];
	_ =	sdelay $0x3  }
0x97: {  	_ =	strace s6  }
0x98: {  	s6 =	sld [smem:$0x3FFD];
	_ =	sdelay $0x3  }
0x99: {  	_ =	strace s6  }
0x9a: {  	_ =	strace $0x8FFFFFFF  }
0x9b: {  	s19 =	sld [smem:$0x3FDB];
	_ =	sdelay $0x1  }
0x9c: {  	s7 =	simm.s32 $_scs_section_size  }
0x9d: {  	s8 =	simm.s32 $_size__tile_overlayer_lowered;
	s9 =	simm.s32 $_tile_overlayer_lowered  }
0x9e: {  	s22 =	simm.s32 $0x1BFF;
	s21 =	sshll.u32 s9, $0x1;
	s6 =	sadd.s32 s7, s19  }
0x9f: {  	s10 =	simm.s32 $0x0;
	s20 =	sshll.u32 s8, $0x1;
	s8 =	sadd.s32 s21, s6  }
0xa0: {  	[timem:s10], [sflag:s22] =	dma.local [hbm:s8], s20  }
0xa1: {  	_ =	swait.ge [sflag:s22], s20  }
0xa2: {  	s7 =	ssub.s32 $0x0, s20;
	[sflag:s22] =	ssyncset.done $0x0  }
0xa3: {  	[sflag:s22] =	ssyncadd.s32 s7;
	_ =	sdelay $0x1  }
0xa4: {  	s23 =	simm.s32 $0x1B8B  }
0xa5: {  	_ =	swait.ge [sflag:s23], $0x1  }
0xa6: {  	[sflag:s23] =	ssyncset.done $0x0  }
0xa7: {  	s25 =	simm.s32 $0x1B8E;
	s24 =	sld [smem:$0x3FFE];
	[sflag:s23] =	ssyncadd.s32 $0xFFFFFFFF  }
0xa8: {  	s26 =	simm.s32 $execute0_lowered;
	[smem:$0x3FD2] =	sst s25  }
0xa9: {  	s8 =	sshll.u32 s26, $0x1;
	_ =	strace $0x80000046;
	[dreg:$0x1] =	wrdreg $0xFFFFFFFF  }
0xaa: {  	s28 =	simm.s32 $_size_execute0_lowered;
	s6 =	sadd.s32 s6, s8;
	[dreg:$0x0] =	wrdreg $0x0  }
0xab: {  	s8 =	sshll.u32 s28, $0x1;
	[dreg:$0x2] =	wrdreg s6  }
0xac: {  	[dreg:$0x3] =	wrdreg s8  }
0xad: {  	[dreg:$0x4] =	wrdreg $0xC0  }
0xae: {  	_ =	task [dreg:s10], $0x5FFFF  }
0xaf: {  	[dreg:$0x1] =	wrdreg $0xFFFFFFFF  }
0xb0: {  	[dreg:$0x0] =	wrdreg $0x60  }
0xb1: {  	[dreg:$0x2] =	wrdreg s4  }
0xb2: {  	[dreg:$0x3] =	wrdreg s5  }
0xb3: {  	[dreg:$0x4] =	wrdreg s2  }
0xb4: {  	[dreg:$0x5] =	wrdreg s18  }
0xb5: {  	[dreg:$0x6] =	wrdreg s24  }
0xb6: {  	[dreg:$0x7] =	wrdreg $0x9  }
0xb7: {  	_ =	task.clear_ibuf [dreg:s10], $0x8FFFF;
	_ =	strace $0x90000046  }
0xb8: {  	s29 =	simm.s32 $0x9;
	_ =	strace $0x80000048  }
0xb9: {  	_ =	swait.ge [sflag:s29], $0x1  }
0xba: {  	[sflag:s29] =	ssyncadd.s32 $0xFFFFFFFF  }
0xbb: {  	_ =	strace $0x90000048  }
0xbc: {  	_ =	sfence  }
0xbd: {  	s30 =	sld [smem:$0x0];
	_ =	sdelay $0x2  }
0xbe: {  	s31 =	sshll.u32 s1, $0xD;
	s1 =	sshrl.u32 s1, $0x2  }
0xbf: {  	s3 =	sand.u32 $0x4000, s31;
	s1 =	sadd.s32 s1, s30  }
0xc0: {  	s0 =	sor.u32 s3, s0;
	s1 =	sshll.u32 s1, $0x11  }
0xc1: {  	s0 =	sor.u32 s1, s0  }
0xc2: {  	s0 =	sadd.s32 $0x8F2B, s0  }
0xc3: {  	[sflag:s0] =	ssyncadd.remote.s32 $0x1  }
0xc4: {  	_ =	sfence.sel $0xFFFF  }
0xc5: {  	[dreg:$0x0] =	wrdreg $0xFFFFFFFF;
	(pc) =	sbr.abs _section_cstart, $3  }
0xc6: {  	[dreg:$0x1] =	wrdreg $0xFFFFFFFF  }
0xc7: {  	_ =	task.clear_ibuf [dreg:s10], $0x2FFFF;
	_ =	strace $0x9FFFFFFF  }
0xc8: {  	(tm) =	ssettm $0x7FFFFFFF  }
0xc9: {  	_ =	shalt  }
tec
execute0_lowered:
.L_overlay_start_1:
0x0: {  	(tag) =	ssettag $0x1  }
0x1: {  	s1 =	rddreg [dreg:$0x0]  }
0x2: {  	s2 =	rddreg [dreg:$0x1]  }
0x3: {  	s5 =	rddreg [dreg:$0x2]  }
0x4: {  	s6 =	rddreg [dreg:$0x3]  }
0x5: {  	s7 =	rddreg [dreg:$0x4]  }
0x6: {  	s0 =	rddreg [dreg:$0x5];
	s8 =	srdreg.scid  }
0x7: {  	s4 =	simm.s32 $0x0;
	s3 =	stileid.u32;
	s12 =	simm.s32 $0x1380  }
0x8: {  	s13 =	simm.s32 $0x1;
	s14 =	simm.s32 $0x1780;
	s15 =	simm.s32 $0x9780  }
0x9: {  	s16 =	simm.s32 $0x2;
	s17 =	simm.s32 $0x0;
	s8 =	sand.u32 $0x1, s8  }
0xa: {  	[smem:$0x7FF] =	sst s4;
	s9 =	sshll.u32 s3, $0xA;
	s10 =	sshll.u32 s8, $0x9  }
0xb: {  	_ =	strace $0x80000047;
	s8 =	ssub.s32 $0x2, s8;
	s9 =	sor.u32 s10, s9  }
0xc: {  	s11 =	sshrl.u32 s8, $0x1;
	s10 =	sshll.u32 s9, $0x4;
	s9 =	sshrl.u32 s9, $0x3  }
0xd: {  	s11 =	ssub.s32 s8, s11;
	s10 =	sadd.s32 s10, s7;
	s5 =	sadd.s32 s5, s9  }
0xe: {  	s6 =	sadd.s32 s6, s9;
	s9 =	smax.u32 s11, $0x1;
	s11 =	simm.s32 $0x1180  }
0xf: {  	s7 =	sadd.s32 $0x400, s10;
	s8 =	sadd.s32 $0x1400, s10;
	s10 =	simm.s32 $0x200  }
.LBB2_1:
0x10: {  	[tilespmem:s4], [sflag:$0x1] =	stream.linear.gather [hbm4b:s1+s4], $0x180, $0x38;
	[tilespmem:$0x11780] =	vst v63  }
0x11: {  	_ = 	snop  }
0x12: {  	[tilespmem:s10], [sflag:$0x1] =	stream.linear.gather [hbm4b:s2+s4], $0x500, $0x38;
	[tilespmem:$0x11780] =	vst v63  }
0x13: {  	_ = 	snop  }
0x14: {  	[tilespmem:s11], [sflag:$0x1] =	stream.linear.gather [hbm4b:s5+s4], $0x200, $0x38;
	[tilespmem:$0x11780] =	vst v63  }
0x15: {  	_ = 	snop  }
0x16: {  	[tilespmem:s12], [sflag:$0x1] =	stream.linear.gather [hbm4b:s6+s4], $0x200, $0x38;
	[tilespmem:$0x11780] =	vst v63  }
0x17: {  	_ =	swait.ge [sflag:s13], $0x180  }
0x18: {  	[sflag:s13] =	ssyncset.done $0x0  }
0x19: {  	[sflag:s13] =	ssyncadd.s32 $0xFFFFFE80  }
0x1a: {  	_ =	swait.ge [sflag:s13], $0x500  }
0x1b: {  	[sflag:s13] =	ssyncset.done $0x0  }
0x1c: {  	[sflag:s13] =	ssyncadd.s32 $0xFFFFFB00  }
0x1d: {  	v0 =	vld [tilespmem:$0x0]  }
0x1e: {  	v1 =	vld [tilespmem:$0x200]  }
0x1f: {  	v2 =	vld [tilespmem:$0x10]  }
0x20: {  	v3 =	vld [tilespmem:$0x210]  }
0x21: {  	v4 =	vld [tilespmem:$0x0]  }
0x22: {  	v56 =	vld [tilespmem:$0x280];
	[tilespmem:$0xA00] =	vst v0  }
0x23: {  	v57 =	vld [tilespmem:$0x10];
	[tilespmem:$0xA20] =	vst v1  }
0x24: {  	v58 =	vld [tilespmem:$0x290];
	[tilespmem:$0xA10] =	vst v2  }
0x25: {  	v59 =	vld [tilespmem:$0x0];
	[tilespmem:$0xA30] =	vst v3  }
0x26: {  	v60 =	vld [tilespmem:$0x300];
	[tilespmem:$0xA40] =	vst v4  }
0x27: {  	v61 =	vld [tilespmem:$0x10];
	[tilespmem:$0xA60] =	vst v56  }
0x28: {  	v62 =	vld [tilespmem:$0x310];
	[tilespmem:$0xA50] =	vst v57  }
0x29: {  	v63 =	vld [tilespmem:$0x0];
	[tilespmem:$0xA70] =	vst v58  }
0x2a: {  	v8 =	vld [tilespmem:$0x380];
	[tilespmem:$0xA80] =	vst v59  }
0x2b: {  	v9 =	vld [tilespmem:$0x10];
	[tilespmem:$0xAA0] =	vst v60  }
0x2c: {  	v10 =	vld [tilespmem:$0x390];
	[tilespmem:$0xA90] =	vst v61  }
0x2d: {  	v11 =	vld [tilespmem:$0x0];
	[tilespmem:$0xAB0] =	vst v62  }
0x2e: {  	v12 =	vld [tilespmem:$0x400];
	[tilespmem:$0xAC0] =	vst v63  }
0x2f: {  	v13 =	vld [tilespmem:$0x10];
	[tilespmem:$0xAE0] =	vst v8  }
0x30: {  	v14 =	vld [tilespmem:$0x410];
	[tilespmem:$0xAD0] =	vst v9  }
0x31: {  	v15 =	vld [tilespmem:$0x0];
	[tilespmem:$0xAF0] =	vst v10  }
0x32: {  	v16 =	vld [tilespmem:$0x480];
	[tilespmem:$0xB00] =	vst v11  }
0x33: {  	v17 =	vld [tilespmem:$0x10];
	[tilespmem:$0xB20] =	vst v12  }
0x34: {  	v18 =	vld [tilespmem:$0x490];
	[tilespmem:$0xB10] =	vst v13  }
0x35: {  	v19 =	vld [tilespmem:$0x0];
	[tilespmem:$0xB30] =	vst v14  }
0x36: {  	v20 =	vld [tilespmem:$0x500];
	[tilespmem:$0xB40] =	vst v15  }
0x37: {  	v21 =	vld [tilespmem:$0x10];
	[tilespmem:$0xB60] =	vst v16  }
0x38: {  	v22 =	vld [tilespmem:$0x510];
	[tilespmem:$0xB50] =	vst v17  }
0x39: {  	v23 =	vld [tilespmem:$0x0];
	[tilespmem:$0xB70] =	vst v18  }
0x3a: {  	v24 =	vld [tilespmem:$0x580];
	[tilespmem:$0xB80] =	vst v19  }
0x3b: {  	v25 =	vld [tilespmem:$0x10];
	[tilespmem:$0xBA0] =	vst v20  }
0x3c: {  	v26 =	vld [tilespmem:$0x590];
	[tilespmem:$0xB90] =	vst v21  }
0x3d: {  	v27 =	vld [tilespmem:$0x0];
	[tilespmem:$0xBB0] =	vst v22  }
0x3e: {  	v28 =	vld [tilespmem:$0x600];
	[tilespmem:$0xBC0] =	vst v23  }
0x3f: {  	v29 =	vld [tilespmem:$0x10];
	[tilespmem:$0xBE0] =	vst v24  }
0x40: {  	v30 =	vld [tilespmem:$0x610];
	[tilespmem:$0xBD0] =	vst v25  }
0x41: {  	v31 =	vld [tilespmem:$0x0];
	[tilespmem:$0xBF0] =	vst v26  }
0x42: {  	v32 =	vld [tilespmem:$0x680];
	[tilespmem:$0xC00] =	vst v27  }
0x43: {  	v33 =	vld [tilespmem:$0x10];
	[tilespmem:$0xC20] =	vst v28  }
0x44: {  	v34 =	vld [tilespmem:$0x690];
	[tilespmem:$0xC10] =	vst v29  }
0x45: {  	v35 =	vld [tilespmem:$0x80];
	[tilespmem:$0xC30] =	vst v30  }
0x46: {  	v36 =	vld [tilespmem:$0x200];
	[tilespmem:$0xC40] =	vst v31  }
0x47: {  	v37 =	vld [tilespmem:$0x90];
	[tilespmem:$0xC60] =	vst v32  }
0x48: {  	v38 =	vld [tilespmem:$0x210];
	[tilespmem:$0xC50] =	vst v33  }
0x49: {  	v39 =	vld [tilespmem:$0x80];
	[tilespmem:$0xC70] =	vst v34  }
0x4a: {  	v40 =	vld [tilespmem:$0x280];
	[tilespmem:$0xC80] =	vst v35  }
0x4b: {  	v41 =	vld [tilespmem:$0x90];
	[tilespmem:$0xCA0] =	vst v36  }
0x4c: {  	v42 =	vld [tilespmem:$0x290];
	[tilespmem:$0xC90] =	vst v37  }
0x4d: {  	v43 =	vld [tilespmem:$0x80];
	[tilespmem:$0xCB0] =	vst v38  }
0x4e: {  	v44 =	vld [tilespmem:$0x300];
	[tilespmem:$0xCC0] =	vst v39  }
0x4f: {  	v45 =	vld [tilespmem:$0x90];
	[tilespmem:$0xCE0] =	vst v40  }
0x50: {  	v46 =	vld [tilespmem:$0x310];
	[tilespmem:$0xCD0] =	vst v41  }
0x51: {  	v47 =	vld [tilespmem:$0x80];
	[tilespmem:$0xCF0] =	vst v42  }
0x52: {  	v48 =	vld [tilespmem:$0x380];
	[tilespmem:$0xD00] =	vst v43  }
0x53: {  	v49 =	vld [tilespmem:$0x90];
	[tilespmem:$0xD20] =	vst v44  }
0x54: {  	v50 =	vld [tilespmem:$0x390];
	[tilespmem:$0xD10] =	vst v45  }
0x55: {  	v51 =	vld [tilespmem:$0x80];
	[tilespmem:$0xD30] =	vst v46  }
0x56: {  	v52 =	vld [tilespmem:$0x400];
	[tilespmem:$0xD40] =	vst v47  }
0x57: {  	v53 =	vld [tilespmem:$0x90];
	[tilespmem:$0xD60] =	vst v48  }
0x58: {  	v54 =	vld [tilespmem:$0x410];
	[tilespmem:$0xD50] =	vst v49  }
0x59: {  	v55 =	vld [tilespmem:$0x80];
	[tilespmem:$0xD70] =	vst v50  }
0x5a: {  	[tilespmem:$0xD80] =	vst v51;
	v56 =	vld [tilespmem:$0x480]  }
0x5b: {  	[tilespmem:$0xDA0] =	vst v52;
	v57 =	vld [tilespmem:$0x90]  }
0x5c: {  	[tilespmem:$0xD90] =	vst v53;
	v58 =	vld [tilespmem:$0x490]  }
0x5d: {  	[tilespmem:$0xDB0] =	vst v54;
	v59 =	vld [tilespmem:$0x80]  }
0x5e: {  	[tilespmem:$0xDC0] =	vst v55;
	v60 =	vld [tilespmem:$0x500]  }
0x5f: {  	v61 =	vld [tilespmem:$0x90];
	[tilespmem:$0xDE0] =	vst v56  }
0x60: {  	v62 =	vld [tilespmem:$0x510];
	[tilespmem:$0xDD0] =	vst v57  }
0x61: {  	v63 =	vld [tilespmem:$0x80];
	[tilespmem:$0xDF0] =	vst v58  }
0x62: {  	v8 =	vld [tilespmem:$0x580];
	[tilespmem:$0xE00] =	vst v59  }
0x63: {  	v9 =	vld [tilespmem:$0x90];
	[tilespmem:$0xE20] =	vst v60  }
0x64: {  	v10 =	vld [tilespmem:$0x590];
	[tilespmem:$0xE10] =	vst v61  }
0x65: {  	v11 =	vld [tilespmem:$0x80];
	[tilespmem:$0xE30] =	vst v62  }
0x66: {  	v12 =	vld [tilespmem:$0x600];
	[tilespmem:$0xE40] =	vst v63  }
0x67: {  	v13 =	vld [tilespmem:$0x90];
	[tilespmem:$0xE60] =	vst v8  }
0x68: {  	v14 =	vld [tilespmem:$0x610];
	[tilespmem:$0xE50] =	vst v9  }
0x69: {  	v15 =	vld [tilespmem:$0x80];
	[tilespmem:$0xE70] =	vst v10  }
0x6a: {  	v16 =	vld [tilespmem:$0x680];
	[tilespmem:$0xE80] =	vst v11  }
0x6b: {  	v17 =	vld [tilespmem:$0x90];
	[tilespmem:$0xEA0] =	vst v12  }
0x6c: {  	v18 =	vld [tilespmem:$0x690];
	[tilespmem:$0xE90] =	vst v13  }
0x6d: {  	v19 =	vld [tilespmem:$0x100];
	[tilespmem:$0xEB0] =	vst v14  }
0x6e: {  	v20 =	vld [tilespmem:$0x200];
	[tilespmem:$0xEC0] =	vst v15  }
0x6f: {  	v21 =	vld [tilespmem:$0x110];
	[tilespmem:$0xEE0] =	vst v16  }
0x70: {  	v22 =	vld [tilespmem:$0x210];
	[tilespmem:$0xED0] =	vst v17  }
0x71: {  	v23 =	vld [tilespmem:$0x100];
	[tilespmem:$0xEF0] =	vst v18  }
0x72: {  	v24 =	vld [tilespmem:$0x280];
	[tilespmem:$0xF00] =	vst v19  }
0x73: {  	v25 =	vld [tilespmem:$0x110];
	[tilespmem:$0xF20] =	vst v20  }
0x74: {  	v26 =	vld [tilespmem:$0x290];
	[tilespmem:$0xF10] =	vst v21  }
0x75: {  	v27 =	vld [tilespmem:$0x100];
	[tilespmem:$0xF30] =	vst v22  }
0x76: {  	v28 =	vld [tilespmem:$0x300];
	[tilespmem:$0xF40] =	vst v23  }
0x77: {  	v29 =	vld [tilespmem:$0x110];
	[tilespmem:$0xF60] =	vst v24  }
0x78: {  	v30 =	vld [tilespmem:$0x310];
	[tilespmem:$0xF50] =	vst v25  }
0x79: {  	v31 =	vld [tilespmem:$0x100];
	[tilespmem:$0xF70] =	vst v26  }
0x7a: {  	v32 =	vld [tilespmem:$0x380];
	[tilespmem:$0xF80] =	vst v27  }
0x7b: {  	v33 =	vld [tilespmem:$0x110];
	[tilespmem:$0xFA0] =	vst v28  }
0x7c: {  	v34 =	vld [tilespmem:$0x390];
	[tilespmem:$0xF90] =	vst v29  }
0x7d: {  	v35 =	vld [tilespmem:$0x100];
	[tilespmem:$0xFB0] =	vst v30  }
0x7e: {  	v36 =	vld [tilespmem:$0x400];
	[tilespmem:$0xFC0] =	vst v31  }
0x7f: {  	v37 =	vld [tilespmem:$0x110];
	[tilespmem:$0xFE0] =	vst v32  }
0x80: {  	v38 =	vld [tilespmem:$0x410];
	[tilespmem:$0xFD0] =	vst v33  }
0x81: {  	v39 =	vld [tilespmem:$0x100];
	[tilespmem:$0xFF0] =	vst v34  }
0x82: {  	v40 =	vld [tilespmem:$0x480];
	[tilespmem:$0x1000] =	vst v35  }
0x83: {  	v41 =	vld [tilespmem:$0x110];
	[tilespmem:$0x1020] =	vst v36  }
0x84: {  	v42 =	vld [tilespmem:$0x490];
	[tilespmem:$0x1010] =	vst v37  }
0x85: {  	v43 =	vld [tilespmem:$0x100];
	[tilespmem:$0x1030] =	vst v38  }
0x86: {  	v44 =	vld [tilespmem:$0x500];
	[tilespmem:$0x1040] =	vst v39  }
0x87: {  	v45 =	vld [tilespmem:$0x110];
	[tilespmem:$0x1060] =	vst v40  }
0x88: {  	v46 =	vld [tilespmem:$0x510];
	[tilespmem:$0x1050] =	vst v41  }
0x89: {  	v47 =	vld [tilespmem:$0x100];
	[tilespmem:$0x1070] =	vst v42  }
0x8a: {  	v48 =	vld [tilespmem:$0x580];
	[tilespmem:$0x1080] =	vst v43  }
0x8b: {  	v49 =	vld [tilespmem:$0x110];
	[tilespmem:$0x10A0] =	vst v44  }
0x8c: {  	v50 =	vld [tilespmem:$0x590];
	[tilespmem:$0x1090] =	vst v45  }
0x8d: {  	v51 =	vld [tilespmem:$0x100];
	[tilespmem:$0x10B0] =	vst v46  }
0x8e: {  	v52 =	vld [tilespmem:$0x600];
	[tilespmem:$0x10C0] =	vst v47  }
0x8f: {  	v53 =	vld [tilespmem:$0x110];
	[tilespmem:$0x10E0] =	vst v48  }
0x90: {  	v54 =	vld [tilespmem:$0x610];
	[tilespmem:$0x10D0] =	vst v49  }
0x91: {  	v55 =	vld [tilespmem:$0x100];
	[tilespmem:$0x10F0] =	vst v50  }
0x92: {  	[tilespmem:$0x1100] =	vst v51;
	v56 =	vld [tilespmem:$0x680]  }
0x93: {  	[tilespmem:$0x1120] =	vst v52;
	v57 =	vld [tilespmem:$0x110]  }
0x94: {  	[tilespmem:$0x1110] =	vst v53;
	v58 =	vld [tilespmem:$0x690]  }
0x95: {  	[tilespmem:$0x1130] =	vst v54  }
0x96: {  	[tilespmem:$0x1140] =	vst v55  }
0x97: {  	[tilespmem:$0x1160] =	vst v56  }
0x98: {  	[tilespmem:$0x1150] =	vst v57  }
0x99: {  	[tilespmem:$0x1170] =	vst v58  }
0x9a: {  	_ =	swait.ge [sflag:s13], $0x200  }
0x9b: {  	[sflag:s13] =	ssyncset.done $0x0  }
0x9c: {  	[sflag:s13] =	ssyncadd.s32 $0xFFFFFE00  }
0x9d: {  	_ =	swait.ge [sflag:s13], $0x200  }
0x9e: {  	[sflag:s13] =	ssyncset.done $0x0  }
0x9f: {  	[sflag:s13] =	ssyncadd.s32 $0xFFFFFE00  }
0xa0: {  	v59 =	vld [tilespmem:$0x1180]  }
0xa1: {  	v60 =	vld [tilespmem:$0x1380]  }
0xa2: {  	v61 =	vld [tilespmem:$0x1190]  }
0xa3: {  	v62 =	vld [tilespmem:$0x1390]  }
0xa4: {  	v63 =	vld [tilespmem:$0x11A0]  }
0xa5: {  	v5 =	vld [tilespmem:$0x13A0]  }
0xa6: {  	v6 =	vld [tilespmem:$0x11B0]  }
0xa7: {  	v7 =	vld [tilespmem:$0x13B0]  }
0xa8: {  	v8 =	vld [tilespmem:$0x11C0]  }
0xa9: {  	v9 =	vld [tilespmem:$0x13C0]  }
0xaa: {  	v10 =	vld [tilespmem:$0x11D0]  }
0xab: {  	v11 =	vld [tilespmem:$0x13D0]  }
0xac: {  	v12 =	vld [tilespmem:$0x11E0]  }
0xad: {  	v13 =	vld [tilespmem:$0x13E0]  }
0xae: {  	v14 =	vld [tilespmem:$0x11F0]  }
0xaf: {  	v15 =	vld [tilespmem:$0x13F0]  }
0xb0: {  	v16 =	vld [tilespmem:$0x1200]  }
0xb1: {  	v17 =	vld [tilespmem:$0x1400]  }
0xb2: {  	v18 =	vld [tilespmem:$0x1210]  }
0xb3: {  	v19 =	vld [tilespmem:$0x1410]  }
0xb4: {  	v20 =	vld [tilespmem:$0x1220]  }
0xb5: {  	v21 =	vld [tilespmem:$0x1420]  }
0xb6: {  	v22 =	vld [tilespmem:$0x1230]  }
0xb7: {  	v23 =	vld [tilespmem:$0x1430]  }
0xb8: {  	v24 =	vld [tilespmem:$0x1240]  }
0xb9: {  	v25 =	vld [tilespmem:$0x1440]  }
0xba: {  	v26 =	vld [tilespmem:$0x1250]  }
0xbb: {  	v27 =	vld [tilespmem:$0x1450]  }
0xbc: {  	v28 =	vld [tilespmem:$0x1260]  }
0xbd: {  	v29 =	vld [tilespmem:$0x1460]  }
0xbe: {  	v30 =	vld [tilespmem:$0x1270]  }
0xbf: {  	v31 =	vld [tilespmem:$0x1470]  }
0xc0: {  	v32 =	vld [tilespmem:$0x1280]  }
0xc1: {  	v33 =	vld [tilespmem:$0x1480]  }
0xc2: {  	v34 =	vld [tilespmem:$0x1290]  }
0xc3: {  	v35 =	vld [tilespmem:$0x1490]  }
0xc4: {  	v36 =	vld [tilespmem:$0x12A0]  }
0xc5: {  	v37 =	vld [tilespmem:$0x14A0];
	v0 =	vmul.u32 $0x280, v59;
	v1 =	vshll.u32 v60, $0x6;
	v2 =	vmul.u32 $0x280, v61  }
0xc6: {  	v4 =	vld [tilespmem:$0x12B0];
	v39 =	vshll.u32 v62, $0x6;
	v40 =	vmul.u32 $0x280, v63;
	v42 =	vshll.u32 v5, $0x6  }
0xc7: {  	v43 =	vmul.u32 $0x280, v6;
	v5 =	vld [tilespmem:$0x14B0];
	v45 =	vshll.u32 v7, $0x6;
	v0 =	vadd.s32 v0, v1  }
0xc8: {  	v46 =	vmul.u32 $0x280, v8;
	v6 =	vld [tilespmem:$0x12C0];
	v48 =	vshll.u32 v9, $0x6;
	v41 =	vadd.s32 v2, v39;
	[tilespmem:$0x1580] =	vst v0  }
0xc9: {  	v49 =	vmul.u32 $0x280, v10;
	v7 =	vld [tilespmem:$0x14C0];
	v51 =	vshll.u32 v11, $0x6;
	v44 =	vadd.s32 v40, v42;
	[tilespmem:$0x1590] =	vst v41  }
0xca: {  	v52 =	vmul.u32 $0x280, v12;
	v8 =	vld [tilespmem:$0x12D0];
	v54 =	vshll.u32 v13, $0x6;
	v47 =	vadd.s32 v43, v45;
	[tilespmem:$0x15A0] =	vst v44  }
0xcb: {  	v55 =	vmul.u32 $0x280, v14;
	v9 =	vld [tilespmem:$0x14D0];
	v57 =	vshll.u32 v15, $0x6;
	v50 =	vadd.s32 v46, v48;
	[tilespmem:$0x15B0] =	vst v47  }
0xcc: {  	v58 =	vmul.u32 $0x280, v16;
	v10 =	vld [tilespmem:$0x12E0];
	v60 =	vshll.u32 v17, $0x6;
	v53 =	vadd.s32 v49, v51;
	[tilespmem:$0x15C0] =	vst v50  }
0xcd: {  	v61 =	vmul.u32 $0x280, v18;
	v11 =	vld [tilespmem:$0x14E0];
	v63 =	vshll.u32 v19, $0x6;
	v56 =	vadd.s32 v52, v54;
	[tilespmem:$0x15D0] =	vst v53  }
0xce: {  	v16 =	vmul.u32 $0x280, v20;
	v12 =	vld [tilespmem:$0x12F0];
	v18 =	vshll.u32 v21, $0x6;
	v59 =	vadd.s32 v55, v57;
	[tilespmem:$0x15E0] =	vst v56  }
0xcf: {  	v19 =	vmul.u32 $0x280, v22;
	v13 =	vld [tilespmem:$0x14F0];
	v21 =	vshll.u32 v23, $0x6;
	v62 =	vadd.s32 v58, v60;
	[tilespmem:$0x15F0] =	vst v59  }
0xd0: {  	v22 =	vmul.u32 $0x280, v24;
	v14 =	vld [tilespmem:$0x1300];
	v24 =	vshll.u32 v25, $0x6;
	v17 =	vadd.s32 v61, v63;
	[tilespmem:$0x1600] =	vst v62  }
0xd1: {  	v25 =	vmul.u32 $0x280, v26;
	v15 =	vld [tilespmem:$0x1500];
	v27 =	vshll.u32 v27, $0x6;
	v20 =	vadd.s32 v16, v18;
	[tilespmem:$0x1610] =	vst v17  }
0xd2: {  	v38 =	vmul.u32 $0x280, v28;
	v28 =	vld [tilespmem:$0x1350];
	v23 =	vadd.s32 v19, v21;
	v26 =	vadd.s32 v22, v24;
	[tilespmem:$0x1620] =	vst v20  }
0xd3: {  	v39 =	vld [tilespmem:$0x1310];
	v40 =	vadd.s32 v25, v27;
	v42 =	vmul.u32 $0x280, v30;
	v45 =	vshll.u32 v31, $0x6;
	[tilespmem:$0x1630] =	vst v23  }
0xd4: {  	v43 =	vld [tilespmem:$0x1510];
	v46 =	vmul.u32 $0x280, v32;
	v49 =	vshll.u32 v33, $0x6;
	[tilespmem:$0x1640] =	vst v26;
	v41 =	vshll.u32 v29, $0x6  }
0xd5: {  	v51 =	vld [tilespmem:$0x1520];
	v54 =	vmul.u32 $0x280, v36;
	v57 =	vshll.u32 v37, $0x6;
	[tilespmem:$0x1650] =	vst v40;
	v44 =	vadd.s32 v38, v41  }
0xd6: {  	v55 =	vld [tilespmem:$0x1330];
	v58 =	vmul.u32 $0x280, v4;
	v50 =	vmul.u32 $0x280, v34;
	v48 =	vadd.s32 v42, v45;
	[tilespmem:$0x1660] =	vst v44  }
0xd7: {  	v63 =	vld [tilespmem:$0x1340];
	v53 =	vshll.u32 v35, $0x6;
	v52 =	vadd.s32 v46, v49;
	v60 =	vadd.s32 v54, v57;
	[tilespmem:$0x1670] =	vst v48  }
0xd8: {  	v24 =	vld [tilespmem:$0x1540];
	[tilespmem:$0x1680] =	vst v52;
	v56 =	vadd.s32 v50, v53;
	v61 =	vshll.u32 v5, $0x6;
	v62 =	vmul.u32 $0x280, v6  }
0xd9: {  	v32 =	vld [tilespmem:$0x1550];
	[tilespmem:$0x16A0] =	vst v60;
	v22 =	vshll.u32 v7, $0x6;
	v23 =	vmul.u32 $0x280, v8;
	v26 =	vshll.u32 v9, $0x6  }
0xda: {  	v36 =	vld [tilespmem:$0x1360];
	v27 =	vmul.u32 $0x280, v10;
	v30 =	vshll.u32 v11, $0x6;
	[tilespmem:$0x1690] =	vst v56;
	v21 =	vadd.s32 v58, v61  }
0xdb: {  	v47 =	vld [tilespmem:$0x1320];
	v31 =	vmul.u32 $0x280, v12;
	v34 =	vshll.u32 v13, $0x6;
	[tilespmem:$0x16B0] =	vst v21;
	v25 =	vadd.s32 v62, v22  }
0xdc: {  	v59 =	vld [tilespmem:$0x1530];
	v35 =	vmul.u32 $0x280, v14;
	v38 =	vshll.u32 v15, $0x6;
	v29 =	vadd.s32 v23, v26;
	[tilespmem:$0x16C0] =	vst v25  }
0xdd: {  	v40 =	vld [tilespmem:$0x1560];
	v54 =	vmul.u32 $0x280, v28;
	v33 =	vadd.s32 v27, v30;
	v37 =	vadd.s32 v31, v34;
	[tilespmem:$0x16D0] =	vst v29  }
0xde: {  	v39 =	vmul.u32 $0x280, v39;
	v41 =	vadd.s32 v35, v38;
	v42 =	vshll.u32 v43, $0x6;
	[tilespmem:$0x16E0] =	vst v33  }
0xdf: {  	v44 =	vld [tilespmem:$0x1370];
	v46 =	vshll.u32 v51, $0x6;
	v51 =	vmul.u32 $0x280, v63;
	v56 =	vshll.u32 v32, $0x6;
	[tilespmem:$0x16F0] =	vst v37  }
0xe0: {  	v48 =	vld [tilespmem:$0x1570];
	v53 =	vshll.u32 v24, $0x6;
	v57 =	vmul.u32 $0x280, v36;
	[tilespmem:$0x1700] =	vst v41;
	v58 =	vadd.s32 v54, v56  }
0xe1: {  	v43 =	vmul.u32 $0x280, v47;
	v47 =	vmul.u32 $0x280, v55;
	v45 =	vadd.s32 v39, v42;
	[tilespmem:$0x1750] =	vst v58  }
0xe2: {  	v50 =	vshll.u32 v59, $0x6;
	v59 =	vshll.u32 v40, $0x6;
	v55 =	vadd.s32 v51, v53;
	[tilespmem:$0x1710] =	vst v45  }
0xe3: {  	v61 =	vadd.s32 v57, v59;
	[tilespmem:$0x1740] =	vst v55  }
0xe4: {  	v49 =	vadd.s32 v43, v46;
	v60 =	vmul.u32 $0x280, v44;
	[tilespmem:$0x1760] =	vst v61  }
0xe5: {  	v52 =	vadd.s32 v47, v50;
	v62 =	vshll.u32 v48, $0x6;
	[tilespmem:$0x1720] =	vst v49  }
0xe6: {  	[tilespmem:$0x1730] =	vst v52;
	v63 =	vadd.s32 v60, v62  }
0xe7: {  	s18 =	simm.s32 $0x1B80;
	s19 =	simm.s32 $0x0;
	[tilespmem:$0x1770] =	vst v63  }
.LBB2_2:
0xe8: {  	s20 =	sshra.s32 s19, $0x2  }
0xe9: {  	v0 =	vld [tilespmem:s20+$0x1580];
	_ =	sdelay $0x4  }
0xea: {  	(v2sf) =	vpush v0, $0x0;
	_ =	sdelay $0xe  }
0xeb: {  	s25 =	spop (v2sf)  }
0xec: {  	v1 =	vld [tilespmem:s25+$0xA00];
	_ =	sdelay $0x4  }
0xed: {  	[tilespmem:s18+$0xFFFFFC00] =	vst v1  }
0xee: {  	v1 =	vld [tilespmem:s25+$0xA10];
	_ =	sdelay $0x1  }
0xef: {  	(v2sf) =	vpush v0, $0x1;
	_ =	sdelay $0x2  }
0xf0: {  	[tilespmem:s18+$0xFFFFFC10] =	vst v1  }
0xf1: {  	v1 =	vld [tilespmem:s25+$0xA20];
	_ =	sdelay $0x4  }
0xf2: {  	[tilespmem:s18+$0xFFFFFC20] =	vst v1  }
0xf3: {  	v1 =	vld [tilespmem:s25+$0xA30];
	_ =	sdelay $0x4  }
0xf4: {  	s26 =	spop (v2sf);
	[tilespmem:s18+$0xFFFFFC30] =	vst v1  }
0xf5: {  	v1 =	vld [tilespmem:s26+$0xA00];
	_ =	sdelay $0x4  }
0xf6: {  	[tilespmem:s18+$0xFFFFFC80] =	vst v1  }
0xf7: {  	v1 =	vld [tilespmem:s26+$0xA10];
	_ =	sdelay $0x1  }
0xf8: {  	(v2sf) =	vpush v0, $0x2;
	_ =	sdelay $0x2  }
0xf9: {  	[tilespmem:s18+$0xFFFFFC90] =	vst v1  }
0xfa: {  	v1 =	vld [tilespmem:s26+$0xA20];
	_ =	sdelay $0x4  }
0xfb: {  	[tilespmem:s18+$0xFFFFFCA0] =	vst v1  }
0xfc: {  	v1 =	vld [tilespmem:s26+$0xA30];
	_ =	sdelay $0x4  }
0xfd: {  	s28 =	spop (v2sf);
	[tilespmem:s18+$0xFFFFFCB0] =	vst v1  }
0xfe: {  	v1 =	vld [tilespmem:s28+$0xA00];
	_ =	sdelay $0x4  }
0xff: {  	[tilespmem:s18+$0xFFFFFD00] =	vst v1  }
0x100: {  	v1 =	vld [tilespmem:s28+$0xA10];
	_ =	sdelay $0x1  }
0x101: {  	(v2sf) =	vpush v0, $0x3;
	_ =	sdelay $0x2  }
0x102: {  	[tilespmem:s18+$0xFFFFFD10] =	vst v1  }
0x103: {  	v1 =	vld [tilespmem:s28+$0xA20];
	_ =	sdelay $0x4  }
0x104: {  	[tilespmem:s18+$0xFFFFFD20] =	vst v1  }
0x105: {  	v1 =	vld [tilespmem:s28+$0xA30];
	_ =	sdelay $0x4  }
0x106: {  	s29 =	spop (v2sf);
	[tilespmem:s18+$0xFFFFFD30] =	vst v1  }
0x107: {  	v1 =	vld [tilespmem:s29+$0xA00];
	_ =	sdelay $0x4  }
0x108: {  	[tilespmem:s18+$0xFFFFFD80] =	vst v1  }
0x109: {  	v1 =	vld [tilespmem:s29+$0xA10];
	_ =	sdelay $0x1  }
0x10a: {  	(v2sf) =	vpush v0, $0x4;
	_ =	sdelay $0x2  }
0x10b: {  	[tilespmem:s18+$0xFFFFFD90] =	vst v1  }
0x10c: {  	v1 =	vld [tilespmem:s29+$0xA20];
	_ =	sdelay $0x4  }
0x10d: {  	[tilespmem:s18+$0xFFFFFDA0] =	vst v1  }
0x10e: {  	v1 =	vld [tilespmem:s29+$0xA30];
	_ =	sdelay $0x4  }
0x10f: {  	s30 =	spop (v2sf);
	[tilespmem:s18+$0xFFFFFDB0] =	vst v1  }
0x110: {  	v1 =	vld [tilespmem:s30+$0xA00];
	_ =	sdelay $0x4  }
0x111: {  	[tilespmem:s18+$0xFFFFFE00] =	vst v1  }
0x112: {  	v1 =	vld [tilespmem:s30+$0xA10];
	_ =	sdelay $0x1  }
0x113: {  	(v2sf) =	vpush v0, $0x5;
	_ =	sdelay $0x2  }
0x114: {  	[tilespmem:s18+$0xFFFFFE10] =	vst v1  }
0x115: {  	v1 =	vld [tilespmem:s30+$0xA20];
	_ =	sdelay $0x4  }
0x116: {  	[tilespmem:s18+$0xFFFFFE20] =	vst v1  }
0x117: {  	v1 =	vld [tilespmem:s30+$0xA30];
	_ =	sdelay $0x4  }
0x118: {  	s31 =	spop (v2sf);
	[tilespmem:s18+$0xFFFFFE30] =	vst v1  }
0x119: {  	v1 =	vld [tilespmem:s31+$0xA00];
	_ =	sdelay $0x4  }
0x11a: {  	[tilespmem:s18+$0xFFFFFE80] =	vst v1  }
0x11b: {  	v1 =	vld [tilespmem:s31+$0xA10];
	_ =	sdelay $0x1  }
0x11c: {  	(v2sf) =	vpush v0, $0x6;
	_ =	sdelay $0x2  }
0x11d: {  	[tilespmem:s18+$0xFFFFFE90] =	vst v1  }
0x11e: {  	v1 =	vld [tilespmem:s31+$0xA20];
	_ =	sdelay $0x4  }
0x11f: {  	[tilespmem:s18+$0xFFFFFEA0] =	vst v1  }
0x120: {  	v1 =	vld [tilespmem:s31+$0xA30];
	_ =	sdelay $0x4  }
0x121: {  	s21 =	spop (v2sf);
	[tilespmem:s18+$0xFFFFFEB0] =	vst v1  }
0x122: {  	v1 =	vld [tilespmem:s21+$0xA00];
	_ =	sdelay $0x4  }
0x123: {  	[tilespmem:s18+$0xFFFFFF00] =	vst v1  }
0x124: {  	v1 =	vld [tilespmem:s21+$0xA10];
	_ =	sdelay $0x1  }
0x125: {  	(v2sf) =	vpush v0, $0x7;
	_ =	sdelay $0x2  }
0x126: {  	[tilespmem:s18+$0xFFFFFF10] =	vst v1  }
0x127: {  	v1 =	vld [tilespmem:s21+$0xA20];
	_ =	sdelay $0x4  }
0x128: {  	[tilespmem:s18+$0xFFFFFF20] =	vst v1  }
0x129: {  	v1 =	vld [tilespmem:s21+$0xA30];
	_ =	sdelay $0x4  }
0x12a: {  	s22 =	spop (v2sf);
	[tilespmem:s18+$0xFFFFFF30] =	vst v1  }
0x12b: {  	v1 =	vld [tilespmem:s22+$0xA00];
	_ =	sdelay $0x4  }
0x12c: {  	[tilespmem:s18+$0xFFFFFF80] =	vst v1  }
0x12d: {  	v1 =	vld [tilespmem:s22+$0xA10];
	_ =	sdelay $0x1  }
0x12e: {  	(v2sf) =	vpush v0, $0x8;
	_ =	sdelay $0x2  }
0x12f: {  	[tilespmem:s18+$0xFFFFFF90] =	vst v1  }
0x130: {  	v1 =	vld [tilespmem:s22+$0xA20];
	_ =	sdelay $0x4  }
0x131: {  	[tilespmem:s18+$0xFFFFFFA0] =	vst v1  }
0x132: {  	v1 =	vld [tilespmem:s22+$0xA30];
	_ =	sdelay $0x4  }
0x133: {  	s23 =	spop (v2sf);
	[tilespmem:s18+$0xFFFFFFB0] =	vst v1  }
0x134: {  	v1 =	vld [tilespmem:s23+$0xA00];
	_ =	sdelay $0x4  }
0x135: {  	[tilespmem:s18+$0x0] =	vst v1  }
0x136: {  	v1 =	vld [tilespmem:s23+$0xA10];
	_ =	sdelay $0x1  }
0x137: {  	(v2sf) =	vpush v0, $0x9;
	_ =	sdelay $0x2  }
0x138: {  	[tilespmem:s18+$0x10] =	vst v1  }
0x139: {  	v1 =	vld [tilespmem:s23+$0xA20];
	_ =	sdelay $0x4  }
0x13a: {  	[tilespmem:s18+$0x20] =	vst v1  }
0x13b: {  	v1 =	vld [tilespmem:s23+$0xA30];
	_ =	sdelay $0x4  }
0x13c: {  	s24 =	spop (v2sf);
	[tilespmem:s18+$0x30] =	vst v1  }
0x13d: {  	v1 =	vld [tilespmem:s24+$0xA00];
	_ =	sdelay $0x4  }
0x13e: {  	[tilespmem:s18+$0x80] =	vst v1  }
0x13f: {  	v1 =	vld [tilespmem:s24+$0xA10];
	_ =	sdelay $0x1  }
0x140: {  	(v2sf) =	vpush v0, $0xA;
	_ =	sdelay $0x2  }
0x141: {  	[tilespmem:s18+$0x90] =	vst v1  }
0x142: {  	v1 =	vld [tilespmem:s24+$0xA20];
	_ =	sdelay $0x4  }
0x143: {  	[tilespmem:s18+$0xA0] =	vst v1  }
0x144: {  	v1 =	vld [tilespmem:s24+$0xA30];
	_ =	sdelay $0x4  }
0x145: {  	s25 =	spop (v2sf);
	[tilespmem:s18+$0xB0] =	vst v1  }
0x146: {  	v1 =	vld [tilespmem:s25+$0xA00];
	_ =	sdelay $0x4  }
0x147: {  	[tilespmem:s18+$0x100] =	vst v1  }
0x148: {  	v1 =	vld [tilespmem:s25+$0xA10];
	_ =	sdelay $0x1  }
0x149: {  	(v2sf) =	vpush v0, $0xB;
	_ =	sdelay $0x2  }
0x14a: {  	[tilespmem:s18+$0x110] =	vst v1  }
0x14b: {  	v1 =	vld [tilespmem:s25+$0xA20];
	_ =	sdelay $0x4  }
0x14c: {  	[tilespmem:s18+$0x120] =	vst v1  }
0x14d: {  	v1 =	vld [tilespmem:s25+$0xA30];
	_ =	sdelay $0x4  }
0x14e: {  	s26 =	spop (v2sf);
	[tilespmem:s18+$0x130] =	vst v1  }
0x14f: {  	v1 =	vld [tilespmem:s26+$0xA00];
	_ =	sdelay $0x4  }
0x150: {  	[tilespmem:s18+$0x180] =	vst v1  }
0x151: {  	v1 =	vld [tilespmem:s26+$0xA10];
	_ =	sdelay $0x1  }
0x152: {  	(v2sf) =	vpush v0, $0xC;
	_ =	sdelay $0x2  }
0x153: {  	[tilespmem:s18+$0x190] =	vst v1  }
0x154: {  	v1 =	vld [tilespmem:s26+$0xA20];
	_ =	sdelay $0x4  }
0x155: {  	[tilespmem:s18+$0x1A0] =	vst v1  }
0x156: {  	v1 =	vld [tilespmem:s26+$0xA30];
	_ =	sdelay $0x4  }
0x157: {  	s28 =	spop (v2sf);
	[tilespmem:s18+$0x1B0] =	vst v1  }
0x158: {  	v1 =	vld [tilespmem:s28+$0xA00];
	_ =	sdelay $0x4  }
0x159: {  	[tilespmem:s18+$0x200] =	vst v1  }
0x15a: {  	v1 =	vld [tilespmem:s28+$0xA10];
	_ =	sdelay $0x1  }
0x15b: {  	(v2sf) =	vpush v0, $0xD;
	_ =	sdelay $0x2  }
0x15c: {  	[tilespmem:s18+$0x210] =	vst v1  }
0x15d: {  	v1 =	vld [tilespmem:s28+$0xA20];
	_ =	sdelay $0x4  }
0x15e: {  	[tilespmem:s18+$0x220] =	vst v1  }
0x15f: {  	v1 =	vld [tilespmem:s28+$0xA30];
	_ =	sdelay $0x4  }
0x160: {  	s29 =	spop (v2sf);
	[tilespmem:s18+$0x230] =	vst v1  }
0x161: {  	v1 =	vld [tilespmem:s29+$0xA00];
	_ =	sdelay $0x4  }
0x162: {  	[tilespmem:s18+$0x280] =	vst v1  }
0x163: {  	v1 =	vld [tilespmem:s29+$0xA10];
	_ =	sdelay $0x1  }
0x164: {  	(v2sf) =	vpush v0, $0xE;
	_ =	sdelay $0x2  }
0x165: {  	[tilespmem:s18+$0x290] =	vst v1  }
0x166: {  	v1 =	vld [tilespmem:s29+$0xA20];
	_ =	sdelay $0x4  }
0x167: {  	[tilespmem:s18+$0x2A0] =	vst v1  }
0x168: {  	v1 =	vld [tilespmem:s29+$0xA30];
	_ =	sdelay $0x4  }
0x169: {  	s30 =	spop (v2sf);
	[tilespmem:s18+$0x2B0] =	vst v1  }
0x16a: {  	v1 =	vld [tilespmem:s30+$0xA00];
	_ =	sdelay $0x4  }
0x16b: {  	[tilespmem:s18+$0x300] =	vst v1  }
0x16c: {  	v1 =	vld [tilespmem:s30+$0xA10];
	_ =	sdelay $0x1  }
0x16d: {  	(v2sf) =	vpush v0, $0xF;
	_ =	sdelay $0x2  }
0x16e: {  	[tilespmem:s18+$0x310] =	vst v1  }
0x16f: {  	v63 =	vld [tilespmem:s30+$0xA20];
	_ =	sdelay $0x4  }
0x170: {  	[tilespmem:s18+$0x320] =	vst v63  }
0x171: {  	v0 =	vld [tilespmem:s30+$0xA30];
	_ =	sdelay $0x4  }
0x172: {  	s31 =	spop (v2sf);
	[tilespmem:s18+$0x330] =	vst v0  }
0x173: {  	v0 =	vld [tilespmem:s31+$0xA00];
	_ =	sdelay $0x4  }
0x174: {  	[tilespmem:s18+$0x380] =	vst v0  }
0x175: {  	v0 =	vld [tilespmem:s31+$0xA10];
	_ =	sdelay $0x4  }
0x176: {  	[tilespmem:s18+$0x390] =	vst v0  }
0x177: {  	v0 =	vld [tilespmem:s31+$0xA20];
	_ =	sdelay $0x4  }
0x178: {  	[tilespmem:s18+$0x3A0] =	vst v0  }
0x179: {  	p0 =	sne.s32 s19, $0x3C0;
	v0 =	vld [tilespmem:s31+$0xA30]  }
.Ltmp0:
0x17a: {  	_ = 	snop;
	(pc) =	sbr.rel @p0 .LBB2_2-.Ltmp0, $2  }
0x17b: {  	_ =	sdelay $0x2  }
0x17c: {  	s19 =	sadd.s32 $0x40, s19;
	[tilespmem:s18+$0x3B0] =	vst v0;
	s18 =	sadd.s32 $0x800, s18  }
0x17d: {  	s18 =	simm.s32 $0x0;
	s19 =	simm.s32 $0x100  }
0x17e: {  	[hbm4b:s7+s18] =	stream.linear.scatter [tilespmem:s14], [sflag:$0x2], $0x8000, $0x38;
	[tilespmem:$0x11780] =	vst v63  }
.LBB2_4:
0x17f: {  	s20 =	sadd.s32 $0xFFFFFF00, s19  }
0x180: {  	s21 =	sand.u32 $0x180, s19;
	s20 =	sand.u32 $0x70, s20  }
0x181: {  	s20 =	sor.u32 s20, s21  }
0x182: {  	v0 =	vld [tilespmem:s20+$0x1580];
	_ =	sdelay $0x4  }
0x183: {  	(v2sf) =	vpush v0, $0x0;
	_ =	sdelay $0xe  }
0x184: {  	s24 =	spop (v2sf)  }
0x185: {  	v1 =	vld [tilespmem:s24+$0xA00];
	_ =	sdelay $0x3  }
0x186: {  	s20 =	sshra.s32 s18, $0x2  }
0x187: {  	[tilespmem:s20+$0x9780] =	vst v1  }
0x188: {  	v1 =	vld [tilespmem:s24+$0xA10];
	_ =	sdelay $0x1  }
0x189: {  	(v2sf) =	vpush v0, $0x1;
	_ =	sdelay $0x2  }
0x18a: {  	[tilespmem:s20+$0x9790] =	vst v1  }
0x18b: {  	v1 =	vld [tilespmem:s24+$0xA20];
	_ =	sdelay $0x4  }
0x18c: {  	[tilespmem:s20+$0x97A0] =	vst v1  }
0x18d: {  	v1 =	vld [tilespmem:s24+$0xA30];
	_ =	sdelay $0x4  }
0x18e: {  	s25 =	spop (v2sf);
	[tilespmem:s20+$0x97B0] =	vst v1  }
0x18f: {  	v1 =	vld [tilespmem:s25+$0xA00];
	_ =	sdelay $0x4  }
0x190: {  	[tilespmem:s20+$0x9800] =	vst v1  }
0x191: {  	v1 =	vld [tilespmem:s25+$0xA10];
	_ =	sdelay $0x1  }
0x192: {  	(v2sf) =	vpush v0, $0x2;
	_ =	sdelay $0x2  }
0x193: {  	[tilespmem:s20+$0x9810] =	vst v1  }
0x194: {  	v1 =	vld [tilespmem:s25+$0xA20];
	_ =	sdelay $0x4  }
0x195: {  	[tilespmem:s20+$0x9820] =	vst v1  }
0x196: {  	v1 =	vld [tilespmem:s25+$0xA30];
	_ =	sdelay $0x4  }
0x197: {  	s26 =	spop (v2sf);
	[tilespmem:s20+$0x9830] =	vst v1  }
0x198: {  	v1 =	vld [tilespmem:s26+$0xA00];
	_ =	sdelay $0x4  }
0x199: {  	[tilespmem:s20+$0x9880] =	vst v1  }
0x19a: {  	v1 =	vld [tilespmem:s26+$0xA10];
	_ =	sdelay $0x1  }
0x19b: {  	(v2sf) =	vpush v0, $0x3;
	_ =	sdelay $0x2  }
0x19c: {  	[tilespmem:s20+$0x9890] =	vst v1  }
0x19d: {  	v1 =	vld [tilespmem:s26+$0xA20];
	_ =	sdelay $0x4  }
0x19e: {  	[tilespmem:s20+$0x98A0] =	vst v1  }
0x19f: {  	v1 =	vld [tilespmem:s26+$0xA30];
	_ =	sdelay $0x4  }
0x1a0: {  	s28 =	spop (v2sf);
	[tilespmem:s20+$0x98B0] =	vst v1  }
0x1a1: {  	v1 =	vld [tilespmem:s28+$0xA00];
	_ =	sdelay $0x4  }
0x1a2: {  	[tilespmem:s20+$0x9900] =	vst v1  }
0x1a3: {  	v1 =	vld [tilespmem:s28+$0xA10];
	_ =	sdelay $0x1  }
0x1a4: {  	(v2sf) =	vpush v0, $0x4;
	_ =	sdelay $0x2  }
0x1a5: {  	[tilespmem:s20+$0x9910] =	vst v1  }
0x1a6: {  	v1 =	vld [tilespmem:s28+$0xA20];
	_ =	sdelay $0x4  }
0x1a7: {  	[tilespmem:s20+$0x9920] =	vst v1  }
0x1a8: {  	v1 =	vld [tilespmem:s28+$0xA30];
	_ =	sdelay $0x4  }
0x1a9: {  	s29 =	spop (v2sf);
	[tilespmem:s20+$0x9930] =	vst v1  }
0x1aa: {  	v1 =	vld [tilespmem:s29+$0xA00];
	_ =	sdelay $0x4  }
0x1ab: {  	[tilespmem:s20+$0x9980] =	vst v1  }
0x1ac: {  	v1 =	vld [tilespmem:s29+$0xA10];
	_ =	sdelay $0x1  }
0x1ad: {  	(v2sf) =	vpush v0, $0x5;
	_ =	sdelay $0x2  }
0x1ae: {  	[tilespmem:s20+$0x9990] =	vst v1  }
0x1af: {  	v1 =	vld [tilespmem:s29+$0xA20];
	_ =	sdelay $0x4  }
0x1b0: {  	[tilespmem:s20+$0x99A0] =	vst v1  }
0x1b1: {  	v1 =	vld [tilespmem:s29+$0xA30];
	_ =	sdelay $0x4  }
0x1b2: {  	s30 =	spop (v2sf);
	[tilespmem:s20+$0x99B0] =	vst v1  }
0x1b3: {  	v1 =	vld [tilespmem:s30+$0xA00];
	_ =	sdelay $0x4  }
0x1b4: {  	[tilespmem:s20+$0x9A00] =	vst v1  }
0x1b5: {  	v1 =	vld [tilespmem:s30+$0xA10];
	_ =	sdelay $0x1  }
0x1b6: {  	(v2sf) =	vpush v0, $0x6;
	_ =	sdelay $0x2  }
0x1b7: {  	[tilespmem:s20+$0x9A10] =	vst v1  }
0x1b8: {  	v1 =	vld [tilespmem:s30+$0xA20];
	_ =	sdelay $0x4  }
0x1b9: {  	[tilespmem:s20+$0x9A20] =	vst v1  }
0x1ba: {  	v1 =	vld [tilespmem:s30+$0xA30];
	_ =	sdelay $0x4  }
0x1bb: {  	s31 =	spop (v2sf);
	[tilespmem:s20+$0x9A30] =	vst v1  }
0x1bc: {  	v1 =	vld [tilespmem:s31+$0xA00];
	_ =	sdelay $0x4  }
0x1bd: {  	[tilespmem:s20+$0x9A80] =	vst v1  }
0x1be: {  	v1 =	vld [tilespmem:s31+$0xA10];
	_ =	sdelay $0x1  }
0x1bf: {  	(v2sf) =	vpush v0, $0x7;
	_ =	sdelay $0x2  }
0x1c0: {  	[tilespmem:s20+$0x9A90] =	vst v1  }
0x1c1: {  	v1 =	vld [tilespmem:s31+$0xA20];
	_ =	sdelay $0x4  }
0x1c2: {  	[tilespmem:s20+$0x9AA0] =	vst v1  }
0x1c3: {  	v1 =	vld [tilespmem:s31+$0xA30];
	_ =	sdelay $0x4  }
0x1c4: {  	s22 =	spop (v2sf);
	[tilespmem:s20+$0x9AB0] =	vst v1  }
0x1c5: {  	v1 =	vld [tilespmem:s22+$0xA00];
	_ =	sdelay $0x4  }
0x1c6: {  	[tilespmem:s20+$0x9B00] =	vst v1  }
0x1c7: {  	v1 =	vld [tilespmem:s22+$0xA10];
	_ =	sdelay $0x1  }
0x1c8: {  	(v2sf) =	vpush v0, $0x8;
	_ =	sdelay $0x2  }
0x1c9: {  	[tilespmem:s20+$0x9B10] =	vst v1  }
0x1ca: {  	v1 =	vld [tilespmem:s22+$0xA20];
	_ =	sdelay $0x4  }
0x1cb: {  	[tilespmem:s20+$0x9B20] =	vst v1  }
0x1cc: {  	v1 =	vld [tilespmem:s22+$0xA30];
	_ =	sdelay $0x4  }
0x1cd: {  	s23 =	spop (v2sf);
	[tilespmem:s20+$0x9B30] =	vst v1  }
0x1ce: {  	v1 =	vld [tilespmem:s23+$0xA00];
	_ =	sdelay $0x4  }
0x1cf: {  	[tilespmem:s20+$0x9B80] =	vst v1  }
0x1d0: {  	v1 =	vld [tilespmem:s23+$0xA10];
	_ =	sdelay $0x1  }
0x1d1: {  	(v2sf) =	vpush v0, $0x9;
	_ =	sdelay $0x2  }
0x1d2: {  	[tilespmem:s20+$0x9B90] =	vst v1  }
0x1d3: {  	v1 =	vld [tilespmem:s23+$0xA20];
	_ =	sdelay $0x4  }
0x1d4: {  	[tilespmem:s20+$0x9BA0] =	vst v1  }
0x1d5: {  	v1 =	vld [tilespmem:s23+$0xA30];
	_ =	sdelay $0x4  }
0x1d6: {  	s24 =	spop (v2sf);
	[tilespmem:s20+$0x9BB0] =	vst v1  }
0x1d7: {  	v1 =	vld [tilespmem:s24+$0xA00];
	_ =	sdelay $0x4  }
0x1d8: {  	[tilespmem:s20+$0x9C00] =	vst v1  }
0x1d9: {  	v1 =	vld [tilespmem:s24+$0xA10];
	_ =	sdelay $0x1  }
0x1da: {  	(v2sf) =	vpush v0, $0xA;
	_ =	sdelay $0x2  }
0x1db: {  	[tilespmem:s20+$0x9C10] =	vst v1  }
0x1dc: {  	v1 =	vld [tilespmem:s24+$0xA20];
	_ =	sdelay $0x4  }
0x1dd: {  	[tilespmem:s20+$0x9C20] =	vst v1  }
0x1de: {  	v1 =	vld [tilespmem:s24+$0xA30];
	_ =	sdelay $0x4  }
0x1df: {  	s25 =	spop (v2sf);
	[tilespmem:s20+$0x9C30] =	vst v1  }
0x1e0: {  	v1 =	vld [tilespmem:s25+$0xA00];
	_ =	sdelay $0x4  }
0x1e1: {  	[tilespmem:s20+$0x9C80] =	vst v1  }
0x1e2: {  	v1 =	vld [tilespmem:s25+$0xA10];
	_ =	sdelay $0x1  }
0x1e3: {  	(v2sf) =	vpush v0, $0xB;
	_ =	sdelay $0x2  }
0x1e4: {  	[tilespmem:s20+$0x9C90] =	vst v1  }
0x1e5: {  	v1 =	vld [tilespmem:s25+$0xA20];
	_ =	sdelay $0x4  }
0x1e6: {  	[tilespmem:s20+$0x9CA0] =	vst v1  }
0x1e7: {  	v1 =	vld [tilespmem:s25+$0xA30];
	_ =	sdelay $0x4  }
0x1e8: {  	s26 =	spop (v2sf);
	[tilespmem:s20+$0x9CB0] =	vst v1  }
0x1e9: {  	v1 =	vld [tilespmem:s26+$0xA00];
	_ =	sdelay $0x4  }
0x1ea: {  	[tilespmem:s20+$0x9D00] =	vst v1  }
0x1eb: {  	v1 =	vld [tilespmem:s26+$0xA10];
	_ =	sdelay $0x1  }
0x1ec: {  	(v2sf) =	vpush v0, $0xC;
	_ =	sdelay $0x2  }
0x1ed: {  	[tilespmem:s20+$0x9D10] =	vst v1  }
0x1ee: {  	v1 =	vld [tilespmem:s26+$0xA20];
	_ =	sdelay $0x4  }
0x1ef: {  	[tilespmem:s20+$0x9D20] =	vst v1  }
0x1f0: {  	v1 =	vld [tilespmem:s26+$0xA30];
	_ =	sdelay $0x4  }
0x1f1: {  	s28 =	spop (v2sf);
	[tilespmem:s20+$0x9D30] =	vst v1  }
0x1f2: {  	v1 =	vld [tilespmem:s28+$0xA00];
	_ =	sdelay $0x4  }
0x1f3: {  	[tilespmem:s20+$0x9D80] =	vst v1  }
0x1f4: {  	v1 =	vld [tilespmem:s28+$0xA10];
	_ =	sdelay $0x1  }
0x1f5: {  	(v2sf) =	vpush v0, $0xD;
	_ =	sdelay $0x2  }
0x1f6: {  	[tilespmem:s20+$0x9D90] =	vst v1  }
0x1f7: {  	v1 =	vld [tilespmem:s28+$0xA20];
	_ =	sdelay $0x4  }
0x1f8: {  	[tilespmem:s20+$0x9DA0] =	vst v1  }
0x1f9: {  	v1 =	vld [tilespmem:s28+$0xA30];
	_ =	sdelay $0x4  }
0x1fa: {  	s29 =	spop (v2sf);
	[tilespmem:s20+$0x9DB0] =	vst v1  }
0x1fb: {  	v1 =	vld [tilespmem:s29+$0xA00];
	_ =	sdelay $0x4  }
0x1fc: {  	[tilespmem:s20+$0x9E00] =	vst v1  }
0x1fd: {  	v1 =	vld [tilespmem:s29+$0xA10];
	_ =	sdelay $0x1  }
0x1fe: {  	(v2sf) =	vpush v0, $0xE;
	_ =	sdelay $0x2  }
0x1ff: {  	[tilespmem:s20+$0x9E10] =	vst v1  }
0x200: {  	v1 =	vld [tilespmem:s29+$0xA20];
	_ =	sdelay $0x4  }
0x201: {  	[tilespmem:s20+$0x9E20] =	vst v1  }
0x202: {  	v1 =	vld [tilespmem:s29+$0xA30];
	_ =	sdelay $0x4  }
0x203: {  	s30 =	spop (v2sf);
	[tilespmem:s20+$0x9E30] =	vst v1  }
0x204: {  	v1 =	vld [tilespmem:s30+$0xA00];
	_ =	sdelay $0x4  }
0x205: {  	[tilespmem:s20+$0x9E80] =	vst v1  }
0x206: {  	v1 =	vld [tilespmem:s30+$0xA10];
	_ =	sdelay $0x1  }
0x207: {  	(v2sf) =	vpush v0, $0xF;
	_ =	sdelay $0x2  }
0x208: {  	[tilespmem:s20+$0x9E90] =	vst v1  }
0x209: {  	v63 =	vld [tilespmem:s30+$0xA20];
	_ =	sdelay $0x4  }
0x20a: {  	[tilespmem:s20+$0x9EA0] =	vst v63  }
0x20b: {  	v0 =	vld [tilespmem:s30+$0xA30];
	_ =	sdelay $0x4  }
0x20c: {  	s31 =	spop (v2sf);
	[tilespmem:s20+$0x9EB0] =	vst v0  }
0x20d: {  	v0 =	vld [tilespmem:s31+$0xA00];
	_ =	sdelay $0x4  }
0x20e: {  	[tilespmem:s20+$0x9F00] =	vst v0  }
0x20f: {  	v0 =	vld [tilespmem:s31+$0xA10];
	_ =	sdelay $0x4  }
0x210: {  	[tilespmem:s20+$0x9F10] =	vst v0  }
0x211: {  	v0 =	vld [tilespmem:s31+$0xA20];
	_ =	sdelay $0x4  }
0x212: {  	[tilespmem:s20+$0x9F20] =	vst v0  }
0x213: {  	p0 =	sne.s32 s18, $0x1E000;
	v0 =	vld [tilespmem:s31+$0xA30]  }
.Ltmp1:
0x214: {  	_ = 	snop;
	(pc) =	sbr.rel @p0 .LBB2_4-.Ltmp1, $2  }
0x215: {  	_ =	sdelay $0x2  }
0x216: {  	s19 =	sadd.s32 $0x10, s19;
	s18 =	sadd.s32 $0x2000, s18;
	[tilespmem:s20+$0x9F30] =	vst v0  }
0x217: {  	[hbm4b:s8+s4] =	stream.linear.scatter [tilespmem:s15], [sflag:$0x2], $0x8000, $0x38;
	[tilespmem:$0x11780] =	vst v63  }
0x218: {  	s17 =	sadd.s32 $0x1, s17  }
0x219: {  	_ =	swait.ge [sflag:s16], $0x8000;
	p0 =	sne.s32 s17, s9  }
.Ltmp2:
0x21a: {  	[sflag:s16] =	ssyncset.done $0x0;
	(pc) =	sbr.rel @p0 .LBB2_1-.Ltmp2, $4  }
0x21b: {  	[sflag:s16] =	ssyncadd.s32 $0xFFFF8000  }
0x21c: {  	_ =	swait.ge [sflag:s16], $0x8000  }
0x21d: {  	[sflag:s16] =	ssyncset.done $0x0  }
0x21e: {  	[sflag:s16] =	ssyncadd.s32 $0xFFFF8000  }
0x21f: {  	_ =	sfence.sel $0x180000  }
0x220: {  	[bflag:$0x0] =	sbarrier.arrive $0xFFFF  }
0x221: {  	p0 =	sne.s32 s3, $0x0;
	_ =	strace $0x90000047  }
0x222: {  	s0 =	sadd.s32 @!p0 $0x100000, s0;
	[bflag:$0x2] =	sbarrier.arrive $0xFFFF  }
0x223: {  	[sflag:s0] =	ssyncadd.tile.s32 @!p0 $0x1;
	_ =	shalt  }
.Lfunc_end2:
_tile_overlayer_lowered:
.L_overlay_start_2:
0x224: {  	(tag) =	ssettag $0x2  }
0x225: {  	s0 =	rddreg [dreg:$0x0];
	s2 =	stileid.u32  }
0x226: {  	s1 =	rddreg [dreg:$0x1];
	p0 =	sne.s32 s2, $0x0  }
0x227: {  	s3 =	rddreg [dreg:$0x2];
	[bflag:$0x3] =	sbarrier.arrive $0xFFFF;
	s2 =	simm.s32 @!p0 $0x1C03  }
0x228: {  	[timem:s3], [sflag:s2] =	dma.local @!p0 [hbm:s0], s1  }
0x229: {  	s0 =	simm.s32 @!p0 $0x3  }
0x22a: {  	_ =	swait.ge @!p0 [sflag:s0], s1  }
0x22b: {  	s1 =	ssub.s32 @!p0 $0x0, s1;
	[sflag:s0] =	ssyncset.done @!p0 $0x0  }
0x22c: {  	[sflag:s0] =	ssyncadd.s32 @!p0 s1  }
0x22d: {  	[bflag:$0x3] =	sbarrier.arrive $0xFFFF  }
0x22e: {  	_ =	shalt  }

</sc_bundles>
